<compile_context>
chip_gen: v7x
topology: tpu7x:2x2x1
jax: 0.10.2.dev20260603
libtpu: 0.0.44.dev20260713+nightly
codegen_flags: <defaults>
</compile_context>

<pallas_src>
import functools

import jax
import jax.numpy as jnp
from jax import lax
from jax.experimental import pallas as pl
from jax.experimental.pallas import tpu as pltpu
from jax.experimental.pallas import tpu_sc as plsc

N = 10000
E = 320000
D = 128
DH = 64
NC = 2
NS = 16
NW = NC * NS
CHUNK = 128
KT = 160
KD = 80
E_PAD = NS * KT * CHUNK
NPAD = 10240
ROWS_PER_TILE = NPAD // NS
DEG_D = 16
NBUF = 4

_MESH = plsc.VectorSubcoreMesh(
    core_axis_name="c", subcore_axis_name="s", num_cores=NC, num_subcores=NS
)


@functools.partial(
    pl.kernel,
    out_type=jax.ShapeDtypeStruct((NPAD, D), jnp.float32),
    mesh=_MESH,
    scratch_types=[
        pltpu.VMEM((KD, CHUNK), jnp.int32),
        pltpu.VMEM((CHUNK, DEG_D), jnp.float32),
        pltpu.VMEM((CHUNK, DEG_D), jnp.float32),
        pltpu.VMEM_SHARED((NPAD, DEG_D), jnp.float32),
    ],
    compiler_params=pltpu.CompilerParams(use_tc_tiling_on_sc=False),
)
def _deg_kernel(dst_hbm, out_hbm, dst_v, ones_b, zero_b, agg):
    c = lax.axis_index("c")
    s = lax.axis_index("s")
    w = c * NS + s

    def fill(i, _):
        ones_b[i, :] = jnp.ones((DEG_D,), jnp.float32)
        zero_b[i, :] = jnp.zeros((DEG_D,), jnp.float32)
        return _

    lax.fori_loop(0, CHUNK, fill, None)

    base = s * ROWS_PER_TILE
    for t in range(ROWS_PER_TILE // CHUNK):
        pltpu.sync_copy(zero_b, agg.at[pl.ds(base + t * CHUNK, CHUNK)])
    plsc.subcore_barrier()

    pltpu.sync_copy(dst_hbm.at[w], dst_v)

    def body(j, _):
        pltpu.sync_copy(ones_b, agg.at[dst_v.at[j]], add=True)
        return _

    lax.fori_loop(0, KD, body, None)
    plsc.subcore_barrier()
    pltpu.sync_copy(
        agg.at[pl.ds(base, ROWS_PER_TILE)],
        out_hbm.at[pl.ds(base, ROWS_PER_TILE), pl.ds(c * DEG_D, DEG_D)],
    )


@functools.partial(
    pl.kernel,
    out_type=jax.ShapeDtypeStruct((NPAD, D), jnp.float32),
    mesh=_MESH,
    scratch_types=[
        pltpu.VMEM((KT, CHUNK), jnp.int32),
        pltpu.VMEM((KT, CHUNK), jnp.int32),
        [pltpu.VMEM((CHUNK, DH), jnp.float32) for _ in range(NBUF)],
        [pltpu.SemaphoreType.DMA for _ in range(NBUF)],
        pltpu.VMEM_SHARED((NPAD, DH), jnp.float32),
    ],
    compiler_params=pltpu.CompilerParams(use_tc_tiling_on_sc=False),
)
def _agg_kernel(y_hbm, src_hbm, dst_hbm, out_hbm, src_v, dst_v, bufs, gsems, agg):
    c = lax.axis_index("c")
    s = lax.axis_index("s")

    def zero(i, _):
        for t in range(DH // 16):
            bufs[0][i, pl.ds(t * 16, 16)] = jnp.zeros((16,), jnp.float32)
        return _

    lax.fori_loop(0, CHUNK, zero, None)

    base = s * ROWS_PER_TILE
    for t in range(ROWS_PER_TILE // CHUNK):
        pltpu.sync_copy(bufs[0], agg.at[pl.ds(base + t * CHUNK, CHUNK)])
    plsc.subcore_barrier()

    pltpu.sync_copy(src_hbm.at[c, s], src_v)
    pltpu.sync_copy(dst_hbm.at[s], dst_v)

    for b in range(NBUF):
        pltpu.async_copy(y_hbm.at[src_v.at[b]], bufs[b], gsems[b])

    def outer(it, _):
        for b in range(NBUF):
            j = it * NBUF + b
            pltpu.make_async_copy(
                y_hbm.at[src_v.at[j]], bufs[b], gsems[b]
            ).wait()
            pltpu.sync_copy(bufs[b], agg.at[dst_v.at[j]], add=True)
            jn = j + NBUF

            @pl.when(jn < KT)
            def _issue():
                pltpu.async_copy(y_hbm.at[src_v.at[jn]], bufs[b], gsems[b])
        return _

    lax.fori_loop(0, KT // NBUF, outer, None)
    plsc.subcore_barrier()
    pltpu.sync_copy(
        agg.at[pl.ds(base, ROWS_PER_TILE)],
        out_hbm.at[pl.ds(base, ROWS_PER_TILE), pl.ds(c * DH, DH)],
    )


RB = 5120


def _first_body(degp_ref, x_ref, w_ref, o_ref, dinv_ref):
    i = pl.program_id(0)
    deg = 1.0 + degp_ref[:, :1] + degp_ref[:, DEG_D:DEG_D + 1]
    row = i * RB + jax.lax.broadcasted_iota(jnp.int32, (RB, 1), 0)
    dinv = jnp.where(row < N, lax.rsqrt(deg), 0.0)
    dinv_ref[...] = dinv
    o_ref[...] = (
        jnp.dot(x_ref[...], w_ref[...], preferred_element_type=jnp.float32)
        * dinv
    )


def _tc_first(degp, x_p, w):
    return pl.pallas_call(
        _first_body,
        grid=(NPAD // RB,),
        in_specs=[
            pl.BlockSpec((RB, D), lambda i: (i, 0)),
            pl.BlockSpec((RB, D), lambda i: (i, 0)),
            pl.BlockSpec((D, D), lambda i: (0, 0)),
        ],
        out_specs=[
            pl.BlockSpec((RB, D), lambda i: (i, 0)),
            pl.BlockSpec((RB, 1), lambda i: (i, 0)),
        ],
        out_shape=[
            jax.ShapeDtypeStruct((NPAD, D), jnp.float32),
            jax.ShapeDtypeStruct((NPAD, 1), jnp.float32),
        ],
    )(degp, x_p, w)


def _layer_body(a_ref, y_ref, dinv_ref, b_ref, w_ref, o_ref):
    z = (a_ref[...] + y_ref[...]) * dinv_ref[...] + b_ref[...]
    h = jnp.maximum(z, 0.0)
    o_ref[...] = (
        jnp.dot(h, w_ref[...], preferred_element_type=jnp.float32)
        * dinv_ref[...]
    )


def _tc_layer(a, y, dinv, b, w):
    return pl.pallas_call(
        _layer_body,
        grid=(NPAD // RB,),
        in_specs=[
            pl.BlockSpec((RB, D), lambda i: (i, 0)),
            pl.BlockSpec((RB, D), lambda i: (i, 0)),
            pl.BlockSpec((RB, 1), lambda i: (i, 0)),
            pl.BlockSpec((1, D), lambda i: (0, 0)),
            pl.BlockSpec((D, D), lambda i: (0, 0)),
        ],
        out_specs=pl.BlockSpec((RB, D), lambda i: (i, 0)),
        out_shape=jax.ShapeDtypeStruct((NPAD, D), jnp.float32),
    )(a, y, dinv, b.reshape(1, D), w)


def _final_body(a_ref, y_ref, dinv_ref, b_ref, o_ref):
    z = (a_ref[...] + y_ref[...]) * dinv_ref[...] + b_ref[...]
    m = jnp.max(z, axis=1, keepdims=True)
    e = jnp.exp(z - m)
    lse = jnp.log(jnp.sum(e, axis=1, keepdims=True))
    o_ref[...] = z - m - lse


RBF = 2000


def _tc_final(a, y, dinv, b):
    return pl.pallas_call(
        _final_body,
        grid=(N // RBF,),
        in_specs=[
            pl.BlockSpec((RBF, D), lambda i: (i, 0)),
            pl.BlockSpec((RBF, D), lambda i: (i, 0)),
            pl.BlockSpec((RBF, 1), lambda i: (i, 0)),
            pl.BlockSpec((1, D), lambda i: (0, 0)),
        ],
        out_specs=pl.BlockSpec((RBF, D), lambda i: (i, 0)),
        out_shape=jax.ShapeDtypeStruct((N, D), jnp.float32),
    )(a, y, dinv, b.reshape(1, D))


def kernel(x, edge_index, W1, b1, W2, b2, W3, b3, W4, b4):
    src = edge_index[0]
    dst = edge_index[1]
    p = E_PAD - E
    pad_ar = jnp.arange(p, dtype=jnp.int32)
    src_pad = jnp.concatenate([src, pad_ar % N])
    dst_pad = jnp.concatenate([dst, N + pad_ar % (NPAD - N)])
    src_t = src_pad.reshape(NS, KT, CHUNK)
    src2 = jnp.stack([2 * src_t, 2 * src_t + 1])
    dst_t = dst_pad.reshape(NS, KT, CHUNK)
    dst_w = dst_pad.reshape(NW, KD, CHUNK)

    degp = _deg_kernel(dst_w)
    x_p = jnp.concatenate([x, jnp.zeros((NPAD - N, D), jnp.float32)], axis=0)

    y, dinv = _tc_first(degp, x_p, W1)
    for b_prev, w_next in ((b1, W2), (b2, W3), (b3, W4)):
        a = _agg_kernel(y.reshape(2 * NPAD, DH), src2, dst_t)
        y = _tc_layer(a, y, dinv, b_prev, w_next)
    a = _agg_kernel(y.reshape(2 * NPAD, DH), src2, dst_t)
    return _tc_final(a, y, dinv, b4)

# --- scband reference (transcript-rebuilt; emitter-appended) ---
"""Pipeline reference for scband-gcn-52218212384881 (READ-ONLY COPY).

The authoritative reference and input builder live on the scoring server;
editing this copy changes nothing except your own understanding.
"""

import jax, jax.numpy as jnp
import numpy as np

N = 10000
E = 320000
IN_DIM = 128
HIDDEN = 128
OUT_DIM = 128


def setup_inputs(seed: int = 0) -> dict:
    key = jax.random.key(seed)
    ks = jax.random.split(key, 10)
    x = jax.random.normal(ks[0], (N, IN_DIM), dtype=jnp.float32)
    edge_index = jax.random.randint(ks[1], (2, E), 0, N, dtype=jnp.int32)
    def glorot(k, fan_in, fan_out):
        limit = np.sqrt(6.0 / (fan_in + fan_out))
        return jax.random.uniform(k, (fan_in, fan_out), dtype=jnp.float32, minval=-limit, maxval=limit)
    W1 = glorot(ks[2], IN_DIM, HIDDEN)
    W2 = glorot(ks[3], HIDDEN, HIDDEN)
    W3 = glorot(ks[4], HIDDEN, HIDDEN)
    W4 = glorot(ks[5], HIDDEN, OUT_DIM)
    b1 = jnp.zeros((HIDDEN,), jnp.float32)
    b2 = jnp.zeros((HIDDEN,), jnp.float32)
    b3 = jnp.zeros((HIDDEN,), jnp.float32)
    b4 = jnp.zeros((OUT_DIM,), jnp.float32)
    return {"x": x, "edge_index": edge_index, "W1": W1, "b1": b1, "W2": W2, "b2": b2, "W3": W3, "b3": b3, "W4": W4, "b4": b4}


def gcn_conv(x, edge_index, W, b):
    # PyG GCNConv: add self loops, symmetric norm D^-1/2 (A+I) D^-1/2 (X W) + b
    xw = x @ W
    n = x.shape[0]
    src = edge_index[0]
    dst = edge_index[1]
    loop = jnp.arange(n, dtype=src.dtype)
    src = jnp.concatenate([src, loop])
    dst = jnp.concatenate([dst, loop])
    ones = jnp.ones(src.shape[0], dtype=xw.dtype)
    deg = jnp.zeros((n,), dtype=xw.dtype).at[dst].add(ones)
    dinv = jnp.where(deg > 0, jax.lax.rsqrt(jnp.maximum(deg, 1e-12)), 0.0)
    norm = dinv[src] * dinv[dst]
    msg = xw[src] * norm[:, None]
    out = jnp.zeros((n, W.shape[1]), dtype=xw.dtype).at[dst].add(msg)
    return out + b


def reference(x, edge_index, W1, b1, W2, b2, W3, b3, W4, b4):
    # dropout is identity in eval mode
    h = jax.nn.relu(gcn_conv(x, edge_index, W1, b1))
    h = jax.nn.relu(gcn_conv(h, edge_index, W2, b2))
    h = jax.nn.relu(gcn_conv(h, edge_index, W3, b3))
    out = gcn_conv(h, edge_index, W4, b4)
    return jax.nn.log_softmax(out, axis=1)

if __name__ == "__main__":
    import jax
    _d = setup_inputs()
    print(jax.jit(kernel)(*tuple(_d.values())))

</pallas_src>

<mosaic_0001>
#map = affine_map<(d0, d1) -> (0, 0, 0)>
#map1 = affine_map<(d0, d1) -> (0, 0)>
module attributes {stable_mosaic.version = 14 : i64} {
  func.func @_deg_kernel(%arg0: i32, %arg1: i32, %arg2: memref<32x80x128xi32, #tpu.memory_space<hbm>>, %arg3: memref<10240x128xf32, #tpu.memory_space<hbm>>, %arg4: memref<80x128xi32, #tpu.memory_space<vmem>>, %arg5: memref<128x16xf32, #tpu.memory_space<vmem>>, %arg6: memref<128x16xf32, #tpu.memory_space<vmem>>, %arg7: memref<10240x16xf32, #tpu.memory_space<vmem_shared>>) attributes {dimension_semantics = [#tpu.dimension_semantics<core_parallel>, #tpu.dimension_semantics<subcore_parallel>], iteration_bounds = array<i64: 2, 16>, scalar_prefetch = 0 : i64, scratch_operands = 4 : i64, tpu.core_type = #tpu.core_type<sc_vector_subcore>, window_params = [{transform_indices = #map}, {transform_indices = #map1}]} {
    %mul3A = arith.constant 16 : i32
    %mul3A_0 = arith.muli %arg0, %mul3A : i32
    %add3A = arith.addi %mul3A_0, %arg1 : i32
    %scan3A = arith.constant 0 : i32
    %scan3A_1 = arith.constant 128 : i32
    %scan3A_2 = arith.addi %scan3A, %scan3A_1 : i32
    %scan3A_3 = arith.constant 1 : i32
    scf.for %scan3A_25 = %scan3A to %scan3A_2 step %scan3A_3  : i32 {
      %broadcast_in_dim3A = arith.constant 1.000000e+00 : f32
      %broadcast_in_dim3A_26 = vector.broadcast %broadcast_in_dim3A : f32 to vector<16xf32>
      %swap3A = arith.index_cast %scan3A_25 : i32 to index
      %swap3A_27 = arith.constant 0 : index
      %swap3A_28 = tpu.vector_load %arg5[%swap3A, %swap3A_27] {strides = array<i32>} : memref<128x16xf32, #tpu.memory_space<vmem>>, vector<1x16xf32>,
      %swap3A_29 = vector.shape_cast %swap3A_28 : vector<1x16xf32> to vector<16xf32>
      %swap3A_30 = vector.shape_cast %broadcast_in_dim3A_26 : vector<16xf32> to vector<1x16xf32>
      tpu.vector_store %arg5[%swap3A, %swap3A_27], %swap3A_30 {strides = array<i32>} : memref<128x16xf32, #tpu.memory_space<vmem>>, vector<1x16xf32>,
      %broadcast_in_dim3A_31 = arith.constant 0.000000e+00 : f32
      %broadcast_in_dim3A_32 = vector.broadcast %broadcast_in_dim3A_31 : f32 to vector<16xf32>
      %swap3A_33 = arith.index_cast %scan3A_25 : i32 to index
      %swap3A_34 = arith.constant 0 : index
      %swap3A_35 = tpu.vector_load %arg6[%swap3A_33, %swap3A_34] {strides = array<i32>} : memref<128x16xf32, #tpu.memory_space<vmem>>, vector<1x16xf32>,
      %swap3A_36 = vector.shape_cast %swap3A_35 : vector<1x16xf32> to vector<16xf32>
      %swap3A_37 = vector.shape_cast %broadcast_in_dim3A_32 : vector<16xf32> to vector<1x16xf32>
      tpu.vector_store %arg6[%swap3A_33, %swap3A_34], %swap3A_37 {strides = array<i32>} : memref<128x16xf32, #tpu.memory_space<vmem>>, vector<1x16xf32>,
    }
    %scan3A_4 = arith.constant 128 : i32
    %mul3A_5 = arith.constant 640 : i32
    %mul3A_6 = arith.muli %arg1, %mul3A_5 : i32
    %add3A_7 = arith.constant 0 : i32
    %add3A_8 = arith.addi %mul3A_6, %add3A_7 : i32
    "tpu.region"() ({
      %run_scoped3A = tpu.sem_alloc : memref<!tpu.dma_semaphore, #tpu.memory_space<semaphore_mem>>
      %dma_start3A = arith.constant 0 : i32
      %dma_start3A_25 = tpu.memref_slice %arg7[%add3A_8, %dma_start3A] : memref<10240x16xf32, #tpu.memory_space<vmem_shared>> -> memref<128x16xf32, #tpu.memory_space<vmem_shared>>
      %dma_start3A_26 = arith.constant 0 : i32
      %dma_start3A_27 = tpu.memref_slice %arg7[%add3A_8, %dma_start3A_26] : memref<10240x16xf32, #tpu.memory_space<vmem_shared>> -> memref<128x16xf32, #tpu.memory_space<vmem_shared>>
      tpu.enqueue_dma source(%arg6 : memref<128x16xf32, #tpu.memory_space<vmem>>) target(%dma_start3A_27 : memref<128x16xf32, #tpu.memory_space<vmem_shared>>) target_semaphore(%run_scoped3A : memref<!tpu.dma_semaphore, #tpu.memory_space<semaphore_mem>>)
      %dma_wait3A = arith.constant 0 : i32
      %dma_wait3A_28 = tpu.memref_slice %arg7[%add3A_8, %dma_wait3A] : memref<10240x16xf32, #tpu.memory_space<vmem_shared>> -> memref<128x16xf32, #tpu.memory_space<vmem_shared>>
      %dma_wait3A_29 = arith.constant 0 : i32
      %dma_wait3A_30 = tpu.memref_slice %arg7[%add3A_8, %dma_wait3A_29] : memref<10240x16xf32, #tpu.memory_space<vmem_shared>> -> memref<128x16xf32, #tpu.memory_space<vmem_shared>>
      tpu.wait_dma2 semaphore(%run_scoped3A : memref<!tpu.dma_semaphore, #tpu.memory_space<semaphore_mem>>) src(%arg6 : memref<128x16xf32, #tpu.memory_space<vmem>>) dst(%dma_wait3A_30 : memref<128x16xf32, #tpu.memory_space<vmem_shared>>)
      tpu.yield
    }) : () -> ()
    %add3A_9 = arith.constant 128 : i32
    %add3A_10 = arith.addi %mul3A_6, %add3A_9 : i32
    "tpu.region"() ({
      %run_scoped3A = tpu.sem_alloc : memref<!tpu.dma_semaphore, #tpu.memory_space<semaphore_mem>>
      %dma_start3A = arith.constant 0 : i32
      %dma_start3A_25 = tpu.memref_slice %arg7[%add3A_10, %dma_start3A] : memref<10240x16xf32, #tpu.memory_space<vmem_shared>> -> memref<128x16xf32, #tpu.memory_space<vmem_shared>>
      %dma_start3A_26 = arith.constant 0 : i32
      %dma_start3A_27 = tpu.memref_slice %arg7[%add3A_10, %dma_start3A_26] : memref<10240x16xf32, #tpu.memory_space<vmem_shared>> -> memref<128x16xf32, #tpu.memory_space<vmem_shared>>
      tpu.enqueue_dma source(%arg6 : memref<128x16xf32, #tpu.memory_space<vmem>>) target(%dma_start3A_27 : memref<128x16xf32, #tpu.memory_space<vmem_shared>>) target_semaphore(%run_scoped3A : memref<!tpu.dma_semaphore, #tpu.memory_space<semaphore_mem>>)
      %dma_wait3A = arith.constant 0 : i32
      %dma_wait3A_28 = tpu.memref_slice %arg7[%add3A_10, %dma_wait3A] : memref<10240x16xf32, #tpu.memory_space<vmem_shared>> -> memref<128x16xf32, #tpu.memory_space<vmem_shared>>
      %dma_wait3A_29 = arith.constant 0 : i32
      %dma_wait3A_30 = tpu.memref_slice %arg7[%add3A_10, %dma_wait3A_29] : memref<10240x16xf32, #tpu.memory_space<vmem_shared>> -> memref<128x16xf32, #tpu.memory_space<vmem_shared>>
      tpu.wait_dma2 semaphore(%run_scoped3A : memref<!tpu.dma_semaphore, #tpu.memory_space<semaphore_mem>>) src(%arg6 : memref<128x16xf32, #tpu.memory_space<vmem>>) dst(%dma_wait3A_30 : memref<128x16xf32, #tpu.memory_space<vmem_shared>>)
      tpu.yield
    }) : () -> ()
    %add3A_11 = arith.constant 256 : i32
    %add3A_12 = arith.addi %mul3A_6, %add3A_11 : i32
    "tpu.region"() ({
      %run_scoped3A = tpu.sem_alloc : memref<!tpu.dma_semaphore, #tpu.memory_space<semaphore_mem>>
      %dma_start3A = arith.constant 0 : i32
      %dma_start3A_25 = tpu.memref_slice %arg7[%add3A_12, %dma_start3A] : memref<10240x16xf32, #tpu.memory_space<vmem_shared>> -> memref<128x16xf32, #tpu.memory_space<vmem_shared>>
      %dma_start3A_26 = arith.constant 0 : i32
      %dma_start3A_27 = tpu.memref_slice %arg7[%add3A_12, %dma_start3A_26] : memref<10240x16xf32, #tpu.memory_space<vmem_shared>> -> memref<128x16xf32, #tpu.memory_space<vmem_shared>>
      tpu.enqueue_dma source(%arg6 : memref<128x16xf32, #tpu.memory_space<vmem>>) target(%dma_start3A_27 : memref<128x16xf32, #tpu.memory_space<vmem_shared>>) target_semaphore(%run_scoped3A : memref<!tpu.dma_semaphore, #tpu.memory_space<semaphore_mem>>)
      %dma_wait3A = arith.constant 0 : i32
      %dma_wait3A_28 = tpu.memref_slice %arg7[%add3A_12, %dma_wait3A] : memref<10240x16xf32, #tpu.memory_space<vmem_shared>> -> memref<128x16xf32, #tpu.memory_space<vmem_shared>>
      %dma_wait3A_29 = arith.constant 0 : i32
      %dma_wait3A_30 = tpu.memref_slice %arg7[%add3A_12, %dma_wait3A_29] : memref<10240x16xf32, #tpu.memory_space<vmem_shared>> -> memref<128x16xf32, #tpu.memory_space<vmem_shared>>
      tpu.wait_dma2 semaphore(%run_scoped3A : memref<!tpu.dma_semaphore, #tpu.memory_space<semaphore_mem>>) src(%arg6 : memref<128x16xf32, #tpu.memory_space<vmem>>) dst(%dma_wait3A_30 : memref<128x16xf32, #tpu.memory_space<vmem_shared>>)
      tpu.yield
    }) : () -> ()
    %add3A_13 = arith.constant 384 : i32
    %add3A_14 = arith.addi %mul3A_6, %add3A_13 : i32
    "tpu.region"() ({
      %run_scoped3A = tpu.sem_alloc : memref<!tpu.dma_semaphore, #tpu.memory_space<semaphore_mem>>
      %dma_start3A = arith.constant 0 : i32
      %dma_start3A_25 = tpu.memref_slice %arg7[%add3A_14, %dma_start3A] : memref<10240x16xf32, #tpu.memory_space<vmem_shared>> -> memref<128x16xf32, #tpu.memory_space<vmem_shared>>
      %dma_start3A_26 = arith.constant 0 : i32
      %dma_start3A_27 = tpu.memref_slice %arg7[%add3A_14, %dma_start3A_26] : memref<10240x16xf32, #tpu.memory_space<vmem_shared>> -> memref<128x16xf32, #tpu.memory_space<vmem_shared>>
      tpu.enqueue_dma source(%arg6 : memref<128x16xf32, #tpu.memory_space<vmem>>) target(%dma_start3A_27 : memref<128x16xf32, #tpu.memory_space<vmem_shared>>) target_semaphore(%run_scoped3A : memref<!tpu.dma_semaphore, #tpu.memory_space<semaphore_mem>>)
      %dma_wait3A = arith.constant 0 : i32
      %dma_wait3A_28 = tpu.memref_slice %arg7[%add3A_14, %dma_wait3A] : memref<10240x16xf32, #tpu.memory_space<vmem_shared>> -> memref<128x16xf32, #tpu.memory_space<vmem_shared>>
      %dma_wait3A_29 = arith.constant 0 : i32
      %dma_wait3A_30 = tpu.memref_slice %arg7[%add3A_14, %dma_wait3A_29] : memref<10240x16xf32, #tpu.memory_space<vmem_shared>> -> memref<128x16xf32, #tpu.memory_space<vmem_shared>>
      tpu.wait_dma2 semaphore(%run_scoped3A : memref<!tpu.dma_semaphore, #tpu.memory_space<semaphore_mem>>) src(%arg6 : memref<128x16xf32, #tpu.memory_space<vmem>>) dst(%dma_wait3A_30 : memref<128x16xf32, #tpu.memory_space<vmem_shared>>)
      tpu.yield
    }) : () -> ()
    %add3A_15 = arith.constant 512 : i32
    %add3A_16 = arith.addi %mul3A_6, %add3A_15 : i32
    "tpu.region"() ({
      %run_scoped3A = tpu.sem_alloc : memref<!tpu.dma_semaphore, #tpu.memory_space<semaphore_mem>>
      %dma_start3A = arith.constant 0 : i32
      %dma_start3A_25 = tpu.memref_slice %arg7[%add3A_16, %dma_start3A] : memref<10240x16xf32, #tpu.memory_space<vmem_shared>> -> memref<128x16xf32, #tpu.memory_space<vmem_shared>>
      %dma_start3A_26 = arith.constant 0 : i32
      %dma_start3A_27 = tpu.memref_slice %arg7[%add3A_16, %dma_start3A_26] : memref<10240x16xf32, #tpu.memory_space<vmem_shared>> -> memref<128x16xf32, #tpu.memory_space<vmem_shared>>
      tpu.enqueue_dma source(%arg6 : memref<128x16xf32, #tpu.memory_space<vmem>>) target(%dma_start3A_27 : memref<128x16xf32, #tpu.memory_space<vmem_shared>>) target_semaphore(%run_scoped3A : memref<!tpu.dma_semaphore, #tpu.memory_space<semaphore_mem>>)
      %dma_wait3A = arith.constant 0 : i32
      %dma_wait3A_28 = tpu.memref_slice %arg7[%add3A_16, %dma_wait3A] : memref<10240x16xf32, #tpu.memory_space<vmem_shared>> -> memref<128x16xf32, #tpu.memory_space<vmem_shared>>
      %dma_wait3A_29 = arith.constant 0 : i32
      %dma_wait3A_30 = tpu.memref_slice %arg7[%add3A_16, %dma_wait3A_29] : memref<10240x16xf32, #tpu.memory_space<vmem_shared>> -> memref<128x16xf32, #tpu.memory_space<vmem_shared>>
      tpu.wait_dma2 semaphore(%run_scoped3A : memref<!tpu.dma_semaphore, #tpu.memory_space<semaphore_mem>>) src(%arg6 : memref<128x16xf32, #tpu.memory_space<vmem>>) dst(%dma_wait3A_30 : memref<128x16xf32, #tpu.memory_space<vmem_shared>>)
      tpu.yield
    }) : () -> ()
    %barrier3A = arith.constant 0 : index
    tpu.barrier barrier_id(%barrier3A)
    "tpu.region"() ({
      %run_scoped3A = tpu.sem_alloc : memref<!tpu.dma_semaphore, #tpu.memory_space<semaphore_mem>>
      %dma_start3A = arith.constant 0 : i32
      %dma_start3A_25 = arith.constant 0 : i32
      %dma_start3A_26 = tpu.memref_slice %arg2[%add3A, %dma_start3A, %dma_start3A_25] : memref<32x80x128xi32, #tpu.memory_space<hbm>> -> memref<1x80x128xi32, #tpu.memory_space<hbm>>
      %dma_start3A_27 = tpu.memref_squeeze %dma_start3A_26 : memref<1x80x128xi32, #tpu.memory_space<hbm>> -> memref<80x128xi32, #tpu.memory_space<hbm>>
      %dma_start3A_28 = arith.constant 0 : i32
      %dma_start3A_29 = arith.constant 0 : i32
      %dma_start3A_30 = tpu.memref_slice %arg2[%add3A, %dma_start3A_28, %dma_start3A_29] : memref<32x80x128xi32, #tpu.memory_space<hbm>> -> memref<1x80x128xi32, #tpu.memory_space<hbm>>
      %dma_start3A_31 = tpu.memref_squeeze %dma_start3A_30 : memref<1x80x128xi32, #tpu.memory_space<hbm>> -> memref<80x128xi32, #tpu.memory_space<hbm>>
      tpu.enqueue_dma source(%dma_start3A_31 : memref<80x128xi32, #tpu.memory_space<hbm>>) target(%arg4 : memref<80x128xi32, #tpu.memory_space<vmem>>) target_semaphore(%run_scoped3A : memref<!tpu.dma_semaphore, #tpu.memory_space<semaphore_mem>>)
      %dma_wait3A = arith.constant 0 : i32
      %dma_wait3A_32 = arith.constant 0 : i32
      %dma_wait3A_33 = tpu.memref_slice %arg2[%add3A, %dma_wait3A, %dma_wait3A_32] : memref<32x80x128xi32, #tpu.memory_space<hbm>> -> memref<1x80x128xi32, #tpu.memory_space<hbm>>
      %dma_wait3A_34 = tpu.memref_squeeze %dma_wait3A_33 : memref<1x80x128xi32, #tpu.memory_space<hbm>> -> memref<80x128xi32, #tpu.memory_space<hbm>>
      %dma_wait3A_35 = arith.constant 0 : i32
      %dma_wait3A_36 = arith.constant 0 : i32
      %dma_wait3A_37 = tpu.memref_slice %arg2[%add3A, %dma_wait3A_35, %dma_wait3A_36] : memref<32x80x128xi32, #tpu.memory_space<hbm>> -> memref<1x80x128xi32, #tpu.memory_space<hbm>>
      %dma_wait3A_38 = tpu.memref_squeeze %dma_wait3A_37 : memref<1x80x128xi32, #tpu.memory_space<hbm>> -> memref<80x128xi32, #tpu.memory_space<hbm>>
      tpu.wait_dma2 semaphore(%run_scoped3A : memref<!tpu.dma_semaphore, #tpu.memory_space<semaphore_mem>>) src(%dma_wait3A_38 : memref<80x128xi32, #tpu.memory_space<hbm>>) dst(%arg4 : memref<80x128xi32, #tpu.memory_space<vmem>>)
      tpu.yield
    }) : () -> ()
    %scan3A_17 = arith.constant 0 : i32
    %scan3A_18 = arith.constant 80 : i32
    %scan3A_19 = arith.addi %scan3A_17, %scan3A_18 : i32
    %scan3A_20 = arith.constant 1 : i32
    scf.for %scan3A_25 = %scan3A_17 to %scan3A_19 step %scan3A_20  : i32 {
      "tpu.region"() ({
        %run_scoped3A = tpu.sem_alloc : memref<!tpu.dma_semaphore, #tpu.memory_space<semaphore_mem>>
        %dma_start3A = arith.constant 0 : i32
        %dma_start3A_26 = tpu.memref_slice %arg4[%scan3A_25, %dma_start3A] : memref<80x128xi32, #tpu.memory_space<vmem>> -> memref<1x128xi32, #tpu.memory_space<vmem>>
        %dma_start3A_27 = tpu.memref_squeeze %dma_start3A_26 : memref<1x128xi32, #tpu.memory_space<vmem>> -> memref<128xi32, #tpu.memory_space<vmem>>
        %dma_start3A_28 = arith.constant 0 : i32
        %dma_start3A_29 = arith.constant 0 : i32
        %dma_start3A_30 = tpu.memref_slice %arg7[%dma_start3A_28, %dma_start3A_29] : memref<10240x16xf32, #tpu.memory_space<vmem_shared>> -> memref<10240x16xf32, #tpu.memory_space<vmem_shared>>
        tpu.enqueue_indirect_dma source(%arg5 : memref<128x16xf32, #tpu.memory_space<vmem>>) target(%dma_start3A_30 : memref<10240x16xf32, #tpu.memory_space<vmem_shared>>) offsets(%dma_start3A_27 : memref<128xi32, #tpu.memory_space<vmem>>) semaphore(%run_scoped3A : memref<!tpu.dma_semaphore, #tpu.memory_space<semaphore_mem>>) {add = true}
        %dma_wait3A = arith.constant 0 : i32
        %dma_wait3A_31 = tpu.memref_slice %arg4[%scan3A_25, %dma_wait3A] : memref<80x128xi32, #tpu.memory_space<vmem>> -> memref<1x128xi32, #tpu.memory_space<vmem>>
        %dma_wait3A_32 = tpu.memref_squeeze %dma_wait3A_31 : memref<1x128xi32, #tpu.memory_space<vmem>> -> memref<128xi32, #tpu.memory_space<vmem>>
        %dma_wait3A_33 = arith.constant 0 : i32
        %dma_wait3A_34 = arith.constant 0 : i32
        %dma_wait3A_35 = tpu.memref_slice %arg7[%dma_wait3A_33, %dma_wait3A_34] : memref<10240x16xf32, #tpu.memory_space<vmem_shared>> -> memref<10240x16xf32, #tpu.memory_space<vmem_shared>>
        tpu.wait_indirect_dma semaphore(%run_scoped3A : memref<!tpu.dma_semaphore, #tpu.memory_space<semaphore_mem>>) src(%arg5 : memref<128x16xf32, #tpu.memory_space<vmem>>) dst(%dma_wait3A_35 : memref<10240x16xf32, #tpu.memory_space<vmem_shared>>)
        tpu.yield
      }) : () -> ()
    }
    %scan3A_21 = arith.constant 80 : i32
    %barrier3A_22 = arith.constant 0 : index
    tpu.barrier barrier_id(%barrier3A_22)
    %mul3A_23 = arith.constant 16 : i32
    %mul3A_24 = arith.muli %arg0, %mul3A_23 : i32
    "tpu.region"() ({
      %run_scoped3A = tpu.sem_alloc : memref<!tpu.dma_semaphore, #tpu.memory_space<semaphore_mem>>
      %dma_start3A = tpu.memref_slice %arg3[%mul3A_6, %mul3A_24] : memref<10240x128xf32, #tpu.memory_space<hbm>> -> memref<640x16xf32, #tpu.memory_space<hbm>>
      %dma_start3A_25 = arith.constant 0 : i32
      %dma_start3A_26 = tpu.memref_slice %arg7[%mul3A_6, %dma_start3A_25] : memref<10240x16xf32, #tpu.memory_space<vmem_shared>> -> memref<640x16xf32, #tpu.memory_space<vmem_shared>>
      tpu.enqueue_dma source(%dma_start3A_26 : memref<640x16xf32, #tpu.memory_space<vmem_shared>>) target(%dma_start3A : memref<640x16xf32, #tpu.memory_space<hbm>>) target_semaphore(%run_scoped3A : memref<!tpu.dma_semaphore, #tpu.memory_space<semaphore_mem>>)
      %dma_wait3A = tpu.memref_slice %arg3[%mul3A_6, %mul3A_24] : memref<10240x128xf32, #tpu.memory_space<hbm>> -> memref<640x16xf32, #tpu.memory_space<hbm>>
      %dma_wait3A_27 = arith.constant 0 : i32
      %dma_wait3A_28 = tpu.memref_slice %arg7[%mul3A_6, %dma_wait3A_27] : memref<10240x16xf32, #tpu.memory_space<vmem_shared>> -> memref<640x16xf32, #tpu.memory_space<vmem_shared>>
      tpu.wait_dma2 semaphore(%run_scoped3A : memref<!tpu.dma_semaphore, #tpu.memory_space<semaphore_mem>>) src(%dma_wait3A_28 : memref<640x16xf32, #tpu.memory_space<vmem_shared>>) dst(%dma_wait3A : memref<640x16xf32, #tpu.memory_space<hbm>>)
      tpu.yield
    }) : () -> ()
    return
  }
}

#map = affine_map<(d0, d1) -> (0, 0)>
#map1 = affine_map<(d0, d1) -> (0, 0, 0, 0)>
#map2 = affine_map<(d0, d1) -> (0, 0, 0)>
module attributes {stable_mosaic.version = 14 : i64} {
  func.func @_agg_kernel(%arg0: i32, %arg1: i32, %arg2: memref<20480x64xf32, #tpu.memory_space<hbm>>, %arg3: memref<2x16x160x128xi32, #tpu.memory_space<hbm>>, %arg4: memref<16x160x128xi32, #tpu.memory_space<hbm>>, %arg5: memref<10240x128xf32, #tpu.memory_space<hbm>>, %arg6: memref<160x128xi32, #tpu.memory_space<vmem>>, %arg7: memref<160x128xi32, #tpu.memory_space<vmem>>, %arg8: memref<128x64xf32, #tpu.memory_space<vmem>>, %arg9: memref<128x64xf32, #tpu.memory_space<vmem>>, %arg10: memref<128x64xf32, #tpu.memory_space<vmem>>, %arg11: memref<128x64xf32, #tpu.memory_space<vmem>>, %arg12: memref<!tpu.dma_semaphore, #tpu.memory_space<semaphore_mem>>, %arg13: memref<!tpu.dma_semaphore, #tpu.memory_space<semaphore_mem>>, %arg14: memref<!tpu.dma_semaphore, #tpu.memory_space<semaphore_mem>>, %arg15: memref<!tpu.dma_semaphore, #tpu.memory_space<semaphore_mem>>, %arg16: memref<10240x64xf32, #tpu.memory_space<vmem_shared>>) attributes {dimension_semantics = [#tpu.dimension_semantics<core_parallel>, #tpu.dimension_semantics<subcore_parallel>], iteration_bounds = array<i64: 2, 16>, scalar_prefetch = 0 : i64, scratch_operands = 11 : i64, tpu.core_type = #tpu.core_type<sc_vector_subcore>, window_params = [{transform_indices = #map}, {transform_indices = #map1}, {transform_indices = #map2}, {transform_indices = #map}]} {
    %scan3A = arith.constant 0 : i32
    %scan3A_0 = arith.constant 128 : i32
    %scan3A_1 = arith.addi %scan3A, %scan3A_0 : i32
    %scan3A_2 = arith.constant 1 : i32
    scf.for %scan3A_49 = %scan3A to %scan3A_1 step %scan3A_2  : i32 {
      %broadcast_in_dim3A = arith.constant 0.000000e+00 : f32
      %broadcast_in_dim3A_50 = vector.broadcast %broadcast_in_dim3A : f32 to vector<16xf32>
      %swap3A = arith.index_cast %scan3A_49 : i32 to index
      %swap3A_51 = arith.constant 0 : index
      %swap3A_52 = tpu.vector_load %arg8[%swap3A, %swap3A_51] {strides = array<i32>} : memref<128x64xf32, #tpu.memory_space<vmem>>, vector<1x16xf32>,
      %swap3A_53 = vector.shape_cast %swap3A_52 : vector<1x16xf32> to vector<16xf32>
      %swap3A_54 = vector.shape_cast %broadcast_in_dim3A_50 : vector<16xf32> to vector<1x16xf32>
      tpu.vector_store %arg8[%swap3A, %swap3A_51], %swap3A_54 {strides = array<i32>} : memref<128x64xf32, #tpu.memory_space<vmem>>, vector<1x16xf32>,
      %broadcast_in_dim3A_55 = arith.constant 0.000000e+00 : f32
      %broadcast_in_dim3A_56 = vector.broadcast %broadcast_in_dim3A_55 : f32 to vector<16xf32>
      %swap3A_57 = arith.index_cast %scan3A_49 : i32 to index
      %swap3A_58 = arith.constant 16 : index
      %swap3A_59 = tpu.vector_load %arg8[%swap3A_57, %swap3A_58] {strides = array<i32>} : memref<128x64xf32, #tpu.memory_space<vmem>>, vector<1x16xf32>,
      %swap3A_60 = vector.shape_cast %swap3A_59 : vector<1x16xf32> to vector<16xf32>
      %swap3A_61 = vector.shape_cast %broadcast_in_dim3A_56 : vector<16xf32> to vector<1x16xf32>
      tpu.vector_store %arg8[%swap3A_57, %swap3A_58], %swap3A_61 {strides = array<i32>} : memref<128x64xf32, #tpu.memory_space<vmem>>, vector<1x16xf32>,
      %broadcast_in_dim3A_62 = arith.constant 0.000000e+00 : f32
      %broadcast_in_dim3A_63 = vector.broadcast %broadcast_in_dim3A_62 : f32 to vector<16xf32>
      %swap3A_64 = arith.index_cast %scan3A_49 : i32 to index
      %swap3A_65 = arith.constant 32 : index
      %swap3A_66 = tpu.vector_load %arg8[%swap3A_64, %swap3A_65] {strides = array<i32>} : memref<128x64xf32, #tpu.memory_space<vmem>>, vector<1x16xf32>,
      %swap3A_67 = vector.shape_cast %swap3A_66 : vector<1x16xf32> to vector<16xf32>
      %swap3A_68 = vector.shape_cast %broadcast_in_dim3A_63 : vector<16xf32> to vector<1x16xf32>
      tpu.vector_store %arg8[%swap3A_64, %swap3A_65], %swap3A_68 {strides = array<i32>} : memref<128x64xf32, #tpu.memory_space<vmem>>, vector<1x16xf32>,
      %broadcast_in_dim3A_69 = arith.constant 0.000000e+00 : f32
      %broadcast_in_dim3A_70 = vector.broadcast %broadcast_in_dim3A_69 : f32 to vector<16xf32>
      %swap3A_71 = arith.index_cast %scan3A_49 : i32 to index
      %swap3A_72 = arith.constant 48 : index
      %swap3A_73 = tpu.vector_load %arg8[%swap3A_71, %swap3A_72] {strides = array<i32>} : memref<128x64xf32, #tpu.memory_space<vmem>>, vector<1x16xf32>,
      %swap3A_74 = vector.shape_cast %swap3A_73 : vector<1x16xf32> to vector<16xf32>
      %swap3A_75 = vector.shape_cast %broadcast_in_dim3A_70 : vector<16xf32> to vector<1x16xf32>
      tpu.vector_store %arg8[%swap3A_71, %swap3A_72], %swap3A_75 {strides = array<i32>} : memref<128x64xf32, #tpu.memory_space<vmem>>, vector<1x16xf32>,
    }
    %scan3A_3 = arith.constant 128 : i32
    %mul3A = arith.constant 640 : i32
    %mul3A_4 = arith.muli %arg1, %mul3A : i32
    %add3A = arith.constant 0 : i32
    %add3A_5 = arith.addi %mul3A_4, %add3A : i32
    "tpu.region"() ({
      %run_scoped3A = tpu.sem_alloc : memref<!tpu.dma_semaphore, #tpu.memory_space<semaphore_mem>>
      %dma_start3A_49 = arith.constant 0 : i32
      %dma_start3A_50 = tpu.memref_slice %arg16[%add3A_5, %dma_start3A_49] : memref<10240x64xf32, #tpu.memory_space<vmem_shared>> -> memref<128x64xf32, #tpu.memory_space<vmem_shared>>
      %dma_start3A_51 = arith.constant 0 : i32
      %dma_start3A_52 = tpu.memref_slice %arg16[%add3A_5, %dma_start3A_51] : memref<10240x64xf32, #tpu.memory_space<vmem_shared>> -> memref<128x64xf32, #tpu.memory_space<vmem_shared>>
      tpu.enqueue_dma source(%arg8 : memref<128x64xf32, #tpu.memory_space<vmem>>) target(%dma_start3A_52 : memref<128x64xf32, #tpu.memory_space<vmem_shared>>) target_semaphore(%run_scoped3A : memref<!tpu.dma_semaphore, #tpu.memory_space<semaphore_mem>>)
      %dma_wait3A = arith.constant 0 : i32
      %dma_wait3A_53 = tpu.memref_slice %arg16[%add3A_5, %dma_wait3A] : memref<10240x64xf32, #tpu.memory_space<vmem_shared>> -> memref<128x64xf32, #tpu.memory_space<vmem_shared>>
      %dma_wait3A_54 = arith.constant 0 : i32
      %dma_wait3A_55 = tpu.memref_slice %arg16[%add3A_5, %dma_wait3A_54] : memref<10240x64xf32, #tpu.memory_space<vmem_shared>> -> memref<128x64xf32, #tpu.memory_space<vmem_shared>>
      tpu.wait_dma2 semaphore(%run_scoped3A : memref<!tpu.dma_semaphore, #tpu.memory_space<semaphore_mem>>) src(%arg8 : memref<128x64xf32, #tpu.memory_space<vmem>>) dst(%dma_wait3A_55 : memref<128x64xf32, #tpu.memory_space<vmem_shared>>)
      tpu.yield
    }) : () -> ()
    %add3A_6 = arith.constant 128 : i32
    %add3A_7 = arith.addi %mul3A_4, %add3A_6 : i32
    "tpu.region"() ({
      %run_scoped3A = tpu.sem_alloc : memref<!tpu.dma_semaphore, #tpu.memory_space<semaphore_mem>>
      %dma_start3A_49 = arith.constant 0 : i32
      %dma_start3A_50 = tpu.memref_slice %arg16[%add3A_7, %dma_start3A_49] : memref<10240x64xf32, #tpu.memory_space<vmem_shared>> -> memref<128x64xf32, #tpu.memory_space<vmem_shared>>
      %dma_start3A_51 = arith.constant 0 : i32
      %dma_start3A_52 = tpu.memref_slice %arg16[%add3A_7, %dma_start3A_51] : memref<10240x64xf32, #tpu.memory_space<vmem_shared>> -> memref<128x64xf32, #tpu.memory_space<vmem_shared>>
      tpu.enqueue_dma source(%arg8 : memref<128x64xf32, #tpu.memory_space<vmem>>) target(%dma_start3A_52 : memref<128x64xf32, #tpu.memory_space<vmem_shared>>) target_semaphore(%run_scoped3A : memref<!tpu.dma_semaphore, #tpu.memory_space<semaphore_mem>>)
      %dma_wait3A = arith.constant 0 : i32
      %dma_wait3A_53 = tpu.memref_slice %arg16[%add3A_7, %dma_wait3A] : memref<10240x64xf32, #tpu.memory_space<vmem_shared>> -> memref<128x64xf32, #tpu.memory_space<vmem_shared>>
      %dma_wait3A_54 = arith.constant 0 : i32
      %dma_wait3A_55 = tpu.memref_slice %arg16[%add3A_7, %dma_wait3A_54] : memref<10240x64xf32, #tpu.memory_space<vmem_shared>> -> memref<128x64xf32, #tpu.memory_space<vmem_shared>>
      tpu.wait_dma2 semaphore(%run_scoped3A : memref<!tpu.dma_semaphore, #tpu.memory_space<semaphore_mem>>) src(%arg8 : memref<128x64xf32, #tpu.memory_space<vmem>>) dst(%dma_wait3A_55 : memref<128x64xf32, #tpu.memory_space<vmem_shared>>)
      tpu.yield
    }) : () -> ()
    %add3A_8 = arith.constant 256 : i32
    %add3A_9 = arith.addi %mul3A_4, %add3A_8 : i32
    "tpu.region"() ({
      %run_scoped3A = tpu.sem_alloc : memref<!tpu.dma_semaphore, #tpu.memory_space<semaphore_mem>>
      %dma_start3A_49 = arith.constant 0 : i32
      %dma_start3A_50 = tpu.memref_slice %arg16[%add3A_9, %dma_start3A_49] : memref<10240x64xf32, #tpu.memory_space<vmem_shared>> -> memref<128x64xf32, #tpu.memory_space<vmem_shared>>
      %dma_start3A_51 = arith.constant 0 : i32
      %dma_start3A_52 = tpu.memref_slice %arg16[%add3A_9, %dma_start3A_51] : memref<10240x64xf32, #tpu.memory_space<vmem_shared>> -> memref<128x64xf32, #tpu.memory_space<vmem_shared>>
      tpu.enqueue_dma source(%arg8 : memref<128x64xf32, #tpu.memory_space<vmem>>) target(%dma_start3A_52 : memref<128x64xf32, #tpu.memory_space<vmem_shared>>) target_semaphore(%run_scoped3A : memref<!tpu.dma_semaphore, #tpu.memory_space<semaphore_mem>>)
      %dma_wait3A = arith.constant 0 : i32
      %dma_wait3A_53 = tpu.memref_slice %arg16[%add3A_9, %dma_wait3A] : memref<10240x64xf32, #tpu.memory_space<vmem_shared>> -> memref<128x64xf32, #tpu.memory_space<vmem_shared>>
      %dma_wait3A_54 = arith.constant 0 : i32
      %dma_wait3A_55 = tpu.memref_slice %arg16[%add3A_9, %dma_wait3A_54] : memref<10240x64xf32, #tpu.memory_space<vmem_shared>> -> memref<128x64xf32, #tpu.memory_space<vmem_shared>>
      tpu.wait_dma2 semaphore(%run_scoped3A : memref<!tpu.dma_semaphore, #tpu.memory_space<semaphore_mem>>) src(%arg8 : memref<128x64xf32, #tpu.memory_space<vmem>>) dst(%dma_wait3A_55 : memref<128x64xf32, #tpu.memory_space<vmem_shared>>)
      tpu.yield
    }) : () -> ()
    %add3A_10 = arith.constant 384 : i32
    %add3A_11 = arith.addi %mul3A_4, %add3A_10 : i32
    "tpu.region"() ({
      %run_scoped3A = tpu.sem_alloc : memref<!tpu.dma_semaphore, #tpu.memory_space<semaphore_mem>>
      %dma_start3A_49 = arith.constant 0 : i32
      %dma_start3A_50 = tpu.memref_slice %arg16[%add3A_11, %dma_start3A_49] : memref<10240x64xf32, #tpu.memory_space<vmem_shared>> -> memref<128x64xf32, #tpu.memory_space<vmem_shared>>
      %dma_start3A_51 = arith.constant 0 : i32
      %dma_start3A_52 = tpu.memref_slice %arg16[%add3A_11, %dma_start3A_51] : memref<10240x64xf32, #tpu.memory_space<vmem_shared>> -> memref<128x64xf32, #tpu.memory_space<vmem_shared>>
      tpu.enqueue_dma source(%arg8 : memref<128x64xf32, #tpu.memory_space<vmem>>) target(%dma_start3A_52 : memref<128x64xf32, #tpu.memory_space<vmem_shared>>) target_semaphore(%run_scoped3A : memref<!tpu.dma_semaphore, #tpu.memory_space<semaphore_mem>>)
      %dma_wait3A = arith.constant 0 : i32
      %dma_wait3A_53 = tpu.memref_slice %arg16[%add3A_11, %dma_wait3A] : memref<10240x64xf32, #tpu.memory_space<vmem_shared>> -> memref<128x64xf32, #tpu.memory_space<vmem_shared>>
      %dma_wait3A_54 = arith.constant 0 : i32
      %dma_wait3A_55 = tpu.memref_slice %arg16[%add3A_11, %dma_wait3A_54] : memref<10240x64xf32, #tpu.memory_space<vmem_shared>> -> memref<128x64xf32, #tpu.memory_space<vmem_shared>>
      tpu.wait_dma2 semaphore(%run_scoped3A : memref<!tpu.dma_semaphore, #tpu.memory_space<semaphore_mem>>) src(%arg8 : memref<128x64xf32, #tpu.memory_space<vmem>>) dst(%dma_wait3A_55 : memref<128x64xf32, #tpu.memory_space<vmem_shared>>)
      tpu.yield
    }) : () -> ()
    %add3A_12 = arith.constant 512 : i32
    %add3A_13 = arith.addi %mul3A_4, %add3A_12 : i32
    "tpu.region"() ({
      %run_scoped3A = tpu.sem_alloc : memref<!tpu.dma_semaphore, #tpu.memory_space<semaphore_mem>>
      %dma_start3A_49 = arith.constant 0 : i32
      %dma_start3A_50 = tpu.memref_slice %arg16[%add3A_13, %dma_start3A_49] : memref<10240x64xf32, #tpu.memory_space<vmem_shared>> -> memref<128x64xf32, #tpu.memory_space<vmem_shared>>
      %dma_start3A_51 = arith.constant 0 : i32
      %dma_start3A_52 = tpu.memref_slice %arg16[%add3A_13, %dma_start3A_51] : memref<10240x64xf32, #tpu.memory_space<vmem_shared>> -> memref<128x64xf32, #tpu.memory_space<vmem_shared>>
      tpu.enqueue_dma source(%arg8 : memref<128x64xf32, #tpu.memory_space<vmem>>) target(%dma_start3A_52 : memref<128x64xf32, #tpu.memory_space<vmem_shared>>) target_semaphore(%run_scoped3A : memref<!tpu.dma_semaphore, #tpu.memory_space<semaphore_mem>>)
      %dma_wait3A = arith.constant 0 : i32
      %dma_wait3A_53 = tpu.memref_slice %arg16[%add3A_13, %dma_wait3A] : memref<10240x64xf32, #tpu.memory_space<vmem_shared>> -> memref<128x64xf32, #tpu.memory_space<vmem_shared>>
      %dma_wait3A_54 = arith.constant 0 : i32
      %dma_wait3A_55 = tpu.memref_slice %arg16[%add3A_13, %dma_wait3A_54] : memref<10240x64xf32, #tpu.memory_space<vmem_shared>> -> memref<128x64xf32, #tpu.memory_space<vmem_shared>>
      tpu.wait_dma2 semaphore(%run_scoped3A : memref<!tpu.dma_semaphore, #tpu.memory_space<semaphore_mem>>) src(%arg8 : memref<128x64xf32, #tpu.memory_space<vmem>>) dst(%dma_wait3A_55 : memref<128x64xf32, #tpu.memory_space<vmem_shared>>)
      tpu.yield
    }) : () -> ()
    %barrier3A = arith.constant 0 : index
    tpu.barrier barrier_id(%barrier3A)
    "tpu.region"() ({
      %run_scoped3A = tpu.sem_alloc : memref<!tpu.dma_semaphore, #tpu.memory_space<semaphore_mem>>
      %dma_start3A_49 = arith.constant 0 : i32
      %dma_start3A_50 = arith.constant 0 : i32
      %dma_start3A_51 = tpu.memref_slice %arg3[%arg0, %arg1, %dma_start3A_49, %dma_start3A_50] : memref<2x16x160x128xi32, #tpu.memory_space<hbm>> -> memref<1x1x160x128xi32, #tpu.memory_space<hbm>>
      %dma_start3A_52 = tpu.memref_squeeze %dma_start3A_51 : memref<1x1x160x128xi32, #tpu.memory_space<hbm>> -> memref<160x128xi32, #tpu.memory_space<hbm>>
      %dma_start3A_53 = arith.constant 0 : i32
      %dma_start3A_54 = arith.constant 0 : i32
      %dma_start3A_55 = tpu.memref_slice %arg3[%arg0, %arg1, %dma_start3A_53, %dma_start3A_54] : memref<2x16x160x128xi32, #tpu.memory_space<hbm>> -> memref<1x1x160x128xi32, #tpu.memory_space<hbm>>
      %dma_start3A_56 = tpu.memref_squeeze %dma_start3A_55 : memref<1x1x160x128xi32, #tpu.memory_space<hbm>> -> memref<160x128xi32, #tpu.memory_space<hbm>>
      tpu.enqueue_dma source(%dma_start3A_56 : memref<160x128xi32, #tpu.memory_space<hbm>>) target(%arg6 : memref<160x128xi32, #tpu.memory_space<vmem>>) target_semaphore(%run_scoped3A : memref<!tpu.dma_semaphore, #tpu.memory_space<semaphore_mem>>)
      %dma_wait3A = arith.constant 0 : i32
      %dma_wait3A_57 = arith.constant 0 : i32
      %dma_wait3A_58 = tpu.memref_slice %arg3[%arg0, %arg1, %dma_wait3A, %dma_wait3A_57] : memref<2x16x160x128xi32, #tpu.memory_space<hbm>> -> memref<1x1x160x128xi32, #tpu.memory_space<hbm>>
      %dma_wait3A_59 = tpu.memref_squeeze %dma_wait3A_58 : memref<1x1x160x128xi32, #tpu.memory_space<hbm>> -> memref<160x128xi32, #tpu.memory_space<hbm>>
      %dma_wait3A_60 = arith.constant 0 : i32
      %dma_wait3A_61 = arith.constant 0 : i32
      %dma_wait3A_62 = tpu.memref_slice %arg3[%arg0, %arg1, %dma_wait3A_60, %dma_wait3A_61] : memref<2x16x160x128xi32, #tpu.memory_space<hbm>> -> memref<1x1x160x128xi32, #tpu.memory_space<hbm>>
      %dma_wait3A_63 = tpu.memref_squeeze %dma_wait3A_62 : memref<1x1x160x128xi32, #tpu.memory_space<hbm>> -> memref<160x128xi32, #tpu.memory_space<hbm>>
      tpu.wait_dma2 semaphore(%run_scoped3A : memref<!tpu.dma_semaphore, #tpu.memory_space<semaphore_mem>>) src(%dma_wait3A_63 : memref<160x128xi32, #tpu.memory_space<hbm>>) dst(%arg6 : memref<160x128xi32, #tpu.memory_space<vmem>>)
      tpu.yield
    }) : () -> ()
    "tpu.region"() ({
      %run_scoped3A = tpu.sem_alloc : memref<!tpu.dma_semaphore, #tpu.memory_space<semaphore_mem>>
      %dma_start3A_49 = arith.constant 0 : i32
      %dma_start3A_50 = arith.constant 0 : i32
      %dma_start3A_51 = tpu.memref_slice %arg4[%arg1, %dma_start3A_49, %dma_start3A_50] : memref<16x160x128xi32, #tpu.memory_space<hbm>> -> memref<1x160x128xi32, #tpu.memory_space<hbm>>
      %dma_start3A_52 = tpu.memref_squeeze %dma_start3A_51 : memref<1x160x128xi32, #tpu.memory_space<hbm>> -> memref<160x128xi32, #tpu.memory_space<hbm>>
      %dma_start3A_53 = arith.constant 0 : i32
      %dma_start3A_54 = arith.constant 0 : i32
      %dma_start3A_55 = tpu.memref_slice %arg4[%arg1, %dma_start3A_53, %dma_start3A_54] : memref<16x160x128xi32, #tpu.memory_space<hbm>> -> memref<1x160x128xi32, #tpu.memory_space<hbm>>
      %dma_start3A_56 = tpu.memref_squeeze %dma_start3A_55 : memref<1x160x128xi32, #tpu.memory_space<hbm>> -> memref<160x128xi32, #tpu.memory_space<hbm>>
      tpu.enqueue_dma source(%dma_start3A_56 : memref<160x128xi32, #tpu.memory_space<hbm>>) target(%arg7 : memref<160x128xi32, #tpu.memory_space<vmem>>) target_semaphore(%run_scoped3A : memref<!tpu.dma_semaphore, #tpu.memory_space<semaphore_mem>>)
      %dma_wait3A = arith.constant 0 : i32
      %dma_wait3A_57 = arith.constant 0 : i32
      %dma_wait3A_58 = tpu.memref_slice %arg4[%arg1, %dma_wait3A, %dma_wait3A_57] : memref<16x160x128xi32, #tpu.memory_space<hbm>> -> memref<1x160x128xi32, #tpu.memory_space<hbm>>
      %dma_wait3A_59 = tpu.memref_squeeze %dma_wait3A_58 : memref<1x160x128xi32, #tpu.memory_space<hbm>> -> memref<160x128xi32, #tpu.memory_space<hbm>>
      %dma_wait3A_60 = arith.constant 0 : i32
      %dma_wait3A_61 = arith.constant 0 : i32
      %dma_wait3A_62 = tpu.memref_slice %arg4[%arg1, %dma_wait3A_60, %dma_wait3A_61] : memref<16x160x128xi32, #tpu.memory_space<hbm>> -> memref<1x160x128xi32, #tpu.memory_space<hbm>>
      %dma_wait3A_63 = tpu.memref_squeeze %dma_wait3A_62 : memref<1x160x128xi32, #tpu.memory_space<hbm>> -> memref<160x128xi32, #tpu.memory_space<hbm>>
      tpu.wait_dma2 semaphore(%run_scoped3A : memref<!tpu.dma_semaphore, #tpu.memory_space<semaphore_mem>>) src(%dma_wait3A_63 : memref<160x128xi32, #tpu.memory_space<hbm>>) dst(%arg7 : memref<160x128xi32, #tpu.memory_space<vmem>>)
      tpu.yield
    }) : () -> ()
    %dma_start3A = arith.constant 0 : i32
    %dma_start3A_14 = arith.constant 0 : i32
    %dma_start3A_15 = tpu.memref_slice %arg6[%dma_start3A, %dma_start3A_14] : memref<160x128xi32, #tpu.memory_space<vmem>> -> memref<1x128xi32, #tpu.memory_space<vmem>>
    %dma_start3A_16 = tpu.memref_squeeze %dma_start3A_15 : memref<1x128xi32, #tpu.memory_space<vmem>> -> memref<128xi32, #tpu.memory_space<vmem>>
    %dma_start3A_17 = arith.constant 0 : i32
    %dma_start3A_18 = arith.constant 0 : i32
    %dma_start3A_19 = tpu.memref_slice %arg2[%dma_start3A_17, %dma_start3A_18] : memref<20480x64xf32, #tpu.memory_space<hbm>> -> memref<20480x64xf32, #tpu.memory_space<hbm>>
    tpu.enqueue_indirect_dma source(%dma_start3A_19 : memref<20480x64xf32, #tpu.memory_space<hbm>>) target(%arg8 : memref<128x64xf32, #tpu.memory_space<vmem>>) offsets(%dma_start3A_16 : memref<128xi32, #tpu.memory_space<vmem>>) semaphore(%arg12 : memref<!tpu.dma_semaphore, #tpu.memory_space<semaphore_mem>>)
    %dma_start3A_20 = arith.constant 1 : i32
    %dma_start3A_21 = arith.constant 0 : i32
    %dma_start3A_22 = tpu.memref_slice %arg6[%dma_start3A_20, %dma_start3A_21] : memref<160x128xi32, #tpu.memory_space<vmem>> -> memref<1x128xi32, #tpu.memory_space<vmem>>
    %dma_start3A_23 = tpu.memref_squeeze %dma_start3A_22 : memref<1x128xi32, #tpu.memory_space<vmem>> -> memref<128xi32, #tpu.memory_space<vmem>>
    %dma_start3A_24 = arith.constant 0 : i32
    %dma_start3A_25 = arith.constant 0 : i32
    %dma_start3A_26 = tpu.memref_slice %arg2[%dma_start3A_24, %dma_start3A_25] : memref<20480x64xf32, #tpu.memory_space<hbm>> -> memref<20480x64xf32, #tpu.memory_space<hbm>>
    tpu.enqueue_indirect_dma source(%dma_start3A_26 : memref<20480x64xf32, #tpu.memory_space<hbm>>) target(%arg9 : memref<128x64xf32, #tpu.memory_space<vmem>>) offsets(%dma_start3A_23 : memref<128xi32, #tpu.memory_space<vmem>>) semaphore(%arg13 : memref<!tpu.dma_semaphore, #tpu.memory_space<semaphore_mem>>)
    %dma_start3A_27 = arith.constant 2 : i32
    %dma_start3A_28 = arith.constant 0 : i32
    %dma_start3A_29 = tpu.memref_slice %arg6[%dma_start3A_27, %dma_start3A_28] : memref<160x128xi32, #tpu.memory_space<vmem>> -> memref<1x128xi32, #tpu.memory_space<vmem>>
    %dma_start3A_30 = tpu.memref_squeeze %dma_start3A_29 : memref<1x128xi32, #tpu.memory_space<vmem>> -> memref<128xi32, #tpu.memory_space<vmem>>
    %dma_start3A_31 = arith.constant 0 : i32
    %dma_start3A_32 = arith.constant 0 : i32
    %dma_start3A_33 = tpu.memref_slice %arg2[%dma_start3A_31, %dma_start3A_32] : memref<20480x64xf32, #tpu.memory_space<hbm>> -> memref<20480x64xf32, #tpu.memory_space<hbm>>
    tpu.enqueue_indirect_dma source(%dma_start3A_33 : memref<20480x64xf32, #tpu.memory_space<hbm>>) target(%arg10 : memref<128x64xf32, #tpu.memory_space<vmem>>) offsets(%dma_start3A_30 : memref<128xi32, #tpu.memory_space<vmem>>) semaphore(%arg14 : memref<!tpu.dma_semaphore, #tpu.memory_space<semaphore_mem>>)
    %dma_start3A_34 = arith.constant 3 : i32
    %dma_start3A_35 = arith.constant 0 : i32
    %dma_start3A_36 = tpu.memref_slice %arg6[%dma_start3A_34, %dma_start3A_35] : memref<160x128xi32, #tpu.memory_space<vmem>> -> memref<1x128xi32, #tpu.memory_space<vmem>>
    %dma_start3A_37 = tpu.memref_squeeze %dma_start3A_36 : memref<1x128xi32, #tpu.memory_space<vmem>> -> memref<128xi32, #tpu.memory_space<vmem>>
    %dma_start3A_38 = arith.constant 0 : i32
    %dma_start3A_39 = arith.constant 0 : i32
    %dma_start3A_40 = tpu.memref_slice %arg2[%dma_start3A_38, %dma_start3A_39] : memref<20480x64xf32, #tpu.memory_space<hbm>> -> memref<20480x64xf32, #tpu.memory_space<hbm>>
    tpu.enqueue_indirect_dma source(%dma_start3A_40 : memref<20480x64xf32, #tpu.memory_space<hbm>>) target(%arg11 : memref<128x64xf32, #tpu.memory_space<vmem>>) offsets(%dma_start3A_37 : memref<128xi32, #tpu.memory_space<vmem>>) semaphore(%arg15 : memref<!tpu.dma_semaphore, #tpu.memory_space<semaphore_mem>>)
    %scan3A_41 = arith.constant 0 : i32
    %scan3A_42 = arith.constant 40 : i32
    %scan3A_43 = arith.addi %scan3A_41, %scan3A_42 : i32
    %scan3A_44 = arith.constant 1 : i32
    scf.for %scan3A_49 = %scan3A_41 to %scan3A_43 step %scan3A_44  : i32 {
      %mul3A_50 = arith.constant 4 : i32
      %mul3A_51 = arith.muli %scan3A_49, %mul3A_50 : i32
      %add3A_52 = arith.constant 0 : i32
      %add3A_53 = arith.addi %mul3A_51, %add3A_52 : i32
      %dma_wait3A = arith.constant 0 : i32
      %dma_wait3A_54 = tpu.memref_slice %arg6[%add3A_53, %dma_wait3A] : memref<160x128xi32, #tpu.memory_space<vmem>> -> memref<1x128xi32, #tpu.memory_space<vmem>>
      %dma_wait3A_55 = tpu.memref_squeeze %dma_wait3A_54 : memref<1x128xi32, #tpu.memory_space<vmem>> -> memref<128xi32, #tpu.memory_space<vmem>>
      %dma_wait3A_56 = arith.constant 0 : i32
      %dma_wait3A_57 = arith.constant 0 : i32
      %dma_wait3A_58 = tpu.memref_slice %arg2[%dma_wait3A_56, %dma_wait3A_57] : memref<20480x64xf32, #tpu.memory_space<hbm>> -> memref<20480x64xf32, #tpu.memory_space<hbm>>
      tpu.wait_indirect_dma semaphore(%arg12 : memref<!tpu.dma_semaphore, #tpu.memory_space<semaphore_mem>>) src(%dma_wait3A_58 : memref<20480x64xf32, #tpu.memory_space<hbm>>) dst(%arg8 : memref<128x64xf32, #tpu.memory_space<vmem>>)
      "tpu.region"() ({
        %run_scoped3A = tpu.sem_alloc : memref<!tpu.dma_semaphore, #tpu.memory_space<semaphore_mem>>
        %dma_start3A_114 = arith.constant 0 : i32
        %dma_start3A_115 = tpu.memref_slice %arg7[%add3A_53, %dma_start3A_114] : memref<160x128xi32, #tpu.memory_space<vmem>> -> memref<1x128xi32, #tpu.memory_space<vmem>>
        %dma_start3A_116 = tpu.memref_squeeze %dma_start3A_115 : memref<1x128xi32, #tpu.memory_space<vmem>> -> memref<128xi32, #tpu.memory_space<vmem>>
        %dma_start3A_117 = arith.constant 0 : i32
        %dma_start3A_118 = arith.constant 0 : i32
        %dma_start3A_119 = tpu.memref_slice %arg16[%dma_start3A_117, %dma_start3A_118] : memref<10240x64xf32, #tpu.memory_space<vmem_shared>> -> memref<10240x64xf32, #tpu.memory_space<vmem_shared>>
        tpu.enqueue_indirect_dma source(%arg8 : memref<128x64xf32, #tpu.memory_space<vmem>>) target(%dma_start3A_119 : memref<10240x64xf32, #tpu.memory_space<vmem_shared>>) offsets(%dma_start3A_116 : memref<128xi32, #tpu.memory_space<vmem>>) semaphore(%run_scoped3A : memref<!tpu.dma_semaphore, #tpu.memory_space<semaphore_mem>>) {add = true}
        %dma_wait3A_120 = arith.constant 0 : i32
        %dma_wait3A_121 = tpu.memref_slice %arg7[%add3A_53, %dma_wait3A_120] : memref<160x128xi32, #tpu.memory_space<vmem>> -> memref<1x128xi32, #tpu.memory_space<vmem>>
        %dma_wait3A_122 = tpu.memref_squeeze %dma_wait3A_121 : memref<1x128xi32, #tpu.memory_space<vmem>> -> memref<128xi32, #tpu.memory_space<vmem>>
        %dma_wait3A_123 = arith.constant 0 : i32
        %dma_wait3A_124 = arith.constant 0 : i32
        %dma_wait3A_125 = tpu.memref_slice %arg16[%dma_wait3A_123, %dma_wait3A_124] : memref<10240x64xf32, #tpu.memory_space<vmem_shared>> -> memref<10240x64xf32, #tpu.memory_space<vmem_shared>>
        tpu.wait_indirect_dma semaphore(%run_scoped3A : memref<!tpu.dma_semaphore, #tpu.memory_space<semaphore_mem>>) src(%arg8 : memref<128x64xf32, #tpu.memory_space<vmem>>) dst(%dma_wait3A_125 : memref<10240x64xf32, #tpu.memory_space<vmem_shared>>)
        tpu.yield
      }) : () -> ()
      %add3A_59 = arith.constant 4 : i32
      %add3A_60 = arith.addi %add3A_53, %add3A_59 : i32
      %lt3A = arith.constant 160 : i32
      %lt3A_61 = arith.cmpi slt, %add3A_60, %lt3A : i32
      %convert_element_type3A = arith.extui %lt3A_61 : i1 to i32
      %cond3A = arith.constant 0 : i32
      %cond3A_62 = arith.cmpi ne, %convert_element_type3A, %cond3A : i32
      scf.if %cond3A_62 {
        %dma_start3A_114 = arith.constant 0 : i32
        %dma_start3A_115 = tpu.memref_slice %arg6[%add3A_60, %dma_start3A_114] : memref<160x128xi32, #tpu.memory_space<vmem>> -> memref<1x128xi32, #tpu.memory_space<vmem>>
        %dma_start3A_116 = tpu.memref_squeeze %dma_start3A_115 : memref<1x128xi32, #tpu.memory_space<vmem>> -> memref<128xi32, #tpu.memory_space<vmem>>
        %dma_start3A_117 = arith.constant 0 : i32
        %dma_start3A_118 = arith.constant 0 : i32
        %dma_start3A_119 = tpu.memref_slice %arg2[%dma_start3A_117, %dma_start3A_118] : memref<20480x64xf32, #tpu.memory_space<hbm>> -> memref<20480x64xf32, #tpu.memory_space<hbm>>
        tpu.enqueue_indirect_dma source(%dma_start3A_119 : memref<20480x64xf32, #tpu.memory_space<hbm>>) target(%arg8 : memref<128x64xf32, #tpu.memory_space<vmem>>) offsets(%dma_start3A_116 : memref<128xi32, #tpu.memory_space<vmem>>) semaphore(%arg12 : memref<!tpu.dma_semaphore, #tpu.memory_space<semaphore_mem>>)
      } else {
      }
      %mul3A_63 = arith.constant 4 : i32
      %mul3A_64 = arith.muli %scan3A_49, %mul3A_63 : i32
      %add3A_65 = arith.constant 1 : i32
      %add3A_66 = arith.addi %mul3A_64, %add3A_65 : i32
      %dma_wait3A_67 = arith.constant 0 : i32
      %dma_wait3A_68 = tpu.memref_slice %arg6[%add3A_66, %dma_wait3A_67] : memref<160x128xi32, #tpu.memory_space<vmem>> -> memref<1x128xi32, #tpu.memory_space<vmem>>
      %dma_wait3A_69 = tpu.memref_squeeze %dma_wait3A_68 : memref<1x128xi32, #tpu.memory_space<vmem>> -> memref<128xi32, #tpu.memory_space<vmem>>
      %dma_wait3A_70 = arith.constant 0 : i32
      %dma_wait3A_71 = arith.constant 0 : i32
      %dma_wait3A_72 = tpu.memref_slice %arg2[%dma_wait3A_70, %dma_wait3A_71] : memref<20480x64xf32, #tpu.memory_space<hbm>> -> memref<20480x64xf32, #tpu.memory_space<hbm>>
      tpu.wait_indirect_dma semaphore(%arg13 : memref<!tpu.dma_semaphore, #tpu.memory_space<semaphore_mem>>) src(%dma_wait3A_72 : memref<20480x64xf32, #tpu.memory_space<hbm>>) dst(%arg9 : memref<128x64xf32, #tpu.memory_space<vmem>>)
      "tpu.region"() ({
        %run_scoped3A = tpu.sem_alloc : memref<!tpu.dma_semaphore, #tpu.memory_space<semaphore_mem>>
        %dma_start3A_114 = arith.constant 0 : i32
        %dma_start3A_115 = tpu.memref_slice %arg7[%add3A_66, %dma_start3A_114] : memref<160x128xi32, #tpu.memory_space<vmem>> -> memref<1x128xi32, #tpu.memory_space<vmem>>
        %dma_start3A_116 = tpu.memref_squeeze %dma_start3A_115 : memref<1x128xi32, #tpu.memory_space<vmem>> -> memref<128xi32, #tpu.memory_space<vmem>>
        %dma_start3A_117 = arith.constant 0 : i32
        %dma_start3A_118 = arith.constant 0 : i32
        %dma_start3A_119 = tpu.memref_slice %arg16[%dma_start3A_117, %dma_start3A_118] : memref<10240x64xf32, #tpu.memory_space<vmem_shared>> -> memref<10240x64xf32, #tpu.memory_space<vmem_shared>>
        tpu.enqueue_indirect_dma source(%arg9 : memref<128x64xf32, #tpu.memory_space<vmem>>) target(%dma_start3A_119 : memref<10240x64xf32, #tpu.memory_space<vmem_shared>>) offsets(%dma_start3A_116 : memref<128xi32, #tpu.memory_space<vmem>>) semaphore(%run_scoped3A : memref<!tpu.dma_semaphore, #tpu.memory_space<semaphore_mem>>) {add = true}
        %dma_wait3A_120 = arith.constant 0 : i32
        %dma_wait3A_121 = tpu.memref_slice %arg7[%add3A_66, %dma_wait3A_120] : memref<160x128xi32, #tpu.memory_space<vmem>> -> memref<1x128xi32, #tpu.memory_space<vmem>>
        %dma_wait3A_122 = tpu.memref_squeeze %dma_wait3A_121 : memref<1x128xi32, #tpu.memory_space<vmem>> -> memref<128xi32, #tpu.memory_space<vmem>>
        %dma_wait3A_123 = arith.constant 0 : i32
        %dma_wait3A_124 = arith.constant 0 : i32
        %dma_wait3A_125 = tpu.memref_slice %arg16[%dma_wait3A_123, %dma_wait3A_124] : memref<10240x64xf32, #tpu.memory_space<vmem_shared>> -> memref<10240x64xf32, #tpu.memory_space<vmem_shared>>
        tpu.wait_indirect_dma semaphore(%run_scoped3A : memref<!tpu.dma_semaphore, #tpu.memory_space<semaphore_mem>>) src(%arg9 : memref<128x64xf32, #tpu.memory_space<vmem>>) dst(%dma_wait3A_125 : memref<10240x64xf32, #tpu.memory_space<vmem_shared>>)
        tpu.yield
      }) : () -> ()
      %add3A_73 = arith.constant 4 : i32
      %add3A_74 = arith.addi %add3A_66, %add3A_73 : i32
      %lt3A_75 = arith.constant 160 : i32
      %lt3A_76 = arith.cmpi slt, %add3A_74, %lt3A_75 : i32
      %convert_element_type3A_77 = arith.extui %lt3A_76 : i1 to i32
      %cond3A_78 = arith.constant 0 : i32
      %cond3A_79 = arith.cmpi ne, %convert_element_type3A_77, %cond3A_78 : i32
      scf.if %cond3A_79 {
        %dma_start3A_114 = arith.constant 0 : i32
        %dma_start3A_115 = tpu.memref_slice %arg6[%add3A_74, %dma_start3A_114] : memref<160x128xi32, #tpu.memory_space<vmem>> -> memref<1x128xi32, #tpu.memory_space<vmem>>
        %dma_start3A_116 = tpu.memref_squeeze %dma_start3A_115 : memref<1x128xi32, #tpu.memory_space<vmem>> -> memref<128xi32, #tpu.memory_space<vmem>>
        %dma_start3A_117 = arith.constant 0 : i32
        %dma_start3A_118 = arith.constant 0 : i32
        %dma_start3A_119 = tpu.memref_slice %arg2[%dma_start3A_117, %dma_start3A_118] : memref<20480x64xf32, #tpu.memory_space<hbm>> -> memref<20480x64xf32, #tpu.memory_space<hbm>>
        tpu.enqueue_indirect_dma source(%dma_start3A_119 : memref<20480x64xf32, #tpu.memory_space<hbm>>) target(%arg9 : memref<128x64xf32, #tpu.memory_space<vmem>>) offsets(%dma_start3A_116 : memref<128xi32, #tpu.memory_space<vmem>>) semaphore(%arg13 : memref<!tpu.dma_semaphore, #tpu.memory_space<semaphore_mem>>)
      } else {
      }
      %mul3A_80 = arith.constant 4 : i32
      %mul3A_81 = arith.muli %scan3A_49, %mul3A_80 : i32
      %add3A_82 = arith.constant 2 : i32
      %add3A_83 = arith.addi %mul3A_81, %add3A_82 : i32
      %dma_wait3A_84 = arith.constant 0 : i32
      %dma_wait3A_85 = tpu.memref_slice %arg6[%add3A_83, %dma_wait3A_84] : memref<160x128xi32, #tpu.memory_space<vmem>> -> memref<1x128xi32, #tpu.memory_space<vmem>>
      %dma_wait3A_86 = tpu.memref_squeeze %dma_wait3A_85 : memref<1x128xi32, #tpu.memory_space<vmem>> -> memref<128xi32, #tpu.memory_space<vmem>>
      %dma_wait3A_87 = arith.constant 0 : i32
      %dma_wait3A_88 = arith.constant 0 : i32
      %dma_wait3A_89 = tpu.memref_slice %arg2[%dma_wait3A_87, %dma_wait3A_88] : memref<20480x64xf32, #tpu.memory_space<hbm>> -> memref<20480x64xf32, #tpu.memory_space<hbm>>
      tpu.wait_indirect_dma semaphore(%arg14 : memref<!tpu.dma_semaphore, #tpu.memory_space<semaphore_mem>>) src(%dma_wait3A_89 : memref<20480x64xf32, #tpu.memory_space<hbm>>) dst(%arg10 : memref<128x64xf32, #tpu.memory_space<vmem>>)
      "tpu.region"() ({
        %run_scoped3A = tpu.sem_alloc : memref<!tpu.dma_semaphore, #tpu.memory_space<semaphore_mem>>
        %dma_start3A_114 = arith.constant 0 : i32
        %dma_start3A_115 = tpu.memref_slice %arg7[%add3A_83, %dma_start3A_114] : memref<160x128xi32, #tpu.memory_space<vmem>> -> memref<1x128xi32, #tpu.memory_space<vmem>>
        %dma_start3A_116 = tpu.memref_squeeze %dma_start3A_115 : memref<1x128xi32, #tpu.memory_space<vmem>> -> memref<128xi32, #tpu.memory_space<vmem>>
        %dma_start3A_117 = arith.constant 0 : i32
        %dma_start3A_118 = arith.constant 0 : i32
        %dma_start3A_119 = tpu.memref_slice %arg16[%dma_start3A_117, %dma_start3A_118] : memref<10240x64xf32, #tpu.memory_space<vmem_shared>> -> memref<10240x64xf32, #tpu.memory_space<vmem_shared>>
        tpu.enqueue_indirect_dma source(%arg10 : memref<128x64xf32, #tpu.memory_space<vmem>>) target(%dma_start3A_119 : memref<10240x64xf32, #tpu.memory_space<vmem_shared>>) offsets(%dma_start3A_116 : memref<128xi32, #tpu.memory_space<vmem>>) semaphore(%run_scoped3A : memref<!tpu.dma_semaphore, #tpu.memory_space<semaphore_mem>>) {add = true}
        %dma_wait3A_120 = arith.constant 0 : i32
        %dma_wait3A_121 = tpu.memref_slice %arg7[%add3A_83, %dma_wait3A_120] : memref<160x128xi32, #tpu.memory_space<vmem>> -> memref<1x128xi32, #tpu.memory_space<vmem>>
        %dma_wait3A_122 = tpu.memref_squeeze %dma_wait3A_121 : memref<1x128xi32, #tpu.memory_space<vmem>> -> memref<128xi32, #tpu.memory_space<vmem>>
        %dma_wait3A_123 = arith.constant 0 : i32
        %dma_wait3A_124 = arith.constant 0 : i32
        %dma_wait3A_125 = tpu.memref_slice %arg16[%dma_wait3A_123, %dma_wait3A_124] : memref<10240x64xf32, #tpu.memory_space<vmem_shared>> -> memref<10240x64xf32, #tpu.memory_space<vmem_shared>>
        tpu.wait_indirect_dma semaphore(%run_scoped3A : memref<!tpu.dma_semaphore, #tpu.memory_space<semaphore_mem>>) src(%arg10 : memref<128x64xf32, #tpu.memory_space<vmem>>) dst(%dma_wait3A_125 : memref<10240x64xf32, #tpu.memory_space<vmem_shared>>)
        tpu.yield
      }) : () -> ()
      %add3A_90 = arith.constant 4 : i32
      %add3A_91 = arith.addi %add3A_83, %add3A_90 : i32
      %lt3A_92 = arith.constant 160 : i32
      %lt3A_93 = arith.cmpi slt, %add3A_91, %lt3A_92 : i32
      %convert_element_type3A_94 = arith.extui %lt3A_93 : i1 to i32
      %cond3A_95 = arith.constant 0 : i32
      %cond3A_96 = arith.cmpi ne, %convert_element_type3A_94, %cond3A_95 : i32
      scf.if %cond3A_96 {
        %dma_start3A_114 = arith.constant 0 : i32
        %dma_start3A_115 = tpu.memref_slice %arg6[%add3A_91, %dma_start3A_114] : memref<160x128xi32, #tpu.memory_space<vmem>> -> memref<1x128xi32, #tpu.memory_space<vmem>>
        %dma_start3A_116 = tpu.memref_squeeze %dma_start3A_115 : memref<1x128xi32, #tpu.memory_space<vmem>> -> memref<128xi32, #tpu.memory_space<vmem>>
        %dma_start3A_117 = arith.constant 0 : i32
        %dma_start3A_118 = arith.constant 0 : i32
        %dma_start3A_119 = tpu.memref_slice %arg2[%dma_start3A_117, %dma_start3A_118] : memref<20480x64xf32, #tpu.memory_space<hbm>> -> memref<20480x64xf32, #tpu.memory_space<hbm>>
        tpu.enqueue_indirect_dma source(%dma_start3A_119 : memref<20480x64xf32, #tpu.memory_space<hbm>>) target(%arg10 : memref<128x64xf32, #tpu.memory_space<vmem>>) offsets(%dma_start3A_116 : memref<128xi32, #tpu.memory_space<vmem>>) semaphore(%arg14 : memref<!tpu.dma_semaphore, #tpu.memory_space<semaphore_mem>>)
      } else {
      }
      %mul3A_97 = arith.constant 4 : i32
      %mul3A_98 = arith.muli %scan3A_49, %mul3A_97 : i32
      %add3A_99 = arith.constant 3 : i32
      %add3A_100 = arith.addi %mul3A_98, %add3A_99 : i32
      %dma_wait3A_101 = arith.constant 0 : i32
      %dma_wait3A_102 = tpu.memref_slice %arg6[%add3A_100, %dma_wait3A_101] : memref<160x128xi32, #tpu.memory_space<vmem>> -> memref<1x128xi32, #tpu.memory_space<vmem>>
      %dma_wait3A_103 = tpu.memref_squeeze %dma_wait3A_102 : memref<1x128xi32, #tpu.memory_space<vmem>> -> memref<128xi32, #tpu.memory_space<vmem>>
      %dma_wait3A_104 = arith.constant 0 : i32
      %dma_wait3A_105 = arith.constant 0 : i32
      %dma_wait3A_106 = tpu.memref_slice %arg2[%dma_wait3A_104, %dma_wait3A_105] : memref<20480x64xf32, #tpu.memory_space<hbm>> -> memref<20480x64xf32, #tpu.memory_space<hbm>>
      tpu.wait_indirect_dma semaphore(%arg15 : memref<!tpu.dma_semaphore, #tpu.memory_space<semaphore_mem>>) src(%dma_wait3A_106 : memref<20480x64xf32, #tpu.memory_space<hbm>>) dst(%arg11 : memref<128x64xf32, #tpu.memory_space<vmem>>)
      "tpu.region"() ({
        %run_scoped3A = tpu.sem_alloc : memref<!tpu.dma_semaphore, #tpu.memory_space<semaphore_mem>>
        %dma_start3A_114 = arith.constant 0 : i32
        %dma_start3A_115 = tpu.memref_slice %arg7[%add3A_100, %dma_start3A_114] : memref<160x128xi32, #tpu.memory_space<vmem>> -> memref<1x128xi32, #tpu.memory_space<vmem>>
        %dma_start3A_116 = tpu.memref_squeeze %dma_start3A_115 : memref<1x128xi32, #tpu.memory_space<vmem>> -> memref<128xi32, #tpu.memory_space<vmem>>
        %dma_start3A_117 = arith.constant 0 : i32
        %dma_start3A_118 = arith.constant 0 : i32
        %dma_start3A_119 = tpu.memref_slice %arg16[%dma_start3A_117, %dma_start3A_118] : memref<10240x64xf32, #tpu.memory_space<vmem_shared>> -> memref<10240x64xf32, #tpu.memory_space<vmem_shared>>
        tpu.enqueue_indirect_dma source(%arg11 : memref<128x64xf32, #tpu.memory_space<vmem>>) target(%dma_start3A_119 : memref<10240x64xf32, #tpu.memory_space<vmem_shared>>) offsets(%dma_start3A_116 : memref<128xi32, #tpu.memory_space<vmem>>) semaphore(%run_scoped3A : memref<!tpu.dma_semaphore, #tpu.memory_space<semaphore_mem>>) {add = true}
        %dma_wait3A_120 = arith.constant 0 : i32
        %dma_wait3A_121 = tpu.memref_slice %arg7[%add3A_100, %dma_wait3A_120] : memref<160x128xi32, #tpu.memory_space<vmem>> -> memref<1x128xi32, #tpu.memory_space<vmem>>
        %dma_wait3A_122 = tpu.memref_squeeze %dma_wait3A_121 : memref<1x128xi32, #tpu.memory_space<vmem>> -> memref<128xi32, #tpu.memory_space<vmem>>
        %dma_wait3A_123 = arith.constant 0 : i32
        %dma_wait3A_124 = arith.constant 0 : i32
        %dma_wait3A_125 = tpu.memref_slice %arg16[%dma_wait3A_123, %dma_wait3A_124] : memref<10240x64xf32, #tpu.memory_space<vmem_shared>> -> memref<10240x64xf32, #tpu.memory_space<vmem_shared>>
        tpu.wait_indirect_dma semaphore(%run_scoped3A : memref<!tpu.dma_semaphore, #tpu.memory_space<semaphore_mem>>) src(%arg11 : memref<128x64xf32, #tpu.memory_space<vmem>>) dst(%dma_wait3A_125 : memref<10240x64xf32, #tpu.memory_space<vmem_shared>>)
        tpu.yield
      }) : () -> ()
      %add3A_107 = arith.constant 4 : i32
      %add3A_108 = arith.addi %add3A_100, %add3A_107 : i32
      %lt3A_109 = arith.constant 160 : i32
      %lt3A_110 = arith.cmpi slt, %add3A_108, %lt3A_109 : i32
      %convert_element_type3A_111 = arith.extui %lt3A_110 : i1 to i32
      %cond3A_112 = arith.constant 0 : i32
      %cond3A_113 = arith.cmpi ne, %convert_element_type3A_111, %cond3A_112 : i32
      scf.if %cond3A_113 {
        %dma_start3A_114 = arith.constant 0 : i32
        %dma_start3A_115 = tpu.memref_slice %arg6[%add3A_108, %dma_start3A_114] : memref<160x128xi32, #tpu.memory_space<vmem>> -> memref<1x128xi32, #tpu.memory_space<vmem>>
        %dma_start3A_116 = tpu.memref_squeeze %dma_start3A_115 : memref<1x128xi32, #tpu.memory_space<vmem>> -> memref<128xi32, #tpu.memory_space<vmem>>
        %dma_start3A_117 = arith.constant 0 : i32
        %dma_start3A_118 = arith.constant 0 : i32
        %dma_start3A_119 = tpu.memref_slice %arg2[%dma_start3A_117, %dma_start3A_118] : memref<20480x64xf32, #tpu.memory_space<hbm>> -> memref<20480x64xf32, #tpu.memory_space<hbm>>
        tpu.enqueue_indirect_dma source(%dma_start3A_119 : memref<20480x64xf32, #tpu.memory_space<hbm>>) target(%arg11 : memref<128x64xf32, #tpu.memory_space<vmem>>) offsets(%dma_start3A_116 : memref<128xi32, #tpu.memory_space<vmem>>) semaphore(%arg15 : memref<!tpu.dma_semaphore, #tpu.memory_space<semaphore_mem>>)
      } else {
      }
    }
    %scan3A_45 = arith.constant 40 : i32
    %barrier3A_46 = arith.constant 0 : index
    tpu.barrier barrier_id(%barrier3A_46)
    %mul3A_47 = arith.constant 64 : i32
    %mul3A_48 = arith.muli %arg0, %mul3A_47 : i32
    "tpu.region"() ({
      %run_scoped3A = tpu.sem_alloc : memref<!tpu.dma_semaphore, #tpu.memory_space<semaphore_mem>>
      %dma_start3A_49 = tpu.memref_slice %arg5[%mul3A_4, %mul3A_48] : memref<10240x128xf32, #tpu.memory_space<hbm>> -> memref<640x64xf32, #tpu.memory_space<hbm>>
      %dma_start3A_50 = arith.constant 0 : i32
      %dma_start3A_51 = tpu.memref_slice %arg16[%mul3A_4, %dma_start3A_50] : memref<10240x64xf32, #tpu.memory_space<vmem_shared>> -> memref<640x64xf32, #tpu.memory_space<vmem_shared>>
      tpu.enqueue_dma source(%dma_start3A_51 : memref<640x64xf32, #tpu.memory_space<vmem_shared>>) target(%dma_start3A_49 : memref<640x64xf32, #tpu.memory_space<hbm>>) target_semaphore(%run_scoped3A : memref<!tpu.dma_semaphore, #tpu.memory_space<semaphore_mem>>)
      %dma_wait3A = tpu.memref_slice %arg5[%mul3A_4, %mul3A_48] : memref<10240x128xf32, #tpu.memory_space<hbm>> -> memref<640x64xf32, #tpu.memory_space<hbm>>
      %dma_wait3A_52 = arith.constant 0 : i32
      %dma_wait3A_53 = tpu.memref_slice %arg16[%mul3A_4, %dma_wait3A_52] : memref<10240x64xf32, #tpu.memory_space<vmem_shared>> -> memref<640x64xf32, #tpu.memory_space<vmem_shared>>
      tpu.wait_dma2 semaphore(%run_scoped3A : memref<!tpu.dma_semaphore, #tpu.memory_space<semaphore_mem>>) src(%dma_wait3A_53 : memref<640x64xf32, #tpu.memory_space<vmem_shared>>) dst(%dma_wait3A : memref<640x64xf32, #tpu.memory_space<hbm>>)
      tpu.yield
    }) : () -> ()
    return
  }
}

#map = affine_map<(d0, d1) -> (0, 0)>
#map1 = affine_map<(d0, d1) -> (0, 0, 0, 0)>
#map2 = affine_map<(d0, d1) -> (0, 0, 0)>
module attributes {stable_mosaic.version = 14 : i64} {
  func.func @_agg_kernel(%arg0: i32, %arg1: i32, %arg2: memref<20480x64xf32, #tpu.memory_space<hbm>>, %arg3: memref<2x16x160x128xi32, #tpu.memory_space<hbm>>, %arg4: memref<16x160x128xi32, #tpu.memory_space<hbm>>, %arg5: memref<10240x128xf32, #tpu.memory_space<hbm>>, %arg6: memref<160x128xi32, #tpu.memory_space<vmem>>, %arg7: memref<160x128xi32, #tpu.memory_space<vmem>>, %arg8: memref<128x64xf32, #tpu.memory_space<vmem>>, %arg9: memref<128x64xf32, #tpu.memory_space<vmem>>, %arg10: memref<128x64xf32, #tpu.memory_space<vmem>>, %arg11: memref<128x64xf32, #tpu.memory_space<vmem>>, %arg12: memref<!tpu.dma_semaphore, #tpu.memory_space<semaphore_mem>>, %arg13: memref<!tpu.dma_semaphore, #tpu.memory_space<semaphore_mem>>, %arg14: memref<!tpu.dma_semaphore, #tpu.memory_space<semaphore_mem>>, %arg15: memref<!tpu.dma_semaphore, #tpu.memory_space<semaphore_mem>>, %arg16: memref<10240x64xf32, #tpu.memory_space<vmem_shared>>) attributes {dimension_semantics = [#tpu.dimension_semantics<core_parallel>, #tpu.dimension_semantics<subcore_parallel>], iteration_bounds = array<i64: 2, 16>, scalar_prefetch = 0 : i64, scratch_operands = 11 : i64, tpu.core_type = #tpu.core_type<sc_vector_subcore>, window_params = [{transform_indices = #map}, {transform_indices = #map1}, {transform_indices = #map2}, {transform_indices = #map}]} {
    %scan3A = arith.constant 0 : i32
    %scan3A_0 = arith.constant 128 : i32
    %scan3A_1 = arith.addi %scan3A, %scan3A_0 : i32
    %scan3A_2 = arith.constant 1 : i32
    scf.for %scan3A_49 = %scan3A to %scan3A_1 step %scan3A_2  : i32 {
      %broadcast_in_dim3A = arith.constant 0.000000e+00 : f32
      %broadcast_in_dim3A_50 = vector.broadcast %broadcast_in_dim3A : f32 to vector<16xf32>
      %swap3A = arith.index_cast %scan3A_49 : i32 to index
      %swap3A_51 = arith.constant 0 : index
      %swap3A_52 = tpu.vector_load %arg8[%swap3A, %swap3A_51] {strides = array<i32>} : memref<128x64xf32, #tpu.memory_space<vmem>>, vector<1x16xf32>,
      %swap3A_53 = vector.shape_cast %swap3A_52 : vector<1x16xf32> to vector<16xf32>
      %swap3A_54 = vector.shape_cast %broadcast_in_dim3A_50 : vector<16xf32> to vector<1x16xf32>
      tpu.vector_store %arg8[%swap3A, %swap3A_51], %swap3A_54 {strides = array<i32>} : memref<128x64xf32, #tpu.memory_space<vmem>>, vector<1x16xf32>,
      %broadcast_in_dim3A_55 = arith.constant 0.000000e+00 : f32
      %broadcast_in_dim3A_56 = vector.broadcast %broadcast_in_dim3A_55 : f32 to vector<16xf32>
      %swap3A_57 = arith.index_cast %scan3A_49 : i32 to index
      %swap3A_58 = arith.constant 16 : index
      %swap3A_59 = tpu.vector_load %arg8[%swap3A_57, %swap3A_58] {strides = array<i32>} : memref<128x64xf32, #tpu.memory_space<vmem>>, vector<1x16xf32>,
      %swap3A_60 = vector.shape_cast %swap3A_59 : vector<1x16xf32> to vector<16xf32>
      %swap3A_61 = vector.shape_cast %broadcast_in_dim3A_56 : vector<16xf32> to vector<1x16xf32>
      tpu.vector_store %arg8[%swap3A_57, %swap3A_58], %swap3A_61 {strides = array<i32>} : memref<128x64xf32, #tpu.memory_space<vmem>>, vector<1x16xf32>,
      %broadcast_in_dim3A_62 = arith.constant 0.000000e+00 : f32
      %broadcast_in_dim3A_63 = vector.broadcast %broadcast_in_dim3A_62 : f32 to vector<16xf32>
      %swap3A_64 = arith.index_cast %scan3A_49 : i32 to index
      %swap3A_65 = arith.constant 32 : index
      %swap3A_66 = tpu.vector_load %arg8[%swap3A_64, %swap3A_65] {strides = array<i32>} : memref<128x64xf32, #tpu.memory_space<vmem>>, vector<1x16xf32>,
      %swap3A_67 = vector.shape_cast %swap3A_66 : vector<1x16xf32> to vector<16xf32>
      %swap3A_68 = vector.shape_cast %broadcast_in_dim3A_63 : vector<16xf32> to vector<1x16xf32>
      tpu.vector_store %arg8[%swap3A_64, %swap3A_65], %swap3A_68 {strides = array<i32>} : memref<128x64xf32, #tpu.memory_space<vmem>>, vector<1x16xf32>,
      %broadcast_in_dim3A_69 = arith.constant 0.000000e+00 : f32
      %broadcast_in_dim3A_70 = vector.broadcast %broadcast_in_dim3A_69 : f32 to vector<16xf32>
      %swap3A_71 = arith.index_cast %scan3A_49 : i32 to index
      %swap3A_72 = arith.constant 48 : index
      %swap3A_73 = tpu.vector_load %arg8[%swap3A_71, %swap3A_72] {strides = array<i32>} : memref<128x64xf32, #tpu.memory_space<vmem>>, vector<1x16xf32>,
      %swap3A_74 = vector.shape_cast %swap3A_73 : vector<1x16xf32> to vector<16xf32>
      %swap3A_75 = vector.shape_cast %broadcast_in_dim3A_70 : vector<16xf32> to vector<1x16xf32>
      tpu.vector_store %arg8[%swap3A_71, %swap3A_72], %swap3A_75 {strides = array<i32>} : memref<128x64xf32, #tpu.memory_space<vmem>>, vector<1x16xf32>,
    }
    %scan3A_3 = arith.constant 128 : i32
    %mul3A = arith.constant 640 : i32
    %mul3A_4 = arith.muli %arg1, %mul3A : i32
    %add3A = arith.constant 0 : i32
    %add3A_5 = arith.addi %mul3A_4, %add3A : i32
    "tpu.region"() ({
      %run_scoped3A = tpu.sem_alloc : memref<!tpu.dma_semaphore, #tpu.memory_space<semaphore_mem>>
      %dma_start3A_49 = arith.constant 0 : i32
      %dma_start3A_50 = tpu.memref_slice %arg16[%add3A_5, %dma_start3A_49] : memref<10240x64xf32, #tpu.memory_space<vmem_shared>> -> memref<128x64xf32, #tpu.memory_space<vmem_shared>>
      %dma_start3A_51 = arith.constant 0 : i32
      %dma_start3A_52 = tpu.memref_slice %arg16[%add3A_5, %dma_start3A_51] : memref<10240x64xf32, #tpu.memory_space<vmem_shared>> -> memref<128x64xf32, #tpu.memory_space<vmem_shared>>
      tpu.enqueue_dma source(%arg8 : memref<128x64xf32, #tpu.memory_space<vmem>>) target(%dma_start3A_52 : memref<128x64xf32, #tpu.memory_space<vmem_shared>>) target_semaphore(%run_scoped3A : memref<!tpu.dma_semaphore, #tpu.memory_space<semaphore_mem>>)
      %dma_wait3A = arith.constant 0 : i32
      %dma_wait3A_53 = tpu.memref_slice %arg16[%add3A_5, %dma_wait3A] : memref<10240x64xf32, #tpu.memory_space<vmem_shared>> -> memref<128x64xf32, #tpu.memory_space<vmem_shared>>
      %dma_wait3A_54 = arith.constant 0 : i32
      %dma_wait3A_55 = tpu.memref_slice %arg16[%add3A_5, %dma_wait3A_54] : memref<10240x64xf32, #tpu.memory_space<vmem_shared>> -> memref<128x64xf32, #tpu.memory_space<vmem_shared>>
      tpu.wait_dma2 semaphore(%run_scoped3A : memref<!tpu.dma_semaphore, #tpu.memory_space<semaphore_mem>>) src(%arg8 : memref<128x64xf32, #tpu.memory_space<vmem>>) dst(%dma_wait3A_55 : memref<128x64xf32, #tpu.memory_space<vmem_shared>>)
      tpu.yield
    }) : () -> ()
    %add3A_6 = arith.constant 128 : i32
    %add3A_7 = arith.addi %mul3A_4, %add3A_6 : i32
    "tpu.region"() ({
      %run_scoped3A = tpu.sem_alloc : memref<!tpu.dma_semaphore, #tpu.memory_space<semaphore_mem>>
      %dma_start3A_49 = arith.constant 0 : i32
      %dma_start3A_50 = tpu.memref_slice %arg16[%add3A_7, %dma_start3A_49] : memref<10240x64xf32, #tpu.memory_space<vmem_shared>> -> memref<128x64xf32, #tpu.memory_space<vmem_shared>>
      %dma_start3A_51 = arith.constant 0 : i32
      %dma_start3A_52 = tpu.memref_slice %arg16[%add3A_7, %dma_start3A_51] : memref<10240x64xf32, #tpu.memory_space<vmem_shared>> -> memref<128x64xf32, #tpu.memory_space<vmem_shared>>
      tpu.enqueue_dma source(%arg8 : memref<128x64xf32, #tpu.memory_space<vmem>>) target(%dma_start3A_52 : memref<128x64xf32, #tpu.memory_space<vmem_shared>>) target_semaphore(%run_scoped3A : memref<!tpu.dma_semaphore, #tpu.memory_space<semaphore_mem>>)
      %dma_wait3A = arith.constant 0 : i32
      %dma_wait3A_53 = tpu.memref_slice %arg16[%add3A_7, %dma_wait3A] : memref<10240x64xf32, #tpu.memory_space<vmem_shared>> -> memref<128x64xf32, #tpu.memory_space<vmem_shared>>
      %dma_wait3A_54 = arith.constant 0 : i32
      %dma_wait3A_55 = tpu.memref_slice %arg16[%add3A_7, %dma_wait3A_54] : memref<10240x64xf32, #tpu.memory_space<vmem_shared>> -> memref<128x64xf32, #tpu.memory_space<vmem_shared>>
      tpu.wait_dma2 semaphore(%run_scoped3A : memref<!tpu.dma_semaphore, #tpu.memory_space<semaphore_mem>>) src(%arg8 : memref<128x64xf32, #tpu.memory_space<vmem>>) dst(%dma_wait3A_55 : memref<128x64xf32, #tpu.memory_space<vmem_shared>>)
      tpu.yield
    }) : () -> ()
    %add3A_8 = arith.constant 256 : i32
    %add3A_9 = arith.addi %mul3A_4, %add3A_8 : i32
    "tpu.region"() ({
      %run_scoped3A = tpu.sem_alloc : memref<!tpu.dma_semaphore, #tpu.memory_space<semaphore_mem>>
      %dma_start3A_49 = arith.constant 0 : i32
      %dma_start3A_50 = tpu.memref_slice %arg16[%add3A_9, %dma_start3A_49] : memref<10240x64xf32, #tpu.memory_space<vmem_shared>> -> memref<128x64xf32, #tpu.memory_space<vmem_shared>>
      %dma_start3A_51 = arith.constant 0 : i32
      %dma_start3A_52 = tpu.memref_slice %arg16[%add3A_9, %dma_start3A_51] : memref<10240x64xf32, #tpu.memory_space<vmem_shared>> -> memref<128x64xf32, #tpu.memory_space<vmem_shared>>
      tpu.enqueue_dma source(%arg8 : memref<128x64xf32, #tpu.memory_space<vmem>>) target(%dma_start3A_52 : memref<128x64xf32, #tpu.memory_space<vmem_shared>>) target_semaphore(%run_scoped3A : memref<!tpu.dma_semaphore, #tpu.memory_space<semaphore_mem>>)
      %dma_wait3A = arith.constant 0 : i32
      %dma_wait3A_53 = tpu.memref_slice %arg16[%add3A_9, %dma_wait3A] : memref<10240x64xf32, #tpu.memory_space<vmem_shared>> -> memref<128x64xf32, #tpu.memory_space<vmem_shared>>
      %dma_wait3A_54 = arith.constant 0 : i32
      %dma_wait3A_55 = tpu.memref_slice %arg16[%add3A_9, %dma_wait3A_54] : memref<10240x64xf32, #tpu.memory_space<vmem_shared>> -> memref<128x64xf32, #tpu.memory_space<vmem_shared>>
      tpu.wait_dma2 semaphore(%run_scoped3A : memref<!tpu.dma_semaphore, #tpu.memory_space<semaphore_mem>>) src(%arg8 : memref<128x64xf32, #tpu.memory_space<vmem>>) dst(%dma_wait3A_55 : memref<128x64xf32, #tpu.memory_space<vmem_shared>>)
      tpu.yield
    }) : () -> ()
    %add3A_10 = arith.constant 384 : i32
    %add3A_11 = arith.addi %mul3A_4, %add3A_10 : i32
    "tpu.region"() ({
      %run_scoped3A = tpu.sem_alloc : memref<!tpu.dma_semaphore, #tpu.memory_space<semaphore_mem>>
      %dma_start3A_49 = arith.constant 0 : i32
      %dma_start3A_50 = tpu.memref_slice %arg16[%add3A_11, %dma_start3A_49] : memref<10240x64xf32, #tpu.memory_space<vmem_shared>> -> memref<128x64xf32, #tpu.memory_space<vmem_shared>>
      %dma_start3A_51 = arith.constant 0 : i32
      %dma_start3A_52 = tpu.memref_slice %arg16[%add3A_11, %dma_start3A_51] : memref<10240x64xf32, #tpu.memory_space<vmem_shared>> -> memref<128x64xf32, #tpu.memory_space<vmem_shared>>
      tpu.enqueue_dma source(%arg8 : memref<128x64xf32, #tpu.memory_space<vmem>>) target(%dma_start3A_52 : memref<128x64xf32, #tpu.memory_space<vmem_shared>>) target_semaphore(%run_scoped3A : memref<!tpu.dma_semaphore, #tpu.memory_space<semaphore_mem>>)
      %dma_wait3A = arith.constant 0 : i32
      %dma_wait3A_53 = tpu.memref_slice %arg16[%add3A_11, %dma_wait3A] : memref<10240x64xf32, #tpu.memory_space<vmem_shared>> -> memref<128x64xf32, #tpu.memory_space<vmem_shared>>
      %dma_wait3A_54 = arith.constant 0 : i32
      %dma_wait3A_55 = tpu.memref_slice %arg16[%add3A_11, %dma_wait3A_54] : memref<10240x64xf32, #tpu.memory_space<vmem_shared>> -> memref<128x64xf32, #tpu.memory_space<vmem_shared>>
      tpu.wait_dma2 semaphore(%run_scoped3A : memref<!tpu.dma_semaphore, #tpu.memory_space<semaphore_mem>>) src(%arg8 : memref<128x64xf32, #tpu.memory_space<vmem>>) dst(%dma_wait3A_55 : memref<128x64xf32, #tpu.memory_space<vmem_shared>>)
      tpu.yield
    }) : () -> ()
    %add3A_12 = arith.constant 512 : i32
    %add3A_13 = arith.addi %mul3A_4, %add3A_12 : i32
    "tpu.region"() ({
      %run_scoped3A = tpu.sem_alloc : memref<!tpu.dma_semaphore, #tpu.memory_space<semaphore_mem>>
      %dma_start3A_49 = arith.constant 0 : i32
      %dma_start3A_50 = tpu.memref_slice %arg16[%add3A_13, %dma_start3A_49] : memref<10240x64xf32, #tpu.memory_space<vmem_shared>> -> memref<128x64xf32, #tpu.memory_space<vmem_shared>>
      %dma_start3A_51 = arith.constant 0 : i32
      %dma_start3A_52 = tpu.memref_slice %arg16[%add3A_13, %dma_start3A_51] : memref<10240x64xf32, #tpu.memory_space<vmem_shared>> -> memref<128x64xf32, #tpu.memory_space<vmem_shared>>
      tpu.enqueue_dma source(%arg8 : memref<128x64xf32, #tpu.memory_space<vmem>>) target(%dma_start3A_52 : memref<128x64xf32, #tpu.memory_space<vmem_shared>>) target_semaphore(%run_scoped3A : memref<!tpu.dma_semaphore, #tpu.memory_space<semaphore_mem>>)
      %dma_wait3A = arith.constant 0 : i32
      %dma_wait3A_53 = tpu.memref_slice %arg16[%add3A_13, %dma_wait3A] : memref<10240x64xf32, #tpu.memory_space<vmem_shared>> -> memref<128x64xf32, #tpu.memory_space<vmem_shared>>
      %dma_wait3A_54 = arith.constant 0 : i32
      %dma_wait3A_55 = tpu.memref_slice %arg16[%add3A_13, %dma_wait3A_54] : memref<10240x64xf32, #tpu.memory_space<vmem_shared>> -> memref<128x64xf32, #tpu.memory_space<vmem_shared>>
      tpu.wait_dma2 semaphore(%run_scoped3A : memref<!tpu.dma_semaphore, #tpu.memory_space<semaphore_mem>>) src(%arg8 : memref<128x64xf32, #tpu.memory_space<vmem>>) dst(%dma_wait3A_55 : memref<128x64xf32, #tpu.memory_space<vmem_shared>>)
      tpu.yield
    }) : () -> ()
    %barrier3A = arith.constant 0 : index
    tpu.barrier barrier_id(%barrier3A)
    "tpu.region"() ({
      %run_scoped3A = tpu.sem_alloc : memref<!tpu.dma_semaphore, #tpu.memory_space<semaphore_mem>>
      %dma_start3A_49 = arith.constant 0 : i32
      %dma_start3A_50 = arith.constant 0 : i32
      %dma_start3A_51 = tpu.memref_slice %arg3[%arg0, %arg1, %dma_start3A_49, %dma_start3A_50] : memref<2x16x160x128xi32, #tpu.memory_space<hbm>> -> memref<1x1x160x128xi32, #tpu.memory_space<hbm>>
      %dma_start3A_52 = tpu.memref_squeeze %dma_start3A_51 : memref<1x1x160x128xi32, #tpu.memory_space<hbm>> -> memref<160x128xi32, #tpu.memory_space<hbm>>
      %dma_start3A_53 = arith.constant 0 : i32
      %dma_start3A_54 = arith.constant 0 : i32
      %dma_start3A_55 = tpu.memref_slice %arg3[%arg0, %arg1, %dma_start3A_53, %dma_start3A_54] : memref<2x16x160x128xi32, #tpu.memory_space<hbm>> -> memref<1x1x160x128xi32, #tpu.memory_space<hbm>>
      %dma_start3A_56 = tpu.memref_squeeze %dma_start3A_55 : memref<1x1x160x128xi32, #tpu.memory_space<hbm>> -> memref<160x128xi32, #tpu.memory_space<hbm>>
      tpu.enqueue_dma source(%dma_start3A_56 : memref<160x128xi32, #tpu.memory_space<hbm>>) target(%arg6 : memref<160x128xi32, #tpu.memory_space<vmem>>) target_semaphore(%run_scoped3A : memref<!tpu.dma_semaphore, #tpu.memory_space<semaphore_mem>>)
      %dma_wait3A = arith.constant 0 : i32
      %dma_wait3A_57 = arith.constant 0 : i32
      %dma_wait3A_58 = tpu.memref_slice %arg3[%arg0, %arg1, %dma_wait3A, %dma_wait3A_57] : memref<2x16x160x128xi32, #tpu.memory_space<hbm>> -> memref<1x1x160x128xi32, #tpu.memory_space<hbm>>
      %dma_wait3A_59 = tpu.memref_squeeze %dma_wait3A_58 : memref<1x1x160x128xi32, #tpu.memory_space<hbm>> -> memref<160x128xi32, #tpu.memory_space<hbm>>
      %dma_wait3A_60 = arith.constant 0 : i32
      %dma_wait3A_61 = arith.constant 0 : i32
      %dma_wait3A_62 = tpu.memref_slice %arg3[%arg0, %arg1, %dma_wait3A_60, %dma_wait3A_61] : memref<2x16x160x128xi32, #tpu.memory_space<hbm>> -> memref<1x1x160x128xi32, #tpu.memory_space<hbm>>
      %dma_wait3A_63 = tpu.memref_squeeze %dma_wait3A_62 : memref<1x1x160x128xi32, #tpu.memory_space<hbm>> -> memref<160x128xi32, #tpu.memory_space<hbm>>
      tpu.wait_dma2 semaphore(%run_scoped3A : memref<!tpu.dma_semaphore, #tpu.memory_space<semaphore_mem>>) src(%dma_wait3A_63 : memref<160x128xi32, #tpu.memory_space<hbm>>) dst(%arg6 : memref<160x128xi32, #tpu.memory_space<vmem>>)
      tpu.yield
    }) : () -> ()
    "tpu.region"() ({
      %run_scoped3A = tpu.sem_alloc : memref<!tpu.dma_semaphore, #tpu.memory_space<semaphore_mem>>
      %dma_start3A_49 = arith.constant 0 : i32
      %dma_start3A_50 = arith.constant 0 : i32
      %dma_start3A_51 = tpu.memref_slice %arg4[%arg1, %dma_start3A_49, %dma_start3A_50] : memref<16x160x128xi32, #tpu.memory_space<hbm>> -> memref<1x160x128xi32, #tpu.memory_space<hbm>>
      %dma_start3A_52 = tpu.memref_squeeze %dma_start3A_51 : memref<1x160x128xi32, #tpu.memory_space<hbm>> -> memref<160x128xi32, #tpu.memory_space<hbm>>
      %dma_start3A_53 = arith.constant 0 : i32
      %dma_start3A_54 = arith.constant 0 : i32
      %dma_start3A_55 = tpu.memref_slice %arg4[%arg1, %dma_start3A_53, %dma_start3A_54] : memref<16x160x128xi32, #tpu.memory_space<hbm>> -> memref<1x160x128xi32, #tpu.memory_space<hbm>>
      %dma_start3A_56 = tpu.memref_squeeze %dma_start3A_55 : memref<1x160x128xi32, #tpu.memory_space<hbm>> -> memref<160x128xi32, #tpu.memory_space<hbm>>
      tpu.enqueue_dma source(%dma_start3A_56 : memref<160x128xi32, #tpu.memory_space<hbm>>) target(%arg7 : memref<160x128xi32, #tpu.memory_space<vmem>>) target_semaphore(%run_scoped3A : memref<!tpu.dma_semaphore, #tpu.memory_space<semaphore_mem>>)
      %dma_wait3A = arith.constant 0 : i32
      %dma_wait3A_57 = arith.constant 0 : i32
      %dma_wait3A_58 = tpu.memref_slice %arg4[%arg1, %dma_wait3A, %dma_wait3A_57] : memref<16x160x128xi32, #tpu.memory_space<hbm>> -> memref<1x160x128xi32, #tpu.memory_space<hbm>>
      %dma_wait3A_59 = tpu.memref_squeeze %dma_wait3A_58 : memref<1x160x128xi32, #tpu.memory_space<hbm>> -> memref<160x128xi32, #tpu.memory_space<hbm>>
      %dma_wait3A_60 = arith.constant 0 : i32
      %dma_wait3A_61 = arith.constant 0 : i32
      %dma_wait3A_62 = tpu.memref_slice %arg4[%arg1, %dma_wait3A_60, %dma_wait3A_61] : memref<16x160x128xi32, #tpu.memory_space<hbm>> -> memref<1x160x128xi32, #tpu.memory_space<hbm>>
      %dma_wait3A_63 = tpu.memref_squeeze %dma_wait3A_62 : memref<1x160x128xi32, #tpu.memory_space<hbm>> -> memref<160x128xi32, #tpu.memory_space<hbm>>
      tpu.wait_dma2 semaphore(%run_scoped3A : memref<!tpu.dma_semaphore, #tpu.memory_space<semaphore_mem>>) src(%dma_wait3A_63 : memref<160x128xi32, #tpu.memory_space<hbm>>) dst(%arg7 : memref<160x128xi32, #tpu.memory_space<vmem>>)
      tpu.yield
    }) : () -> ()
    %dma_start3A = arith.constant 0 : i32
    %dma_start3A_14 = arith.constant 0 : i32
    %dma_start3A_15 = tpu.memref_slice %arg6[%dma_start3A, %dma_start3A_14] : memref<160x128xi32, #tpu.memory_space<vmem>> -> memref<1x128xi32, #tpu.memory_space<vmem>>
    %dma_start3A_16 = tpu.memref_squeeze %dma_start3A_15 : memref<1x128xi32, #tpu.memory_space<vmem>> -> memref<128xi32, #tpu.memory_space<vmem>>
    %dma_start3A_17 = arith.constant 0 : i32
    %dma_start3A_18 = arith.constant 0 : i32
    %dma_start3A_19 = tpu.memref_slice %arg2[%dma_start3A_17, %dma_start3A_18] : memref<20480x64xf32, #tpu.memory_space<hbm>> -> memref<20480x64xf32, #tpu.memory_space<hbm>>
    tpu.enqueue_indirect_dma source(%dma_start3A_19 : memref<20480x64xf32, #tpu.memory_space<hbm>>) target(%arg8 : memref<128x64xf32, #tpu.memory_space<vmem>>) offsets(%dma_start3A_16 : memref<128xi32, #tpu.memory_space<vmem>>) semaphore(%arg12 : memref<!tpu.dma_semaphore, #tpu.memory_space<semaphore_mem>>)
    %dma_start3A_20 = arith.constant 1 : i32
    %dma_start3A_21 = arith.constant 0 : i32
    %dma_start3A_22 = tpu.memref_slice %arg6[%dma_start3A_20, %dma_start3A_21] : memref<160x128xi32, #tpu.memory_space<vmem>> -> memref<1x128xi32, #tpu.memory_space<vmem>>
    %dma_start3A_23 = tpu.memref_squeeze %dma_start3A_22 : memref<1x128xi32, #tpu.memory_space<vmem>> -> memref<128xi32, #tpu.memory_space<vmem>>
    %dma_start3A_24 = arith.constant 0 : i32
    %dma_start3A_25 = arith.constant 0 : i32
    %dma_start3A_26 = tpu.memref_slice %arg2[%dma_start3A_24, %dma_start3A_25] : memref<20480x64xf32, #tpu.memory_space<hbm>> -> memref<20480x64xf32, #tpu.memory_space<hbm>>
    tpu.enqueue_indirect_dma source(%dma_start3A_26 : memref<20480x64xf32, #tpu.memory_space<hbm>>) target(%arg9 : memref<128x64xf32, #tpu.memory_space<vmem>>) offsets(%dma_start3A_23 : memref<128xi32, #tpu.memory_space<vmem>>) semaphore(%arg13 : memref<!tpu.dma_semaphore, #tpu.memory_space<semaphore_mem>>)
    %dma_start3A_27 = arith.constant 2 : i32
    %dma_start3A_28 = arith.constant 0 : i32
    %dma_start3A_29 = tpu.memref_slice %arg6[%dma_start3A_27, %dma_start3A_28] : memref<160x128xi32, #tpu.memory_space<vmem>> -> memref<1x128xi32, #tpu.memory_space<vmem>>
    %dma_start3A_30 = tpu.memref_squeeze %dma_start3A_29 : memref<1x128xi32, #tpu.memory_space<vmem>> -> memref<128xi32, #tpu.memory_space<vmem>>
    %dma_start3A_31 = arith.constant 0 : i32
    %dma_start3A_32 = arith.constant 0 : i32
    %dma_start3A_33 = tpu.memref_slice %arg2[%dma_start3A_31, %dma_start3A_32] : memref<20480x64xf32, #tpu.memory_space<hbm>> -> memref<20480x64xf32, #tpu.memory_space<hbm>>
    tpu.enqueue_indirect_dma source(%dma_start3A_33 : memref<20480x64xf32, #tpu.memory_space<hbm>>) target(%arg10 : memref<128x64xf32, #tpu.memory_space<vmem>>) offsets(%dma_start3A_30 : memref<128xi32, #tpu.memory_space<vmem>>) semaphore(%arg14 : memref<!tpu.dma_semaphore, #tpu.memory_space<semaphore_mem>>)
    %dma_start3A_34 = arith.constant 3 : i32
    %dma_start3A_35 = arith.constant 0 : i32
    %dma_start3A_36 = tpu.memref_slice %arg6[%dma_start3A_34, %dma_start3A_35] : memref<160x128xi32, #tpu.memory_space<vmem>> -> memref<1x128xi32, #tpu.memory_space<vmem>>
    %dma_start3A_37 = tpu.memref_squeeze %dma_start3A_36 : memref<1x128xi32, #tpu.memory_space<vmem>> -> memref<128xi32, #tpu.memory_space<vmem>>
    %dma_start3A_38 = arith.constant 0 : i32
    %dma_start3A_39 = arith.constant 0 : i32
    %dma_start3A_40 = tpu.memref_slice %arg2[%dma_start3A_38, %dma_start3A_39] : memref<20480x64xf32, #tpu.memory_space<hbm>> -> memref<20480x64xf32, #tpu.memory_space<hbm>>
    tpu.enqueue_indirect_dma source(%dma_start3A_40 : memref<20480x64xf32, #tpu.memory_space<hbm>>) target(%arg11 : memref<128x64xf32, #tpu.memory_space<vmem>>) offsets(%dma_start3A_37 : memref<128xi32, #tpu.memory_space<vmem>>) semaphore(%arg15 : memref<!tpu.dma_semaphore, #tpu.memory_space<semaphore_mem>>)
    %scan3A_41 = arith.constant 0 : i32
    %scan3A_42 = arith.constant 40 : i32
    %scan3A_43 = arith.addi %scan3A_41, %scan3A_42 : i32
    %scan3A_44 = arith.constant 1 : i32
    scf.for %scan3A_49 = %scan3A_41 to %scan3A_43 step %scan3A_44  : i32 {
      %mul3A_50 = arith.constant 4 : i32
      %mul3A_51 = arith.muli %scan3A_49, %mul3A_50 : i32
      %add3A_52 = arith.constant 0 : i32
      %add3A_53 = arith.addi %mul3A_51, %add3A_52 : i32
      %dma_wait3A = arith.constant 0 : i32
      %dma_wait3A_54 = tpu.memref_slice %arg6[%add3A_53, %dma_wait3A] : memref<160x128xi32, #tpu.memory_space<vmem>> -> memref<1x128xi32, #tpu.memory_space<vmem>>
      %dma_wait3A_55 = tpu.memref_squeeze %dma_wait3A_54 : memref<1x128xi32, #tpu.memory_space<vmem>> -> memref<128xi32, #tpu.memory_space<vmem>>
      %dma_wait3A_56 = arith.constant 0 : i32
      %dma_wait3A_57 = arith.constant 0 : i32
      %dma_wait3A_58 = tpu.memref_slice %arg2[%dma_wait3A_56, %dma_wait3A_57] : memref<20480x64xf32, #tpu.memory_space<hbm>> -> memref<20480x64xf32, #tpu.memory_space<hbm>>
      tpu.wait_indirect_dma semaphore(%arg12 : memref<!tpu.dma_semaphore, #tpu.memory_space<semaphore_mem>>) src(%dma_wait3A_58 : memref<20480x64xf32, #tpu.memory_space<hbm>>) dst(%arg8 : memref<128x64xf32, #tpu.memory_space<vmem>>)
      "tpu.region"() ({
        %run_scoped3A = tpu.sem_alloc : memref<!tpu.dma_semaphore, #tpu.memory_space<semaphore_mem>>
        %dma_start3A_114 = arith.constant 0 : i32
        %dma_start3A_115 = tpu.memref_slice %arg7[%add3A_53, %dma_start3A_114] : memref<160x128xi32, #tpu.memory_space<vmem>> -> memref<1x128xi32, #tpu.memory_space<vmem>>
        %dma_start3A_116 = tpu.memref_squeeze %dma_start3A_115 : memref<1x128xi32, #tpu.memory_space<vmem>> -> memref<128xi32, #tpu.memory_space<vmem>>
        %dma_start3A_117 = arith.constant 0 : i32
        %dma_start3A_118 = arith.constant 0 : i32
        %dma_start3A_119 = tpu.memref_slice %arg16[%dma_start3A_117, %dma_start3A_118] : memref<10240x64xf32, #tpu.memory_space<vmem_shared>> -> memref<10240x64xf32, #tpu.memory_space<vmem_shared>>
        tpu.enqueue_indirect_dma source(%arg8 : memref<128x64xf32, #tpu.memory_space<vmem>>) target(%dma_start3A_119 : memref<10240x64xf32, #tpu.memory_space<vmem_shared>>) offsets(%dma_start3A_116 : memref<128xi32, #tpu.memory_space<vmem>>) semaphore(%run_scoped3A : memref<!tpu.dma_semaphore, #tpu.memory_space<semaphore_mem>>) {add = true}
        %dma_wait3A_120 = arith.constant 0 : i32
        %dma_wait3A_121 = tpu.memref_slice %arg7[%add3A_53, %dma_wait3A_120] : memref<160x128xi32, #tpu.memory_space<vmem>> -> memref<1x128xi32, #tpu.memory_space<vmem>>
        %dma_wait3A_122 = tpu.memref_squeeze %dma_wait3A_121 : memref<1x128xi32, #tpu.memory_space<vmem>> -> memref<128xi32, #tpu.memory_space<vmem>>
        %dma_wait3A_123 = arith.constant 0 : i32
        %dma_wait3A_124 = arith.constant 0 : i32
        %dma_wait3A_125 = tpu.memref_slice %arg16[%dma_wait3A_123, %dma_wait3A_124] : memref<10240x64xf32, #tpu.memory_space<vmem_shared>> -> memref<10240x64xf32, #tpu.memory_space<vmem_shared>>
        tpu.wait_indirect_dma semaphore(%run_scoped3A : memref<!tpu.dma_semaphore, #tpu.memory_space<semaphore_mem>>) src(%arg8 : memref<128x64xf32, #tpu.memory_space<vmem>>) dst(%dma_wait3A_125 : memref<10240x64xf32, #tpu.memory_space<vmem_shared>>)
        tpu.yield
      }) : () -> ()
      %add3A_59 = arith.constant 4 : i32
      %add3A_60 = arith.addi %add3A_53, %add3A_59 : i32
      %lt3A = arith.constant 160 : i32
      %lt3A_61 = arith.cmpi slt, %add3A_60, %lt3A : i32
      %convert_element_type3A = arith.extui %lt3A_61 : i1 to i32
      %cond3A = arith.constant 0 : i32
      %cond3A_62 = arith.cmpi ne, %convert_element_type3A, %cond3A : i32
      scf.if %cond3A_62 {
        %dma_start3A_114 = arith.constant 0 : i32
        %dma_start3A_115 = tpu.memref_slice %arg6[%add3A_60, %dma_start3A_114] : memref<160x128xi32, #tpu.memory_space<vmem>> -> memref<1x128xi32, #tpu.memory_space<vmem>>
        %dma_start3A_116 = tpu.memref_squeeze %dma_start3A_115 : memref<1x128xi32, #tpu.memory_space<vmem>> -> memref<128xi32, #tpu.memory_space<vmem>>
        %dma_start3A_117 = arith.constant 0 : i32
        %dma_start3A_118 = arith.constant 0 : i32
        %dma_start3A_119 = tpu.memref_slice %arg2[%dma_start3A_117, %dma_start3A_118] : memref<20480x64xf32, #tpu.memory_space<hbm>> -> memref<20480x64xf32, #tpu.memory_space<hbm>>
        tpu.enqueue_indirect_dma source(%dma_start3A_119 : memref<20480x64xf32, #tpu.memory_space<hbm>>) target(%arg8 : memref<128x64xf32, #tpu.memory_space<vmem>>) offsets(%dma_start3A_116 : memref<128xi32, #tpu.memory_space<vmem>>) semaphore(%arg12 : memref<!tpu.dma_semaphore, #tpu.memory_space<semaphore_mem>>)
      } else {
      }
      %mul3A_63 = arith.constant 4 : i32
      %mul3A_64 = arith.muli %scan3A_49, %mul3A_63 : i32
      %add3A_65 = arith.constant 1 : i32
      %add3A_66 = arith.addi %mul3A_64, %add3A_65 : i32
      %dma_wait3A_67 = arith.constant 0 : i32
      %dma_wait3A_68 = tpu.memref_slice %arg6[%add3A_66, %dma_wait3A_67] : memref<160x128xi32, #tpu.memory_space<vmem>> -> memref<1x128xi32, #tpu.memory_space<vmem>>
      %dma_wait3A_69 = tpu.memref_squeeze %dma_wait3A_68 : memref<1x128xi32, #tpu.memory_space<vmem>> -> memref<128xi32, #tpu.memory_space<vmem>>
      %dma_wait3A_70 = arith.constant 0 : i32
      %dma_wait3A_71 = arith.constant 0 : i32
      %dma_wait3A_72 = tpu.memref_slice %arg2[%dma_wait3A_70, %dma_wait3A_71] : memref<20480x64xf32, #tpu.memory_space<hbm>> -> memref<20480x64xf32, #tpu.memory_space<hbm>>
      tpu.wait_indirect_dma semaphore(%arg13 : memref<!tpu.dma_semaphore, #tpu.memory_space<semaphore_mem>>) src(%dma_wait3A_72 : memref<20480x64xf32, #tpu.memory_space<hbm>>) dst(%arg9 : memref<128x64xf32, #tpu.memory_space<vmem>>)
      "tpu.region"() ({
        %run_scoped3A = tpu.sem_alloc : memref<!tpu.dma_semaphore, #tpu.memory_space<semaphore_mem>>
        %dma_start3A_114 = arith.constant 0 : i32
        %dma_start3A_115 = tpu.memref_slice %arg7[%add3A_66, %dma_start3A_114] : memref<160x128xi32, #tpu.memory_space<vmem>> -> memref<1x128xi32, #tpu.memory_space<vmem>>
        %dma_start3A_116 = tpu.memref_squeeze %dma_start3A_115 : memref<1x128xi32, #tpu.memory_space<vmem>> -> memref<128xi32, #tpu.memory_space<vmem>>
        %dma_start3A_117 = arith.constant 0 : i32
        %dma_start3A_118 = arith.constant 0 : i32
        %dma_start3A_119 = tpu.memref_slice %arg16[%dma_start3A_117, %dma_start3A_118] : memref<10240x64xf32, #tpu.memory_space<vmem_shared>> -> memref<10240x64xf32, #tpu.memory_space<vmem_shared>>
        tpu.enqueue_indirect_dma source(%arg9 : memref<128x64xf32, #tpu.memory_space<vmem>>) target(%dma_start3A_119 : memref<10240x64xf32, #tpu.memory_space<vmem_shared>>) offsets(%dma_start3A_116 : memref<128xi32, #tpu.memory_space<vmem>>) semaphore(%run_scoped3A : memref<!tpu.dma_semaphore, #tpu.memory_space<semaphore_mem>>) {add = true}
        %dma_wait3A_120 = arith.constant 0 : i32
        %dma_wait3A_121 = tpu.memref_slice %arg7[%add3A_66, %dma_wait3A_120] : memref<160x128xi32, #tpu.memory_space<vmem>> -> memref<1x128xi32, #tpu.memory_space<vmem>>
        %dma_wait3A_122 = tpu.memref_squeeze %dma_wait3A_121 : memref<1x128xi32, #tpu.memory_space<vmem>> -> memref<128xi32, #tpu.memory_space<vmem>>
        %dma_wait3A_123 = arith.constant 0 : i32
        %dma_wait3A_124 = arith.constant 0 : i32
        %dma_wait3A_125 = tpu.memref_slice %arg16[%dma_wait3A_123, %dma_wait3A_124] : memref<10240x64xf32, #tpu.memory_space<vmem_shared>> -> memref<10240x64xf32, #tpu.memory_space<vmem_shared>>
        tpu.wait_indirect_dma semaphore(%run_scoped3A : memref<!tpu.dma_semaphore, #tpu.memory_space<semaphore_mem>>) src(%arg9 : memref<128x64xf32, #tpu.memory_space<vmem>>) dst(%dma_wait3A_125 : memref<10240x64xf32, #tpu.memory_space<vmem_shared>>)
        tpu.yield
      }) : () -> ()
      %add3A_73 = arith.constant 4 : i32
      %add3A_74 = arith.addi %add3A_66, %add3A_73 : i32
      %lt3A_75 = arith.constant 160 : i32
      %lt3A_76 = arith.cmpi slt, %add3A_74, %lt3A_75 : i32
      %convert_element_type3A_77 = arith.extui %lt3A_76 : i1 to i32
      %cond3A_78 = arith.constant 0 : i32
      %cond3A_79 = arith.cmpi ne, %convert_element_type3A_77, %cond3A_78 : i32
      scf.if %cond3A_79 {
        %dma_start3A_114 = arith.constant 0 : i32
        %dma_start3A_115 = tpu.memref_slice %arg6[%add3A_74, %dma_start3A_114] : memref<160x128xi32, #tpu.memory_space<vmem>> -> memref<1x128xi32, #tpu.memory_space<vmem>>
        %dma_start3A_116 = tpu.memref_squeeze %dma_start3A_115 : memref<1x128xi32, #tpu.memory_space<vmem>> -> memref<128xi32, #tpu.memory_space<vmem>>
        %dma_start3A_117 = arith.constant 0 : i32
        %dma_start3A_118 = arith.constant 0 : i32
        %dma_start3A_119 = tpu.memref_slice %arg2[%dma_start3A_117, %dma_start3A_118] : memref<20480x64xf32, #tpu.memory_space<hbm>> -> memref<20480x64xf32, #tpu.memory_space<hbm>>
        tpu.enqueue_indirect_dma source(%dma_start3A_119 : memref<20480x64xf32, #tpu.memory_space<hbm>>) target(%arg9 : memref<128x64xf32, #tpu.memory_space<vmem>>) offsets(%dma_start3A_116 : memref<128xi32, #tpu.memory_space<vmem>>) semaphore(%arg13 : memref<!tpu.dma_semaphore, #tpu.memory_space<semaphore_mem>>)
      } else {
      }
      %mul3A_80 = arith.constant 4 : i32
      %mul3A_81 = arith.muli %scan3A_49, %mul3A_80 : i32
      %add3A_82 = arith.constant 2 : i32
      %add3A_83 = arith.addi %mul3A_81, %add3A_82 : i32
      %dma_wait3A_84 = arith.constant 0 : i32
      %dma_wait3A_85 = tpu.memref_slice %arg6[%add3A_83, %dma_wait3A_84] : memref<160x128xi32, #tpu.memory_space<vmem>> -> memref<1x128xi32, #tpu.memory_space<vmem>>
      %dma_wait3A_86 = tpu.memref_squeeze %dma_wait3A_85 : memref<1x128xi32, #tpu.memory_space<vmem>> -> memref<128xi32, #tpu.memory_space<vmem>>
      %dma_wait3A_87 = arith.constant 0 : i32
      %dma_wait3A_88 = arith.constant 0 : i32
      %dma_wait3A_89 = tpu.memref_slice %arg2[%dma_wait3A_87, %dma_wait3A_88] : memref<20480x64xf32, #tpu.memory_space<hbm>> -> memref<20480x64xf32, #tpu.memory_space<hbm>>
      tpu.wait_indirect_dma semaphore(%arg14 : memref<!tpu.dma_semaphore, #tpu.memory_space<semaphore_mem>>) src(%dma_wait3A_89 : memref<20480x64xf32, #tpu.memory_space<hbm>>) dst(%arg10 : memref<128x64xf32, #tpu.memory_space<vmem>>)
      "tpu.region"() ({
        %run_scoped3A = tpu.sem_alloc : memref<!tpu.dma_semaphore, #tpu.memory_space<semaphore_mem>>
        %dma_start3A_114 = arith.constant 0 : i32
        %dma_start3A_115 = tpu.memref_slice %arg7[%add3A_83, %dma_start3A_114] : memref<160x128xi32, #tpu.memory_space<vmem>> -> memref<1x128xi32, #tpu.memory_space<vmem>>
        %dma_start3A_116 = tpu.memref_squeeze %dma_start3A_115 : memref<1x128xi32, #tpu.memory_space<vmem>> -> memref<128xi32, #tpu.memory_space<vmem>>
        %dma_start3A_117 = arith.constant 0 : i32
        %dma_start3A_118 = arith.constant 0 : i32
        %dma_start3A_119 = tpu.memref_slice %arg16[%dma_start3A_117, %dma_start3A_118] : memref<10240x64xf32, #tpu.memory_space<vmem_shared>> -> memref<10240x64xf32, #tpu.memory_space<vmem_shared>>
        tpu.enqueue_indirect_dma source(%arg10 : memref<128x64xf32, #tpu.memory_space<vmem>>) target(%dma_start3A_119 : memref<10240x64xf32, #tpu.memory_space<vmem_shared>>) offsets(%dma_start3A_116 : memref<128xi32, #tpu.memory_space<vmem>>) semaphore(%run_scoped3A : memref<!tpu.dma_semaphore, #tpu.memory_space<semaphore_mem>>) {add = true}
        %dma_wait3A_120 = arith.constant 0 : i32
        %dma_wait3A_121 = tpu.memref_slice %arg7[%add3A_83, %dma_wait3A_120] : memref<160x128xi32, #tpu.memory_space<vmem>> -> memref<1x128xi32, #tpu.memory_space<vmem>>
        %dma_wait3A_122 = tpu.memref_squeeze %dma_wait3A_121 : memref<1x128xi32, #tpu.memory_space<vmem>> -> memref<128xi32, #tpu.memory_space<vmem>>
        %dma_wait3A_123 = arith.constant 0 : i32
        %dma_wait3A_124 = arith.constant 0 : i32
        %dma_wait3A_125 = tpu.memref_slice %arg16[%dma_wait3A_123, %dma_wait3A_124] : memref<10240x64xf32, #tpu.memory_space<vmem_shared>> -> memref<10240x64xf32, #tpu.memory_space<vmem_shared>>
        tpu.wait_indirect_dma semaphore(%run_scoped3A : memref<!tpu.dma_semaphore, #tpu.memory_space<semaphore_mem>>) src(%arg10 : memref<128x64xf32, #tpu.memory_space<vmem>>) dst(%dma_wait3A_125 : memref<10240x64xf32, #tpu.memory_space<vmem_shared>>)
        tpu.yield
      }) : () -> ()
      %add3A_90 = arith.constant 4 : i32
      %add3A_91 = arith.addi %add3A_83, %add3A_90 : i32
      %lt3A_92 = arith.constant 160 : i32
      %lt3A_93 = arith.cmpi slt, %add3A_91, %lt3A_92 : i32
      %convert_element_type3A_94 = arith.extui %lt3A_93 : i1 to i32
      %cond3A_95 = arith.constant 0 : i32
      %cond3A_96 = arith.cmpi ne, %convert_element_type3A_94, %cond3A_95 : i32
      scf.if %cond3A_96 {
        %dma_start3A_114 = arith.constant 0 : i32
        %dma_start3A_115 = tpu.memref_slice %arg6[%add3A_91, %dma_start3A_114] : memref<160x128xi32, #tpu.memory_space<vmem>> -> memref<1x128xi32, #tpu.memory_space<vmem>>
        %dma_start3A_116 = tpu.memref_squeeze %dma_start3A_115 : memref<1x128xi32, #tpu.memory_space<vmem>> -> memref<128xi32, #tpu.memory_space<vmem>>
        %dma_start3A_117 = arith.constant 0 : i32
        %dma_start3A_118 = arith.constant 0 : i32
        %dma_start3A_119 = tpu.memref_slice %arg2[%dma_start3A_117, %dma_start3A_118] : memref<20480x64xf32, #tpu.memory_space<hbm>> -> memref<20480x64xf32, #tpu.memory_space<hbm>>
        tpu.enqueue_indirect_dma source(%dma_start3A_119 : memref<20480x64xf32, #tpu.memory_space<hbm>>) target(%arg10 : memref<128x64xf32, #tpu.memory_space<vmem>>) offsets(%dma_start3A_116 : memref<128xi32, #tpu.memory_space<vmem>>) semaphore(%arg14 : memref<!tpu.dma_semaphore, #tpu.memory_space<semaphore_mem>>)
      } else {
      }
      %mul3A_97 = arith.constant 4 : i32
      %mul3A_98 = arith.muli %scan3A_49, %mul3A_97 : i32
      %add3A_99 = arith.constant 3 : i32
      %add3A_100 = arith.addi %mul3A_98, %add3A_99 : i32
      %dma_wait3A_101 = arith.constant 0 : i32
      %dma_wait3A_102 = tpu.memref_slice %arg6[%add3A_100, %dma_wait3A_101] : memref<160x128xi32, #tpu.memory_space<vmem>> -> memref<1x128xi32, #tpu.memory_space<vmem>>
      %dma_wait3A_103 = tpu.memref_squeeze %dma_wait3A_102 : memref<1x128xi32, #tpu.memory_space<vmem>> -> memref<128xi32, #tpu.memory_space<vmem>>
      %dma_wait3A_104 = arith.constant 0 : i32
      %dma_wait3A_105 = arith.constant 0 : i32
      %dma_wait3A_106 = tpu.memref_slice %arg2[%dma_wait3A_104, %dma_wait3A_105] : memref<20480x64xf32, #tpu.memory_space<hbm>> -> memref<20480x64xf32, #tpu.memory_space<hbm>>
      tpu.wait_indirect_dma semaphore(%arg15 : memref<!tpu.dma_semaphore, #tpu.memory_space<semaphore_mem>>) src(%dma_wait3A_106 : memref<20480x64xf32, #tpu.memory_space<hbm>>) dst(%arg11 : memref<128x64xf32, #tpu.memory_space<vmem>>)
      "tpu.region"() ({
        %run_scoped3A = tpu.sem_alloc : memref<!tpu.dma_semaphore, #tpu.memory_space<semaphore_mem>>
        %dma_start3A_114 = arith.constant 0 : i32
        %dma_start3A_115 = tpu.memref_slice %arg7[%add3A_100, %dma_start3A_114] : memref<160x128xi32, #tpu.memory_space<vmem>> -> memref<1x128xi32, #tpu.memory_space<vmem>>
        %dma_start3A_116 = tpu.memref_squeeze %dma_start3A_115 : memref<1x128xi32, #tpu.memory_space<vmem>> -> memref<128xi32, #tpu.memory_space<vmem>>
        %dma_start3A_117 = arith.constant 0 : i32
        %dma_start3A_118 = arith.constant 0 : i32
        %dma_start3A_119 = tpu.memref_slice %arg16[%dma_start3A_117, %dma_start3A_118] : memref<10240x64xf32, #tpu.memory_space<vmem_shared>> -> memref<10240x64xf32, #tpu.memory_space<vmem_shared>>
        tpu.enqueue_indirect_dma source(%arg11 : memref<128x64xf32, #tpu.memory_space<vmem>>) target(%dma_start3A_119 : memref<10240x64xf32, #tpu.memory_space<vmem_shared>>) offsets(%dma_start3A_116 : memref<128xi32, #tpu.memory_space<vmem>>) semaphore(%run_scoped3A : memref<!tpu.dma_semaphore, #tpu.memory_space<semaphore_mem>>) {add = true}
        %dma_wait3A_120 = arith.constant 0 : i32
        %dma_wait3A_121 = tpu.memref_slice %arg7[%add3A_100, %dma_wait3A_120] : memref<160x128xi32, #tpu.memory_space<vmem>> -> memref<1x128xi32, #tpu.memory_space<vmem>>
        %dma_wait3A_122 = tpu.memref_squeeze %dma_wait3A_121 : memref<1x128xi32, #tpu.memory_space<vmem>> -> memref<128xi32, #tpu.memory_space<vmem>>
        %dma_wait3A_123 = arith.constant 0 : i32
        %dma_wait3A_124 = arith.constant 0 : i32
        %dma_wait3A_125 = tpu.memref_slice %arg16[%dma_wait3A_123, %dma_wait3A_124] : memref<10240x64xf32, #tpu.memory_space<vmem_shared>> -> memref<10240x64xf32, #tpu.memory_space<vmem_shared>>
        tpu.wait_indirect_dma semaphore(%run_scoped3A : memref<!tpu.dma_semaphore, #tpu.memory_space<semaphore_mem>>) src(%arg11 : memref<128x64xf32, #tpu.memory_space<vmem>>) dst(%dma_wait3A_125 : memref<10240x64xf32, #tpu.memory_space<vmem_shared>>)
        tpu.yield
      }) : () -> ()
      %add3A_107 = arith.constant 4 : i32
      %add3A_108 = arith.addi %add3A_100, %add3A_107 : i32
      %lt3A_109 = arith.constant 160 : i32
      %lt3A_110 = arith.cmpi slt, %add3A_108, %lt3A_109 : i32
      %convert_element_type3A_111 = arith.extui %lt3A_110 : i1 to i32
      %cond3A_112 = arith.constant 0 : i32
      %cond3A_113 = arith.cmpi ne, %convert_element_type3A_111, %cond3A_112 : i32
      scf.if %cond3A_113 {
        %dma_start3A_114 = arith.constant 0 : i32
        %dma_start3A_115 = tpu.memref_slice %arg6[%add3A_108, %dma_start3A_114] : memref<160x128xi32, #tpu.memory_space<vmem>> -> memref<1x128xi32, #tpu.memory_space<vmem>>
        %dma_start3A_116 = tpu.memref_squeeze %dma_start3A_115 : memref<1x128xi32, #tpu.memory_space<vmem>> -> memref<128xi32, #tpu.memory_space<vmem>>
        %dma_start3A_117 = arith.constant 0 : i32
        %dma_start3A_118 = arith.constant 0 : i32
        %dma_start3A_119 = tpu.memref_slice %arg2[%dma_start3A_117, %dma_start3A_118] : memref<20480x64xf32, #tpu.memory_space<hbm>> -> memref<20480x64xf32, #tpu.memory_space<hbm>>
        tpu.enqueue_indirect_dma source(%dma_start3A_119 : memref<20480x64xf32, #tpu.memory_space<hbm>>) target(%arg11 : memref<128x64xf32, #tpu.memory_space<vmem>>) offsets(%dma_start3A_116 : memref<128xi32, #tpu.memory_space<vmem>>) semaphore(%arg15 : memref<!tpu.dma_semaphore, #tpu.memory_space<semaphore_mem>>)
      } else {
      }
    }
    %scan3A_45 = arith.constant 40 : i32
    %barrier3A_46 = arith.constant 0 : index
    tpu.barrier barrier_id(%barrier3A_46)
    %mul3A_47 = arith.constant 64 : i32
    %mul3A_48 = arith.muli %arg0, %mul3A_47 : i32
    "tpu.region"() ({
      %run_scoped3A = tpu.sem_alloc : memref<!tpu.dma_semaphore, #tpu.memory_space<semaphore_mem>>
      %dma_start3A_49 = tpu.memref_slice %arg5[%mul3A_4, %mul3A_48] : memref<10240x128xf32, #tpu.memory_space<hbm>> -> memref<640x64xf32, #tpu.memory_space<hbm>>
      %dma_start3A_50 = arith.constant 0 : i32
      %dma_start3A_51 = tpu.memref_slice %arg16[%mul3A_4, %dma_start3A_50] : memref<10240x64xf32, #tpu.memory_space<vmem_shared>> -> memref<640x64xf32, #tpu.memory_space<vmem_shared>>
      tpu.enqueue_dma source(%dma_start3A_51 : memref<640x64xf32, #tpu.memory_space<vmem_shared>>) target(%dma_start3A_49 : memref<640x64xf32, #tpu.memory_space<hbm>>) target_semaphore(%run_scoped3A : memref<!tpu.dma_semaphore, #tpu.memory_space<semaphore_mem>>)
      %dma_wait3A = tpu.memref_slice %arg5[%mul3A_4, %mul3A_48] : memref<10240x128xf32, #tpu.memory_space<hbm>> -> memref<640x64xf32, #tpu.memory_space<hbm>>
      %dma_wait3A_52 = arith.constant 0 : i32
      %dma_wait3A_53 = tpu.memref_slice %arg16[%mul3A_4, %dma_wait3A_52] : memref<10240x64xf32, #tpu.memory_space<vmem_shared>> -> memref<640x64xf32, #tpu.memory_space<vmem_shared>>
      tpu.wait_dma2 semaphore(%run_scoped3A : memref<!tpu.dma_semaphore, #tpu.memory_space<semaphore_mem>>) src(%dma_wait3A_53 : memref<640x64xf32, #tpu.memory_space<vmem_shared>>) dst(%dma_wait3A : memref<640x64xf32, #tpu.memory_space<hbm>>)
      tpu.yield
    }) : () -> ()
    return
  }
}

#map = affine_map<(d0, d1) -> (0, 0)>
#map1 = affine_map<(d0, d1) -> (0, 0, 0, 0)>
#map2 = affine_map<(d0, d1) -> (0, 0, 0)>
module attributes {stable_mosaic.version = 14 : i64} {
  func.func @_agg_kernel(%arg0: i32, %arg1: i32, %arg2: memref<20480x64xf32, #tpu.memory_space<hbm>>, %arg3: memref<2x16x160x128xi32, #tpu.memory_space<hbm>>, %arg4: memref<16x160x128xi32, #tpu.memory_space<hbm>>, %arg5: memref<10240x128xf32, #tpu.memory_space<hbm>>, %arg6: memref<160x128xi32, #tpu.memory_space<vmem>>, %arg7: memref<160x128xi32, #tpu.memory_space<vmem>>, %arg8: memref<128x64xf32, #tpu.memory_space<vmem>>, %arg9: memref<128x64xf32, #tpu.memory_space<vmem>>, %arg10: memref<128x64xf32, #tpu.memory_space<vmem>>, %arg11: memref<128x64xf32, #tpu.memory_space<vmem>>, %arg12: memref<!tpu.dma_semaphore, #tpu.memory_space<semaphore_mem>>, %arg13: memref<!tpu.dma_semaphore, #tpu.memory_space<semaphore_mem>>, %arg14: memref<!tpu.dma_semaphore, #tpu.memory_space<semaphore_mem>>, %arg15: memref<!tpu.dma_semaphore, #tpu.memory_space<semaphore_mem>>, %arg16: memref<10240x64xf32, #tpu.memory_space<vmem_shared>>) attributes {dimension_semantics = [#tpu.dimension_semantics<core_parallel>, #tpu.dimension_semantics<subcore_parallel>], iteration_bounds = array<i64: 2, 16>, scalar_prefetch = 0 : i64, scratch_operands = 11 : i64, tpu.core_type = #tpu.core_type<sc_vector_subcore>, window_params = [{transform_indices = #map}, {transform_indices = #map1}, {transform_indices = #map2}, {transform_indices = #map}]} {
    %scan3A = arith.constant 0 : i32
    %scan3A_0 = arith.constant 128 : i32
    %scan3A_1 = arith.addi %scan3A, %scan3A_0 : i32
    %scan3A_2 = arith.constant 1 : i32
    scf.for %scan3A_49 = %scan3A to %scan3A_1 step %scan3A_2  : i32 {
      %broadcast_in_dim3A = arith.constant 0.000000e+00 : f32
      %broadcast_in_dim3A_50 = vector.broadcast %broadcast_in_dim3A : f32 to vector<16xf32>
      %swap3A = arith.index_cast %scan3A_49 : i32 to index
      %swap3A_51 = arith.constant 0 : index
      %swap3A_52 = tpu.vector_load %arg8[%swap3A, %swap3A_51] {strides = array<i32>} : memref<128x64xf32, #tpu.memory_space<vmem>>, vector<1x16xf32>,
      %swap3A_53 = vector.shape_cast %swap3A_52 : vector<1x16xf32> to vector<16xf32>
      %swap3A_54 = vector.shape_cast %broadcast_in_dim3A_50 : vector<16xf32> to vector<1x16xf32>
      tpu.vector_store %arg8[%swap3A, %swap3A_51], %swap3A_54 {strides = array<i32>} : memref<128x64xf32, #tpu.memory_space<vmem>>, vector<1x16xf32>,
      %broadcast_in_dim3A_55 = arith.constant 0.000000e+00 : f32
      %broadcast_in_dim3A_56 = vector.broadcast %broadcast_in_dim3A_55 : f32 to vector<16xf32>
      %swap3A_57 = arith.index_cast %scan3A_49 : i32 to index
      %swap3A_58 = arith.constant 16 : index
      %swap3A_59 = tpu.vector_load %arg8[%swap3A_57, %swap3A_58] {strides = array<i32>} : memref<128x64xf32, #tpu.memory_space<vmem>>, vector<1x16xf32>,
      %swap3A_60 = vector.shape_cast %swap3A_59 : vector<1x16xf32> to vector<16xf32>
      %swap3A_61 = vector.shape_cast %broadcast_in_dim3A_56 : vector<16xf32> to vector<1x16xf32>
      tpu.vector_store %arg8[%swap3A_57, %swap3A_58], %swap3A_61 {strides = array<i32>} : memref<128x64xf32, #tpu.memory_space<vmem>>, vector<1x16xf32>,
      %broadcast_in_dim3A_62 = arith.constant 0.000000e+00 : f32
      %broadcast_in_dim3A_63 = vector.broadcast %broadcast_in_dim3A_62 : f32 to vector<16xf32>
      %swap3A_64 = arith.index_cast %scan3A_49 : i32 to index
      %swap3A_65 = arith.constant 32 : index
      %swap3A_66 = tpu.vector_load %arg8[%swap3A_64, %swap3A_65] {strides = array<i32>} : memref<128x64xf32, #tpu.memory_space<vmem>>, vector<1x16xf32>,
      %swap3A_67 = vector.shape_cast %swap3A_66 : vector<1x16xf32> to vector<16xf32>
      %swap3A_68 = vector.shape_cast %broadcast_in_dim3A_63 : vector<16xf32> to vector<1x16xf32>
      tpu.vector_store %arg8[%swap3A_64, %swap3A_65], %swap3A_68 {strides = array<i32>} : memref<128x64xf32, #tpu.memory_space<vmem>>, vector<1x16xf32>,
      %broadcast_in_dim3A_69 = arith.constant 0.000000e+00 : f32
      %broadcast_in_dim3A_70 = vector.broadcast %broadcast_in_dim3A_69 : f32 to vector<16xf32>
      %swap3A_71 = arith.index_cast %scan3A_49 : i32 to index
      %swap3A_72 = arith.constant 48 : index
      %swap3A_73 = tpu.vector_load %arg8[%swap3A_71, %swap3A_72] {strides = array<i32>} : memref<128x64xf32, #tpu.memory_space<vmem>>, vector<1x16xf32>,
      %swap3A_74 = vector.shape_cast %swap3A_73 : vector<1x16xf32> to vector<16xf32>
      %swap3A_75 = vector.shape_cast %broadcast_in_dim3A_70 : vector<16xf32> to vector<1x16xf32>
      tpu.vector_store %arg8[%swap3A_71, %swap3A_72], %swap3A_75 {strides = array<i32>} : memref<128x64xf32, #tpu.memory_space<vmem>>, vector<1x16xf32>,
    }
    %scan3A_3 = arith.constant 128 : i32
    %mul3A = arith.constant 640 : i32
    %mul3A_4 = arith.muli %arg1, %mul3A : i32
    %add3A = arith.constant 0 : i32
    %add3A_5 = arith.addi %mul3A_4, %add3A : i32
    "tpu.region"() ({
      %run_scoped3A = tpu.sem_alloc : memref<!tpu.dma_semaphore, #tpu.memory_space<semaphore_mem>>
      %dma_start3A_49 = arith.constant 0 : i32
      %dma_start3A_50 = tpu.memref_slice %arg16[%add3A_5, %dma_start3A_49] : memref<10240x64xf32, #tpu.memory_space<vmem_shared>> -> memref<128x64xf32, #tpu.memory_space<vmem_shared>>
      %dma_start3A_51 = arith.constant 0 : i32
      %dma_start3A_52 = tpu.memref_slice %arg16[%add3A_5, %dma_start3A_51] : memref<10240x64xf32, #tpu.memory_space<vmem_shared>> -> memref<128x64xf32, #tpu.memory_space<vmem_shared>>
      tpu.enqueue_dma source(%arg8 : memref<128x64xf32, #tpu.memory_space<vmem>>) target(%dma_start3A_52 : memref<128x64xf32, #tpu.memory_space<vmem_shared>>) target_semaphore(%run_scoped3A : memref<!tpu.dma_semaphore, #tpu.memory_space<semaphore_mem>>)
      %dma_wait3A = arith.constant 0 : i32
      %dma_wait3A_53 = tpu.memref_slice %arg16[%add3A_5, %dma_wait3A] : memref<10240x64xf32, #tpu.memory_space<vmem_shared>> -> memref<128x64xf32, #tpu.memory_space<vmem_shared>>
      %dma_wait3A_54 = arith.constant 0 : i32
      %dma_wait3A_55 = tpu.memref_slice %arg16[%add3A_5, %dma_wait3A_54] : memref<10240x64xf32, #tpu.memory_space<vmem_shared>> -> memref<128x64xf32, #tpu.memory_space<vmem_shared>>
      tpu.wait_dma2 semaphore(%run_scoped3A : memref<!tpu.dma_semaphore, #tpu.memory_space<semaphore_mem>>) src(%arg8 : memref<128x64xf32, #tpu.memory_space<vmem>>) dst(%dma_wait3A_55 : memref<128x64xf32, #tpu.memory_space<vmem_shared>>)
      tpu.yield
    }) : () -> ()
    %add3A_6 = arith.constant 128 : i32
    %add3A_7 = arith.addi %mul3A_4, %add3A_6 : i32
    "tpu.region"() ({
      %run_scoped3A = tpu.sem_alloc : memref<!tpu.dma_semaphore, #tpu.memory_space<semaphore_mem>>
      %dma_start3A_49 = arith.constant 0 : i32
      %dma_start3A_50 = tpu.memref_slice %arg16[%add3A_7, %dma_start3A_49] : memref<10240x64xf32, #tpu.memory_space<vmem_shared>> -> memref<128x64xf32, #tpu.memory_space<vmem_shared>>
      %dma_start3A_51 = arith.constant 0 : i32
      %dma_start3A_52 = tpu.memref_slice %arg16[%add3A_7, %dma_start3A_51] : memref<10240x64xf32, #tpu.memory_space<vmem_shared>> -> memref<128x64xf32, #tpu.memory_space<vmem_shared>>
      tpu.enqueue_dma source(%arg8 : memref<128x64xf32, #tpu.memory_space<vmem>>) target(%dma_start3A_52 : memref<128x64xf32, #tpu.memory_space<vmem_shared>>) target_semaphore(%run_scoped3A : memref<!tpu.dma_semaphore, #tpu.memory_space<semaphore_mem>>)
      %dma_wait3A = arith.constant 0 : i32
      %dma_wait3A_53 = tpu.memref_slice %arg16[%add3A_7, %dma_wait3A] : memref<10240x64xf32, #tpu.memory_space<vmem_shared>> -> memref<128x64xf32, #tpu.memory_space<vmem_shared>>
      %dma_wait3A_54 = arith.constant 0 : i32
      %dma_wait3A_55 = tpu.memref_slice %arg16[%add3A_7, %dma_wait3A_54] : memref<10240x64xf32, #tpu.memory_space<vmem_shared>> -> memref<128x64xf32, #tpu.memory_space<vmem_shared>>
      tpu.wait_dma2 semaphore(%run_scoped3A : memref<!tpu.dma_semaphore, #tpu.memory_space<semaphore_mem>>) src(%arg8 : memref<128x64xf32, #tpu.memory_space<vmem>>) dst(%dma_wait3A_55 : memref<128x64xf32, #tpu.memory_space<vmem_shared>>)
      tpu.yield
    }) : () -> ()
    %add3A_8 = arith.constant 256 : i32
    %add3A_9 = arith.addi %mul3A_4, %add3A_8 : i32
    "tpu.region"() ({
      %run_scoped3A = tpu.sem_alloc : memref<!tpu.dma_semaphore, #tpu.memory_space<semaphore_mem>>
      %dma_start3A_49 = arith.constant 0 : i32
      %dma_start3A_50 = tpu.memref_slice %arg16[%add3A_9, %dma_start3A_49] : memref<10240x64xf32, #tpu.memory_space<vmem_shared>> -> memref<128x64xf32, #tpu.memory_space<vmem_shared>>
      %dma_start3A_51 = arith.constant 0 : i32
      %dma_start3A_52 = tpu.memref_slice %arg16[%add3A_9, %dma_start3A_51] : memref<10240x64xf32, #tpu.memory_space<vmem_shared>> -> memref<128x64xf32, #tpu.memory_space<vmem_shared>>
      tpu.enqueue_dma source(%arg8 : memref<128x64xf32, #tpu.memory_space<vmem>>) target(%dma_start3A_52 : memref<128x64xf32, #tpu.memory_space<vmem_shared>>) target_semaphore(%run_scoped3A : memref<!tpu.dma_semaphore, #tpu.memory_space<semaphore_mem>>)
      %dma_wait3A = arith.constant 0 : i32
      %dma_wait3A_53 = tpu.memref_slice %arg16[%add3A_9, %dma_wait3A] : memref<10240x64xf32, #tpu.memory_space<vmem_shared>> -> memref<128x64xf32, #tpu.memory_space<vmem_shared>>
      %dma_wait3A_54 = arith.constant 0 : i32
      %dma_wait3A_55 = tpu.memref_slice %arg16[%add3A_9, %dma_wait3A_54] : memref<10240x64xf32, #tpu.memory_space<vmem_shared>> -> memref<128x64xf32, #tpu.memory_space<vmem_shared>>
      tpu.wait_dma2 semaphore(%run_scoped3A : memref<!tpu.dma_semaphore, #tpu.memory_space<semaphore_mem>>) src(%arg8 : memref<128x64xf32, #tpu.memory_space<vmem>>) dst(%dma_wait3A_55 : memref<128x64xf32, #tpu.memory_space<vmem_shared>>)
      tpu.yield
    }) : () -> ()
    %add3A_10 = arith.constant 384 : i32
    %add3A_11 = arith.addi %mul3A_4, %add3A_10 : i32
    "tpu.region"() ({
      %run_scoped3A = tpu.sem_alloc : memref<!tpu.dma_semaphore, #tpu.memory_space<semaphore_mem>>
      %dma_start3A_49 = arith.constant 0 : i32
      %dma_start3A_50 = tpu.memref_slice %arg16[%add3A_11, %dma_start3A_49] : memref<10240x64xf32, #tpu.memory_space<vmem_shared>> -> memref<128x64xf32, #tpu.memory_space<vmem_shared>>
      %dma_start3A_51 = arith.constant 0 : i32
      %dma_start3A_52 = tpu.memref_slice %arg16[%add3A_11, %dma_start3A_51] : memref<10240x64xf32, #tpu.memory_space<vmem_shared>> -> memref<128x64xf32, #tpu.memory_space<vmem_shared>>
      tpu.enqueue_dma source(%arg8 : memref<128x64xf32, #tpu.memory_space<vmem>>) target(%dma_start3A_52 : memref<128x64xf32, #tpu.memory_space<vmem_shared>>) target_semaphore(%run_scoped3A : memref<!tpu.dma_semaphore, #tpu.memory_space<semaphore_mem>>)
      %dma_wait3A = arith.constant 0 : i32
      %dma_wait3A_53 = tpu.memref_slice %arg16[%add3A_11, %dma_wait3A] : memref<10240x64xf32, #tpu.memory_space<vmem_shared>> -> memref<128x64xf32, #tpu.memory_space<vmem_shared>>
      %dma_wait3A_54 = arith.constant 0 : i32
      %dma_wait3A_55 = tpu.memref_slice %arg16[%add3A_11, %dma_wait3A_54] : memref<10240x64xf32, #tpu.memory_space<vmem_shared>> -> memref<128x64xf32, #tpu.memory_space<vmem_shared>>
      tpu.wait_dma2 semaphore(%run_scoped3A : memref<!tpu.dma_semaphore, #tpu.memory_space<semaphore_mem>>) src(%arg8 : memref<128x64xf32, #tpu.memory_space<vmem>>) dst(%dma_wait3A_55 : memref<128x64xf32, #tpu.memory_space<vmem_shared>>)
      tpu.yield
    }) : () -> ()
    %add3A_12 = arith.constant 512 : i32
    %add3A_13 = arith.addi %mul3A_4, %add3A_12 : i32
    "tpu.region"() ({
      %run_scoped3A = tpu.sem_alloc : memref<!tpu.dma_semaphore, #tpu.memory_space<semaphore_mem>>
      %dma_start3A_49 = arith.constant 0 : i32
      %dma_start3A_50 = tpu.memref_slice %arg16[%add3A_13, %dma_start3A_49] : memref<10240x64xf32, #tpu.memory_space<vmem_shared>> -> memref<128x64xf32, #tpu.memory_space<vmem_shared>>
      %dma_start3A_51 = arith.constant 0 : i32
      %dma_start3A_52 = tpu.memref_slice %arg16[%add3A_13, %dma_start3A_51] : memref<10240x64xf32, #tpu.memory_space<vmem_shared>> -> memref<128x64xf32, #tpu.memory_space<vmem_shared>>
      tpu.enqueue_dma source(%arg8 : memref<128x64xf32, #tpu.memory_space<vmem>>) target(%dma_start3A_52 : memref<128x64xf32, #tpu.memory_space<vmem_shared>>) target_semaphore(%run_scoped3A : memref<!tpu.dma_semaphore, #tpu.memory_space<semaphore_mem>>)
      %dma_wait3A = arith.constant 0 : i32
      %dma_wait3A_53 = tpu.memref_slice %arg16[%add3A_13, %dma_wait3A] : memref<10240x64xf32, #tpu.memory_space<vmem_shared>> -> memref<128x64xf32, #tpu.memory_space<vmem_shared>>
      %dma_wait3A_54 = arith.constant 0 : i32
      %dma_wait3A_55 = tpu.memref_slice %arg16[%add3A_13, %dma_wait3A_54] : memref<10240x64xf32, #tpu.memory_space<vmem_shared>> -> memref<128x64xf32, #tpu.memory_space<vmem_shared>>
      tpu.wait_dma2 semaphore(%run_scoped3A : memref<!tpu.dma_semaphore, #tpu.memory_space<semaphore_mem>>) src(%arg8 : memref<128x64xf32, #tpu.memory_space<vmem>>) dst(%dma_wait3A_55 : memref<128x64xf32, #tpu.memory_space<vmem_shared>>)
      tpu.yield
    }) : () -> ()
    %barrier3A = arith.constant 0 : index
    tpu.barrier barrier_id(%barrier3A)
    "tpu.region"() ({
      %run_scoped3A = tpu.sem_alloc : memref<!tpu.dma_semaphore, #tpu.memory_space<semaphore_mem>>
      %dma_start3A_49 = arith.constant 0 : i32
      %dma_start3A_50 = arith.constant 0 : i32
      %dma_start3A_51 = tpu.memref_slice %arg3[%arg0, %arg1, %dma_start3A_49, %dma_start3A_50] : memref<2x16x160x128xi32, #tpu.memory_space<hbm>> -> memref<1x1x160x128xi32, #tpu.memory_space<hbm>>
      %dma_start3A_52 = tpu.memref_squeeze %dma_start3A_51 : memref<1x1x160x128xi32, #tpu.memory_space<hbm>> -> memref<160x128xi32, #tpu.memory_space<hbm>>
      %dma_start3A_53 = arith.constant 0 : i32
      %dma_start3A_54 = arith.constant 0 : i32
      %dma_start3A_55 = tpu.memref_slice %arg3[%arg0, %arg1, %dma_start3A_53, %dma_start3A_54] : memref<2x16x160x128xi32, #tpu.memory_space<hbm>> -> memref<1x1x160x128xi32, #tpu.memory_space<hbm>>
      %dma_start3A_56 = tpu.memref_squeeze %dma_start3A_55 : memref<1x1x160x128xi32, #tpu.memory_space<hbm>> -> memref<160x128xi32, #tpu.memory_space<hbm>>
      tpu.enqueue_dma source(%dma_start3A_56 : memref<160x128xi32, #tpu.memory_space<hbm>>) target(%arg6 : memref<160x128xi32, #tpu.memory_space<vmem>>) target_semaphore(%run_scoped3A : memref<!tpu.dma_semaphore, #tpu.memory_space<semaphore_mem>>)
      %dma_wait3A = arith.constant 0 : i32
      %dma_wait3A_57 = arith.constant 0 : i32
      %dma_wait3A_58 = tpu.memref_slice %arg3[%arg0, %arg1, %dma_wait3A, %dma_wait3A_57] : memref<2x16x160x128xi32, #tpu.memory_space<hbm>> -> memref<1x1x160x128xi32, #tpu.memory_space<hbm>>
      %dma_wait3A_59 = tpu.memref_squeeze %dma_wait3A_58 : memref<1x1x160x128xi32, #tpu.memory_space<hbm>> -> memref<160x128xi32, #tpu.memory_space<hbm>>
      %dma_wait3A_60 = arith.constant 0 : i32
      %dma_wait3A_61 = arith.constant 0 : i32
      %dma_wait3A_62 = tpu.memref_slice %arg3[%arg0, %arg1, %dma_wait3A_60, %dma_wait3A_61] : memref<2x16x160x128xi32, #tpu.memory_space<hbm>> -> memref<1x1x160x128xi32, #tpu.memory_space<hbm>>
      %dma_wait3A_63 = tpu.memref_squeeze %dma_wait3A_62 : memref<1x1x160x128xi32, #tpu.memory_space<hbm>> -> memref<160x128xi32, #tpu.memory_space<hbm>>
      tpu.wait_dma2 semaphore(%run_scoped3A : memref<!tpu.dma_semaphore, #tpu.memory_space<semaphore_mem>>) src(%dma_wait3A_63 : memref<160x128xi32, #tpu.memory_space<hbm>>) dst(%arg6 : memref<160x128xi32, #tpu.memory_space<vmem>>)
      tpu.yield
    }) : () -> ()
    "tpu.region"() ({
      %run_scoped3A = tpu.sem_alloc : memref<!tpu.dma_semaphore, #tpu.memory_space<semaphore_mem>>
      %dma_start3A_49 = arith.constant 0 : i32
      %dma_start3A_50 = arith.constant 0 : i32
      %dma_start3A_51 = tpu.memref_slice %arg4[%arg1, %dma_start3A_49, %dma_start3A_50] : memref<16x160x128xi32, #tpu.memory_space<hbm>> -> memref<1x160x128xi32, #tpu.memory_space<hbm>>
      %dma_start3A_52 = tpu.memref_squeeze %dma_start3A_51 : memref<1x160x128xi32, #tpu.memory_space<hbm>> -> memref<160x128xi32, #tpu.memory_space<hbm>>
      %dma_start3A_53 = arith.constant 0 : i32
      %dma_start3A_54 = arith.constant 0 : i32
      %dma_start3A_55 = tpu.memref_slice %arg4[%arg1, %dma_start3A_53, %dma_start3A_54] : memref<16x160x128xi32, #tpu.memory_space<hbm>> -> memref<1x160x128xi32, #tpu.memory_space<hbm>>
      %dma_start3A_56 = tpu.memref_squeeze %dma_start3A_55 : memref<1x160x128xi32, #tpu.memory_space<hbm>> -> memref<160x128xi32, #tpu.memory_space<hbm>>
      tpu.enqueue_dma source(%dma_start3A_56 : memref<160x128xi32, #tpu.memory_space<hbm>>) target(%arg7 : memref<160x128xi32, #tpu.memory_space<vmem>>) target_semaphore(%run_scoped3A : memref<!tpu.dma_semaphore, #tpu.memory_space<semaphore_mem>>)
      %dma_wait3A = arith.constant 0 : i32
      %dma_wait3A_57 = arith.constant 0 : i32
      %dma_wait3A_58 = tpu.memref_slice %arg4[%arg1, %dma_wait3A, %dma_wait3A_57] : memref<16x160x128xi32, #tpu.memory_space<hbm>> -> memref<1x160x128xi32, #tpu.memory_space<hbm>>
      %dma_wait3A_59 = tpu.memref_squeeze %dma_wait3A_58 : memref<1x160x128xi32, #tpu.memory_space<hbm>> -> memref<160x128xi32, #tpu.memory_space<hbm>>
      %dma_wait3A_60 = arith.constant 0 : i32
      %dma_wait3A_61 = arith.constant 0 : i32
      %dma_wait3A_62 = tpu.memref_slice %arg4[%arg1, %dma_wait3A_60, %dma_wait3A_61] : memref<16x160x128xi32, #tpu.memory_space<hbm>> -> memref<1x160x128xi32, #tpu.memory_space<hbm>>
      %dma_wait3A_63 = tpu.memref_squeeze %dma_wait3A_62 : memref<1x160x128xi32, #tpu.memory_space<hbm>> -> memref<160x128xi32, #tpu.memory_space<hbm>>
      tpu.wait_dma2 semaphore(%run_scoped3A : memref<!tpu.dma_semaphore, #tpu.memory_space<semaphore_mem>>) src(%dma_wait3A_63 : memref<160x128xi32, #tpu.memory_space<hbm>>) dst(%arg7 : memref<160x128xi32, #tpu.memory_space<vmem>>)
      tpu.yield
    }) : () -> ()
    %dma_start3A = arith.constant 0 : i32
    %dma_start3A_14 = arith.constant 0 : i32
    %dma_start3A_15 = tpu.memref_slice %arg6[%dma_start3A, %dma_start3A_14] : memref<160x128xi32, #tpu.memory_space<vmem>> -> memref<1x128xi32, #tpu.memory_space<vmem>>
    %dma_start3A_16 = tpu.memref_squeeze %dma_start3A_15 : memref<1x128xi32, #tpu.memory_space<vmem>> -> memref<128xi32, #tpu.memory_space<vmem>>
    %dma_start3A_17 = arith.constant 0 : i32
    %dma_start3A_18 = arith.constant 0 : i32
    %dma_start3A_19 = tpu.memref_slice %arg2[%dma_start3A_17, %dma_start3A_18] : memref<20480x64xf32, #tpu.memory_space<hbm>> -> memref<20480x64xf32, #tpu.memory_space<hbm>>
    tpu.enqueue_indirect_dma source(%dma_start3A_19 : memref<20480x64xf32, #tpu.memory_space<hbm>>) target(%arg8 : memref<128x64xf32, #tpu.memory_space<vmem>>) offsets(%dma_start3A_16 : memref<128xi32, #tpu.memory_space<vmem>>) semaphore(%arg12 : memref<!tpu.dma_semaphore, #tpu.memory_space<semaphore_mem>>)
    %dma_start3A_20 = arith.constant 1 : i32
    %dma_start3A_21 = arith.constant 0 : i32
    %dma_start3A_22 = tpu.memref_slice %arg6[%dma_start3A_20, %dma_start3A_21] : memref<160x128xi32, #tpu.memory_space<vmem>> -> memref<1x128xi32, #tpu.memory_space<vmem>>
    %dma_start3A_23 = tpu.memref_squeeze %dma_start3A_22 : memref<1x128xi32, #tpu.memory_space<vmem>> -> memref<128xi32, #tpu.memory_space<vmem>>
    %dma_start3A_24 = arith.constant 0 : i32
    %dma_start3A_25 = arith.constant 0 : i32
    %dma_start3A_26 = tpu.memref_slice %arg2[%dma_start3A_24, %dma_start3A_25] : memref<20480x64xf32, #tpu.memory_space<hbm>> -> memref<20480x64xf32, #tpu.memory_space<hbm>>
    tpu.enqueue_indirect_dma source(%dma_start3A_26 : memref<20480x64xf32, #tpu.memory_space<hbm>>) target(%arg9 : memref<128x64xf32, #tpu.memory_space<vmem>>) offsets(%dma_start3A_23 : memref<128xi32, #tpu.memory_space<vmem>>) semaphore(%arg13 : memref<!tpu.dma_semaphore, #tpu.memory_space<semaphore_mem>>)
    %dma_start3A_27 = arith.constant 2 : i32
    %dma_start3A_28 = arith.constant 0 : i32
    %dma_start3A_29 = tpu.memref_slice %arg6[%dma_start3A_27, %dma_start3A_28] : memref<160x128xi32, #tpu.memory_space<vmem>> -> memref<1x128xi32, #tpu.memory_space<vmem>>
    %dma_start3A_30 = tpu.memref_squeeze %dma_start3A_29 : memref<1x128xi32, #tpu.memory_space<vmem>> -> memref<128xi32, #tpu.memory_space<vmem>>
    %dma_start3A_31 = arith.constant 0 : i32
    %dma_start3A_32 = arith.constant 0 : i32
    %dma_start3A_33 = tpu.memref_slice %arg2[%dma_start3A_31, %dma_start3A_32] : memref<20480x64xf32, #tpu.memory_space<hbm>> -> memref<20480x64xf32, #tpu.memory_space<hbm>>
    tpu.enqueue_indirect_dma source(%dma_start3A_33 : memref<20480x64xf32, #tpu.memory_space<hbm>>) target(%arg10 : memref<128x64xf32, #tpu.memory_space<vmem>>) offsets(%dma_start3A_30 : memref<128xi32, #tpu.memory_space<vmem>>) semaphore(%arg14 : memref<!tpu.dma_semaphore, #tpu.memory_space<semaphore_mem>>)
    %dma_start3A_34 = arith.constant 3 : i32
    %dma_start3A_35 = arith.constant 0 : i32
    %dma_start3A_36 = tpu.memref_slice %arg6[%dma_start3A_34, %dma_start3A_35] : memref<160x128xi32, #tpu.memory_space<vmem>> -> memref<1x128xi32, #tpu.memory_space<vmem>>
    %dma_start3A_37 = tpu.memref_squeeze %dma_start3A_36 : memref<1x128xi32, #tpu.memory_space<vmem>> -> memref<128xi32, #tpu.memory_space<vmem>>
    %dma_start3A_38 = arith.constant 0 : i32
    %dma_start3A_39 = arith.constant 0 : i32
    %dma_start3A_40 = tpu.memref_slice %arg2[%dma_start3A_38, %dma_start3A_39] : memref<20480x64xf32, #tpu.memory_space<hbm>> -> memref<20480x64xf32, #tpu.memory_space<hbm>>
    tpu.enqueue_indirect_dma source(%dma_start3A_40 : memref<20480x64xf32, #tpu.memory_space<hbm>>) target(%arg11 : memref<128x64xf32, #tpu.memory_space<vmem>>) offsets(%dma_start3A_37 : memref<128xi32, #tpu.memory_space<vmem>>) semaphore(%arg15 : memref<!tpu.dma_semaphore, #tpu.memory_space<semaphore_mem>>)
    %scan3A_41 = arith.constant 0 : i32
    %scan3A_42 = arith.constant 40 : i32
    %scan3A_43 = arith.addi %scan3A_41, %scan3A_42 : i32
    %scan3A_44 = arith.constant 1 : i32
    scf.for %scan3A_49 = %scan3A_41 to %scan3A_43 step %scan3A_44  : i32 {
      %mul3A_50 = arith.constant 4 : i32
      %mul3A_51 = arith.muli %scan3A_49, %mul3A_50 : i32
      %add3A_52 = arith.constant 0 : i32
      %add3A_53 = arith.addi %mul3A_51, %add3A_52 : i32
      %dma_wait3A = arith.constant 0 : i32
      %dma_wait3A_54 = tpu.memref_slice %arg6[%add3A_53, %dma_wait3A] : memref<160x128xi32, #tpu.memory_space<vmem>> -> memref<1x128xi32, #tpu.memory_space<vmem>>
      %dma_wait3A_55 = tpu.memref_squeeze %dma_wait3A_54 : memref<1x128xi32, #tpu.memory_space<vmem>> -> memref<128xi32, #tpu.memory_space<vmem>>
      %dma_wait3A_56 = arith.constant 0 : i32
      %dma_wait3A_57 = arith.constant 0 : i32
      %dma_wait3A_58 = tpu.memref_slice %arg2[%dma_wait3A_56, %dma_wait3A_57] : memref<20480x64xf32, #tpu.memory_space<hbm>> -> memref<20480x64xf32, #tpu.memory_space<hbm>>
      tpu.wait_indirect_dma semaphore(%arg12 : memref<!tpu.dma_semaphore, #tpu.memory_space<semaphore_mem>>) src(%dma_wait3A_58 : memref<20480x64xf32, #tpu.memory_space<hbm>>) dst(%arg8 : memref<128x64xf32, #tpu.memory_space<vmem>>)
      "tpu.region"() ({
        %run_scoped3A = tpu.sem_alloc : memref<!tpu.dma_semaphore, #tpu.memory_space<semaphore_mem>>
        %dma_start3A_114 = arith.constant 0 : i32
        %dma_start3A_115 = tpu.memref_slice %arg7[%add3A_53, %dma_start3A_114] : memref<160x128xi32, #tpu.memory_space<vmem>> -> memref<1x128xi32, #tpu.memory_space<vmem>>
        %dma_start3A_116 = tpu.memref_squeeze %dma_start3A_115 : memref<1x128xi32, #tpu.memory_space<vmem>> -> memref<128xi32, #tpu.memory_space<vmem>>
        %dma_start3A_117 = arith.constant 0 : i32
        %dma_start3A_118 = arith.constant 0 : i32
        %dma_start3A_119 = tpu.memref_slice %arg16[%dma_start3A_117, %dma_start3A_118] : memref<10240x64xf32, #tpu.memory_space<vmem_shared>> -> memref<10240x64xf32, #tpu.memory_space<vmem_shared>>
        tpu.enqueue_indirect_dma source(%arg8 : memref<128x64xf32, #tpu.memory_space<vmem>>) target(%dma_start3A_119 : memref<10240x64xf32, #tpu.memory_space<vmem_shared>>) offsets(%dma_start3A_116 : memref<128xi32, #tpu.memory_space<vmem>>) semaphore(%run_scoped3A : memref<!tpu.dma_semaphore, #tpu.memory_space<semaphore_mem>>) {add = true}
        %dma_wait3A_120 = arith.constant 0 : i32
        %dma_wait3A_121 = tpu.memref_slice %arg7[%add3A_53, %dma_wait3A_120] : memref<160x128xi32, #tpu.memory_space<vmem>> -> memref<1x128xi32, #tpu.memory_space<vmem>>
        %dma_wait3A_122 = tpu.memref_squeeze %dma_wait3A_121 : memref<1x128xi32, #tpu.memory_space<vmem>> -> memref<128xi32, #tpu.memory_space<vmem>>
        %dma_wait3A_123 = arith.constant 0 : i32
        %dma_wait3A_124 = arith.constant 0 : i32
        %dma_wait3A_125 = tpu.memref_slice %arg16[%dma_wait3A_123, %dma_wait3A_124] : memref<10240x64xf32, #tpu.memory_space<vmem_shared>> -> memref<10240x64xf32, #tpu.memory_space<vmem_shared>>
        tpu.wait_indirect_dma semaphore(%run_scoped3A : memref<!tpu.dma_semaphore, #tpu.memory_space<semaphore_mem>>) src(%arg8 : memref<128x64xf32, #tpu.memory_space<vmem>>) dst(%dma_wait3A_125 : memref<10240x64xf32, #tpu.memory_space<vmem_shared>>)
        tpu.yield
      }) : () -> ()
      %add3A_59 = arith.constant 4 : i32
      %add3A_60 = arith.addi %add3A_53, %add3A_59 : i32
      %lt3A = arith.constant 160 : i32
      %lt3A_61 = arith.cmpi slt, %add3A_60, %lt3A : i32
      %convert_element_type3A = arith.extui %lt3A_61 : i1 to i32
      %cond3A = arith.constant 0 : i32
      %cond3A_62 = arith.cmpi ne, %convert_element_type3A, %cond3A : i32
      scf.if %cond3A_62 {
        %dma_start3A_114 = arith.constant 0 : i32
        %dma_start3A_115 = tpu.memref_slice %arg6[%add3A_60, %dma_start3A_114] : memref<160x128xi32, #tpu.memory_space<vmem>> -> memref<1x128xi32, #tpu.memory_space<vmem>>
        %dma_start3A_116 = tpu.memref_squeeze %dma_start3A_115 : memref<1x128xi32, #tpu.memory_space<vmem>> -> memref<128xi32, #tpu.memory_space<vmem>>
        %dma_start3A_117 = arith.constant 0 : i32
        %dma_start3A_118 = arith.constant 0 : i32
        %dma_start3A_119 = tpu.memref_slice %arg2[%dma_start3A_117, %dma_start3A_118] : memref<20480x64xf32, #tpu.memory_space<hbm>> -> memref<20480x64xf32, #tpu.memory_space<hbm>>
        tpu.enqueue_indirect_dma source(%dma_start3A_119 : memref<20480x64xf32, #tpu.memory_space<hbm>>) target(%arg8 : memref<128x64xf32, #tpu.memory_space<vmem>>) offsets(%dma_start3A_116 : memref<128xi32, #tpu.memory_space<vmem>>) semaphore(%arg12 : memref<!tpu.dma_semaphore, #tpu.memory_space<semaphore_mem>>)
      } else {
      }
      %mul3A_63 = arith.constant 4 : i32
      %mul3A_64 = arith.muli %scan3A_49, %mul3A_63 : i32
      %add3A_65 = arith.constant 1 : i32
      %add3A_66 = arith.addi %mul3A_64, %add3A_65 : i32
      %dma_wait3A_67 = arith.constant 0 : i32
      %dma_wait3A_68 = tpu.memref_slice %arg6[%add3A_66, %dma_wait3A_67] : memref<160x128xi32, #tpu.memory_space<vmem>> -> memref<1x128xi32, #tpu.memory_space<vmem>>
      %dma_wait3A_69 = tpu.memref_squeeze %dma_wait3A_68 : memref<1x128xi32, #tpu.memory_space<vmem>> -> memref<128xi32, #tpu.memory_space<vmem>>
      %dma_wait3A_70 = arith.constant 0 : i32
      %dma_wait3A_71 = arith.constant 0 : i32
      %dma_wait3A_72 = tpu.memref_slice %arg2[%dma_wait3A_70, %dma_wait3A_71] : memref<20480x64xf32, #tpu.memory_space<hbm>> -> memref<20480x64xf32, #tpu.memory_space<hbm>>
      tpu.wait_indirect_dma semaphore(%arg13 : memref<!tpu.dma_semaphore, #tpu.memory_space<semaphore_mem>>) src(%dma_wait3A_72 : memref<20480x64xf32, #tpu.memory_space<hbm>>) dst(%arg9 : memref<128x64xf32, #tpu.memory_space<vmem>>)
      "tpu.region"() ({
        %run_scoped3A = tpu.sem_alloc : memref<!tpu.dma_semaphore, #tpu.memory_space<semaphore_mem>>
        %dma_start3A_114 = arith.constant 0 : i32
        %dma_start3A_115 = tpu.memref_slice %arg7[%add3A_66, %dma_start3A_114] : memref<160x128xi32, #tpu.memory_space<vmem>> -> memref<1x128xi32, #tpu.memory_space<vmem>>
        %dma_start3A_116 = tpu.memref_squeeze %dma_start3A_115 : memref<1x128xi32, #tpu.memory_space<vmem>> -> memref<128xi32, #tpu.memory_space<vmem>>
        %dma_start3A_117 = arith.constant 0 : i32
        %dma_start3A_118 = arith.constant 0 : i32
        %dma_start3A_119 = tpu.memref_slice %arg16[%dma_start3A_117, %dma_start3A_118] : memref<10240x64xf32, #tpu.memory_space<vmem_shared>> -> memref<10240x64xf32, #tpu.memory_space<vmem_shared>>
        tpu.enqueue_indirect_dma source(%arg9 : memref<128x64xf32, #tpu.memory_space<vmem>>) target(%dma_start3A_119 : memref<10240x64xf32, #tpu.memory_space<vmem_shared>>) offsets(%dma_start3A_116 : memref<128xi32, #tpu.memory_space<vmem>>) semaphore(%run_scoped3A : memref<!tpu.dma_semaphore, #tpu.memory_space<semaphore_mem>>) {add = true}
        %dma_wait3A_120 = arith.constant 0 : i32
        %dma_wait3A_121 = tpu.memref_slice %arg7[%add3A_66, %dma_wait3A_120] : memref<160x128xi32, #tpu.memory_space<vmem>> -> memref<1x128xi32, #tpu.memory_space<vmem>>
        %dma_wait3A_122 = tpu.memref_squeeze %dma_wait3A_121 : memref<1x128xi32, #tpu.memory_space<vmem>> -> memref<128xi32, #tpu.memory_space<vmem>>
        %dma_wait3A_123 = arith.constant 0 : i32
        %dma_wait3A_124 = arith.constant 0 : i32
        %dma_wait3A_125 = tpu.memref_slice %arg16[%dma_wait3A_123, %dma_wait3A_124] : memref<10240x64xf32, #tpu.memory_space<vmem_shared>> -> memref<10240x64xf32, #tpu.memory_space<vmem_shared>>
        tpu.wait_indirect_dma semaphore(%run_scoped3A : memref<!tpu.dma_semaphore, #tpu.memory_space<semaphore_mem>>) src(%arg9 : memref<128x64xf32, #tpu.memory_space<vmem>>) dst(%dma_wait3A_125 : memref<10240x64xf32, #tpu.memory_space<vmem_shared>>)
        tpu.yield
      }) : () -> ()
      %add3A_73 = arith.constant 4 : i32
      %add3A_74 = arith.addi %add3A_66, %add3A_73 : i32
      %lt3A_75 = arith.constant 160 : i32
      %lt3A_76 = arith.cmpi slt, %add3A_74, %lt3A_75 : i32
      %convert_element_type3A_77 = arith.extui %lt3A_76 : i1 to i32
      %cond3A_78 = arith.constant 0 : i32
      %cond3A_79 = arith.cmpi ne, %convert_element_type3A_77, %cond3A_78 : i32
      scf.if %cond3A_79 {
        %dma_start3A_114 = arith.constant 0 : i32
        %dma_start3A_115 = tpu.memref_slice %arg6[%add3A_74, %dma_start3A_114] : memref<160x128xi32, #tpu.memory_space<vmem>> -> memref<1x128xi32, #tpu.memory_space<vmem>>
        %dma_start3A_116 = tpu.memref_squeeze %dma_start3A_115 : memref<1x128xi32, #tpu.memory_space<vmem>> -> memref<128xi32, #tpu.memory_space<vmem>>
        %dma_start3A_117 = arith.constant 0 : i32
        %dma_start3A_118 = arith.constant 0 : i32
        %dma_start3A_119 = tpu.memref_slice %arg2[%dma_start3A_117, %dma_start3A_118] : memref<20480x64xf32, #tpu.memory_space<hbm>> -> memref<20480x64xf32, #tpu.memory_space<hbm>>
        tpu.enqueue_indirect_dma source(%dma_start3A_119 : memref<20480x64xf32, #tpu.memory_space<hbm>>) target(%arg9 : memref<128x64xf32, #tpu.memory_space<vmem>>) offsets(%dma_start3A_116 : memref<128xi32, #tpu.memory_space<vmem>>) semaphore(%arg13 : memref<!tpu.dma_semaphore, #tpu.memory_space<semaphore_mem>>)
      } else {
      }
      %mul3A_80 = arith.constant 4 : i32
      %mul3A_81 = arith.muli %scan3A_49, %mul3A_80 : i32
      %add3A_82 = arith.constant 2 : i32
      %add3A_83 = arith.addi %mul3A_81, %add3A_82 : i32
      %dma_wait3A_84 = arith.constant 0 : i32
      %dma_wait3A_85 = tpu.memref_slice %arg6[%add3A_83, %dma_wait3A_84] : memref<160x128xi32, #tpu.memory_space<vmem>> -> memref<1x128xi32, #tpu.memory_space<vmem>>
      %dma_wait3A_86 = tpu.memref_squeeze %dma_wait3A_85 : memref<1x128xi32, #tpu.memory_space<vmem>> -> memref<128xi32, #tpu.memory_space<vmem>>
      %dma_wait3A_87 = arith.constant 0 : i32
      %dma_wait3A_88 = arith.constant 0 : i32
      %dma_wait3A_89 = tpu.memref_slice %arg2[%dma_wait3A_87, %dma_wait3A_88] : memref<20480x64xf32, #tpu.memory_space<hbm>> -> memref<20480x64xf32, #tpu.memory_space<hbm>>
      tpu.wait_indirect_dma semaphore(%arg14 : memref<!tpu.dma_semaphore, #tpu.memory_space<semaphore_mem>>) src(%dma_wait3A_89 : memref<20480x64xf32, #tpu.memory_space<hbm>>) dst(%arg10 : memref<128x64xf32, #tpu.memory_space<vmem>>)
      "tpu.region"() ({
        %run_scoped3A = tpu.sem_alloc : memref<!tpu.dma_semaphore, #tpu.memory_space<semaphore_mem>>
        %dma_start3A_114 = arith.constant 0 : i32
        %dma_start3A_115 = tpu.memref_slice %arg7[%add3A_83, %dma_start3A_114] : memref<160x128xi32, #tpu.memory_space<vmem>> -> memref<1x128xi32, #tpu.memory_space<vmem>>
        %dma_start3A_116 = tpu.memref_squeeze %dma_start3A_115 : memref<1x128xi32, #tpu.memory_space<vmem>> -> memref<128xi32, #tpu.memory_space<vmem>>
        %dma_start3A_117 = arith.constant 0 : i32
        %dma_start3A_118 = arith.constant 0 : i32
        %dma_start3A_119 = tpu.memref_slice %arg16[%dma_start3A_117, %dma_start3A_118] : memref<10240x64xf32, #tpu.memory_space<vmem_shared>> -> memref<10240x64xf32, #tpu.memory_space<vmem_shared>>
        tpu.enqueue_indirect_dma source(%arg10 : memref<128x64xf32, #tpu.memory_space<vmem>>) target(%dma_start3A_119 : memref<10240x64xf32, #tpu.memory_space<vmem_shared>>) offsets(%dma_start3A_116 : memref<128xi32, #tpu.memory_space<vmem>>) semaphore(%run_scoped3A : memref<!tpu.dma_semaphore, #tpu.memory_space<semaphore_mem>>) {add = true}
        %dma_wait3A_120 = arith.constant 0 : i32
        %dma_wait3A_121 = tpu.memref_slice %arg7[%add3A_83, %dma_wait3A_120] : memref<160x128xi32, #tpu.memory_space<vmem>> -> memref<1x128xi32, #tpu.memory_space<vmem>>
        %dma_wait3A_122 = tpu.memref_squeeze %dma_wait3A_121 : memref<1x128xi32, #tpu.memory_space<vmem>> -> memref<128xi32, #tpu.memory_space<vmem>>
        %dma_wait3A_123 = arith.constant 0 : i32
        %dma_wait3A_124 = arith.constant 0 : i32
        %dma_wait3A_125 = tpu.memref_slice %arg16[%dma_wait3A_123, %dma_wait3A_124] : memref<10240x64xf32, #tpu.memory_space<vmem_shared>> -> memref<10240x64xf32, #tpu.memory_space<vmem_shared>>
        tpu.wait_indirect_dma semaphore(%run_scoped3A : memref<!tpu.dma_semaphore, #tpu.memory_space<semaphore_mem>>) src(%arg10 : memref<128x64xf32, #tpu.memory_space<vmem>>) dst(%dma_wait3A_125 : memref<10240x64xf32, #tpu.memory_space<vmem_shared>>)
        tpu.yield
      }) : () -> ()
      %add3A_90 = arith.constant 4 : i32
      %add3A_91 = arith.addi %add3A_83, %add3A_90 : i32
      %lt3A_92 = arith.constant 160 : i32
      %lt3A_93 = arith.cmpi slt, %add3A_91, %lt3A_92 : i32
      %convert_element_type3A_94 = arith.extui %lt3A_93 : i1 to i32
      %cond3A_95 = arith.constant 0 : i32
      %cond3A_96 = arith.cmpi ne, %convert_element_type3A_94, %cond3A_95 : i32
      scf.if %cond3A_96 {
        %dma_start3A_114 = arith.constant 0 : i32
        %dma_start3A_115 = tpu.memref_slice %arg6[%add3A_91, %dma_start3A_114] : memref<160x128xi32, #tpu.memory_space<vmem>> -> memref<1x128xi32, #tpu.memory_space<vmem>>
        %dma_start3A_116 = tpu.memref_squeeze %dma_start3A_115 : memref<1x128xi32, #tpu.memory_space<vmem>> -> memref<128xi32, #tpu.memory_space<vmem>>
        %dma_start3A_117 = arith.constant 0 : i32
        %dma_start3A_118 = arith.constant 0 : i32
        %dma_start3A_119 = tpu.memref_slice %arg2[%dma_start3A_117, %dma_start3A_118] : memref<20480x64xf32, #tpu.memory_space<hbm>> -> memref<20480x64xf32, #tpu.memory_space<hbm>>
        tpu.enqueue_indirect_dma source(%dma_start3A_119 : memref<20480x64xf32, #tpu.memory_space<hbm>>) target(%arg10 : memref<128x64xf32, #tpu.memory_space<vmem>>) offsets(%dma_start3A_116 : memref<128xi32, #tpu.memory_space<vmem>>) semaphore(%arg14 : memref<!tpu.dma_semaphore, #tpu.memory_space<semaphore_mem>>)
      } else {
      }
      %mul3A_97 = arith.constant 4 : i32
      %mul3A_98 = arith.muli %scan3A_49, %mul3A_97 : i32
      %add3A_99 = arith.constant 3 : i32
      %add3A_100 = arith.addi %mul3A_98, %add3A_99 : i32
      %dma_wait3A_101 = arith.constant 0 : i32
      %dma_wait3A_102 = tpu.memref_slice %arg6[%add3A_100, %dma_wait3A_101] : memref<160x128xi32, #tpu.memory_space<vmem>> -> memref<1x128xi32, #tpu.memory_space<vmem>>
      %dma_wait3A_103 = tpu.memref_squeeze %dma_wait3A_102 : memref<1x128xi32, #tpu.memory_space<vmem>> -> memref<128xi32, #tpu.memory_space<vmem>>
      %dma_wait3A_104 = arith.constant 0 : i32
      %dma_wait3A_105 = arith.constant 0 : i32
      %dma_wait3A_106 = tpu.memref_slice %arg2[%dma_wait3A_104, %dma_wait3A_105] : memref<20480x64xf32, #tpu.memory_space<hbm>> -> memref<20480x64xf32, #tpu.memory_space<hbm>>
      tpu.wait_indirect_dma semaphore(%arg15 : memref<!tpu.dma_semaphore, #tpu.memory_space<semaphore_mem>>) src(%dma_wait3A_106 : memref<20480x64xf32, #tpu.memory_space<hbm>>) dst(%arg11 : memref<128x64xf32, #tpu.memory_space<vmem>>)
      "tpu.region"() ({
        %run_scoped3A = tpu.sem_alloc : memref<!tpu.dma_semaphore, #tpu.memory_space<semaphore_mem>>
        %dma_start3A_114 = arith.constant 0 : i32
        %dma_start3A_115 = tpu.memref_slice %arg7[%add3A_100, %dma_start3A_114] : memref<160x128xi32, #tpu.memory_space<vmem>> -> memref<1x128xi32, #tpu.memory_space<vmem>>
        %dma_start3A_116 = tpu.memref_squeeze %dma_start3A_115 : memref<1x128xi32, #tpu.memory_space<vmem>> -> memref<128xi32, #tpu.memory_space<vmem>>
        %dma_start3A_117 = arith.constant 0 : i32
        %dma_start3A_118 = arith.constant 0 : i32
        %dma_start3A_119 = tpu.memref_slice %arg16[%dma_start3A_117, %dma_start3A_118] : memref<10240x64xf32, #tpu.memory_space<vmem_shared>> -> memref<10240x64xf32, #tpu.memory_space<vmem_shared>>
        tpu.enqueue_indirect_dma source(%arg11 : memref<128x64xf32, #tpu.memory_space<vmem>>) target(%dma_start3A_119 : memref<10240x64xf32, #tpu.memory_space<vmem_shared>>) offsets(%dma_start3A_116 : memref<128xi32, #tpu.memory_space<vmem>>) semaphore(%run_scoped3A : memref<!tpu.dma_semaphore, #tpu.memory_space<semaphore_mem>>) {add = true}
        %dma_wait3A_120 = arith.constant 0 : i32
        %dma_wait3A_121 = tpu.memref_slice %arg7[%add3A_100, %dma_wait3A_120] : memref<160x128xi32, #tpu.memory_space<vmem>> -> memref<1x128xi32, #tpu.memory_space<vmem>>
        %dma_wait3A_122 = tpu.memref_squeeze %dma_wait3A_121 : memref<1x128xi32, #tpu.memory_space<vmem>> -> memref<128xi32, #tpu.memory_space<vmem>>
        %dma_wait3A_123 = arith.constant 0 : i32
        %dma_wait3A_124 = arith.constant 0 : i32
        %dma_wait3A_125 = tpu.memref_slice %arg16[%dma_wait3A_123, %dma_wait3A_124] : memref<10240x64xf32, #tpu.memory_space<vmem_shared>> -> memref<10240x64xf32, #tpu.memory_space<vmem_shared>>
        tpu.wait_indirect_dma semaphore(%run_scoped3A : memref<!tpu.dma_semaphore, #tpu.memory_space<semaphore_mem>>) src(%arg11 : memref<128x64xf32, #tpu.memory_space<vmem>>) dst(%dma_wait3A_125 : memref<10240x64xf32, #tpu.memory_space<vmem_shared>>)
        tpu.yield
      }) : () -> ()
      %add3A_107 = arith.constant 4 : i32
      %add3A_108 = arith.addi %add3A_100, %add3A_107 : i32
      %lt3A_109 = arith.constant 160 : i32
      %lt3A_110 = arith.cmpi slt, %add3A_108, %lt3A_109 : i32
      %convert_element_type3A_111 = arith.extui %lt3A_110 : i1 to i32
      %cond3A_112 = arith.constant 0 : i32
      %cond3A_113 = arith.cmpi ne, %convert_element_type3A_111, %cond3A_112 : i32
      scf.if %cond3A_113 {
        %dma_start3A_114 = arith.constant 0 : i32
        %dma_start3A_115 = tpu.memref_slice %arg6[%add3A_108, %dma_start3A_114] : memref<160x128xi32, #tpu.memory_space<vmem>> -> memref<1x128xi32, #tpu.memory_space<vmem>>
        %dma_start3A_116 = tpu.memref_squeeze %dma_start3A_115 : memref<1x128xi32, #tpu.memory_space<vmem>> -> memref<128xi32, #tpu.memory_space<vmem>>
        %dma_start3A_117 = arith.constant 0 : i32
        %dma_start3A_118 = arith.constant 0 : i32
        %dma_start3A_119 = tpu.memref_slice %arg2[%dma_start3A_117, %dma_start3A_118] : memref<20480x64xf32, #tpu.memory_space<hbm>> -> memref<20480x64xf32, #tpu.memory_space<hbm>>
        tpu.enqueue_indirect_dma source(%dma_start3A_119 : memref<20480x64xf32, #tpu.memory_space<hbm>>) target(%arg11 : memref<128x64xf32, #tpu.memory_space<vmem>>) offsets(%dma_start3A_116 : memref<128xi32, #tpu.memory_space<vmem>>) semaphore(%arg15 : memref<!tpu.dma_semaphore, #tpu.memory_space<semaphore_mem>>)
      } else {
      }
    }
    %scan3A_45 = arith.constant 40 : i32
    %barrier3A_46 = arith.constant 0 : index
    tpu.barrier barrier_id(%barrier3A_46)
    %mul3A_47 = arith.constant 64 : i32
    %mul3A_48 = arith.muli %arg0, %mul3A_47 : i32
    "tpu.region"() ({
      %run_scoped3A = tpu.sem_alloc : memref<!tpu.dma_semaphore, #tpu.memory_space<semaphore_mem>>
      %dma_start3A_49 = tpu.memref_slice %arg5[%mul3A_4, %mul3A_48] : memref<10240x128xf32, #tpu.memory_space<hbm>> -> memref<640x64xf32, #tpu.memory_space<hbm>>
      %dma_start3A_50 = arith.constant 0 : i32
      %dma_start3A_51 = tpu.memref_slice %arg16[%mul3A_4, %dma_start3A_50] : memref<10240x64xf32, #tpu.memory_space<vmem_shared>> -> memref<640x64xf32, #tpu.memory_space<vmem_shared>>
      tpu.enqueue_dma source(%dma_start3A_51 : memref<640x64xf32, #tpu.memory_space<vmem_shared>>) target(%dma_start3A_49 : memref<640x64xf32, #tpu.memory_space<hbm>>) target_semaphore(%run_scoped3A : memref<!tpu.dma_semaphore, #tpu.memory_space<semaphore_mem>>)
      %dma_wait3A = tpu.memref_slice %arg5[%mul3A_4, %mul3A_48] : memref<10240x128xf32, #tpu.memory_space<hbm>> -> memref<640x64xf32, #tpu.memory_space<hbm>>
      %dma_wait3A_52 = arith.constant 0 : i32
      %dma_wait3A_53 = tpu.memref_slice %arg16[%mul3A_4, %dma_wait3A_52] : memref<10240x64xf32, #tpu.memory_space<vmem_shared>> -> memref<640x64xf32, #tpu.memory_space<vmem_shared>>
      tpu.wait_dma2 semaphore(%run_scoped3A : memref<!tpu.dma_semaphore, #tpu.memory_space<semaphore_mem>>) src(%dma_wait3A_53 : memref<640x64xf32, #tpu.memory_space<vmem_shared>>) dst(%dma_wait3A : memref<640x64xf32, #tpu.memory_space<hbm>>)
      tpu.yield
    }) : () -> ()
    return
  }
}

#map = affine_map<(d0, d1) -> (0, 0)>
#map1 = affine_map<(d0, d1) -> (0, 0, 0, 0)>
#map2 = affine_map<(d0, d1) -> (0, 0, 0)>
module attributes {stable_mosaic.version = 14 : i64} {
  func.func @_agg_kernel(%arg0: i32, %arg1: i32, %arg2: memref<20480x64xf32, #tpu.memory_space<hbm>>, %arg3: memref<2x16x160x128xi32, #tpu.memory_space<hbm>>, %arg4: memref<16x160x128xi32, #tpu.memory_space<hbm>>, %arg5: memref<10240x128xf32, #tpu.memory_space<hbm>>, %arg6: memref<160x128xi32, #tpu.memory_space<vmem>>, %arg7: memref<160x128xi32, #tpu.memory_space<vmem>>, %arg8: memref<128x64xf32, #tpu.memory_space<vmem>>, %arg9: memref<128x64xf32, #tpu.memory_space<vmem>>, %arg10: memref<128x64xf32, #tpu.memory_space<vmem>>, %arg11: memref<128x64xf32, #tpu.memory_space<vmem>>, %arg12: memref<!tpu.dma_semaphore, #tpu.memory_space<semaphore_mem>>, %arg13: memref<!tpu.dma_semaphore, #tpu.memory_space<semaphore_mem>>, %arg14: memref<!tpu.dma_semaphore, #tpu.memory_space<semaphore_mem>>, %arg15: memref<!tpu.dma_semaphore, #tpu.memory_space<semaphore_mem>>, %arg16: memref<10240x64xf32, #tpu.memory_space<vmem_shared>>) attributes {dimension_semantics = [#tpu.dimension_semantics<core_parallel>, #tpu.dimension_semantics<subcore_parallel>], iteration_bounds = array<i64: 2, 16>, scalar_prefetch = 0 : i64, scratch_operands = 11 : i64, tpu.core_type = #tpu.core_type<sc_vector_subcore>, window_params = [{transform_indices = #map}, {transform_indices = #map1}, {transform_indices = #map2}, {transform_indices = #map}]} {
    %scan3A = arith.constant 0 : i32
    %scan3A_0 = arith.constant 128 : i32
    %scan3A_1 = arith.addi %scan3A, %scan3A_0 : i32
    %scan3A_2 = arith.constant 1 : i32
    scf.for %scan3A_49 = %scan3A to %scan3A_1 step %scan3A_2  : i32 {
      %broadcast_in_dim3A = arith.constant 0.000000e+00 : f32
      %broadcast_in_dim3A_50 = vector.broadcast %broadcast_in_dim3A : f32 to vector<16xf32>
      %swap3A = arith.index_cast %scan3A_49 : i32 to index
      %swap3A_51 = arith.constant 0 : index
      %swap3A_52 = tpu.vector_load %arg8[%swap3A, %swap3A_51] {strides = array<i32>} : memref<128x64xf32, #tpu.memory_space<vmem>>, vector<1x16xf32>,
      %swap3A_53 = vector.shape_cast %swap3A_52 : vector<1x16xf32> to vector<16xf32>
      %swap3A_54 = vector.shape_cast %broadcast_in_dim3A_50 : vector<16xf32> to vector<1x16xf32>
      tpu.vector_store %arg8[%swap3A, %swap3A_51], %swap3A_54 {strides = array<i32>} : memref<128x64xf32, #tpu.memory_space<vmem>>, vector<1x16xf32>,
      %broadcast_in_dim3A_55 = arith.constant 0.000000e+00 : f32
      %broadcast_in_dim3A_56 = vector.broadcast %broadcast_in_dim3A_55 : f32 to vector<16xf32>
      %swap3A_57 = arith.index_cast %scan3A_49 : i32 to index
      %swap3A_58 = arith.constant 16 : index
      %swap3A_59 = tpu.vector_load %arg8[%swap3A_57, %swap3A_58] {strides = array<i32>} : memref<128x64xf32, #tpu.memory_space<vmem>>, vector<1x16xf32>,
      %swap3A_60 = vector.shape_cast %swap3A_59 : vector<1x16xf32> to vector<16xf32>
      %swap3A_61 = vector.shape_cast %broadcast_in_dim3A_56 : vector<16xf32> to vector<1x16xf32>
      tpu.vector_store %arg8[%swap3A_57, %swap3A_58], %swap3A_61 {strides = array<i32>} : memref<128x64xf32, #tpu.memory_space<vmem>>, vector<1x16xf32>,
      %broadcast_in_dim3A_62 = arith.constant 0.000000e+00 : f32
      %broadcast_in_dim3A_63 = vector.broadcast %broadcast_in_dim3A_62 : f32 to vector<16xf32>
      %swap3A_64 = arith.index_cast %scan3A_49 : i32 to index
      %swap3A_65 = arith.constant 32 : index
      %swap3A_66 = tpu.vector_load %arg8[%swap3A_64, %swap3A_65] {strides = array<i32>} : memref<128x64xf32, #tpu.memory_space<vmem>>, vector<1x16xf32>,
      %swap3A_67 = vector.shape_cast %swap3A_66 : vector<1x16xf32> to vector<16xf32>
      %swap3A_68 = vector.shape_cast %broadcast_in_dim3A_63 : vector<16xf32> to vector<1x16xf32>
      tpu.vector_store %arg8[%swap3A_64, %swap3A_65], %swap3A_68 {strides = array<i32>} : memref<128x64xf32, #tpu.memory_space<vmem>>, vector<1x16xf32>,
      %broadcast_in_dim3A_69 = arith.constant 0.000000e+00 : f32
      %broadcast_in_dim3A_70 = vector.broadcast %broadcast_in_dim3A_69 : f32 to vector<16xf32>
      %swap3A_71 = arith.index_cast %scan3A_49 : i32 to index
      %swap3A_72 = arith.constant 48 : index
      %swap3A_73 = tpu.vector_load %arg8[%swap3A_71, %swap3A_72] {strides = array<i32>} : memref<128x64xf32, #tpu.memory_space<vmem>>, vector<1x16xf32>,
      %swap3A_74 = vector.shape_cast %swap3A_73 : vector<1x16xf32> to vector<16xf32>
      %swap3A_75 = vector.shape_cast %broadcast_in_dim3A_70 : vector<16xf32> to vector<1x16xf32>
      tpu.vector_store %arg8[%swap3A_71, %swap3A_72], %swap3A_75 {strides = array<i32>} : memref<128x64xf32, #tpu.memory_space<vmem>>, vector<1x16xf32>,
    }
    %scan3A_3 = arith.constant 128 : i32
    %mul3A = arith.constant 640 : i32
    %mul3A_4 = arith.muli %arg1, %mul3A : i32
    %add3A = arith.constant 0 : i32
    %add3A_5 = arith.addi %mul3A_4, %add3A : i32
    "tpu.region"() ({
      %run_scoped3A = tpu.sem_alloc : memref<!tpu.dma_semaphore, #tpu.memory_space<semaphore_mem>>
      %dma_start3A_49 = arith.constant 0 : i32
      %dma_start3A_50 = tpu.memref_slice %arg16[%add3A_5, %dma_start3A_49] : memref<10240x64xf32, #tpu.memory_space<vmem_shared>> -> memref<128x64xf32, #tpu.memory_space<vmem_shared>>
      %dma_start3A_51 = arith.constant 0 : i32
      %dma_start3A_52 = tpu.memref_slice %arg16[%add3A_5, %dma_start3A_51] : memref<10240x64xf32, #tpu.memory_space<vmem_shared>> -> memref<128x64xf32, #tpu.memory_space<vmem_shared>>
      tpu.enqueue_dma source(%arg8 : memref<128x64xf32, #tpu.memory_space<vmem>>) target(%dma_start3A_52 : memref<128x64xf32, #tpu.memory_space<vmem_shared>>) target_semaphore(%run_scoped3A : memref<!tpu.dma_semaphore, #tpu.memory_space<semaphore_mem>>)
      %dma_wait3A = arith.constant 0 : i32
      %dma_wait3A_53 = tpu.memref_slice %arg16[%add3A_5, %dma_wait3A] : memref<10240x64xf32, #tpu.memory_space<vmem_shared>> -> memref<128x64xf32, #tpu.memory_space<vmem_shared>>
      %dma_wait3A_54 = arith.constant 0 : i32
      %dma_wait3A_55 = tpu.memref_slice %arg16[%add3A_5, %dma_wait3A_54] : memref<10240x64xf32, #tpu.memory_space<vmem_shared>> -> memref<128x64xf32, #tpu.memory_space<vmem_shared>>
      tpu.wait_dma2 semaphore(%run_scoped3A : memref<!tpu.dma_semaphore, #tpu.memory_space<semaphore_mem>>) src(%arg8 : memref<128x64xf32, #tpu.memory_space<vmem>>) dst(%dma_wait3A_55 : memref<128x64xf32, #tpu.memory_space<vmem_shared>>)
      tpu.yield
    }) : () -> ()
    %add3A_6 = arith.constant 128 : i32
    %add3A_7 = arith.addi %mul3A_4, %add3A_6 : i32
    "tpu.region"() ({
      %run_scoped3A = tpu.sem_alloc : memref<!tpu.dma_semaphore, #tpu.memory_space<semaphore_mem>>
      %dma_start3A_49 = arith.constant 0 : i32
      %dma_start3A_50 = tpu.memref_slice %arg16[%add3A_7, %dma_start3A_49] : memref<10240x64xf32, #tpu.memory_space<vmem_shared>> -> memref<128x64xf32, #tpu.memory_space<vmem_shared>>
      %dma_start3A_51 = arith.constant 0 : i32
      %dma_start3A_52 = tpu.memref_slice %arg16[%add3A_7, %dma_start3A_51] : memref<10240x64xf32, #tpu.memory_space<vmem_shared>> -> memref<128x64xf32, #tpu.memory_space<vmem_shared>>
      tpu.enqueue_dma source(%arg8 : memref<128x64xf32, #tpu.memory_space<vmem>>) target(%dma_start3A_52 : memref<128x64xf32, #tpu.memory_space<vmem_shared>>) target_semaphore(%run_scoped3A : memref<!tpu.dma_semaphore, #tpu.memory_space<semaphore_mem>>)
      %dma_wait3A = arith.constant 0 : i32
      %dma_wait3A_53 = tpu.memref_slice %arg16[%add3A_7, %dma_wait3A] : memref<10240x64xf32, #tpu.memory_space<vmem_shared>> -> memref<128x64xf32, #tpu.memory_space<vmem_shared>>
      %dma_wait3A_54 = arith.constant 0 : i32
      %dma_wait3A_55 = tpu.memref_slice %arg16[%add3A_7, %dma_wait3A_54] : memref<10240x64xf32, #tpu.memory_space<vmem_shared>> -> memref<128x64xf32, #tpu.memory_space<vmem_shared>>
      tpu.wait_dma2 semaphore(%run_scoped3A : memref<!tpu.dma_semaphore, #tpu.memory_space<semaphore_mem>>) src(%arg8 : memref<128x64xf32, #tpu.memory_space<vmem>>) dst(%dma_wait3A_55 : memref<128x64xf32, #tpu.memory_space<vmem_shared>>)
      tpu.yield
    }) : () -> ()
    %add3A_8 = arith.constant 256 : i32
    %add3A_9 = arith.addi %mul3A_4, %add3A_8 : i32
    "tpu.region"() ({
      %run_scoped3A = tpu.sem_alloc : memref<!tpu.dma_semaphore, #tpu.memory_space<semaphore_mem>>
      %dma_start3A_49 = arith.constant 0 : i32
      %dma_start3A_50 = tpu.memref_slice %arg16[%add3A_9, %dma_start3A_49] : memref<10240x64xf32, #tpu.memory_space<vmem_shared>> -> memref<128x64xf32, #tpu.memory_space<vmem_shared>>
      %dma_start3A_51 = arith.constant 0 : i32
      %dma_start3A_52 = tpu.memref_slice %arg16[%add3A_9, %dma_start3A_51] : memref<10240x64xf32, #tpu.memory_space<vmem_shared>> -> memref<128x64xf32, #tpu.memory_space<vmem_shared>>
      tpu.enqueue_dma source(%arg8 : memref<128x64xf32, #tpu.memory_space<vmem>>) target(%dma_start3A_52 : memref<128x64xf32, #tpu.memory_space<vmem_shared>>) target_semaphore(%run_scoped3A : memref<!tpu.dma_semaphore, #tpu.memory_space<semaphore_mem>>)
      %dma_wait3A = arith.constant 0 : i32
      %dma_wait3A_53 = tpu.memref_slice %arg16[%add3A_9, %dma_wait3A] : memref<10240x64xf32, #tpu.memory_space<vmem_shared>> -> memref<128x64xf32, #tpu.memory_space<vmem_shared>>
      %dma_wait3A_54 = arith.constant 0 : i32
      %dma_wait3A_55 = tpu.memref_slice %arg16[%add3A_9, %dma_wait3A_54] : memref<10240x64xf32, #tpu.memory_space<vmem_shared>> -> memref<128x64xf32, #tpu.memory_space<vmem_shared>>
      tpu.wait_dma2 semaphore(%run_scoped3A : memref<!tpu.dma_semaphore, #tpu.memory_space<semaphore_mem>>) src(%arg8 : memref<128x64xf32, #tpu.memory_space<vmem>>) dst(%dma_wait3A_55 : memref<128x64xf32, #tpu.memory_space<vmem_shared>>)
      tpu.yield
    }) : () -> ()
    %add3A_10 = arith.constant 384 : i32
    %add3A_11 = arith.addi %mul3A_4, %add3A_10 : i32
    "tpu.region"() ({
      %run_scoped3A = tpu.sem_alloc : memref<!tpu.dma_semaphore, #tpu.memory_space<semaphore_mem>>
      %dma_start3A_49 = arith.constant 0 : i32
      %dma_start3A_50 = tpu.memref_slice %arg16[%add3A_11, %dma_start3A_49] : memref<10240x64xf32, #tpu.memory_space<vmem_shared>> -> memref<128x64xf32, #tpu.memory_space<vmem_shared>>
      %dma_start3A_51 = arith.constant 0 : i32
      %dma_start3A_52 = tpu.memref_slice %arg16[%add3A_11, %dma_start3A_51] : memref<10240x64xf32, #tpu.memory_space<vmem_shared>> -> memref<128x64xf32, #tpu.memory_space<vmem_shared>>
      tpu.enqueue_dma source(%arg8 : memref<128x64xf32, #tpu.memory_space<vmem>>) target(%dma_start3A_52 : memref<128x64xf32, #tpu.memory_space<vmem_shared>>) target_semaphore(%run_scoped3A : memref<!tpu.dma_semaphore, #tpu.memory_space<semaphore_mem>>)
      %dma_wait3A = arith.constant 0 : i32
      %dma_wait3A_53 = tpu.memref_slice %arg16[%add3A_11, %dma_wait3A] : memref<10240x64xf32, #tpu.memory_space<vmem_shared>> -> memref<128x64xf32, #tpu.memory_space<vmem_shared>>
      %dma_wait3A_54 = arith.constant 0 : i32
      %dma_wait3A_55 = tpu.memref_slice %arg16[%add3A_11, %dma_wait3A_54] : memref<10240x64xf32, #tpu.memory_space<vmem_shared>> -> memref<128x64xf32, #tpu.memory_space<vmem_shared>>
      tpu.wait_dma2 semaphore(%run_scoped3A : memref<!tpu.dma_semaphore, #tpu.memory_space<semaphore_mem>>) src(%arg8 : memref<128x64xf32, #tpu.memory_space<vmem>>) dst(%dma_wait3A_55 : memref<128x64xf32, #tpu.memory_space<vmem_shared>>)
      tpu.yield
    }) : () -> ()
    %add3A_12 = arith.constant 512 : i32
    %add3A_13 = arith.addi %mul3A_4, %add3A_12 : i32
    "tpu.region"() ({
      %run_scoped3A = tpu.sem_alloc : memref<!tpu.dma_semaphore, #tpu.memory_space<semaphore_mem>>
      %dma_start3A_49 = arith.constant 0 : i32
      %dma_start3A_50 = tpu.memref_slice %arg16[%add3A_13, %dma_start3A_49] : memref<10240x64xf32, #tpu.memory_space<vmem_shared>> -> memref<128x64xf32, #tpu.memory_space<vmem_shared>>
      %dma_start3A_51 = arith.constant 0 : i32
      %dma_start3A_52 = tpu.memref_slice %arg16[%add3A_13, %dma_start3A_51] : memref<10240x64xf32, #tpu.memory_space<vmem_shared>> -> memref<128x64xf32, #tpu.memory_space<vmem_shared>>
      tpu.enqueue_dma source(%arg8 : memref<128x64xf32, #tpu.memory_space<vmem>>) target(%dma_start3A_52 : memref<128x64xf32, #tpu.memory_space<vmem_shared>>) target_semaphore(%run_scoped3A : memref<!tpu.dma_semaphore, #tpu.memory_space<semaphore_mem>>)
      %dma_wait3A = arith.constant 0 : i32
      %dma_wait3A_53 = tpu.memref_slice %arg16[%add3A_13, %dma_wait3A] : memref<10240x64xf32, #tpu.memory_space<vmem_shared>> -> memref<128x64xf32, #tpu.memory_space<vmem_shared>>
      %dma_wait3A_54 = arith.constant 0 : i32
      %dma_wait3A_55 = tpu.memref_slice %arg16[%add3A_13, %dma_wait3A_54] : memref<10240x64xf32, #tpu.memory_space<vmem_shared>> -> memref<128x64xf32, #tpu.memory_space<vmem_shared>>
      tpu.wait_dma2 semaphore(%run_scoped3A : memref<!tpu.dma_semaphore, #tpu.memory_space<semaphore_mem>>) src(%arg8 : memref<128x64xf32, #tpu.memory_space<vmem>>) dst(%dma_wait3A_55 : memref<128x64xf32, #tpu.memory_space<vmem_shared>>)
      tpu.yield
    }) : () -> ()
    %barrier3A = arith.constant 0 : index
    tpu.barrier barrier_id(%barrier3A)
    "tpu.region"() ({
      %run_scoped3A = tpu.sem_alloc : memref<!tpu.dma_semaphore, #tpu.memory_space<semaphore_mem>>
      %dma_start3A_49 = arith.constant 0 : i32
      %dma_start3A_50 = arith.constant 0 : i32
      %dma_start3A_51 = tpu.memref_slice %arg3[%arg0, %arg1, %dma_start3A_49, %dma_start3A_50] : memref<2x16x160x128xi32, #tpu.memory_space<hbm>> -> memref<1x1x160x128xi32, #tpu.memory_space<hbm>>
      %dma_start3A_52 = tpu.memref_squeeze %dma_start3A_51 : memref<1x1x160x128xi32, #tpu.memory_space<hbm>> -> memref<160x128xi32, #tpu.memory_space<hbm>>
      %dma_start3A_53 = arith.constant 0 : i32
      %dma_start3A_54 = arith.constant 0 : i32
      %dma_start3A_55 = tpu.memref_slice %arg3[%arg0, %arg1, %dma_start3A_53, %dma_start3A_54] : memref<2x16x160x128xi32, #tpu.memory_space<hbm>> -> memref<1x1x160x128xi32, #tpu.memory_space<hbm>>
      %dma_start3A_56 = tpu.memref_squeeze %dma_start3A_55 : memref<1x1x160x128xi32, #tpu.memory_space<hbm>> -> memref<160x128xi32, #tpu.memory_space<hbm>>
      tpu.enqueue_dma source(%dma_start3A_56 : memref<160x128xi32, #tpu.memory_space<hbm>>) target(%arg6 : memref<160x128xi32, #tpu.memory_space<vmem>>) target_semaphore(%run_scoped3A : memref<!tpu.dma_semaphore, #tpu.memory_space<semaphore_mem>>)
      %dma_wait3A = arith.constant 0 : i32
      %dma_wait3A_57 = arith.constant 0 : i32
      %dma_wait3A_58 = tpu.memref_slice %arg3[%arg0, %arg1, %dma_wait3A, %dma_wait3A_57] : memref<2x16x160x128xi32, #tpu.memory_space<hbm>> -> memref<1x1x160x128xi32, #tpu.memory_space<hbm>>
      %dma_wait3A_59 = tpu.memref_squeeze %dma_wait3A_58 : memref<1x1x160x128xi32, #tpu.memory_space<hbm>> -> memref<160x128xi32, #tpu.memory_space<hbm>>
      %dma_wait3A_60 = arith.constant 0 : i32
      %dma_wait3A_61 = arith.constant 0 : i32
      %dma_wait3A_62 = tpu.memref_slice %arg3[%arg0, %arg1, %dma_wait3A_60, %dma_wait3A_61] : memref<2x16x160x128xi32, #tpu.memory_space<hbm>> -> memref<1x1x160x128xi32, #tpu.memory_space<hbm>>
      %dma_wait3A_63 = tpu.memref_squeeze %dma_wait3A_62 : memref<1x1x160x128xi32, #tpu.memory_space<hbm>> -> memref<160x128xi32, #tpu.memory_space<hbm>>
      tpu.wait_dma2 semaphore(%run_scoped3A : memref<!tpu.dma_semaphore, #tpu.memory_space<semaphore_mem>>) src(%dma_wait3A_63 : memref<160x128xi32, #tpu.memory_space<hbm>>) dst(%arg6 : memref<160x128xi32, #tpu.memory_space<vmem>>)
      tpu.yield
    }) : () -> ()
    "tpu.region"() ({
      %run_scoped3A = tpu.sem_alloc : memref<!tpu.dma_semaphore, #tpu.memory_space<semaphore_mem>>
      %dma_start3A_49 = arith.constant 0 : i32
      %dma_start3A_50 = arith.constant 0 : i32
      %dma_start3A_51 = tpu.memref_slice %arg4[%arg1, %dma_start3A_49, %dma_start3A_50] : memref<16x160x128xi32, #tpu.memory_space<hbm>> -> memref<1x160x128xi32, #tpu.memory_space<hbm>>
      %dma_start3A_52 = tpu.memref_squeeze %dma_start3A_51 : memref<1x160x128xi32, #tpu.memory_space<hbm>> -> memref<160x128xi32, #tpu.memory_space<hbm>>
      %dma_start3A_53 = arith.constant 0 : i32
      %dma_start3A_54 = arith.constant 0 : i32
      %dma_start3A_55 = tpu.memref_slice %arg4[%arg1, %dma_start3A_53, %dma_start3A_54] : memref<16x160x128xi32, #tpu.memory_space<hbm>> -> memref<1x160x128xi32, #tpu.memory_space<hbm>>
      %dma_start3A_56 = tpu.memref_squeeze %dma_start3A_55 : memref<1x160x128xi32, #tpu.memory_space<hbm>> -> memref<160x128xi32, #tpu.memory_space<hbm>>
      tpu.enqueue_dma source(%dma_start3A_56 : memref<160x128xi32, #tpu.memory_space<hbm>>) target(%arg7 : memref<160x128xi32, #tpu.memory_space<vmem>>) target_semaphore(%run_scoped3A : memref<!tpu.dma_semaphore, #tpu.memory_space<semaphore_mem>>)
      %dma_wait3A = arith.constant 0 : i32
      %dma_wait3A_57 = arith.constant 0 : i32
      %dma_wait3A_58 = tpu.memref_slice %arg4[%arg1, %dma_wait3A, %dma_wait3A_57] : memref<16x160x128xi32, #tpu.memory_space<hbm>> -> memref<1x160x128xi32, #tpu.memory_space<hbm>>
      %dma_wait3A_59 = tpu.memref_squeeze %dma_wait3A_58 : memref<1x160x128xi32, #tpu.memory_space<hbm>> -> memref<160x128xi32, #tpu.memory_space<hbm>>
      %dma_wait3A_60 = arith.constant 0 : i32
      %dma_wait3A_61 = arith.constant 0 : i32
      %dma_wait3A_62 = tpu.memref_slice %arg4[%arg1, %dma_wait3A_60, %dma_wait3A_61] : memref<16x160x128xi32, #tpu.memory_space<hbm>> -> memref<1x160x128xi32, #tpu.memory_space<hbm>>
      %dma_wait3A_63 = tpu.memref_squeeze %dma_wait3A_62 : memref<1x160x128xi32, #tpu.memory_space<hbm>> -> memref<160x128xi32, #tpu.memory_space<hbm>>
      tpu.wait_dma2 semaphore(%run_scoped3A : memref<!tpu.dma_semaphore, #tpu.memory_space<semaphore_mem>>) src(%dma_wait3A_63 : memref<160x128xi32, #tpu.memory_space<hbm>>) dst(%arg7 : memref<160x128xi32, #tpu.memory_space<vmem>>)
      tpu.yield
    }) : () -> ()
    %dma_start3A = arith.constant 0 : i32
    %dma_start3A_14 = arith.constant 0 : i32
    %dma_start3A_15 = tpu.memref_slice %arg6[%dma_start3A, %dma_start3A_14] : memref<160x128xi32, #tpu.memory_space<vmem>> -> memref<1x128xi32, #tpu.memory_space<vmem>>
    %dma_start3A_16 = tpu.memref_squeeze %dma_start3A_15 : memref<1x128xi32, #tpu.memory_space<vmem>> -> memref<128xi32, #tpu.memory_space<vmem>>
    %dma_start3A_17 = arith.constant 0 : i32
    %dma_start3A_18 = arith.constant 0 : i32
    %dma_start3A_19 = tpu.memref_slice %arg2[%dma_start3A_17, %dma_start3A_18] : memref<20480x64xf32, #tpu.memory_space<hbm>> -> memref<20480x64xf32, #tpu.memory_space<hbm>>
    tpu.enqueue_indirect_dma source(%dma_start3A_19 : memref<20480x64xf32, #tpu.memory_space<hbm>>) target(%arg8 : memref<128x64xf32, #tpu.memory_space<vmem>>) offsets(%dma_start3A_16 : memref<128xi32, #tpu.memory_space<vmem>>) semaphore(%arg12 : memref<!tpu.dma_semaphore, #tpu.memory_space<semaphore_mem>>)
    %dma_start3A_20 = arith.constant 1 : i32
    %dma_start3A_21 = arith.constant 0 : i32
    %dma_start3A_22 = tpu.memref_slice %arg6[%dma_start3A_20, %dma_start3A_21] : memref<160x128xi32, #tpu.memory_space<vmem>> -> memref<1x128xi32, #tpu.memory_space<vmem>>
    %dma_start3A_23 = tpu.memref_squeeze %dma_start3A_22 : memref<1x128xi32, #tpu.memory_space<vmem>> -> memref<128xi32, #tpu.memory_space<vmem>>
    %dma_start3A_24 = arith.constant 0 : i32
    %dma_start3A_25 = arith.constant 0 : i32
    %dma_start3A_26 = tpu.memref_slice %arg2[%dma_start3A_24, %dma_start3A_25] : memref<20480x64xf32, #tpu.memory_space<hbm>> -> memref<20480x64xf32, #tpu.memory_space<hbm>>
    tpu.enqueue_indirect_dma source(%dma_start3A_26 : memref<20480x64xf32, #tpu.memory_space<hbm>>) target(%arg9 : memref<128x64xf32, #tpu.memory_space<vmem>>) offsets(%dma_start3A_23 : memref<128xi32, #tpu.memory_space<vmem>>) semaphore(%arg13 : memref<!tpu.dma_semaphore, #tpu.memory_space<semaphore_mem>>)
    %dma_start3A_27 = arith.constant 2 : i32
    %dma_start3A_28 = arith.constant 0 : i32
    %dma_start3A_29 = tpu.memref_slice %arg6[%dma_start3A_27, %dma_start3A_28] : memref<160x128xi32, #tpu.memory_space<vmem>> -> memref<1x128xi32, #tpu.memory_space<vmem>>
    %dma_start3A_30 = tpu.memref_squeeze %dma_start3A_29 : memref<1x128xi32, #tpu.memory_space<vmem>> -> memref<128xi32, #tpu.memory_space<vmem>>
    %dma_start3A_31 = arith.constant 0 : i32
    %dma_start3A_32 = arith.constant 0 : i32
    %dma_start3A_33 = tpu.memref_slice %arg2[%dma_start3A_31, %dma_start3A_32] : memref<20480x64xf32, #tpu.memory_space<hbm>> -> memref<20480x64xf32, #tpu.memory_space<hbm>>
    tpu.enqueue_indirect_dma source(%dma_start3A_33 : memref<20480x64xf32, #tpu.memory_space<hbm>>) target(%arg10 : memref<128x64xf32, #tpu.memory_space<vmem>>) offsets(%dma_start3A_30 : memref<128xi32, #tpu.memory_space<vmem>>) semaphore(%arg14 : memref<!tpu.dma_semaphore, #tpu.memory_space<semaphore_mem>>)
    %dma_start3A_34 = arith.constant 3 : i32
    %dma_start3A_35 = arith.constant 0 : i32
    %dma_start3A_36 = tpu.memref_slice %arg6[%dma_start3A_34, %dma_start3A_35] : memref<160x128xi32, #tpu.memory_space<vmem>> -> memref<1x128xi32, #tpu.memory_space<vmem>>
    %dma_start3A_37 = tpu.memref_squeeze %dma_start3A_36 : memref<1x128xi32, #tpu.memory_space<vmem>> -> memref<128xi32, #tpu.memory_space<vmem>>
    %dma_start3A_38 = arith.constant 0 : i32
    %dma_start3A_39 = arith.constant 0 : i32
    %dma_start3A_40 = tpu.memref_slice %arg2[%dma_start3A_38, %dma_start3A_39] : memref<20480x64xf32, #tpu.memory_space<hbm>> -> memref<20480x64xf32, #tpu.memory_space<hbm>>
    tpu.enqueue_indirect_dma source(%dma_start3A_40 : memref<20480x64xf32, #tpu.memory_space<hbm>>) target(%arg11 : memref<128x64xf32, #tpu.memory_space<vmem>>) offsets(%dma_start3A_37 : memref<128xi32, #tpu.memory_space<vmem>>) semaphore(%arg15 : memref<!tpu.dma_semaphore, #tpu.memory_space<semaphore_mem>>)
    %scan3A_41 = arith.constant 0 : i32
    %scan3A_42 = arith.constant 40 : i32
    %scan3A_43 = arith.addi %scan3A_41, %scan3A_42 : i32
    %scan3A_44 = arith.constant 1 : i32
    scf.for %scan3A_49 = %scan3A_41 to %scan3A_43 step %scan3A_44  : i32 {
      %mul3A_50 = arith.constant 4 : i32
      %mul3A_51 = arith.muli %scan3A_49, %mul3A_50 : i32
      %add3A_52 = arith.constant 0 : i32
      %add3A_53 = arith.addi %mul3A_51, %add3A_52 : i32
      %dma_wait3A = arith.constant 0 : i32
      %dma_wait3A_54 = tpu.memref_slice %arg6[%add3A_53, %dma_wait3A] : memref<160x128xi32, #tpu.memory_space<vmem>> -> memref<1x128xi32, #tpu.memory_space<vmem>>
      %dma_wait3A_55 = tpu.memref_squeeze %dma_wait3A_54 : memref<1x128xi32, #tpu.memory_space<vmem>> -> memref<128xi32, #tpu.memory_space<vmem>>
      %dma_wait3A_56 = arith.constant 0 : i32
      %dma_wait3A_57 = arith.constant 0 : i32
      %dma_wait3A_58 = tpu.memref_slice %arg2[%dma_wait3A_56, %dma_wait3A_57] : memref<20480x64xf32, #tpu.memory_space<hbm>> -> memref<20480x64xf32, #tpu.memory_space<hbm>>
      tpu.wait_indirect_dma semaphore(%arg12 : memref<!tpu.dma_semaphore, #tpu.memory_space<semaphore_mem>>) src(%dma_wait3A_58 : memref<20480x64xf32, #tpu.memory_space<hbm>>) dst(%arg8 : memref<128x64xf32, #tpu.memory_space<vmem>>)
      "tpu.region"() ({
        %run_scoped3A = tpu.sem_alloc : memref<!tpu.dma_semaphore, #tpu.memory_space<semaphore_mem>>
        %dma_start3A_114 = arith.constant 0 : i32
        %dma_start3A_115 = tpu.memref_slice %arg7[%add3A_53, %dma_start3A_114] : memref<160x128xi32, #tpu.memory_space<vmem>> -> memref<1x128xi32, #tpu.memory_space<vmem>>
        %dma_start3A_116 = tpu.memref_squeeze %dma_start3A_115 : memref<1x128xi32, #tpu.memory_space<vmem>> -> memref<128xi32, #tpu.memory_space<vmem>>
        %dma_start3A_117 = arith.constant 0 : i32
        %dma_start3A_118 = arith.constant 0 : i32
        %dma_start3A_119 = tpu.memref_slice %arg16[%dma_start3A_117, %dma_start3A_118] : memref<10240x64xf32, #tpu.memory_space<vmem_shared>> -> memref<10240x64xf32, #tpu.memory_space<vmem_shared>>
        tpu.enqueue_indirect_dma source(%arg8 : memref<128x64xf32, #tpu.memory_space<vmem>>) target(%dma_start3A_119 : memref<10240x64xf32, #tpu.memory_space<vmem_shared>>) offsets(%dma_start3A_116 : memref<128xi32, #tpu.memory_space<vmem>>) semaphore(%run_scoped3A : memref<!tpu.dma_semaphore, #tpu.memory_space<semaphore_mem>>) {add = true}
        %dma_wait3A_120 = arith.constant 0 : i32
        %dma_wait3A_121 = tpu.memref_slice %arg7[%add3A_53, %dma_wait3A_120] : memref<160x128xi32, #tpu.memory_space<vmem>> -> memref<1x128xi32, #tpu.memory_space<vmem>>
        %dma_wait3A_122 = tpu.memref_squeeze %dma_wait3A_121 : memref<1x128xi32, #tpu.memory_space<vmem>> -> memref<128xi32, #tpu.memory_space<vmem>>
        %dma_wait3A_123 = arith.constant 0 : i32
        %dma_wait3A_124 = arith.constant 0 : i32
        %dma_wait3A_125 = tpu.memref_slice %arg16[%dma_wait3A_123, %dma_wait3A_124] : memref<10240x64xf32, #tpu.memory_space<vmem_shared>> -> memref<10240x64xf32, #tpu.memory_space<vmem_shared>>
        tpu.wait_indirect_dma semaphore(%run_scoped3A : memref<!tpu.dma_semaphore, #tpu.memory_space<semaphore_mem>>) src(%arg8 : memref<128x64xf32, #tpu.memory_space<vmem>>) dst(%dma_wait3A_125 : memref<10240x64xf32, #tpu.memory_space<vmem_shared>>)
        tpu.yield
      }) : () -> ()
      %add3A_59 = arith.constant 4 : i32
      %add3A_60 = arith.addi %add3A_53, %add3A_59 : i32
      %lt3A = arith.constant 160 : i32
      %lt3A_61 = arith.cmpi slt, %add3A_60, %lt3A : i32
      %convert_element_type3A = arith.extui %lt3A_61 : i1 to i32
      %cond3A = arith.constant 0 : i32
      %cond3A_62 = arith.cmpi ne, %convert_element_type3A, %cond3A : i32
      scf.if %cond3A_62 {
        %dma_start3A_114 = arith.constant 0 : i32
        %dma_start3A_115 = tpu.memref_slice %arg6[%add3A_60, %dma_start3A_114] : memref<160x128xi32, #tpu.memory_space<vmem>> -> memref<1x128xi32, #tpu.memory_space<vmem>>
        %dma_start3A_116 = tpu.memref_squeeze %dma_start3A_115 : memref<1x128xi32, #tpu.memory_space<vmem>> -> memref<128xi32, #tpu.memory_space<vmem>>
        %dma_start3A_117 = arith.constant 0 : i32
        %dma_start3A_118 = arith.constant 0 : i32
        %dma_start3A_119 = tpu.memref_slice %arg2[%dma_start3A_117, %dma_start3A_118] : memref<20480x64xf32, #tpu.memory_space<hbm>> -> memref<20480x64xf32, #tpu.memory_space<hbm>>
        tpu.enqueue_indirect_dma source(%dma_start3A_119 : memref<20480x64xf32, #tpu.memory_space<hbm>>) target(%arg8 : memref<128x64xf32, #tpu.memory_space<vmem>>) offsets(%dma_start3A_116 : memref<128xi32, #tpu.memory_space<vmem>>) semaphore(%arg12 : memref<!tpu.dma_semaphore, #tpu.memory_space<semaphore_mem>>)
      } else {
      }
      %mul3A_63 = arith.constant 4 : i32
      %mul3A_64 = arith.muli %scan3A_49, %mul3A_63 : i32
      %add3A_65 = arith.constant 1 : i32
      %add3A_66 = arith.addi %mul3A_64, %add3A_65 : i32
      %dma_wait3A_67 = arith.constant 0 : i32
      %dma_wait3A_68 = tpu.memref_slice %arg6[%add3A_66, %dma_wait3A_67] : memref<160x128xi32, #tpu.memory_space<vmem>> -> memref<1x128xi32, #tpu.memory_space<vmem>>
      %dma_wait3A_69 = tpu.memref_squeeze %dma_wait3A_68 : memref<1x128xi32, #tpu.memory_space<vmem>> -> memref<128xi32, #tpu.memory_space<vmem>>
      %dma_wait3A_70 = arith.constant 0 : i32
      %dma_wait3A_71 = arith.constant 0 : i32
      %dma_wait3A_72 = tpu.memref_slice %arg2[%dma_wait3A_70, %dma_wait3A_71] : memref<20480x64xf32, #tpu.memory_space<hbm>> -> memref<20480x64xf32, #tpu.memory_space<hbm>>
      tpu.wait_indirect_dma semaphore(%arg13 : memref<!tpu.dma_semaphore, #tpu.memory_space<semaphore_mem>>) src(%dma_wait3A_72 : memref<20480x64xf32, #tpu.memory_space<hbm>>) dst(%arg9 : memref<128x64xf32, #tpu.memory_space<vmem>>)
      "tpu.region"() ({
        %run_scoped3A = tpu.sem_alloc : memref<!tpu.dma_semaphore, #tpu.memory_space<semaphore_mem>>
        %dma_start3A_114 = arith.constant 0 : i32
        %dma_start3A_115 = tpu.memref_slice %arg7[%add3A_66, %dma_start3A_114] : memref<160x128xi32, #tpu.memory_space<vmem>> -> memref<1x128xi32, #tpu.memory_space<vmem>>
        %dma_start3A_116 = tpu.memref_squeeze %dma_start3A_115 : memref<1x128xi32, #tpu.memory_space<vmem>> -> memref<128xi32, #tpu.memory_space<vmem>>
        %dma_start3A_117 = arith.constant 0 : i32
        %dma_start3A_118 = arith.constant 0 : i32
        %dma_start3A_119 = tpu.memref_slice %arg16[%dma_start3A_117, %dma_start3A_118] : memref<10240x64xf32, #tpu.memory_space<vmem_shared>> -> memref<10240x64xf32, #tpu.memory_space<vmem_shared>>
        tpu.enqueue_indirect_dma source(%arg9 : memref<128x64xf32, #tpu.memory_space<vmem>>) target(%dma_start3A_119 : memref<10240x64xf32, #tpu.memory_space<vmem_shared>>) offsets(%dma_start3A_116 : memref<128xi32, #tpu.memory_space<vmem>>) semaphore(%run_scoped3A : memref<!tpu.dma_semaphore, #tpu.memory_space<semaphore_mem>>) {add = true}
        %dma_wait3A_120 = arith.constant 0 : i32
        %dma_wait3A_121 = tpu.memref_slice %arg7[%add3A_66, %dma_wait3A_120] : memref<160x128xi32, #tpu.memory_space<vmem>> -> memref<1x128xi32, #tpu.memory_space<vmem>>
        %dma_wait3A_122 = tpu.memref_squeeze %dma_wait3A_121 : memref<1x128xi32, #tpu.memory_space<vmem>> -> memref<128xi32, #tpu.memory_space<vmem>>
        %dma_wait3A_123 = arith.constant 0 : i32
        %dma_wait3A_124 = arith.constant 0 : i32
        %dma_wait3A_125 = tpu.memref_slice %arg16[%dma_wait3A_123, %dma_wait3A_124] : memref<10240x64xf32, #tpu.memory_space<vmem_shared>> -> memref<10240x64xf32, #tpu.memory_space<vmem_shared>>
        tpu.wait_indirect_dma semaphore(%run_scoped3A : memref<!tpu.dma_semaphore, #tpu.memory_space<semaphore_mem>>) src(%arg9 : memref<128x64xf32, #tpu.memory_space<vmem>>) dst(%dma_wait3A_125 : memref<10240x64xf32, #tpu.memory_space<vmem_shared>>)
        tpu.yield
      }) : () -> ()
      %add3A_73 = arith.constant 4 : i32
      %add3A_74 = arith.addi %add3A_66, %add3A_73 : i32
      %lt3A_75 = arith.constant 160 : i32
      %lt3A_76 = arith.cmpi slt, %add3A_74, %lt3A_75 : i32
      %convert_element_type3A_77 = arith.extui %lt3A_76 : i1 to i32
      %cond3A_78 = arith.constant 0 : i32
      %cond3A_79 = arith.cmpi ne, %convert_element_type3A_77, %cond3A_78 : i32
      scf.if %cond3A_79 {
        %dma_start3A_114 = arith.constant 0 : i32
        %dma_start3A_115 = tpu.memref_slice %arg6[%add3A_74, %dma_start3A_114] : memref<160x128xi32, #tpu.memory_space<vmem>> -> memref<1x128xi32, #tpu.memory_space<vmem>>
        %dma_start3A_116 = tpu.memref_squeeze %dma_start3A_115 : memref<1x128xi32, #tpu.memory_space<vmem>> -> memref<128xi32, #tpu.memory_space<vmem>>
        %dma_start3A_117 = arith.constant 0 : i32
        %dma_start3A_118 = arith.constant 0 : i32
        %dma_start3A_119 = tpu.memref_slice %arg2[%dma_start3A_117, %dma_start3A_118] : memref<20480x64xf32, #tpu.memory_space<hbm>> -> memref<20480x64xf32, #tpu.memory_space<hbm>>
        tpu.enqueue_indirect_dma source(%dma_start3A_119 : memref<20480x64xf32, #tpu.memory_space<hbm>>) target(%arg9 : memref<128x64xf32, #tpu.memory_space<vmem>>) offsets(%dma_start3A_116 : memref<128xi32, #tpu.memory_space<vmem>>) semaphore(%arg13 : memref<!tpu.dma_semaphore, #tpu.memory_space<semaphore_mem>>)
      } else {
      }
      %mul3A_80 = arith.constant 4 : i32
      %mul3A_81 = arith.muli %scan3A_49, %mul3A_80 : i32
      %add3A_82 = arith.constant 2 : i32
      %add3A_83 = arith.addi %mul3A_81, %add3A_82 : i32
      %dma_wait3A_84 = arith.constant 0 : i32
      %dma_wait3A_85 = tpu.memref_slice %arg6[%add3A_83, %dma_wait3A_84] : memref<160x128xi32, #tpu.memory_space<vmem>> -> memref<1x128xi32, #tpu.memory_space<vmem>>
      %dma_wait3A_86 = tpu.memref_squeeze %dma_wait3A_85 : memref<1x128xi32, #tpu.memory_space<vmem>> -> memref<128xi32, #tpu.memory_space<vmem>>
      %dma_wait3A_87 = arith.constant 0 : i32
      %dma_wait3A_88 = arith.constant 0 : i32
      %dma_wait3A_89 = tpu.memref_slice %arg2[%dma_wait3A_87, %dma_wait3A_88] : memref<20480x64xf32, #tpu.memory_space<hbm>> -> memref<20480x64xf32, #tpu.memory_space<hbm>>
      tpu.wait_indirect_dma semaphore(%arg14 : memref<!tpu.dma_semaphore, #tpu.memory_space<semaphore_mem>>) src(%dma_wait3A_89 : memref<20480x64xf32, #tpu.memory_space<hbm>>) dst(%arg10 : memref<128x64xf32, #tpu.memory_space<vmem>>)
      "tpu.region"() ({
        %run_scoped3A = tpu.sem_alloc : memref<!tpu.dma_semaphore, #tpu.memory_space<semaphore_mem>>
        %dma_start3A_114 = arith.constant 0 : i32
        %dma_start3A_115 = tpu.memref_slice %arg7[%add3A_83, %dma_start3A_114] : memref<160x128xi32, #tpu.memory_space<vmem>> -> memref<1x128xi32, #tpu.memory_space<vmem>>
        %dma_start3A_116 = tpu.memref_squeeze %dma_start3A_115 : memref<1x128xi32, #tpu.memory_space<vmem>> -> memref<128xi32, #tpu.memory_space<vmem>>
        %dma_start3A_117 = arith.constant 0 : i32
        %dma_start3A_118 = arith.constant 0 : i32
        %dma_start3A_119 = tpu.memref_slice %arg16[%dma_start3A_117, %dma_start3A_118] : memref<10240x64xf32, #tpu.memory_space<vmem_shared>> -> memref<10240x64xf32, #tpu.memory_space<vmem_shared>>
        tpu.enqueue_indirect_dma source(%arg10 : memref<128x64xf32, #tpu.memory_space<vmem>>) target(%dma_start3A_119 : memref<10240x64xf32, #tpu.memory_space<vmem_shared>>) offsets(%dma_start3A_116 : memref<128xi32, #tpu.memory_space<vmem>>) semaphore(%run_scoped3A : memref<!tpu.dma_semaphore, #tpu.memory_space<semaphore_mem>>) {add = true}
        %dma_wait3A_120 = arith.constant 0 : i32
        %dma_wait3A_121 = tpu.memref_slice %arg7[%add3A_83, %dma_wait3A_120] : memref<160x128xi32, #tpu.memory_space<vmem>> -> memref<1x128xi32, #tpu.memory_space<vmem>>
        %dma_wait3A_122 = tpu.memref_squeeze %dma_wait3A_121 : memref<1x128xi32, #tpu.memory_space<vmem>> -> memref<128xi32, #tpu.memory_space<vmem>>
        %dma_wait3A_123 = arith.constant 0 : i32
        %dma_wait3A_124 = arith.constant 0 : i32
        %dma_wait3A_125 = tpu.memref_slice %arg16[%dma_wait3A_123, %dma_wait3A_124] : memref<10240x64xf32, #tpu.memory_space<vmem_shared>> -> memref<10240x64xf32, #tpu.memory_space<vmem_shared>>
        tpu.wait_indirect_dma semaphore(%run_scoped3A : memref<!tpu.dma_semaphore, #tpu.memory_space<semaphore_mem>>) src(%arg10 : memref<128x64xf32, #tpu.memory_space<vmem>>) dst(%dma_wait3A_125 : memref<10240x64xf32, #tpu.memory_space<vmem_shared>>)
        tpu.yield
      }) : () -> ()
      %add3A_90 = arith.constant 4 : i32
      %add3A_91 = arith.addi %add3A_83, %add3A_90 : i32
      %lt3A_92 = arith.constant 160 : i32
      %lt3A_93 = arith.cmpi slt, %add3A_91, %lt3A_92 : i32
      %convert_element_type3A_94 = arith.extui %lt3A_93 : i1 to i32
      %cond3A_95 = arith.constant 0 : i32
      %cond3A_96 = arith.cmpi ne, %convert_element_type3A_94, %cond3A_95 : i32
      scf.if %cond3A_96 {
        %dma_start3A_114 = arith.constant 0 : i32
        %dma_start3A_115 = tpu.memref_slice %arg6[%add3A_91, %dma_start3A_114] : memref<160x128xi32, #tpu.memory_space<vmem>> -> memref<1x128xi32, #tpu.memory_space<vmem>>
        %dma_start3A_116 = tpu.memref_squeeze %dma_start3A_115 : memref<1x128xi32, #tpu.memory_space<vmem>> -> memref<128xi32, #tpu.memory_space<vmem>>
        %dma_start3A_117 = arith.constant 0 : i32
        %dma_start3A_118 = arith.constant 0 : i32
        %dma_start3A_119 = tpu.memref_slice %arg2[%dma_start3A_117, %dma_start3A_118] : memref<20480x64xf32, #tpu.memory_space<hbm>> -> memref<20480x64xf32, #tpu.memory_space<hbm>>
        tpu.enqueue_indirect_dma source(%dma_start3A_119 : memref<20480x64xf32, #tpu.memory_space<hbm>>) target(%arg10 : memref<128x64xf32, #tpu.memory_space<vmem>>) offsets(%dma_start3A_116 : memref<128xi32, #tpu.memory_space<vmem>>) semaphore(%arg14 : memref<!tpu.dma_semaphore, #tpu.memory_space<semaphore_mem>>)
      } else {
      }
      %mul3A_97 = arith.constant 4 : i32
      %mul3A_98 = arith.muli %scan3A_49, %mul3A_97 : i32
      %add3A_99 = arith.constant 3 : i32
      %add3A_100 = arith.addi %mul3A_98, %add3A_99 : i32
      %dma_wait3A_101 = arith.constant 0 : i32
      %dma_wait3A_102 = tpu.memref_slice %arg6[%add3A_100, %dma_wait3A_101] : memref<160x128xi32, #tpu.memory_space<vmem>> -> memref<1x128xi32, #tpu.memory_space<vmem>>
      %dma_wait3A_103 = tpu.memref_squeeze %dma_wait3A_102 : memref<1x128xi32, #tpu.memory_space<vmem>> -> memref<128xi32, #tpu.memory_space<vmem>>
      %dma_wait3A_104 = arith.constant 0 : i32
      %dma_wait3A_105 = arith.constant 0 : i32
      %dma_wait3A_106 = tpu.memref_slice %arg2[%dma_wait3A_104, %dma_wait3A_105] : memref<20480x64xf32, #tpu.memory_space<hbm>> -> memref<20480x64xf32, #tpu.memory_space<hbm>>
      tpu.wait_indirect_dma semaphore(%arg15 : memref<!tpu.dma_semaphore, #tpu.memory_space<semaphore_mem>>) src(%dma_wait3A_106 : memref<20480x64xf32, #tpu.memory_space<hbm>>) dst(%arg11 : memref<128x64xf32, #tpu.memory_space<vmem>>)
      "tpu.region"() ({
        %run_scoped3A = tpu.sem_alloc : memref<!tpu.dma_semaphore, #tpu.memory_space<semaphore_mem>>
        %dma_start3A_114 = arith.constant 0 : i32
        %dma_start3A_115 = tpu.memref_slice %arg7[%add3A_100, %dma_start3A_114] : memref<160x128xi32, #tpu.memory_space<vmem>> -> memref<1x128xi32, #tpu.memory_space<vmem>>
        %dma_start3A_116 = tpu.memref_squeeze %dma_start3A_115 : memref<1x128xi32, #tpu.memory_space<vmem>> -> memref<128xi32, #tpu.memory_space<vmem>>
        %dma_start3A_117 = arith.constant 0 : i32
        %dma_start3A_118 = arith.constant 0 : i32
        %dma_start3A_119 = tpu.memref_slice %arg16[%dma_start3A_117, %dma_start3A_118] : memref<10240x64xf32, #tpu.memory_space<vmem_shared>> -> memref<10240x64xf32, #tpu.memory_space<vmem_shared>>
        tpu.enqueue_indirect_dma source(%arg11 : memref<128x64xf32, #tpu.memory_space<vmem>>) target(%dma_start3A_119 : memref<10240x64xf32, #tpu.memory_space<vmem_shared>>) offsets(%dma_start3A_116 : memref<128xi32, #tpu.memory_space<vmem>>) semaphore(%run_scoped3A : memref<!tpu.dma_semaphore, #tpu.memory_space<semaphore_mem>>) {add = true}
        %dma_wait3A_120 = arith.constant 0 : i32
        %dma_wait3A_121 = tpu.memref_slice %arg7[%add3A_100, %dma_wait3A_120] : memref<160x128xi32, #tpu.memory_space<vmem>> -> memref<1x128xi32, #tpu.memory_space<vmem>>
        %dma_wait3A_122 = tpu.memref_squeeze %dma_wait3A_121 : memref<1x128xi32, #tpu.memory_space<vmem>> -> memref<128xi32, #tpu.memory_space<vmem>>
        %dma_wait3A_123 = arith.constant 0 : i32
        %dma_wait3A_124 = arith.constant 0 : i32
        %dma_wait3A_125 = tpu.memref_slice %arg16[%dma_wait3A_123, %dma_wait3A_124] : memref<10240x64xf32, #tpu.memory_space<vmem_shared>> -> memref<10240x64xf32, #tpu.memory_space<vmem_shared>>
        tpu.wait_indirect_dma semaphore(%run_scoped3A : memref<!tpu.dma_semaphore, #tpu.memory_space<semaphore_mem>>) src(%arg11 : memref<128x64xf32, #tpu.memory_space<vmem>>) dst(%dma_wait3A_125 : memref<10240x64xf32, #tpu.memory_space<vmem_shared>>)
        tpu.yield
      }) : () -> ()
      %add3A_107 = arith.constant 4 : i32
      %add3A_108 = arith.addi %add3A_100, %add3A_107 : i32
      %lt3A_109 = arith.constant 160 : i32
      %lt3A_110 = arith.cmpi slt, %add3A_108, %lt3A_109 : i32
      %convert_element_type3A_111 = arith.extui %lt3A_110 : i1 to i32
      %cond3A_112 = arith.constant 0 : i32
      %cond3A_113 = arith.cmpi ne, %convert_element_type3A_111, %cond3A_112 : i32
      scf.if %cond3A_113 {
        %dma_start3A_114 = arith.constant 0 : i32
        %dma_start3A_115 = tpu.memref_slice %arg6[%add3A_108, %dma_start3A_114] : memref<160x128xi32, #tpu.memory_space<vmem>> -> memref<1x128xi32, #tpu.memory_space<vmem>>
        %dma_start3A_116 = tpu.memref_squeeze %dma_start3A_115 : memref<1x128xi32, #tpu.memory_space<vmem>> -> memref<128xi32, #tpu.memory_space<vmem>>
        %dma_start3A_117 = arith.constant 0 : i32
        %dma_start3A_118 = arith.constant 0 : i32
        %dma_start3A_119 = tpu.memref_slice %arg2[%dma_start3A_117, %dma_start3A_118] : memref<20480x64xf32, #tpu.memory_space<hbm>> -> memref<20480x64xf32, #tpu.memory_space<hbm>>
        tpu.enqueue_indirect_dma source(%dma_start3A_119 : memref<20480x64xf32, #tpu.memory_space<hbm>>) target(%arg11 : memref<128x64xf32, #tpu.memory_space<vmem>>) offsets(%dma_start3A_116 : memref<128xi32, #tpu.memory_space<vmem>>) semaphore(%arg15 : memref<!tpu.dma_semaphore, #tpu.memory_space<semaphore_mem>>)
      } else {
      }
    }
    %scan3A_45 = arith.constant 40 : i32
    %barrier3A_46 = arith.constant 0 : index
    tpu.barrier barrier_id(%barrier3A_46)
    %mul3A_47 = arith.constant 64 : i32
    %mul3A_48 = arith.muli %arg0, %mul3A_47 : i32
    "tpu.region"() ({
      %run_scoped3A = tpu.sem_alloc : memref<!tpu.dma_semaphore, #tpu.memory_space<semaphore_mem>>
      %dma_start3A_49 = tpu.memref_slice %arg5[%mul3A_4, %mul3A_48] : memref<10240x128xf32, #tpu.memory_space<hbm>> -> memref<640x64xf32, #tpu.memory_space<hbm>>
      %dma_start3A_50 = arith.constant 0 : i32
      %dma_start3A_51 = tpu.memref_slice %arg16[%mul3A_4, %dma_start3A_50] : memref<10240x64xf32, #tpu.memory_space<vmem_shared>> -> memref<640x64xf32, #tpu.memory_space<vmem_shared>>
      tpu.enqueue_dma source(%dma_start3A_51 : memref<640x64xf32, #tpu.memory_space<vmem_shared>>) target(%dma_start3A_49 : memref<640x64xf32, #tpu.memory_space<hbm>>) target_semaphore(%run_scoped3A : memref<!tpu.dma_semaphore, #tpu.memory_space<semaphore_mem>>)
      %dma_wait3A = tpu.memref_slice %arg5[%mul3A_4, %mul3A_48] : memref<10240x128xf32, #tpu.memory_space<hbm>> -> memref<640x64xf32, #tpu.memory_space<hbm>>
      %dma_wait3A_52 = arith.constant 0 : i32
      %dma_wait3A_53 = tpu.memref_slice %arg16[%mul3A_4, %dma_wait3A_52] : memref<10240x64xf32, #tpu.memory_space<vmem_shared>> -> memref<640x64xf32, #tpu.memory_space<vmem_shared>>
      tpu.wait_dma2 semaphore(%run_scoped3A : memref<!tpu.dma_semaphore, #tpu.memory_space<semaphore_mem>>) src(%dma_wait3A_53 : memref<640x64xf32, #tpu.memory_space<vmem_shared>>) dst(%dma_wait3A : memref<640x64xf32, #tpu.memory_space<hbm>>)
      tpu.yield
    }) : () -> ()
    return
  }
}

module attributes {stable_mosaic.version = 14 : i64} {
  func.func @_first_body(%arg0: i32, %arg1: memref<5120x128xf32, #tpu.memory_space<vmem>>, %arg2: memref<5120x128xf32, #tpu.memory_space<vmem>>, %arg3: memref<128x128xf32, #tpu.memory_space<vmem>>, %arg4: memref<5120x128xf32, #tpu.memory_space<vmem>>, %arg5: memref<5120x1xf32, #tpu.memory_space<vmem>>) attributes {dimension_semantics = [#tpu.dimension_semantics<arbitrary>], iteration_bounds = array<i64: 2>, scalar_prefetch = 0 : i64, scratch_operands = 0 : i64, tpu.core_type = #tpu.core_type<tc>, window_params = [{transform_indices = @transform_0, window_bounds = array<i64: 5120, 128>}, {transform_indices = @transform_1, window_bounds = array<i64: 5120, 128>}, {pipeline_mode = #tpu.pipeline_mode<synchronous>, transform_indices = @transform_2, window_bounds = array<i64: 128, 128>}, {transform_indices = @transform_3, window_bounds = array<i64: 5120, 128>}, {transform_indices = @transform_4, window_bounds = array<i64: 5120, 1>}]} {
    %get3A = arith.constant 0 : index
    %get3A_0 = arith.constant 0 : index
    %get3A_1 = vector.load %arg1[%get3A, %get3A_0] : memref<5120x128xf32, #tpu.memory_space<vmem>>, vector<5120x1xf32>
    %add3A = arith.constant 1.000000e+00 : f32
    %add3A_2 = vector.broadcast %add3A : f32 to vector<5120x1xf32>
    %add3A_3 = arith.addf %add3A_2, %get3A_1 : vector<5120x1xf32>
    %get3A_4 = arith.constant 0 : index
    %get3A_5 = arith.constant 16 : index
    %get3A_6 = vector.load %arg1[%get3A_4, %get3A_5] : memref<5120x128xf32, #tpu.memory_space<vmem>>, vector<5120x1xf32>
    %add3A_7 = arith.addf %add3A_3, %get3A_6 : vector<5120x1xf32>
    %mul3A = arith.constant 5120 : i32
    %mul3A_8 = arith.muli %arg0, %mul3A : i32
    %iota3A = tpu.iota {dimensions = array<i32: 0>} : vector<5120x1xi32>
    %add3A_9 = vector.broadcast %mul3A_8 : i32 to vector<5120x1xi32>
    %add3A_10 = arith.addi %add3A_9, %iota3A : vector<5120x1xi32>
    %lt3A = arith.constant 10000 : i32
    %lt3A_11 = vector.broadcast %lt3A : i32 to vector<5120x1xi32>
    %lt3A_12 = arith.cmpi slt, %add3A_10, %lt3A_11 : vector<5120x1xi32>
    %rsqrt3A = math.rsqrt %add3A_7 : vector<5120x1xf32>
    %jit3A = arith.constant 0.000000e+00 : f32
    %broadcast_in_dim3A = vector.broadcast %jit3A : f32 to vector<5120x1xf32>
    %select_n3A = arith.select %lt3A_12, %rsqrt3A, %broadcast_in_dim3A : vector<5120x1xi1>, vector<5120x1xf32>
    %swap3A = arith.constant 0 : index
    %swap3A_13 = arith.constant 0 : index
    %swap3A_14 = vector.load %arg5[%swap3A, %swap3A_13] : memref<5120x1xf32, #tpu.memory_space<vmem>>, vector<5120x1xf32>
    tpu.vector_store %arg5[%swap3A, %swap3A_13], %select_n3A {strides = array<i32>} : memref<5120x1xf32, #tpu.memory_space<vmem>>, vector<5120x1xf32>,
    %get3A_15 = arith.constant 0 : index
    %get3A_16 = arith.constant 0 : index
    %get3A_17 = vector.load %arg2[%get3A_15, %get3A_16] : memref<5120x128xf32, #tpu.memory_space<vmem>>, vector<5120x128xf32>
    %get3A_18 = arith.constant 0 : index
    %get3A_19 = arith.constant 0 : index
    %get3A_20 = vector.load %arg3[%get3A_18, %get3A_19] : memref<128x128xf32, #tpu.memory_space<vmem>>, vector<128x128xf32>
    %dot_general3A = arith.constant dense<0.000000e+00> : vector<5120x128xf32>
    %dot_general3A_21 = tpu.matmul %get3A_17, %get3A_20, %dot_general3A {dimension_numbers = #tpu.dot_dimension_numbers<[1], [0], [0], [1], [0, 0, 1, 1], [], []>, transpose_lhs_hint = false} : vector<5120x128xf32>, vector<128x128xf32>, vector<5120x128xf32> -> vector<5120x128xf32>
    %mul3A_22 = vector.broadcast %select_n3A : vector<5120x1xf32> to vector<5120x128xf32>
    %mul3A_23 = arith.mulf %dot_general3A_21, %mul3A_22 : vector<5120x128xf32>
    %swap3A_24 = arith.constant 0 : index
    %swap3A_25 = arith.constant 0 : index
    %swap3A_26 = vector.load %arg4[%swap3A_24, %swap3A_25] : memref<5120x128xf32, #tpu.memory_space<vmem>>, vector<5120x128xf32>
    tpu.vector_store %arg4[%swap3A_24, %swap3A_25], %mul3A_23 {strides = array<i32>} : memref<5120x128xf32, #tpu.memory_space<vmem>>, vector<5120x128xf32>,
    return
  }
  func.func @transform_0(%arg0: i32) -> (i32, i32) {
    %c0_i32 = arith.constant 0 : i32
    %c0_i32_0 = arith.constant 0 : i32
    return %arg0, %c0_i32 : i32, i32
  }
  func.func @transform_1(%arg0: i32) -> (i32, i32) {
    %c0_i32 = arith.constant 0 : i32
    %c0_i32_0 = arith.constant 0 : i32
    return %arg0, %c0_i32 : i32, i32
  }
  func.func @transform_2(%arg0: i32) -> (i32, i32) {
    %c0_i32 = arith.constant 0 : i32
    %c0_i32_0 = arith.constant 0 : i32
    %c0_i32_1 = arith.constant 0 : i32
    return %c0_i32, %c0_i32_0 : i32, i32
  }
  func.func @transform_3(%arg0: i32) -> (i32, i32) {
    %c0_i32 = arith.constant 0 : i32
    %c0_i32_0 = arith.constant 0 : i32
    return %arg0, %c0_i32 : i32, i32
  }
  func.func @transform_4(%arg0: i32) -> (i32, i32) {
    %c0_i32 = arith.constant 0 : i32
    %c0_i32_0 = arith.constant 0 : i32
    return %arg0, %c0_i32 : i32, i32
  }
}

module attributes {stable_mosaic.version = 14 : i64} {
  func.func @_layer_body(%arg0: i32, %arg1: memref<5120x128xf32, #tpu.memory_space<vmem>>, %arg2: memref<5120x128xf32, #tpu.memory_space<vmem>>, %arg3: memref<5120x1xf32, #tpu.memory_space<vmem>>, %arg4: memref<1x128xf32, #tpu.memory_space<vmem>>, %arg5: memref<128x128xf32, #tpu.memory_space<vmem>>, %arg6: memref<5120x128xf32, #tpu.memory_space<vmem>>) attributes {dimension_semantics = [#tpu.dimension_semantics<arbitrary>], iteration_bounds = array<i64: 2>, scalar_prefetch = 0 : i64, scratch_operands = 0 : i64, tpu.core_type = #tpu.core_type<tc>, window_params = [{transform_indices = @transform_0, window_bounds = array<i64: 5120, 128>}, {transform_indices = @transform_1, window_bounds = array<i64: 5120, 128>}, {transform_indices = @transform_2, window_bounds = array<i64: 5120, 1>}, {pipeline_mode = #tpu.pipeline_mode<synchronous>, transform_indices = @transform_3, window_bounds = array<i64: 1, 128>}, {pipeline_mode = #tpu.pipeline_mode<synchronous>, transform_indices = @transform_4, window_bounds = array<i64: 128, 128>}, {transform_indices = @transform_5, window_bounds = array<i64: 5120, 128>}]} {
    %get3A = arith.constant 0 : index
    %get3A_0 = arith.constant 0 : index
    %get3A_1 = vector.load %arg1[%get3A, %get3A_0] : memref<5120x128xf32, #tpu.memory_space<vmem>>, vector<5120x128xf32>
    %get3A_2 = arith.constant 0 : index
    %get3A_3 = arith.constant 0 : index
    %get3A_4 = vector.load %arg2[%get3A_2, %get3A_3] : memref<5120x128xf32, #tpu.memory_space<vmem>>, vector<5120x128xf32>
    %add3A = arith.addf %get3A_1, %get3A_4 : vector<5120x128xf32>
    %get3A_5 = arith.constant 0 : index
    %get3A_6 = arith.constant 0 : index
    %get3A_7 = vector.load %arg3[%get3A_5, %get3A_6] : memref<5120x1xf32, #tpu.memory_space<vmem>>, vector<5120x1xf32>
    %mul3A = vector.broadcast %get3A_7 : vector<5120x1xf32> to vector<5120x128xf32>
    %mul3A_8 = arith.mulf %add3A, %mul3A : vector<5120x128xf32>
    %get3A_9 = arith.constant 0 : index
    %get3A_10 = arith.constant 0 : index
    %get3A_11 = vector.load %arg4[%get3A_9, %get3A_10] : memref<1x128xf32, #tpu.memory_space<vmem>>, vector<1x128xf32>
    %add3A_12 = vector.broadcast %get3A_11 : vector<1x128xf32> to vector<5120x128xf32>
    %add3A_13 = arith.addf %mul3A_8, %add3A_12 : vector<5120x128xf32>
    %max3A = arith.constant 0.000000e+00 : f32
    %max3A_14 = vector.broadcast %max3A : f32 to vector<5120x128xf32>
    %max3A_15 = arith.maximumf %add3A_13, %max3A_14 : vector<5120x128xf32>
    %get3A_16 = arith.constant 0 : index
    %get3A_17 = arith.constant 0 : index
    %get3A_18 = vector.load %arg5[%get3A_16, %get3A_17] : memref<128x128xf32, #tpu.memory_space<vmem>>, vector<128x128xf32>
    %dot_general3A = arith.constant dense<0.000000e+00> : vector<5120x128xf32>
    %dot_general3A_19 = tpu.matmul %max3A_15, %get3A_18, %dot_general3A {dimension_numbers = #tpu.dot_dimension_numbers<[1], [0], [0], [1], [0, 0, 1, 1], [], []>, transpose_lhs_hint = false} : vector<5120x128xf32>, vector<128x128xf32>, vector<5120x128xf32> -> vector<5120x128xf32>
    %get3A_20 = arith.constant 0 : index
    %get3A_21 = arith.constant 0 : index
    %get3A_22 = vector.load %arg3[%get3A_20, %get3A_21] : memref<5120x1xf32, #tpu.memory_space<vmem>>, vector<5120x1xf32>
    %mul3A_23 = vector.broadcast %get3A_22 : vector<5120x1xf32> to vector<5120x128xf32>
    %mul3A_24 = arith.mulf %dot_general3A_19, %mul3A_23 : vector<5120x128xf32>
    %swap3A = arith.constant 0 : index
    %swap3A_25 = arith.constant 0 : index
    %swap3A_26 = vector.load %arg6[%swap3A, %swap3A_25] : memref<5120x128xf32, #tpu.memory_space<vmem>>, vector<5120x128xf32>
    tpu.vector_store %arg6[%swap3A, %swap3A_25], %mul3A_24 {strides = array<i32>} : memref<5120x128xf32, #tpu.memory_space<vmem>>, vector<5120x128xf32>,
    return
  }
  func.func @transform_0(%arg0: i32) -> (i32, i32) {
    %c0_i32 = arith.constant 0 : i32
    %c0_i32_0 = arith.constant 0 : i32
    return %arg0, %c0_i32 : i32, i32
  }
  func.func @transform_1(%arg0: i32) -> (i32, i32) {
    %c0_i32 = arith.constant 0 : i32
    %c0_i32_0 = arith.constant 0 : i32
    return %arg0, %c0_i32 : i32, i32
  }
  func.func @transform_2(%arg0: i32) -> (i32, i32) {
    %c0_i32 = arith.constant 0 : i32
    %c0_i32_0 = arith.constant 0 : i32
    return %arg0, %c0_i32 : i32, i32
  }
  func.func @transform_3(%arg0: i32) -> (i32, i32) {
    %c0_i32 = arith.constant 0 : i32
    %c0_i32_0 = arith.constant 0 : i32
    %c0_i32_1 = arith.constant 0 : i32
    return %c0_i32, %c0_i32_0 : i32, i32
  }
  func.func @transform_4(%arg0: i32) -> (i32, i32) {
    %c0_i32 = arith.constant 0 : i32
    %c0_i32_0 = arith.constant 0 : i32
    %c0_i32_1 = arith.constant 0 : i32
    return %c0_i32, %c0_i32_0 : i32, i32
  }
  func.func @transform_5(%arg0: i32) -> (i32, i32) {
    %c0_i32 = arith.constant 0 : i32
    %c0_i32_0 = arith.constant 0 : i32
    return %arg0, %c0_i32 : i32, i32
  }
}

module attributes {stable_mosaic.version = 14 : i64} {
  func.func @_final_body(%arg0: i32, %arg1: memref<2000x128xf32, #tpu.memory_space<vmem>>, %arg2: memref<2000x128xf32, #tpu.memory_space<vmem>>, %arg3: memref<2000x1xf32, #tpu.memory_space<vmem>>, %arg4: memref<1x128xf32, #tpu.memory_space<vmem>>, %arg5: memref<2000x128xf32, #tpu.memory_space<vmem>>) attributes {dimension_semantics = [#tpu.dimension_semantics<arbitrary>], iteration_bounds = array<i64: 5>, scalar_prefetch = 0 : i64, scratch_operands = 0 : i64, tpu.core_type = #tpu.core_type<tc>, window_params = [{transform_indices = @transform_0, window_bounds = array<i64: 2000, 128>}, {transform_indices = @transform_1, window_bounds = array<i64: 2000, 128>}, {transform_indices = @transform_2, window_bounds = array<i64: 2000, 1>}, {pipeline_mode = #tpu.pipeline_mode<synchronous>, transform_indices = @transform_3, window_bounds = array<i64: 1, 128>}, {transform_indices = @transform_4, window_bounds = array<i64: 2000, 128>}]} {
    %get3A = arith.constant 0 : index
    %get3A_0 = arith.constant 0 : index
    %get3A_1 = vector.load %arg1[%get3A, %get3A_0] : memref<2000x128xf32, #tpu.memory_space<vmem>>, vector<2000x128xf32>
    %get3A_2 = arith.constant 0 : index
    %get3A_3 = arith.constant 0 : index
    %get3A_4 = vector.load %arg2[%get3A_2, %get3A_3] : memref<2000x128xf32, #tpu.memory_space<vmem>>, vector<2000x128xf32>
    %add3A = arith.addf %get3A_1, %get3A_4 : vector<2000x128xf32>
    %get3A_5 = arith.constant 0 : index
    %get3A_6 = arith.constant 0 : index
    %get3A_7 = vector.load %arg3[%get3A_5, %get3A_6] : memref<2000x1xf32, #tpu.memory_space<vmem>>, vector<2000x1xf32>
    %mul3A = vector.broadcast %get3A_7 : vector<2000x1xf32> to vector<2000x128xf32>
    %mul3A_8 = arith.mulf %add3A, %mul3A : vector<2000x128xf32>
    %get3A_9 = arith.constant 0 : index
    %get3A_10 = arith.constant 0 : index
    %get3A_11 = vector.load %arg4[%get3A_9, %get3A_10] : memref<1x128xf32, #tpu.memory_space<vmem>>, vector<1x128xf32>
    %add3A_12 = vector.broadcast %get3A_11 : vector<1x128xf32> to vector<2000x128xf32>
    %add3A_13 = arith.addf %mul3A_8, %add3A_12 : vector<2000x128xf32>
    %reduce_max3A = arith.constant dense<0xFF800000> : vector<2000xf32>
    %reduce_max3A_14 = vector.multi_reduction <maximumf>, %add3A_13, %reduce_max3A [1] : vector<2000x128xf32> to vector<2000xf32>
    %broadcast_in_dim3A = vector.shape_cast %reduce_max3A_14 : vector<2000xf32> to vector<2000x1xf32>
    %sub3A = vector.broadcast %broadcast_in_dim3A : vector<2000x1xf32> to vector<2000x128xf32>
    %sub3A_15 = arith.subf %add3A_13, %sub3A : vector<2000x128xf32>
    %exp3A = math.exp %sub3A_15 : vector<2000x128xf32>
    %reduce_sum3A = arith.constant dense<0.000000e+00> : vector<2000xf32>
    %reduce_sum3A_16 = vector.multi_reduction <add>, %exp3A, %reduce_sum3A [1] : vector<2000x128xf32> to vector<2000xf32>
    %broadcast_in_dim3A_17 = vector.shape_cast %reduce_sum3A_16 : vector<2000xf32> to vector<2000x1xf32>
    %log3A = math.log %broadcast_in_dim3A_17 : vector<2000x1xf32>
    %sub3A_18 = vector.broadcast %broadcast_in_dim3A : vector<2000x1xf32> to vector<2000x128xf32>
    %sub3A_19 = arith.subf %add3A_13, %sub3A_18 : vector<2000x128xf32>
    %sub3A_20 = vector.broadcast %log3A : vector<2000x1xf32> to vector<2000x128xf32>
    %sub3A_21 = arith.subf %sub3A_19, %sub3A_20 : vector<2000x128xf32>
    %swap3A = arith.constant 0 : index
    %swap3A_22 = arith.constant 0 : index
    %swap3A_23 = vector.load %arg5[%swap3A, %swap3A_22] : memref<2000x128xf32, #tpu.memory_space<vmem>>, vector<2000x128xf32>
    tpu.vector_store %arg5[%swap3A, %swap3A_22], %sub3A_21 {strides = array<i32>} : memref<2000x128xf32, #tpu.memory_space<vmem>>, vector<2000x128xf32>,
    return
  }
  func.func @transform_0(%arg0: i32) -> (i32, i32) {
    %c0_i32 = arith.constant 0 : i32
    %c0_i32_0 = arith.constant 0 : i32
    return %arg0, %c0_i32 : i32, i32
  }
  func.func @transform_1(%arg0: i32) -> (i32, i32) {
    %c0_i32 = arith.constant 0 : i32
    %c0_i32_0 = arith.constant 0 : i32
    return %arg0, %c0_i32 : i32, i32
  }
  func.func @transform_2(%arg0: i32) -> (i32, i32) {
    %c0_i32 = arith.constant 0 : i32
    %c0_i32_0 = arith.constant 0 : i32
    return %arg0, %c0_i32 : i32, i32
  }
  func.func @transform_3(%arg0: i32) -> (i32, i32) {
    %c0_i32 = arith.constant 0 : i32
    %c0_i32_0 = arith.constant 0 : i32
    %c0_i32_1 = arith.constant 0 : i32
    return %c0_i32, %c0_i32_0 : i32, i32
  }
  func.func @transform_4(%arg0: i32) -> (i32, i32) {
    %c0_i32 = arith.constant 0 : i32
    %c0_i32_0 = arith.constant 0 : i32
    return %arg0, %c0_i32 : i32, i32
  }
}

</mosaic_0001>

<sc_bundles>
// kernel: kernel.12.cloned.1.call-start
scs
__scs_entry_jumppad:
0x0: {  	(pc) =	sbr.rel $0x88, $3  }
0x1: {  	(tag) =	ssettag $0x0;
	lr =	simm.s32 $0x1  }
0x2: {  	[smem:$0x3F97] =	sst lr;
	_ =	strace $0xD0000000  }
0x3: {  	_ = 	snop  }
0x4: {  	_ = 	snop  }
0x5: {  	_ = 	snop  }
0x6: {  	_ = 	snop  }
0x7: {  	_ = 	snop  }
__scs_overlays_trampoline_lowered:
0x8: {  	[smem:$0x3FA6] =	sst s0  }
0x9: {  	[smem:$0x3FA7] =	sst s1  }
0xa: {  	[smem:$0x3FA8] =	sst s2  }
0xb: {  	[smem:$0x3FA9] =	sst s3  }
0xc: {  	[smem:$0x3FAA] =	sst s4  }
0xd: {  	[smem:$0x3FAB] =	sst s5  }
0xe: {  	[smem:$0x3FAC] =	sst s6  }
0xf: {  	[smem:$0x3FAD] =	sst s7  }
0x10: {  	[smem:$0x3FAE] =	sst s8  }
0x11: {  	[smem:$0x3FAF] =	sst s9;
	s0 =	simm.s32 @!p0 $0x0  }
0x12: {  	s1 =	sld [smem:$0x3F95];
	s0 =	simm.s32 @p0 $0x1  }
0x13: {  	[smem:$0x3FB0] =	sst s0;
	s0 =	simm.s32 @!p1 $0x0  }
0x14: {  	s2 =	sld [smem:$0x3F94];
	s0 =	simm.s32 @p1 $0x1  }
0x15: {  	[smem:$0x3FB1] =	sst s0;
	s0 =	simm.s32 @!p2 $0x0  }
0x16: {  	s3 =	sld [smem:$0x3FDB];
	s0 =	simm.s32 @p2 $0x1  }
0x17: {  	s4 =	simm.s32 $0x1BF5;
	[smem:$0x3FB3] =	sst s0  }
0x18: {  	s0 =	sld [smem:$0x3F96];
	_ =	swait.ge [sflag:s4], $0x0  }
0x19: {  	s7 =	sld [smem:$0x3F97]  }
0x1a: {  	s8 =	sadd.s32 $0xFFFFE003, lr  }
0x1b: {  	s9 =	sadd.s32 $0xFFFFFEF7, lr;
	s5 =	simm.s32 $0xFFFFFFFF;
	p2 =	slt.u32 s8, $0xFFFFF086  }
0x1c: {  	p1 =	slt.u32 s9, $0xF7A;
	s5 =	simm.s32 @!p2 $0x0  }
0x1d: {  	s5 =	simm.s32 @p1 $0x1;
	p0 =	seq.s32 s7, s2  }
0x1e: {  	s7 =	smul.u32 @!p0 $0xF7A, s2;
	p2 =	seq.s32 @!p0 s5, $0x0  }
0x1f: {  	s9 =	smul.u32 $0xF7A, s1;
	s8 =	simm.s32 @!p0 $0x1BF5;
	p2 =	por !p2, p0  }
0x20: {  	[sflag:s8] =	ssyncset.s32 @!p0 $0xFFFFF086;
	s6 =	sadd.s32 @!p0 s3, s7;
	s7 =	simm.s32 @!p0 $0x108  }
0x21: {  	s3 =	sadd.s32 s3, s9;
	s6 =	sadd.s32 @!p0 $0x88, s6;
	s7 =	simm.s32 @p2 $0x1082  }
0x22: {  	[simem:s7], [sflag:s8] =	dma.local @!p0 [hbm:s6], $0xF7A  }
0x23: {  	s9 =	sor.u32 $0xD0000000, s2;
	s6 =	simm.s32 $0x108;
	_ =	swait.ge @!p0 [sflag:s8], $0x0  }
0x24: {  	s3 =	sadd.s32 $0x88, s3;
	s6 =	simm.s32 @!p1 $0x1082;
	[sflag:s4] =	ssyncset.s32 $0xFFFFF086  }
0x25: {  	[simem:s6], [sflag:s4] =	dma.local [hbm:s3], $0xF7A  }
0x26: {  	[smem:$0x3F97] =	sst s1;
	(tag) =	ssettag s2;
	_ =	strace s9  }
0x27: {  	s1 =	sld [smem:$0x3FA7]  }
0x28: {  	s2 =	sld [smem:$0x3FA8]  }
0x29: {  	s4 =	sld [smem:$0x3FAA]  }
0x2a: {  	p0 =	seq.s32 s5, $0x0;
	s5 =	sld [smem:$0x3FAB]  }
0x2b: {  	s6 =	sld [smem:$0x3FAC]  }
0x2c: {  	s7 =	sld [smem:$0x3FAD]  }
0x2d: {  	s3 =	simm.s32 $0x108;
	s8 =	sld [smem:$0x3FAE]  }
0x2e: {  	s3 =	simm.s32 @!p0 $0x1082;
	s9 =	sld [smem:$0x3FAF]  }
0x2f: {  	lr =	sadd.s32 s0, s3;
	s0 =	sld [smem:$0x3FA6]  }
0x30: {  	s3 =	sld [smem:$0x3FA9]  }
0x31: {  	[smem:$0x3FB2] =	sst s10  }
0x32: {  	s10 =	sld [smem:$0x3FB0];
	_ =	sdelay $0x3  }
0x33: {  	p0 =	seq.s32 s10, $0x1;
	s10 =	sld [smem:$0x3FB2];
	_ =	sdelay $0x3  }
0x34: {  	[smem:$0x3FB2] =	sst s10  }
0x35: {  	s10 =	sld [smem:$0x3FB1];
	_ =	sdelay $0x3  }
0x36: {  	p1 =	seq.s32 s10, $0x1;
	s10 =	sld [smem:$0x3FB2];
	_ =	sdelay $0x3  }
0x37: {  	[smem:$0x3FB2] =	sst s10  }
0x38: {  	s10 =	sld [smem:$0x3FB3]  }
0x39: {  	_ = 	snop;
	(pc) =	sbr.ind lr, $3  }
0x3a: {  	_ = 	snop  }
0x3b: {  	_ = 	snop  }
0x3c: {  	p2 =	seq.s32 s10, $0x1;
	s10 =	sld [smem:$0x3FB2]  }
0x3d: {  	_ =	shalt  }
0x3e: {  	_ =	shalt  }
0x3f: {  	_ =	shalt  }
0x40: {  	_ =	shalt  }
0x41: {  	_ =	shalt  }
0x42: {  	_ =	shalt  }
0x43: {  	_ =	shalt  }
0x44: {  	_ =	shalt  }
0x45: {  	_ =	shalt  }
0x46: {  	_ =	shalt  }
0x47: {  	_ =	shalt  }
0x48: {  	_ =	shalt  }
0x49: {  	_ =	shalt  }
0x4a: {  	_ =	shalt  }
0x4b: {  	_ =	shalt  }
0x4c: {  	_ =	shalt  }
0x4d: {  	_ =	shalt  }
0x4e: {  	_ =	shalt  }
0x4f: {  	_ =	shalt  }
0x50: {  	_ =	shalt  }
0x51: {  	_ =	shalt  }
0x52: {  	_ =	shalt  }
0x53: {  	_ =	shalt  }
0x54: {  	_ =	shalt  }
0x55: {  	_ =	shalt  }
0x56: {  	_ =	shalt  }
0x57: {  	_ =	shalt  }
0x58: {  	_ =	shalt  }
0x59: {  	_ =	shalt  }
0x5a: {  	_ =	shalt  }
0x5b: {  	_ =	shalt  }
0x5c: {  	_ =	shalt  }
0x5d: {  	_ =	shalt  }
0x5e: {  	_ =	shalt  }
0x5f: {  	_ =	shalt  }
0x60: {  	_ =	shalt  }
0x61: {  	_ =	shalt  }
0x62: {  	_ =	shalt  }
0x63: {  	_ =	shalt  }
0x64: {  	_ =	shalt  }
0x65: {  	_ =	shalt  }
0x66: {  	_ =	shalt  }
0x67: {  	_ =	shalt  }
0x68: {  	_ =	shalt  }
0x69: {  	_ =	shalt  }
0x6a: {  	_ =	shalt  }
0x6b: {  	_ =	shalt  }
0x6c: {  	_ =	shalt  }
0x6d: {  	_ =	shalt  }
0x6e: {  	_ =	shalt  }
0x6f: {  	_ =	shalt  }
0x70: {  	_ =	shalt  }
0x71: {  	_ =	shalt  }
0x72: {  	_ =	shalt  }
0x73: {  	_ =	shalt  }
0x74: {  	_ =	shalt  }
0x75: {  	_ =	shalt  }
0x76: {  	_ =	shalt  }
0x77: {  	_ =	shalt  }
0x78: {  	_ =	shalt  }
0x79: {  	_ =	shalt  }
0x7a: {  	_ =	shalt  }
0x7b: {  	_ =	shalt  }
0x7c: {  	_ =	shalt  }
0x7d: {  	_ =	shalt  }
0x7e: {  	_ =	shalt  }
0x7f: {  	_ =	shalt  }
0x80: {  	_ =	shalt  }
0x81: {  	_ =	shalt  }
0x82: {  	_ =	shalt  }
0x83: {  	_ =	shalt  }
0x84: {  	_ =	shalt  }
0x85: {  	_ =	shalt  }
0x86: {  	_ =	shalt  }
0x87: {  	_ =	shalt  }
.Lfunc_end0:
.L_simem_size_0:
called_computation_lowered:
.L_overlay_start_0:
0x88: {  	s2 =	sld [smem:$0x3FD9]  }
0x89: {  	s3 =	sld [smem:$0x3FFE];
	_ =	sdelay $0x1  }
0x8a: {  	s1 =	srdreg.scid  }
0x8b: {  	s0 =	sand.u32 $0x1, s1  }
0x8c: {  	s16 =	sshll.u32 s0, $0xA;
	s2 =	sadd.s32 s3, s2  }
0x8d: {  	s2 =	sadd.s32 s2, s16  }
0x8e: {  	[smem:$0x3FBE] =	sst s2  }
0x8f: {  	_ = 	snop  }
0x90: {  	(tm) =	ssettm $0x1  }
0x91: {  	s17 =	sld [smem:$0x3FFB];
	_ =	sdelay $0x3  }
0x92: {  	_ =	strace s17  }
0x93: {  	s2 =	sld [smem:$0x3FFC];
	_ =	sdelay $0x3  }
0x94: {  	_ =	strace s2  }
0x95: {  	s2 =	sld [smem:$0x3FFD];
	_ =	sdelay $0x3  }
0x96: {  	_ =	strace s2  }
0x97: {  	_ =	strace $0x8FFFFFFF  }
0x98: {  	s18 =	sld [smem:$0x3FDB];
	_ =	sdelay $0x1  }
0x99: {  	s19 =	simm.s32 $_scs_section_size  }
0x9a: {  	s4 =	simm.s32 $_size__tile_overlayer_lowered;
	s5 =	simm.s32 $_tile_overlayer_lowered  }
0x9b: {  	s22 =	simm.s32 $0x1BFF;
	s21 =	sshll.u32 s5, $0x1;
	s2 =	sadd.s32 s19, s18  }
0x9c: {  	s6 =	simm.s32 $0x0;
	s20 =	sshll.u32 s4, $0x1;
	s4 =	sadd.s32 s21, s2  }
0x9d: {  	[timem:s6], [sflag:s22] =	dma.local [hbm:s4], s20  }
0x9e: {  	_ =	swait.ge [sflag:s22], s20  }
0x9f: {  	s3 =	ssub.s32 $0x0, s20;
	[sflag:s22] =	ssyncset.done $0x0  }
0xa0: {  	[sflag:s22] =	ssyncadd.s32 s3;
	_ =	sdelay $0x1  }
0xa1: {  	s23 =	simm.s32 $0x1B8B  }
0xa2: {  	_ =	swait.ge [sflag:s23], $0x1  }
0xa3: {  	[sflag:s23] =	ssyncset.done $0x0  }
0xa4: {  	s25 =	simm.s32 $0x1B8E;
	s24 =	sld [smem:$0x3FFE];
	[sflag:s23] =	ssyncadd.s32 $0xFFFFFFFF  }
0xa5: {  	s26 =	simm.s32 $execute0_lowered;
	[smem:$0x3FD2] =	sst s25  }
0xa6: {  	s4 =	sshll.u32 s26, $0x1;
	_ =	strace $0x80000046;
	[dreg:$0x1] =	wrdreg $0xFFFFFFFF  }
0xa7: {  	s28 =	simm.s32 $_size_execute0_lowered;
	s2 =	sadd.s32 s2, s4;
	[dreg:$0x0] =	wrdreg $0x0  }
0xa8: {  	s4 =	sshll.u32 s28, $0x1;
	[dreg:$0x2] =	wrdreg s2  }
0xa9: {  	[dreg:$0x3] =	wrdreg s4  }
0xaa: {  	[dreg:$0x4] =	wrdreg $0xC0  }
0xab: {  	_ =	task [dreg:s6], $0x5FFFF  }
0xac: {  	[dreg:$0x1] =	wrdreg $0xFFFFFFFF  }
0xad: {  	[dreg:$0x0] =	wrdreg $0x60  }
0xae: {  	[dreg:$0x2] =	wrdreg s24  }
0xaf: {  	[dreg:$0x3] =	wrdreg $0x38000  }
0xb0: {  	[dreg:$0x4] =	wrdreg $0x9  }
0xb1: {  	_ =	task.clear_ibuf [dreg:s6], $0x5FFFF;
	_ =	strace $0x90000046  }
0xb2: {  	s29 =	simm.s32 $0x9;
	_ =	strace $0x80000048  }
0xb3: {  	_ =	swait.ge [sflag:s29], $0x1  }
0xb4: {  	[sflag:s29] =	ssyncadd.s32 $0xFFFFFFFF  }
0xb5: {  	_ =	strace $0x90000048  }
0xb6: {  	_ =	sfence  }
0xb7: {  	s30 =	sld [smem:$0x0];
	_ =	sdelay $0x2  }
0xb8: {  	s31 =	sshll.u32 s1, $0xD;
	s1 =	sshrl.u32 s1, $0x2  }
0xb9: {  	s3 =	sand.u32 $0x4000, s31;
	s1 =	sadd.s32 s1, s30  }
0xba: {  	s0 =	sor.u32 s3, s0;
	s1 =	sshll.u32 s1, $0x11  }
0xbb: {  	s0 =	sor.u32 s1, s0  }
0xbc: {  	s0 =	sadd.s32 $0x8F2B, s0  }
0xbd: {  	[sflag:s0] =	ssyncadd.remote.s32 $0x1  }
0xbe: {  	_ =	sfence.sel $0xFFFF  }
0xbf: {  	[dreg:$0x0] =	wrdreg $0xFFFFFFFF;
	(pc) =	sbr.abs _section_cstart, $3  }
0xc0: {  	[dreg:$0x1] =	wrdreg $0xFFFFFFFF  }
0xc1: {  	_ =	task.clear_ibuf [dreg:s6], $0x2FFFF;
	_ =	strace $0x9FFFFFFF  }
0xc2: {  	(tm) =	ssettm $0x7FFFFFFF  }
0xc3: {  	_ =	shalt  }
tec
execute0_lowered:
.L_overlay_start_1:
0x0: {  	(tag) =	ssettag $0x1  }
0x1: {  	s6 =	rddreg [dreg:$0x0]  }
0x2: {  	s0 =	srdreg.scid;
	s2 =	rddreg [dreg:$0x1]  }
0x3: {  	s3 =	simm.s32 $0x0;
	s13 =	simm.s32 $0x1;
	s14 =	simm.s32 $0x80  }
0x4: {  	s15 =	simm.s32 $0x2800;
	s4 =	sand.u32 $0x1, s0;
	s0 =	stileid.u32  }
0x5: {  	s18 =	simm.s32 $0x10;
	s19 =	simm.s32 $0x2;
	s8 =	smul.u32 $0x14000, s0  }
0x6: {  	[smem:$0x7FF] =	sst s3;
	s5 =	sshll.u32 s4, $0x4;
	s9 =	smul.u32 $0xA000, s0  }
0x7: {  	s29 =	ssub.s32 $0x2, s4;
	s16 =	sshll.u32 s0, $0x6;
	s1 =	sor.u32 s0, s5  }
0x8: {  	s31 =	sshrl.u32 s29, $0x1;
	s16 =	sor.u32 $0x1C01, s16;
	s7 =	smul.u32 $0x500, s1  }
0x9: {  	s1 =	rddreg [dreg:$0x2];
	_ =	strace $0x80000047;
	s5 =	sor.u32 s5, s8  }
0xa: {  	s30 =	sshrl.u32 s9, $0x2;
	s12 =	ssub.s32 s29, s31;
	s5 =	sshrl.u32 s5, $0x3  }
0xb: {  	s4 =	sadd.s32 s30, s2;
	s10 =	sadd.s32 s7, s6;
	s11 =	sadd.s32 s5, s6  }
0xc: {  	s5 =	sadd.s32 $0x800, s4;
	s6 =	sadd.s32 $0x1000, s4;
	s7 =	sadd.s32 $0x1800, s4  }
0xd: {  	s8 =	sadd.s32 $0x2000, s4;
	s17 =	sshrl.u32 s4, $0x3;
	s9 =	sadd.s32 $0x5A00, s10  }
0xe: {  	v0 =	vimm.f32 $1.000000000e+00;
	v1 =	vimm.f32 $0.0e+00;
	s10 =	sadd.s32 $0xFA00, s11;
	s11 =	smax.u32 s12, $0x1;
	s12 =	simm.s32 $0x3000  }
.LBB2_1:
0xf: {  	s20 =	simm.s32 $0x40;
	s21 =	simm.s32 $0x0  }
.LBB2_2:
0x10: {  	p0 =	sne.s32 s20, $0x1FC0;
	[tilespmem:s21+$0x2800] =	vst v0;
	s22 =	smov.u32 s20;
	s20 =	sadd.s32 $0x40, s20  }
.Ltmp0:
0x11: {  	[tilespmem:s21+$0x3000] =	vst v1;
	(pc) =	sbr.rel @p0 .LBB2_2-.Ltmp0, $2  }
0x12: {  	_ =	sdelay $0x2  }
0x13: {  	s21 =	sshra.s32 s22, $0x2  }
0x14: {  	[tilespmem:s21+$0x2800] =	vst v0  }
0x15: {  	[tilespmem:s21+$0x3000] =	vst v1  }
0x16: {  	[spmem:s4] =	stream.linear.scatter [tilespmem:s12], [sflag:$0x1], $0x800, $0x38;
	[tilespmem:$0x6000] =	vst v63  }
0x17: {  	_ =	swait.ge [sflag:s13], $0x800  }
0x18: {  	[sflag:s13] =	ssyncset.done $0x0  }
0x19: {  	[sflag:s13] =	ssyncadd.s32 $0xFFFFF800  }
0x1a: {  	[spmem:s5] =	stream.linear.scatter [tilespmem:s12], [sflag:$0x1], $0x800, $0x38;
	[tilespmem:$0x6000] =	vst v63  }
0x1b: {  	_ =	swait.ge [sflag:s13], $0x800  }
0x1c: {  	[sflag:s13] =	ssyncset.done $0x0  }
0x1d: {  	[sflag:s13] =	ssyncadd.s32 $0xFFFFF800  }
0x1e: {  	[spmem:s6] =	stream.linear.scatter [tilespmem:s12], [sflag:$0x1], $0x800, $0x38;
	[tilespmem:$0x6000] =	vst v63  }
0x1f: {  	_ =	swait.ge [sflag:s13], $0x800  }
0x20: {  	[sflag:s13] =	ssyncset.done $0x0  }
0x21: {  	[sflag:s13] =	ssyncadd.s32 $0xFFFFF800  }
0x22: {  	[spmem:s7] =	stream.linear.scatter [tilespmem:s12], [sflag:$0x1], $0x800, $0x38;
	[tilespmem:$0x6000] =	vst v63  }
0x23: {  	_ =	swait.ge [sflag:s13], $0x800  }
0x24: {  	[sflag:s13] =	ssyncset.done $0x0  }
0x25: {  	[sflag:s13] =	ssyncadd.s32 $0xFFFFF800  }
0x26: {  	[spmem:s8] =	stream.linear.scatter [tilespmem:s12], [sflag:$0x1], $0x800, $0x38;
	[tilespmem:$0x6000] =	vst v63  }
0x27: {  	_ =	swait.ge [sflag:s13], $0x800  }
0x28: {  	[sflag:s13] =	ssyncset.done $0x0  }
0x29: {  	[sflag:s13] =	ssyncadd.s32 $0xFFFFF800  }
0x2a: {  	s20 =	simm.s32 $0x0;
	[bflag:$0x0] =	sbarrier.arrive $0xFFFF  }
0x2b: {  	[tilespmem:s20], [sflag:$0x1] =	stream.linear.gather [hbm4b:s9+s20], $0x2800, $0x38;
	[tilespmem:$0x6000] =	vst v63  }
0x2c: {  	_ =	swait.ge [sflag:s13], $0x2800  }
0x2d: {  	[sflag:s13] =	ssyncset.done $0x0  }
0x2e: {  	s31 =	simm.s32 $0x0;
	[sflag:s13] =	ssyncadd.s32 $0xFFFFD800  }
0x2f: {  	[spmem:s2] =	stream.indirect.scatter.add.f32 [tilespmem:s15], [sflag:$0x1], $0x10, s31, s14, $0xb8;
	[tilespmem:$0x6000] =	vst v63  }
0x30: {  	_ =	swait.ge [sflag:s13], $0x800  }
0x31: {  	s20 =	simm.s32 $0x200;
	[sflag:s13] =	ssyncset.done $0x0  }
.LBB2_4:
0x32: {  	s21 =	sshra.s32 s20, $0x2;
	[sflag:s13] =	ssyncadd.s32 $0xFFFFF800;
	p0 =	sne.s32 s20, $0x9E00  }
0x33: {  	[spmem:s2] =	stream.indirect.scatter.add.f32 [tilespmem:s15], [sflag:$0x1], $0x10, s21, s14, $0xb8;
	[tilespmem:$0x6000] =	vst v63  }
.Ltmp1:
0x34: {  	_ = 	snop;
	(pc) =	sbr.rel @p0 .LBB2_4-.Ltmp1, $4  }
0x35: {  	_ = 	snop  }
0x36: {  	s20 =	sadd.s32 $0x200, s20  }
0x37: {  	_ =	swait.ge [sflag:s13], $0x800  }
0x38: {  	[sflag:s13] =	ssyncset.done $0x0  }
0x39: {  	s3 =	sadd.s32 $0x1, s3  }
0x3a: {  	[sflag:s13] =	ssyncadd.s32 $0xFFFFF800;
	p0 =	sne.s32 s3, s11  }
.Ltmp2:
0x3b: {  	[bflag:$0x0] =	sbarrier.arrive $0xFFFF;
	(pc) =	sbr.rel @p0 .LBB2_1-.Ltmp2, $4  }
0x3c: {  	[hbm:s10@s18], [sflag:s16] =	dma.strided [spmem:s17@s19], $0x500, s13, $0x2   }
0x3d: {  	_ =	swait.ge [sflag:s13], $0x500  }
0x3e: {  	[sflag:s13] =	ssyncset.done $0x0  }
0x3f: {  	[sflag:s13] =	ssyncadd.s32 $0xFFFFFB00  }
0x40: {  	_ =	sfence.sel $0x180000  }
0x41: {  	[bflag:$0x0] =	sbarrier.arrive $0xFFFF  }
0x42: {  	p0 =	sne.s32 s0, $0x0;
	_ =	strace $0x90000047  }
0x43: {  	s0 =	sadd.s32 @!p0 $0x100000, s1;
	[bflag:$0x2] =	sbarrier.arrive $0xFFFF  }
0x44: {  	[sflag:s0] =	ssyncadd.tile.s32 @!p0 $0x1;
	_ =	shalt  }
.Lfunc_end2:
_tile_overlayer_lowered:
.L_overlay_start_2:
0x45: {  	(tag) =	ssettag $0x2  }
0x46: {  	s0 =	rddreg [dreg:$0x0];
	s2 =	stileid.u32  }
0x47: {  	s1 =	rddreg [dreg:$0x1];
	p0 =	sne.s32 s2, $0x0  }
0x48: {  	s3 =	rddreg [dreg:$0x2];
	[bflag:$0x3] =	sbarrier.arrive $0xFFFF;
	s2 =	simm.s32 @!p0 $0x1C01  }
0x49: {  	[timem:s3], [sflag:s2] =	dma.local @!p0 [hbm:s0], s1  }
0x4a: {  	s0 =	simm.s32 @!p0 $0x1  }
0x4b: {  	_ =	swait.ge @!p0 [sflag:s0], s1  }
0x4c: {  	s1 =	ssub.s32 @!p0 $0x0, s1;
	[sflag:s0] =	ssyncset.done @!p0 $0x0  }
0x4d: {  	[sflag:s0] =	ssyncadd.s32 @!p0 s1  }
0x4e: {  	[bflag:$0x3] =	sbarrier.arrive $0xFFFF  }
0x4f: {  	_ =	shalt  }

// kernel: kernel.15.cloned.1.call-start
scs
__scs_entry_jumppad:
0x0: {  	(pc) =	sbr.rel $0x88, $3  }
0x1: {  	(tag) =	ssettag $0x0;
	lr =	simm.s32 $0x1  }
0x2: {  	[smem:$0x3F97] =	sst lr;
	_ =	strace $0xD0000000  }
0x3: {  	_ = 	snop  }
0x4: {  	_ = 	snop  }
0x5: {  	_ = 	snop  }
0x6: {  	_ = 	snop  }
0x7: {  	_ = 	snop  }
__scs_overlays_trampoline_lowered:
0x8: {  	[smem:$0x3FA6] =	sst s0  }
0x9: {  	[smem:$0x3FA7] =	sst s1  }
0xa: {  	[smem:$0x3FA8] =	sst s2  }
0xb: {  	[smem:$0x3FA9] =	sst s3  }
0xc: {  	[smem:$0x3FAA] =	sst s4  }
0xd: {  	[smem:$0x3FAB] =	sst s5  }
0xe: {  	[smem:$0x3FAC] =	sst s6  }
0xf: {  	[smem:$0x3FAD] =	sst s7  }
0x10: {  	[smem:$0x3FAE] =	sst s8  }
0x11: {  	[smem:$0x3FAF] =	sst s9;
	s0 =	simm.s32 @!p0 $0x0  }
0x12: {  	s1 =	sld [smem:$0x3F95];
	s0 =	simm.s32 @p0 $0x1  }
0x13: {  	[smem:$0x3FB0] =	sst s0;
	s0 =	simm.s32 @!p1 $0x0  }
0x14: {  	s2 =	sld [smem:$0x3F94];
	s0 =	simm.s32 @p1 $0x1  }
0x15: {  	[smem:$0x3FB1] =	sst s0;
	s0 =	simm.s32 @!p2 $0x0  }
0x16: {  	s3 =	sld [smem:$0x3FDB];
	s0 =	simm.s32 @p2 $0x1  }
0x17: {  	s4 =	simm.s32 $0x1BF5;
	[smem:$0x3FB3] =	sst s0  }
0x18: {  	s0 =	sld [smem:$0x3F96];
	_ =	swait.ge [sflag:s4], $0x0  }
0x19: {  	s7 =	sld [smem:$0x3F97]  }
0x1a: {  	s8 =	sadd.s32 $0xFFFFE003, lr  }
0x1b: {  	s9 =	sadd.s32 $0xFFFFFEF7, lr;
	s5 =	simm.s32 $0xFFFFFFFF;
	p2 =	slt.u32 s8, $0xFFFFF086  }
0x1c: {  	p1 =	slt.u32 s9, $0xF7A;
	s5 =	simm.s32 @!p2 $0x0  }
0x1d: {  	s5 =	simm.s32 @p1 $0x1;
	p0 =	seq.s32 s7, s2  }
0x1e: {  	s7 =	smul.u32 @!p0 $0xF7A, s2;
	p2 =	seq.s32 @!p0 s5, $0x0  }
0x1f: {  	s9 =	smul.u32 $0xF7A, s1;
	s8 =	simm.s32 @!p0 $0x1BF5;
	p2 =	por !p2, p0  }
0x20: {  	[sflag:s8] =	ssyncset.s32 @!p0 $0xFFFFF086;
	s6 =	sadd.s32 @!p0 s3, s7;
	s7 =	simm.s32 @!p0 $0x108  }
0x21: {  	s3 =	sadd.s32 s3, s9;
	s6 =	sadd.s32 @!p0 $0x88, s6;
	s7 =	simm.s32 @p2 $0x1082  }
0x22: {  	[simem:s7], [sflag:s8] =	dma.local @!p0 [hbm:s6], $0xF7A  }
0x23: {  	s9 =	sor.u32 $0xD0000000, s2;
	s6 =	simm.s32 $0x108;
	_ =	swait.ge @!p0 [sflag:s8], $0x0  }
0x24: {  	s3 =	sadd.s32 $0x88, s3;
	s6 =	simm.s32 @!p1 $0x1082;
	[sflag:s4] =	ssyncset.s32 $0xFFFFF086  }
0x25: {  	[simem:s6], [sflag:s4] =	dma.local [hbm:s3], $0xF7A  }
0x26: {  	[smem:$0x3F97] =	sst s1;
	(tag) =	ssettag s2;
	_ =	strace s9  }
0x27: {  	s1 =	sld [smem:$0x3FA7]  }
0x28: {  	s2 =	sld [smem:$0x3FA8]  }
0x29: {  	s4 =	sld [smem:$0x3FAA]  }
0x2a: {  	p0 =	seq.s32 s5, $0x0;
	s5 =	sld [smem:$0x3FAB]  }
0x2b: {  	s6 =	sld [smem:$0x3FAC]  }
0x2c: {  	s7 =	sld [smem:$0x3FAD]  }
0x2d: {  	s3 =	simm.s32 $0x108;
	s8 =	sld [smem:$0x3FAE]  }
0x2e: {  	s3 =	simm.s32 @!p0 $0x1082;
	s9 =	sld [smem:$0x3FAF]  }
0x2f: {  	lr =	sadd.s32 s0, s3;
	s0 =	sld [smem:$0x3FA6]  }
0x30: {  	s3 =	sld [smem:$0x3FA9]  }
0x31: {  	[smem:$0x3FB2] =	sst s10  }
0x32: {  	s10 =	sld [smem:$0x3FB0];
	_ =	sdelay $0x3  }
0x33: {  	p0 =	seq.s32 s10, $0x1;
	s10 =	sld [smem:$0x3FB2];
	_ =	sdelay $0x3  }
0x34: {  	[smem:$0x3FB2] =	sst s10  }
0x35: {  	s10 =	sld [smem:$0x3FB1];
	_ =	sdelay $0x3  }
0x36: {  	p1 =	seq.s32 s10, $0x1;
	s10 =	sld [smem:$0x3FB2];
	_ =	sdelay $0x3  }
0x37: {  	[smem:$0x3FB2] =	sst s10  }
0x38: {  	s10 =	sld [smem:$0x3FB3]  }
0x39: {  	_ = 	snop;
	(pc) =	sbr.ind lr, $3  }
0x3a: {  	_ = 	snop  }
0x3b: {  	_ = 	snop  }
0x3c: {  	p2 =	seq.s32 s10, $0x1;
	s10 =	sld [smem:$0x3FB2]  }
0x3d: {  	_ =	shalt  }
0x3e: {  	_ =	shalt  }
0x3f: {  	_ =	shalt  }
0x40: {  	_ =	shalt  }
0x41: {  	_ =	shalt  }
0x42: {  	_ =	shalt  }
0x43: {  	_ =	shalt  }
0x44: {  	_ =	shalt  }
0x45: {  	_ =	shalt  }
0x46: {  	_ =	shalt  }
0x47: {  	_ =	shalt  }
0x48: {  	_ =	shalt  }
0x49: {  	_ =	shalt  }
0x4a: {  	_ =	shalt  }
0x4b: {  	_ =	shalt  }
0x4c: {  	_ =	shalt  }
0x4d: {  	_ =	shalt  }
0x4e: {  	_ =	shalt  }
0x4f: {  	_ =	shalt  }
0x50: {  	_ =	shalt  }
0x51: {  	_ =	shalt  }
0x52: {  	_ =	shalt  }
0x53: {  	_ =	shalt  }
0x54: {  	_ =	shalt  }
0x55: {  	_ =	shalt  }
0x56: {  	_ =	shalt  }
0x57: {  	_ =	shalt  }
0x58: {  	_ =	shalt  }
0x59: {  	_ =	shalt  }
0x5a: {  	_ =	shalt  }
0x5b: {  	_ =	shalt  }
0x5c: {  	_ =	shalt  }
0x5d: {  	_ =	shalt  }
0x5e: {  	_ =	shalt  }
0x5f: {  	_ =	shalt  }
0x60: {  	_ =	shalt  }
0x61: {  	_ =	shalt  }
0x62: {  	_ =	shalt  }
0x63: {  	_ =	shalt  }
0x64: {  	_ =	shalt  }
0x65: {  	_ =	shalt  }
0x66: {  	_ =	shalt  }
0x67: {  	_ =	shalt  }
0x68: {  	_ =	shalt  }
0x69: {  	_ =	shalt  }
0x6a: {  	_ =	shalt  }
0x6b: {  	_ =	shalt  }
0x6c: {  	_ =	shalt  }
0x6d: {  	_ =	shalt  }
0x6e: {  	_ =	shalt  }
0x6f: {  	_ =	shalt  }
0x70: {  	_ =	shalt  }
0x71: {  	_ =	shalt  }
0x72: {  	_ =	shalt  }
0x73: {  	_ =	shalt  }
0x74: {  	_ =	shalt  }
0x75: {  	_ =	shalt  }
0x76: {  	_ =	shalt  }
0x77: {  	_ =	shalt  }
0x78: {  	_ =	shalt  }
0x79: {  	_ =	shalt  }
0x7a: {  	_ =	shalt  }
0x7b: {  	_ =	shalt  }
0x7c: {  	_ =	shalt  }
0x7d: {  	_ =	shalt  }
0x7e: {  	_ =	shalt  }
0x7f: {  	_ =	shalt  }
0x80: {  	_ =	shalt  }
0x81: {  	_ =	shalt  }
0x82: {  	_ =	shalt  }
0x83: {  	_ =	shalt  }
0x84: {  	_ =	shalt  }
0x85: {  	_ =	shalt  }
0x86: {  	_ =	shalt  }
0x87: {  	_ =	shalt  }
.Lfunc_end0:
.L_simem_size_0:
called_computation.1_lowered:
.L_overlay_start_0:
0x88: {  	s2 =	sld [smem:$0x3FD9]  }
0x89: {  	s3 =	sld [smem:$0x3FFE];
	_ =	sdelay $0x1  }
0x8a: {  	s1 =	srdreg.scid  }
0x8b: {  	s0 =	sand.u32 $0x1, s1  }
0x8c: {  	s17 =	sshll.u32 s0, $0xA;
	s2 =	sadd.s32 s3, s2  }
0x8d: {  	s2 =	sadd.s32 s2, s17  }
0x8e: {  	[smem:$0x3FBE] =	sst s2  }
0x8f: {  	_ = 	snop  }
0x90: {  	s2 =	sld [smem:$0x3FD0];
	(tm) =	ssettm $0x1  }
0x91: {  	s18 =	sld [smem:$0x3FFB];
	_ =	sdelay $0x3  }
0x92: {  	_ =	strace s18  }
0x93: {  	s3 =	sld [smem:$0x3FFC];
	_ =	sdelay $0x3  }
0x94: {  	_ =	strace s3  }
0x95: {  	s3 =	sld [smem:$0x3FFD];
	_ =	sdelay $0x3  }
0x96: {  	_ =	strace s3  }
0x97: {  	_ =	strace $0x8FFFFFFF  }
0x98: {  	s19 =	sld [smem:$0x3FDB];
	_ =	sdelay $0x1  }
0x99: {  	s4 =	simm.s32 $_scs_section_size  }
0x9a: {  	s5 =	simm.s32 $_size__tile_overlayer_lowered;
	s6 =	simm.s32 $_tile_overlayer_lowered  }
0x9b: {  	s22 =	simm.s32 $0x1BFF;
	s21 =	sshll.u32 s6, $0x1;
	s3 =	sadd.s32 s4, s19  }
0x9c: {  	s7 =	simm.s32 $0x0;
	s20 =	sshll.u32 s5, $0x1;
	s5 =	sadd.s32 s21, s3  }
0x9d: {  	[timem:s7], [sflag:s22] =	dma.local [hbm:s5], s20  }
0x9e: {  	_ =	swait.ge [sflag:s22], s20  }
0x9f: {  	s4 =	ssub.s32 $0x0, s20;
	[sflag:s22] =	ssyncset.done $0x0  }
0xa0: {  	[sflag:s22] =	ssyncadd.s32 s4;
	_ =	sdelay $0x1  }
0xa1: {  	s23 =	simm.s32 $0x1B8B  }
0xa2: {  	_ =	swait.ge [sflag:s23], $0x1  }
0xa3: {  	[sflag:s23] =	ssyncset.done $0x0  }
0xa4: {  	s25 =	simm.s32 $0x1B8E;
	s24 =	sld [smem:$0x3FFE];
	[sflag:s23] =	ssyncadd.s32 $0xFFFFFFFF  }
0xa5: {  	s26 =	simm.s32 $execute0_lowered;
	[smem:$0x3FD2] =	sst s25  }
0xa6: {  	s5 =	sshll.u32 s26, $0x1;
	_ =	strace $0x80000049;
	[dreg:$0x1] =	wrdreg $0xFFFFFFFF  }
0xa7: {  	s28 =	simm.s32 $_size_execute0_lowered;
	s3 =	sadd.s32 s3, s5;
	[dreg:$0x0] =	wrdreg $0x0  }
0xa8: {  	s5 =	sshll.u32 s28, $0x1;
	[dreg:$0x2] =	wrdreg s3  }
0xa9: {  	[dreg:$0x3] =	wrdreg s5  }
0xaa: {  	[dreg:$0x4] =	wrdreg $0xC0  }
0xab: {  	_ =	task [dreg:s7], $0x5FFFF  }
0xac: {  	[dreg:$0x1] =	wrdreg $0xFFFFFFFF  }
0xad: {  	[dreg:$0x0] =	wrdreg $0x60  }
0xae: {  	[dreg:$0x2] =	wrdreg s24  }
0xaf: {  	[dreg:$0x3] =	wrdreg s2  }
0xb0: {  	[dreg:$0x4] =	wrdreg $0x120000  }
0xb1: {  	[dreg:$0x5] =	wrdreg $0x9  }
0xb2: {  	_ =	task.clear_ibuf [dreg:s7], $0x6FFFF;
	_ =	strace $0x90000049  }
0xb3: {  	s29 =	simm.s32 $0x9;
	_ =	strace $0x8000004B  }
0xb4: {  	_ =	swait.ge [sflag:s29], $0x1  }
0xb5: {  	[sflag:s29] =	ssyncadd.s32 $0xFFFFFFFF  }
0xb6: {  	_ =	strace $0x9000004B  }
0xb7: {  	_ =	sfence  }
0xb8: {  	s30 =	sld [smem:$0x0];
	_ =	sdelay $0x2  }
0xb9: {  	s31 =	sshll.u32 s1, $0xD;
	s1 =	sshrl.u32 s1, $0x2  }
0xba: {  	s3 =	sand.u32 $0x4000, s31;
	s1 =	sadd.s32 s1, s30  }
0xbb: {  	s0 =	sor.u32 s3, s0;
	s1 =	sshll.u32 s1, $0x11  }
0xbc: {  	s0 =	sor.u32 s1, s0  }
0xbd: {  	s0 =	sadd.s32 $0x8F2B, s0  }
0xbe: {  	[sflag:s0] =	ssyncadd.remote.s32 $0x1  }
0xbf: {  	_ =	sfence.sel $0xFFFF  }
0xc0: {  	[dreg:$0x0] =	wrdreg $0xFFFFFFFF;
	(pc) =	sbr.abs _section_cstart, $3  }
0xc1: {  	[dreg:$0x1] =	wrdreg $0xFFFFFFFF  }
0xc2: {  	_ =	task.clear_ibuf [dreg:s7], $0x2FFFF;
	_ =	strace $0x9FFFFFFF  }
0xc3: {  	(tm) =	ssettm $0x7FFFFFFF  }
tec
execute0_lowered:
.L_overlay_start_1:
0x0: {  	(tag) =	ssettag $0x1  }
0x1: {  	s0 =	rddreg [dreg:$0x0]  }
0x2: {  	s1 =	rddreg [dreg:$0x1]  }
0x3: {  	s2 =	rddreg [dreg:$0x2]  }
0x4: {  	s9 =	stileid.u32;
	s3 =	simm.s32 $0x0;
	s4 =	srdreg.scid  }
0x5: {  	s14 =	simm.s32 $0xA000;
	s15 =	simm.s32 $0x5;
	s17 =	simm.s32 $0x80  }
0x6: {  	s18 =	simm.s32 $0xC000;
	s20 =	simm.s32 $0xE000;
	s22 =	simm.s32 $0x10000  }
0x7: {  	s28 =	simm.s32 $0x9E00;
	s29 =	simm.s32 $0x9E80;
	s7 =	smul.u32 $0x5000, s9  }
0x8: {  	s30 =	simm.s32 $0x9F00;
	s31 =	simm.s32 $0x9F80;
	s23 =	smul.u32 $0x14000, s9  }
0x9: {  	[smem:$0x7FF] =	sst s3;
	s5 =	sand.u32 $0x1, s4;
	s9 =	smul.u32 $0x28000, s9  }
0xa: {  	s4 =	sadd.s32 $0xFA00, s0;
	_ =	strace $0x8000004A;
	s6 =	sshll.u32 s5, $0x6  }
0xb: {  	s24 =	ssub.s32 $0x2, s5;
	s10 =	smul.u32 $0x50000, s5;
	s8 =	sshrl.u32 s7, $0x3  }
0xc: {  	s6 =	sor.u32 s6, s23;
	s9 =	sshrl.u32 s9, $0x2;
	s25 =	sshrl.u32 s24, $0x1  }
0xd: {  	s23 =	simm.s32 $0x1;
	s11 =	sadd.s32 s8, s0;
	s6 =	sshrl.u32 s6, $0x3  }
0xe: {  	s5 =	sadd.s32 s9, s2;
	s13 =	ssub.s32 s24, s25;
	s26 =	sadd.s32 s7, s10  }
0xf: {  	s24 =	simm.s32 $0x2;
	s25 =	simm.s32 $0x3;
	s0 =	sadd.s32 s6, s0  }
0x10: {  	s6 =	sadd.s32 $0x2000, s5;
	s7 =	sadd.s32 $0x4000, s5;
	s8 =	sadd.s32 $0x6000, s5  }
0x11: {  	s10 =	sshrl.u32 s26, $0x3;
	s9 =	sadd.s32 $0x8000, s5;
	s11 =	sadd.s32 $0x5A00, s11  }
0x12: {  	s13 =	smax.u32 s13, $0x1;
	s26 =	simm.s32 $0x4;
	s10 =	sadd.s32 s1, s10  }
0x13: {  	v0 =	vimm.f32 $0.0e+00;
	s12 =	sadd.s32 $0x37A00, s0;
	s0 =	simm.s32 $0x10;
	s1 =	simm.s32 $0x8  }
.LBB2_1:
0x14: {  	s19 =	simm.s32 $0x100;
	s16 =	simm.s32 $0x0  }
.LBB2_2:
0x15: {  	p0 =	sne.s32 s19, $0x7F00;
	[tilespmem:s16+$0xA030] =	vst v0;
	s21 =	smov.u32 s19;
	s19 =	sadd.s32 $0x100, s19  }
.Ltmp0:
0x16: {  	[tilespmem:s16+$0xA020] =	vst v0;
	(pc) =	sbr.rel @p0 .LBB2_2-.Ltmp0, $3  }
0x17: {  	[tilespmem:s16+$0xA000] =	vst v0  }
0x18: {  	[tilespmem:s16+$0xA010] =	vst v0;
	_ =	sdelay $0x1  }
0x19: {  	s16 =	sshra.s32 s21, $0x2  }
0x1a: {  	[tilespmem:s16+$0xA030] =	vst v0  }
0x1b: {  	[tilespmem:s16+$0xA020] =	vst v0  }
0x1c: {  	[tilespmem:s16+$0xA000] =	vst v0  }
0x1d: {  	[tilespmem:s16+$0xA010] =	vst v0  }
0x1e: {  	[spmem:s5] =	stream.linear.scatter [tilespmem:s14], [sflag:$0x5], $0x2000, $0x38;
	[tilespmem:$0x1C000] =	vst v63  }
0x1f: {  	_ =	swait.ge [sflag:s15], $0x2000  }
0x20: {  	[sflag:s15] =	ssyncset.done $0x0  }
0x21: {  	[sflag:s15] =	ssyncadd.s32 $0xFFFFE000  }
0x22: {  	[spmem:s6] =	stream.linear.scatter [tilespmem:s14], [sflag:$0x5], $0x2000, $0x38;
	[tilespmem:$0x1C000] =	vst v63  }
0x23: {  	_ =	swait.ge [sflag:s15], $0x2000  }
0x24: {  	[sflag:s15] =	ssyncset.done $0x0  }
0x25: {  	[sflag:s15] =	ssyncadd.s32 $0xFFFFE000  }
0x26: {  	[spmem:s7] =	stream.linear.scatter [tilespmem:s14], [sflag:$0x5], $0x2000, $0x38;
	[tilespmem:$0x1C000] =	vst v63  }
0x27: {  	_ =	swait.ge [sflag:s15], $0x2000  }
0x28: {  	[sflag:s15] =	ssyncset.done $0x0  }
0x29: {  	[sflag:s15] =	ssyncadd.s32 $0xFFFFE000  }
0x2a: {  	[spmem:s8] =	stream.linear.scatter [tilespmem:s14], [sflag:$0x5], $0x2000, $0x38;
	[tilespmem:$0x1C000] =	vst v63  }
0x2b: {  	_ =	swait.ge [sflag:s15], $0x2000  }
0x2c: {  	[sflag:s15] =	ssyncset.done $0x0  }
0x2d: {  	[sflag:s15] =	ssyncadd.s32 $0xFFFFE000  }
0x2e: {  	[spmem:s9] =	stream.linear.scatter [tilespmem:s14], [sflag:$0x5], $0x2000, $0x38;
	[tilespmem:$0x1C000] =	vst v63  }
0x2f: {  	_ =	swait.ge [sflag:s15], $0x2000  }
0x30: {  	[sflag:s15] =	ssyncset.done $0x0  }
0x31: {  	[sflag:s15] =	ssyncadd.s32 $0xFFFFE000  }
0x32: {  	s21 =	simm.s32 $0x0;
	[bflag:$0x0] =	sbarrier.arrive $0xFFFF  }
0x33: {  	[tilespmem:s21], [sflag:$0x5] =	stream.linear.gather [hbm4b:s10+s21], $0x5000, $0x38;
	[tilespmem:$0x1C000] =	vst v63  }
0x34: {  	_ =	swait.ge [sflag:s15], $0x5000  }
0x35: {  	[sflag:s15] =	ssyncset.done $0x0  }
0x36: {  	s19 =	simm.s32 $0x5000;
	[sflag:s15] =	ssyncadd.s32 $0xFFFFB000  }
0x37: {  	[tilespmem:s19], [sflag:$0x5] =	stream.linear.gather [hbm4b:s11+s21], $0x5000, $0x38;
	[tilespmem:$0x1C000] =	vst v63  }
0x38: {  	_ =	swait.ge [sflag:s15], $0x5000  }
0x39: {  	[sflag:s15] =	ssyncset.done $0x0  }
0x3a: {  	[sflag:s15] =	ssyncadd.s32 $0xFFFFB000  }
0x3b: {  	[tilespmem:s14], [sflag:$0x1] =	stream.indirect.gather [hbm4b:s4+s17], $0x40, s21, s17, $0xb8;
	[tilespmem:$0x1C000] =	vst v63  }
0x3c: {  	_ = 	snop  }
0x3d: {  	[tilespmem:s18], [sflag:$0x2] =	stream.indirect.gather [hbm4b:s4+s17], $0x40, s17, s17, $0xb8;
	[tilespmem:$0x1C000] =	vst v63  }
0x3e: {  	s21 =	simm.s32 $0x100  }
0x3f: {  	[tilespmem:s20], [sflag:$0x3] =	stream.indirect.gather [hbm4b:s4+s17], $0x40, s21, s17, $0xb8;
	[tilespmem:$0x1C000] =	vst v63  }
0x40: {  	s19 =	simm.s32 $0x180  }
0x41: {  	[tilespmem:s22], [sflag:$0x4] =	stream.indirect.gather [hbm4b:s4+s17], $0x40, s19, s17, $0xb8;
	[tilespmem:$0x1C000] =	vst v63  }
0x42: {  	_ =	swait.ge [sflag:s23], $0x2000  }
0x43: {  	[sflag:s23] =	ssyncset.done $0x0  }
0x44: {  	s21 =	simm.s32 $0x5000;
	[sflag:s23] =	ssyncadd.s32 $0xFFFFE000  }
0x45: {  	[spmem:s2] =	stream.indirect.scatter.add.f32 [tilespmem:s14], [sflag:$0x5], $0x40, s21, s17, $0xb8;
	[tilespmem:$0x1C000] =	vst v63  }
0x46: {  	_ =	swait.ge [sflag:s15], $0x2000  }
0x47: {  	[sflag:s15] =	ssyncset.done $0x0  }
0x48: {  	s19 =	simm.s32 $0x200;
	[sflag:s15] =	ssyncadd.s32 $0xFFFFE000  }
0x49: {  	[tilespmem:s14], [sflag:$0x1] =	stream.indirect.gather [hbm4b:s4+s17], $0x40, s19, s17, $0xb8;
	[tilespmem:$0x1C000] =	vst v63  }
0x4a: {  	_ =	swait.ge [sflag:s24], $0x2000  }
0x4b: {  	[sflag:s24] =	ssyncset.done $0x0  }
0x4c: {  	s21 =	simm.s32 $0x5080;
	[sflag:s24] =	ssyncadd.s32 $0xFFFFE000  }
0x4d: {  	[spmem:s2] =	stream.indirect.scatter.add.f32 [tilespmem:s18], [sflag:$0x5], $0x40, s21, s17, $0xb8;
	[tilespmem:$0x1C000] =	vst v63  }
0x4e: {  	_ =	swait.ge [sflag:s15], $0x2000  }
0x4f: {  	[sflag:s15] =	ssyncset.done $0x0  }
0x50: {  	s19 =	simm.s32 $0x280;
	[sflag:s15] =	ssyncadd.s32 $0xFFFFE000  }
0x51: {  	[tilespmem:s18], [sflag:$0x2] =	stream.indirect.gather [hbm4b:s4+s17], $0x40, s19, s17, $0xb8;
	[tilespmem:$0x1C000] =	vst v63  }
0x52: {  	_ =	swait.ge [sflag:s25], $0x2000  }
0x53: {  	[sflag:s25] =	ssyncset.done $0x0  }
0x54: {  	s21 =	simm.s32 $0x5100;
	[sflag:s25] =	ssyncadd.s32 $0xFFFFE000  }
0x55: {  	[spmem:s2] =	stream.indirect.scatter.add.f32 [tilespmem:s20], [sflag:$0x5], $0x40, s21, s17, $0xb8;
	[tilespmem:$0x1C000] =	vst v63  }
0x56: {  	_ =	swait.ge [sflag:s15], $0x2000  }
0x57: {  	[sflag:s15] =	ssyncset.done $0x0  }
0x58: {  	s19 =	simm.s32 $0x300;
	[sflag:s15] =	ssyncadd.s32 $0xFFFFE000  }
0x59: {  	[tilespmem:s20], [sflag:$0x3] =	stream.indirect.gather [hbm4b:s4+s17], $0x40, s19, s17, $0xb8;
	[tilespmem:$0x1C000] =	vst v63  }
0x5a: {  	_ =	swait.ge [sflag:s26], $0x2000  }
0x5b: {  	[sflag:s26] =	ssyncset.done $0x0  }
0x5c: {  	s21 =	simm.s32 $0x5180;
	[sflag:s26] =	ssyncadd.s32 $0xFFFFE000  }
0x5d: {  	[spmem:s2] =	stream.indirect.scatter.add.f32 [tilespmem:s22], [sflag:$0x5], $0x40, s21, s17, $0xb8;
	[tilespmem:$0x1C000] =	vst v63  }
0x5e: {  	_ =	swait.ge [sflag:s15], $0x2000  }
0x5f: {  	[sflag:s15] =	ssyncset.done $0x0  }
0x60: {  	s16 =	simm.s32 $0x800;
	s19 =	simm.s32 $0x380;
	[sflag:s15] =	ssyncadd.s32 $0xFFFFE000  }
.LBB2_4:
0x61: {  	[tilespmem:s22], [sflag:$0x4] =	stream.indirect.gather [hbm4b:s4+s17], $0x40, s19, s17, $0xb8;
	[tilespmem:$0x1C000] =	vst v63  }
0x62: {  	s19 =	smov.u32 s16  }
0x63: {  	p0 =	sne.s32 s16, $0x13000;
	s16 =	sadd.s32 $0x800, s16;
	_ =	swait.ge [sflag:s23], $0x2000  }
0x64: {  	s19 =	sshra.s32 s19, $0x2;
	[sflag:s23] =	ssyncset.done $0x0  }
0x65: {  	s21 =	sadd.s32 $0x5000, s19;
	[sflag:s23] =	ssyncadd.s32 $0xFFFFE000  }
0x66: {  	[spmem:s2] =	stream.indirect.scatter.add.f32 [tilespmem:s14], [sflag:$0x5], $0x40, s21, s17, $0xb8;
	[tilespmem:$0x1C000] =	vst v63  }
0x67: {  	_ =	swait.ge [sflag:s15], $0x2000  }
0x68: {  	[sflag:s15] =	ssyncset.done $0x0  }
0x69: {  	s21 =	sadd.s32 $0x200, s19;
	[sflag:s15] =	ssyncadd.s32 $0xFFFFE000  }
0x6a: {  	[tilespmem:s14], [sflag:$0x1] =	stream.indirect.gather [hbm4b:s4+s17], $0x40, s21, s17, $0xb8;
	[tilespmem:$0x1C000] =	vst v63  }
0x6b: {  	_ =	swait.ge [sflag:s24], $0x2000  }
0x6c: {  	[sflag:s24] =	ssyncset.done $0x0  }
0x6d: {  	s21 =	sadd.s32 $0x5080, s19;
	[sflag:s24] =	ssyncadd.s32 $0xFFFFE000  }
0x6e: {  	[spmem:s2] =	stream.indirect.scatter.add.f32 [tilespmem:s18], [sflag:$0x5], $0x40, s21, s17, $0xb8;
	[tilespmem:$0x1C000] =	vst v63  }
0x6f: {  	_ =	swait.ge [sflag:s15], $0x2000  }
0x70: {  	[sflag:s15] =	ssyncset.done $0x0  }
0x71: {  	s21 =	sadd.s32 $0x280, s19;
	[sflag:s15] =	ssyncadd.s32 $0xFFFFE000  }
0x72: {  	[tilespmem:s18], [sflag:$0x2] =	stream.indirect.gather [hbm4b:s4+s17], $0x40, s21, s17, $0xb8;
	[tilespmem:$0x1C000] =	vst v63  }
0x73: {  	_ =	swait.ge [sflag:s25], $0x2000  }
0x74: {  	[sflag:s25] =	ssyncset.done $0x0  }
0x75: {  	s21 =	sadd.s32 $0x5100, s19;
	[sflag:s25] =	ssyncadd.s32 $0xFFFFE000  }
0x76: {  	[spmem:s2] =	stream.indirect.scatter.add.f32 [tilespmem:s20], [sflag:$0x5], $0x40, s21, s17, $0xb8;
	[tilespmem:$0x1C000] =	vst v63  }
0x77: {  	_ =	swait.ge [sflag:s15], $0x2000  }
0x78: {  	[sflag:s15] =	ssyncset.done $0x0  }
0x79: {  	s21 =	sadd.s32 $0x300, s19;
	[sflag:s15] =	ssyncadd.s32 $0xFFFFE000  }
0x7a: {  	[tilespmem:s20], [sflag:$0x3] =	stream.indirect.gather [hbm4b:s4+s17], $0x40, s21, s17, $0xb8;
	[tilespmem:$0x1C000] =	vst v63  }
0x7b: {  	_ =	swait.ge [sflag:s26], $0x2000  }
0x7c: {  	[sflag:s26] =	ssyncset.done $0x0  }
.Ltmp1:
0x7d: {  	s21 =	sadd.s32 $0x5180, s19;
	[sflag:s26] =	ssyncadd.s32 $0xFFFFE000;
	(pc) =	sbr.rel @p0 .LBB2_4-.Ltmp1, $4  }
0x7e: {  	[spmem:s2] =	stream.indirect.scatter.add.f32 [tilespmem:s22], [sflag:$0x5], $0x40, s21, s17, $0xb8;
	[tilespmem:$0x1C000] =	vst v63  }
0x7f: {  	_ =	swait.ge [sflag:s15], $0x2000  }
0x80: {  	[sflag:s15] =	ssyncset.done $0x0  }
0x81: {  	s19 =	sadd.s32 $0x380, s19;
	[sflag:s15] =	ssyncadd.s32 $0xFFFFE000  }
0x82: {  	[tilespmem:s22], [sflag:$0x4] =	stream.indirect.gather [hbm4b:s4+s17], $0x40, s19, s17, $0xb8;
	[tilespmem:$0x1C000] =	vst v63  }
0x83: {  	_ =	swait.ge [sflag:s23], $0x2000  }
0x84: {  	[sflag:s23] =	ssyncset.done $0x0  }
0x85: {  	[sflag:s23] =	ssyncadd.s32 $0xFFFFE000  }
0x86: {  	[spmem:s2] =	stream.indirect.scatter.add.f32 [tilespmem:s14], [sflag:$0x5], $0x40, s28, s17, $0xb8;
	[tilespmem:$0x1C000] =	vst v63  }
0x87: {  	_ =	swait.ge [sflag:s15], $0x2000  }
0x88: {  	[sflag:s15] =	ssyncset.done $0x0  }
0x89: {  	[sflag:s15] =	ssyncadd.s32 $0xFFFFE000  }
0x8a: {  	_ =	swait.ge [sflag:s24], $0x2000  }
0x8b: {  	[sflag:s24] =	ssyncset.done $0x0  }
0x8c: {  	[sflag:s24] =	ssyncadd.s32 $0xFFFFE000  }
0x8d: {  	[spmem:s2] =	stream.indirect.scatter.add.f32 [tilespmem:s18], [sflag:$0x5], $0x40, s29, s17, $0xb8;
	[tilespmem:$0x1C000] =	vst v63  }
0x8e: {  	_ =	swait.ge [sflag:s15], $0x2000  }
0x8f: {  	[sflag:s15] =	ssyncset.done $0x0  }
0x90: {  	[sflag:s15] =	ssyncadd.s32 $0xFFFFE000  }
0x91: {  	_ =	swait.ge [sflag:s25], $0x2000  }
0x92: {  	[sflag:s25] =	ssyncset.done $0x0  }
0x93: {  	[sflag:s25] =	ssyncadd.s32 $0xFFFFE000  }
0x94: {  	[spmem:s2] =	stream.indirect.scatter.add.f32 [tilespmem:s20], [sflag:$0x5], $0x40, s30, s17, $0xb8;
	[tilespmem:$0x1C000] =	vst v63  }
0x95: {  	_ =	swait.ge [sflag:s15], $0x2000  }
0x96: {  	[sflag:s15] =	ssyncset.done $0x0  }
0x97: {  	[sflag:s15] =	ssyncadd.s32 $0xFFFFE000  }
0x98: {  	_ =	swait.ge [sflag:s26], $0x2000  }
0x99: {  	[sflag:s26] =	ssyncset.done $0x0  }
0x9a: {  	[sflag:s26] =	ssyncadd.s32 $0xFFFFE000  }
0x9b: {  	[spmem:s2] =	stream.indirect.scatter.add.f32 [tilespmem:s22], [sflag:$0x5], $0x40, s31, s17, $0xb8;
	[tilespmem:$0x1C000] =	vst v63  }
0x9c: {  	s16 =	stileid.u32;
	_ =	swait.ge [sflag:s15], $0x2000  }
0x9d: {  	s21 =	sshrl.u32 s5, $0x3;
	s3 =	sadd.s32 $0x1, s3;
	[sflag:s15] =	ssyncset.done $0x0  }
0x9e: {  	s16 =	sshll.u32 s16, $0x6;
	p0 =	sne.s32 s3, s13;
	[sflag:s15] =	ssyncadd.s32 $0xFFFFE000  }
.Ltmp2:
0x9f: {  	s16 =	sor.u32 $0x1C05, s16;
	[bflag:$0x0] =	sbarrier.arrive $0xFFFF;
	(pc) =	sbr.rel @p0 .LBB2_1-.Ltmp2, $4  }
0xa0: {  	[hbm:s12@s0], [sflag:s16] =	dma.strided [spmem:s21@s1], $0x1400, s23, $0x8   }
0xa1: {  	_ =	swait.ge [sflag:s15], $0x1400  }
0xa2: {  	[sflag:s15] =	ssyncset.done $0x0  }
0xa3: {  	[sflag:s15] =	ssyncadd.s32 $0xFFFFEC00  }
0xa4: {  	_ =	sfence.sel $0x180000  }
0xa5: {  	[bflag:$0x0] =	sbarrier.arrive $0xFFFF  }
0xa6: {  	_ =	strace $0x9000004A  }
0xa7: {  	s0 =	stileid.u32;
	[bflag:$0x2] =	sbarrier.arrive $0xFFFF  }
0xa8: {  	p0 =	sne.s32 s0, $0x0;
	s0 =	rddreg [dreg:$0x3]  }
0xa9: {  	s0 =	sadd.s32 @!p0 $0x100000, s0  }
0xaa: {  	[sflag:s0] =	ssyncadd.tile.s32 @!p0 $0x1;
	_ =	shalt  }
.Lfunc_end2:
_tile_overlayer_lowered:
.L_overlay_start_2:
0xab: {  	(tag) =	ssettag $0x2  }
0xac: {  	s0 =	rddreg [dreg:$0x0];
	s2 =	stileid.u32  }
0xad: {  	s1 =	rddreg [dreg:$0x1];
	p0 =	sne.s32 s2, $0x0  }
0xae: {  	s3 =	rddreg [dreg:$0x2];
	[bflag:$0x3] =	sbarrier.arrive $0xFFFF;
	s2 =	simm.s32 @!p0 $0x1C05  }
0xaf: {  	[timem:s3], [sflag:s2] =	dma.local @!p0 [hbm:s0], s1  }
0xb0: {  	s0 =	simm.s32 @!p0 $0x5  }
0xb1: {  	_ =	swait.ge @!p0 [sflag:s0], s1  }
0xb2: {  	s1 =	ssub.s32 @!p0 $0x0, s1;
	[sflag:s0] =	ssyncset.done @!p0 $0x0  }
0xb3: {  	[sflag:s0] =	ssyncadd.s32 @!p0 s1  }
0xb4: {  	[bflag:$0x3] =	sbarrier.arrive $0xFFFF  }
0xb5: {  	_ =	shalt  }

// kernel: kernel.18.cloned.1.call-start
scs
__scs_entry_jumppad:
0x0: {  	(pc) =	sbr.rel $0x88, $3  }
0x1: {  	(tag) =	ssettag $0x0;
	lr =	simm.s32 $0x1  }
0x2: {  	[smem:$0x3F97] =	sst lr;
	_ =	strace $0xD0000000  }
0x3: {  	_ = 	snop  }
0x4: {  	_ = 	snop  }
0x5: {  	_ = 	snop  }
0x6: {  	_ = 	snop  }
0x7: {  	_ = 	snop  }
__scs_overlays_trampoline_lowered:
0x8: {  	[smem:$0x3FA6] =	sst s0  }
0x9: {  	[smem:$0x3FA7] =	sst s1  }
0xa: {  	[smem:$0x3FA8] =	sst s2  }
0xb: {  	[smem:$0x3FA9] =	sst s3  }
0xc: {  	[smem:$0x3FAA] =	sst s4  }
0xd: {  	[smem:$0x3FAB] =	sst s5  }
0xe: {  	[smem:$0x3FAC] =	sst s6  }
0xf: {  	[smem:$0x3FAD] =	sst s7  }
0x10: {  	[smem:$0x3FAE] =	sst s8  }
0x11: {  	[smem:$0x3FAF] =	sst s9;
	s0 =	simm.s32 @!p0 $0x0  }
0x12: {  	s1 =	sld [smem:$0x3F95];
	s0 =	simm.s32 @p0 $0x1  }
0x13: {  	[smem:$0x3FB0] =	sst s0;
	s0 =	simm.s32 @!p1 $0x0  }
0x14: {  	s2 =	sld [smem:$0x3F94];
	s0 =	simm.s32 @p1 $0x1  }
0x15: {  	[smem:$0x3FB1] =	sst s0;
	s0 =	simm.s32 @!p2 $0x0  }
0x16: {  	s3 =	sld [smem:$0x3FDB];
	s0 =	simm.s32 @p2 $0x1  }
0x17: {  	s4 =	simm.s32 $0x1BF5;
	[smem:$0x3FB3] =	sst s0  }
0x18: {  	s0 =	sld [smem:$0x3F96];
	_ =	swait.ge [sflag:s4], $0x0  }
0x19: {  	s7 =	sld [smem:$0x3F97]  }
0x1a: {  	s8 =	sadd.s32 $0xFFFFE003, lr  }
0x1b: {  	s9 =	sadd.s32 $0xFFFFFEF7, lr;
	s5 =	simm.s32 $0xFFFFFFFF;
	p2 =	slt.u32 s8, $0xFFFFF086  }
0x1c: {  	p1 =	slt.u32 s9, $0xF7A;
	s5 =	simm.s32 @!p2 $0x0  }
0x1d: {  	s5 =	simm.s32 @p1 $0x1;
	p0 =	seq.s32 s7, s2  }
0x1e: {  	s7 =	smul.u32 @!p0 $0xF7A, s2;
	p2 =	seq.s32 @!p0 s5, $0x0  }
0x1f: {  	s9 =	smul.u32 $0xF7A, s1;
	s8 =	simm.s32 @!p0 $0x1BF5;
	p2 =	por !p2, p0  }
0x20: {  	[sflag:s8] =	ssyncset.s32 @!p0 $0xFFFFF086;
	s6 =	sadd.s32 @!p0 s3, s7;
	s7 =	simm.s32 @!p0 $0x108  }
0x21: {  	s3 =	sadd.s32 s3, s9;
	s6 =	sadd.s32 @!p0 $0x88, s6;
	s7 =	simm.s32 @p2 $0x1082  }
0x22: {  	[simem:s7], [sflag:s8] =	dma.local @!p0 [hbm:s6], $0xF7A  }
0x23: {  	s9 =	sor.u32 $0xD0000000, s2;
	s6 =	simm.s32 $0x108;
	_ =	swait.ge @!p0 [sflag:s8], $0x0  }
0x24: {  	s3 =	sadd.s32 $0x88, s3;
	s6 =	simm.s32 @!p1 $0x1082;
	[sflag:s4] =	ssyncset.s32 $0xFFFFF086  }
0x25: {  	[simem:s6], [sflag:s4] =	dma.local [hbm:s3], $0xF7A  }
0x26: {  	[smem:$0x3F97] =	sst s1;
	(tag) =	ssettag s2;
	_ =	strace s9  }
0x27: {  	s1 =	sld [smem:$0x3FA7]  }
0x28: {  	s2 =	sld [smem:$0x3FA8]  }
0x29: {  	s4 =	sld [smem:$0x3FAA]  }
0x2a: {  	p0 =	seq.s32 s5, $0x0;
	s5 =	sld [smem:$0x3FAB]  }
0x2b: {  	s6 =	sld [smem:$0x3FAC]  }
0x2c: {  	s7 =	sld [smem:$0x3FAD]  }
0x2d: {  	s3 =	simm.s32 $0x108;
	s8 =	sld [smem:$0x3FAE]  }
0x2e: {  	s3 =	simm.s32 @!p0 $0x1082;
	s9 =	sld [smem:$0x3FAF]  }
0x2f: {  	lr =	sadd.s32 s0, s3;
	s0 =	sld [smem:$0x3FA6]  }
0x30: {  	s3 =	sld [smem:$0x3FA9]  }
0x31: {  	[smem:$0x3FB2] =	sst s10  }
0x32: {  	s10 =	sld [smem:$0x3FB0];
	_ =	sdelay $0x3  }
0x33: {  	p0 =	seq.s32 s10, $0x1;
	s10 =	sld [smem:$0x3FB2];
	_ =	sdelay $0x3  }
0x34: {  	[smem:$0x3FB2] =	sst s10  }
0x35: {  	s10 =	sld [smem:$0x3FB1];
	_ =	sdelay $0x3  }
0x36: {  	p1 =	seq.s32 s10, $0x1;
	s10 =	sld [smem:$0x3FB2];
	_ =	sdelay $0x3  }
0x37: {  	[smem:$0x3FB2] =	sst s10  }
0x38: {  	s10 =	sld [smem:$0x3FB3]  }
0x39: {  	_ = 	snop;
	(pc) =	sbr.ind lr, $3  }
0x3a: {  	_ = 	snop  }
0x3b: {  	_ = 	snop  }
0x3c: {  	p2 =	seq.s32 s10, $0x1;
	s10 =	sld [smem:$0x3FB2]  }
0x3d: {  	_ =	shalt  }
0x3e: {  	_ =	shalt  }
0x3f: {  	_ =	shalt  }
0x40: {  	_ =	shalt  }
0x41: {  	_ =	shalt  }
0x42: {  	_ =	shalt  }
0x43: {  	_ =	shalt  }
0x44: {  	_ =	shalt  }
0x45: {  	_ =	shalt  }
0x46: {  	_ =	shalt  }
0x47: {  	_ =	shalt  }
0x48: {  	_ =	shalt  }
0x49: {  	_ =	shalt  }
0x4a: {  	_ =	shalt  }
0x4b: {  	_ =	shalt  }
0x4c: {  	_ =	shalt  }
0x4d: {  	_ =	shalt  }
0x4e: {  	_ =	shalt  }
0x4f: {  	_ =	shalt  }
0x50: {  	_ =	shalt  }
0x51: {  	_ =	shalt  }
0x52: {  	_ =	shalt  }
0x53: {  	_ =	shalt  }
0x54: {  	_ =	shalt  }
0x55: {  	_ =	shalt  }
0x56: {  	_ =	shalt  }
0x57: {  	_ =	shalt  }
0x58: {  	_ =	shalt  }
0x59: {  	_ =	shalt  }
0x5a: {  	_ =	shalt  }
0x5b: {  	_ =	shalt  }
0x5c: {  	_ =	shalt  }
0x5d: {  	_ =	shalt  }
0x5e: {  	_ =	shalt  }
0x5f: {  	_ =	shalt  }
0x60: {  	_ =	shalt  }
0x61: {  	_ =	shalt  }
0x62: {  	_ =	shalt  }
0x63: {  	_ =	shalt  }
0x64: {  	_ =	shalt  }
0x65: {  	_ =	shalt  }
0x66: {  	_ =	shalt  }
0x67: {  	_ =	shalt  }
0x68: {  	_ =	shalt  }
0x69: {  	_ =	shalt  }
0x6a: {  	_ =	shalt  }
0x6b: {  	_ =	shalt  }
0x6c: {  	_ =	shalt  }
0x6d: {  	_ =	shalt  }
0x6e: {  	_ =	shalt  }
0x6f: {  	_ =	shalt  }
0x70: {  	_ =	shalt  }
0x71: {  	_ =	shalt  }
0x72: {  	_ =	shalt  }
0x73: {  	_ =	shalt  }
0x74: {  	_ =	shalt  }
0x75: {  	_ =	shalt  }
0x76: {  	_ =	shalt  }
0x77: {  	_ =	shalt  }
0x78: {  	_ =	shalt  }
0x79: {  	_ =	shalt  }
0x7a: {  	_ =	shalt  }
0x7b: {  	_ =	shalt  }
0x7c: {  	_ =	shalt  }
0x7d: {  	_ =	shalt  }
0x7e: {  	_ =	shalt  }
0x7f: {  	_ =	shalt  }
0x80: {  	_ =	shalt  }
0x81: {  	_ =	shalt  }
0x82: {  	_ =	shalt  }
0x83: {  	_ =	shalt  }
0x84: {  	_ =	shalt  }
0x85: {  	_ =	shalt  }
0x86: {  	_ =	shalt  }
0x87: {  	_ =	shalt  }
.Lfunc_end0:
.L_simem_size_0:
called_computation.2_lowered:
.L_overlay_start_0:
0x88: {  	s2 =	sld [smem:$0x3FD9]  }
0x89: {  	s3 =	sld [smem:$0x3FFE];
	_ =	sdelay $0x1  }
0x8a: {  	s1 =	srdreg.scid  }
0x8b: {  	s0 =	sand.u32 $0x1, s1  }
0x8c: {  	s17 =	sshll.u32 s0, $0xA;
	s2 =	sadd.s32 s3, s2  }
0x8d: {  	s2 =	sadd.s32 s2, s17  }
0x8e: {  	[smem:$0x3FBE] =	sst s2  }
0x8f: {  	_ = 	snop  }
0x90: {  	s2 =	sld [smem:$0x3FD0];
	(tm) =	ssettm $0x1  }
0x91: {  	s18 =	sld [smem:$0x3FFB];
	_ =	sdelay $0x3  }
0x92: {  	_ =	strace s18  }
0x93: {  	s3 =	sld [smem:$0x3FFC];
	_ =	sdelay $0x3  }
0x94: {  	_ =	strace s3  }
0x95: {  	s3 =	sld [smem:$0x3FFD];
	_ =	sdelay $0x3  }
0x96: {  	_ =	strace s3  }
0x97: {  	_ =	strace $0x8FFFFFFF  }
0x98: {  	s19 =	sld [smem:$0x3FDB];
	_ =	sdelay $0x1  }
0x99: {  	s4 =	simm.s32 $_scs_section_size  }
0x9a: {  	s5 =	simm.s32 $_size__tile_overlayer_lowered;
	s6 =	simm.s32 $_tile_overlayer_lowered  }
0x9b: {  	s22 =	simm.s32 $0x1BFF;
	s21 =	sshll.u32 s6, $0x1;
	s3 =	sadd.s32 s4, s19  }
0x9c: {  	s7 =	simm.s32 $0x0;
	s20 =	sshll.u32 s5, $0x1;
	s5 =	sadd.s32 s21, s3  }
0x9d: {  	[timem:s7], [sflag:s22] =	dma.local [hbm:s5], s20  }
0x9e: {  	_ =	swait.ge [sflag:s22], s20  }
0x9f: {  	s4 =	ssub.s32 $0x0, s20;
	[sflag:s22] =	ssyncset.done $0x0  }
0xa0: {  	[sflag:s22] =	ssyncadd.s32 s4;
	_ =	sdelay $0x1  }
0xa1: {  	s23 =	simm.s32 $0x1B8B  }
0xa2: {  	_ =	swait.ge [sflag:s23], $0x1  }
0xa3: {  	[sflag:s23] =	ssyncset.done $0x0  }
0xa4: {  	s25 =	simm.s32 $0x1B8E;
	s24 =	sld [smem:$0x3FFE];
	[sflag:s23] =	ssyncadd.s32 $0xFFFFFFFF  }
0xa5: {  	s26 =	simm.s32 $execute0_lowered;
	[smem:$0x3FD2] =	sst s25  }
0xa6: {  	s5 =	sshll.u32 s26, $0x1;
	_ =	strace $0x8000004C;
	[dreg:$0x1] =	wrdreg $0xFFFFFFFF  }
0xa7: {  	s28 =	simm.s32 $_size_execute0_lowered;
	s3 =	sadd.s32 s3, s5;
	[dreg:$0x0] =	wrdreg $0x0  }
0xa8: {  	s5 =	sshll.u32 s28, $0x1;
	[dreg:$0x2] =	wrdreg s3  }
0xa9: {  	[dreg:$0x3] =	wrdreg s5  }
0xaa: {  	[dreg:$0x4] =	wrdreg $0xC0  }
0xab: {  	_ =	task [dreg:s7], $0x5FFFF  }
0xac: {  	[dreg:$0x1] =	wrdreg $0xFFFFFFFF  }
0xad: {  	[dreg:$0x0] =	wrdreg $0x60  }
0xae: {  	[dreg:$0x2] =	wrdreg s24  }
0xaf: {  	[dreg:$0x3] =	wrdreg s2  }
0xb0: {  	[dreg:$0x4] =	wrdreg $0x120000  }
0xb1: {  	[dreg:$0x5] =	wrdreg $0x9  }
0xb2: {  	_ =	task.clear_ibuf [dreg:s7], $0x6FFFF;
	_ =	strace $0x9000004C  }
0xb3: {  	s29 =	simm.s32 $0x9;
	_ =	strace $0x8000004E  }
0xb4: {  	_ =	swait.ge [sflag:s29], $0x1  }
0xb5: {  	[sflag:s29] =	ssyncadd.s32 $0xFFFFFFFF  }
0xb6: {  	_ =	strace $0x9000004E  }
0xb7: {  	_ =	sfence  }
0xb8: {  	s30 =	sld [smem:$0x0];
	_ =	sdelay $0x2  }
0xb9: {  	s31 =	sshll.u32 s1, $0xD;
	s1 =	sshrl.u32 s1, $0x2  }
0xba: {  	s3 =	sand.u32 $0x4000, s31;
	s1 =	sadd.s32 s1, s30  }
0xbb: {  	s0 =	sor.u32 s3, s0;
	s1 =	sshll.u32 s1, $0x11  }
0xbc: {  	s0 =	sor.u32 s1, s0  }
0xbd: {  	s0 =	sadd.s32 $0x8F2B, s0  }
0xbe: {  	[sflag:s0] =	ssyncadd.remote.s32 $0x1  }
0xbf: {  	_ =	sfence.sel $0xFFFF  }
0xc0: {  	[dreg:$0x0] =	wrdreg $0xFFFFFFFF;
	(pc) =	sbr.abs _section_cstart, $3  }
0xc1: {  	[dreg:$0x1] =	wrdreg $0xFFFFFFFF  }
0xc2: {  	_ =	task.clear_ibuf [dreg:s7], $0x2FFFF;
	_ =	strace $0x9FFFFFFF  }
0xc3: {  	(tm) =	ssettm $0x7FFFFFFF  }
tec
execute0_lowered:
.L_overlay_start_1:
0x0: {  	(tag) =	ssettag $0x1  }
0x1: {  	s0 =	rddreg [dreg:$0x0]  }
0x2: {  	s1 =	rddreg [dreg:$0x1]  }
0x3: {  	s2 =	rddreg [dreg:$0x2]  }
0x4: {  	s9 =	stileid.u32;
	s3 =	simm.s32 $0x0;
	s4 =	srdreg.scid  }
0x5: {  	s14 =	simm.s32 $0xA000;
	s15 =	simm.s32 $0x5;
	s17 =	simm.s32 $0x80  }
0x6: {  	s18 =	simm.s32 $0xC000;
	s20 =	simm.s32 $0xE000;
	s22 =	simm.s32 $0x10000  }
0x7: {  	s28 =	simm.s32 $0x9E00;
	s29 =	simm.s32 $0x9E80;
	s7 =	smul.u32 $0x5000, s9  }
0x8: {  	s30 =	simm.s32 $0x9F00;
	s31 =	simm.s32 $0x9F80;
	s23 =	smul.u32 $0x14000, s9  }
0x9: {  	[smem:$0x7FF] =	sst s3;
	s5 =	sand.u32 $0x1, s4;
	s9 =	smul.u32 $0x28000, s9  }
0xa: {  	s4 =	sadd.s32 $0xFA00, s0;
	_ =	strace $0x8000004D;
	s6 =	sshll.u32 s5, $0x6  }
0xb: {  	s24 =	ssub.s32 $0x2, s5;
	s10 =	smul.u32 $0x50000, s5;
	s8 =	sshrl.u32 s7, $0x3  }
0xc: {  	s6 =	sor.u32 s6, s23;
	s9 =	sshrl.u32 s9, $0x2;
	s25 =	sshrl.u32 s24, $0x1  }
0xd: {  	s23 =	simm.s32 $0x1;
	s11 =	sadd.s32 s8, s0;
	s6 =	sshrl.u32 s6, $0x3  }
0xe: {  	s5 =	sadd.s32 s9, s2;
	s13 =	ssub.s32 s24, s25;
	s26 =	sadd.s32 s7, s10  }
0xf: {  	s24 =	simm.s32 $0x2;
	s25 =	simm.s32 $0x3;
	s0 =	sadd.s32 s6, s0  }
0x10: {  	s6 =	sadd.s32 $0x2000, s5;
	s7 =	sadd.s32 $0x4000, s5;
	s8 =	sadd.s32 $0x6000, s5  }
0x11: {  	s10 =	sshrl.u32 s26, $0x3;
	s9 =	sadd.s32 $0x8000, s5;
	s11 =	sadd.s32 $0x5A00, s11  }
0x12: {  	s13 =	smax.u32 s13, $0x1;
	s26 =	simm.s32 $0x4;
	s10 =	sadd.s32 s1, s10  }
0x13: {  	v0 =	vimm.f32 $0.0e+00;
	s12 =	sadd.s32 $0x37A00, s0;
	s0 =	simm.s32 $0x10;
	s1 =	simm.s32 $0x8  }
.LBB2_1:
0x14: {  	s19 =	simm.s32 $0x100;
	s16 =	simm.s32 $0x0  }
.LBB2_2:
0x15: {  	p0 =	sne.s32 s19, $0x7F00;
	[tilespmem:s16+$0xA030] =	vst v0;
	s21 =	smov.u32 s19;
	s19 =	sadd.s32 $0x100, s19  }
.Ltmp0:
0x16: {  	[tilespmem:s16+$0xA020] =	vst v0;
	(pc) =	sbr.rel @p0 .LBB2_2-.Ltmp0, $3  }
0x17: {  	[tilespmem:s16+$0xA000] =	vst v0  }
0x18: {  	[tilespmem:s16+$0xA010] =	vst v0;
	_ =	sdelay $0x1  }
0x19: {  	s16 =	sshra.s32 s21, $0x2  }
0x1a: {  	[tilespmem:s16+$0xA030] =	vst v0  }
0x1b: {  	[tilespmem:s16+$0xA020] =	vst v0  }
0x1c: {  	[tilespmem:s16+$0xA000] =	vst v0  }
0x1d: {  	[tilespmem:s16+$0xA010] =	vst v0  }
0x1e: {  	[spmem:s5] =	stream.linear.scatter [tilespmem:s14], [sflag:$0x5], $0x2000, $0x38;
	[tilespmem:$0x1C000] =	vst v63  }
0x1f: {  	_ =	swait.ge [sflag:s15], $0x2000  }
0x20: {  	[sflag:s15] =	ssyncset.done $0x0  }
0x21: {  	[sflag:s15] =	ssyncadd.s32 $0xFFFFE000  }
0x22: {  	[spmem:s6] =	stream.linear.scatter [tilespmem:s14], [sflag:$0x5], $0x2000, $0x38;
	[tilespmem:$0x1C000] =	vst v63  }
0x23: {  	_ =	swait.ge [sflag:s15], $0x2000  }
0x24: {  	[sflag:s15] =	ssyncset.done $0x0  }
0x25: {  	[sflag:s15] =	ssyncadd.s32 $0xFFFFE000  }
0x26: {  	[spmem:s7] =	stream.linear.scatter [tilespmem:s14], [sflag:$0x5], $0x2000, $0x38;
	[tilespmem:$0x1C000] =	vst v63  }
0x27: {  	_ =	swait.ge [sflag:s15], $0x2000  }
0x28: {  	[sflag:s15] =	ssyncset.done $0x0  }
0x29: {  	[sflag:s15] =	ssyncadd.s32 $0xFFFFE000  }
0x2a: {  	[spmem:s8] =	stream.linear.scatter [tilespmem:s14], [sflag:$0x5], $0x2000, $0x38;
	[tilespmem:$0x1C000] =	vst v63  }
0x2b: {  	_ =	swait.ge [sflag:s15], $0x2000  }
0x2c: {  	[sflag:s15] =	ssyncset.done $0x0  }
0x2d: {  	[sflag:s15] =	ssyncadd.s32 $0xFFFFE000  }
0x2e: {  	[spmem:s9] =	stream.linear.scatter [tilespmem:s14], [sflag:$0x5], $0x2000, $0x38;
	[tilespmem:$0x1C000] =	vst v63  }
0x2f: {  	_ =	swait.ge [sflag:s15], $0x2000  }
0x30: {  	[sflag:s15] =	ssyncset.done $0x0  }
0x31: {  	[sflag:s15] =	ssyncadd.s32 $0xFFFFE000  }
0x32: {  	s21 =	simm.s32 $0x0;
	[bflag:$0x0] =	sbarrier.arrive $0xFFFF  }
0x33: {  	[tilespmem:s21], [sflag:$0x5] =	stream.linear.gather [hbm4b:s10+s21], $0x5000, $0x38;
	[tilespmem:$0x1C000] =	vst v63  }
0x34: {  	_ =	swait.ge [sflag:s15], $0x5000  }
0x35: {  	[sflag:s15] =	ssyncset.done $0x0  }
0x36: {  	s19 =	simm.s32 $0x5000;
	[sflag:s15] =	ssyncadd.s32 $0xFFFFB000  }
0x37: {  	[tilespmem:s19], [sflag:$0x5] =	stream.linear.gather [hbm4b:s11+s21], $0x5000, $0x38;
	[tilespmem:$0x1C000] =	vst v63  }
0x38: {  	_ =	swait.ge [sflag:s15], $0x5000  }
0x39: {  	[sflag:s15] =	ssyncset.done $0x0  }
0x3a: {  	[sflag:s15] =	ssyncadd.s32 $0xFFFFB000  }
0x3b: {  	[tilespmem:s14], [sflag:$0x1] =	stream.indirect.gather [hbm4b:s4+s17], $0x40, s21, s17, $0xb8;
	[tilespmem:$0x1C000] =	vst v63  }
0x3c: {  	_ = 	snop  }
0x3d: {  	[tilespmem:s18], [sflag:$0x2] =	stream.indirect.gather [hbm4b:s4+s17], $0x40, s17, s17, $0xb8;
	[tilespmem:$0x1C000] =	vst v63  }
0x3e: {  	s21 =	simm.s32 $0x100  }
0x3f: {  	[tilespmem:s20], [sflag:$0x3] =	stream.indirect.gather [hbm4b:s4+s17], $0x40, s21, s17, $0xb8;
	[tilespmem:$0x1C000] =	vst v63  }
0x40: {  	s19 =	simm.s32 $0x180  }
0x41: {  	[tilespmem:s22], [sflag:$0x4] =	stream.indirect.gather [hbm4b:s4+s17], $0x40, s19, s17, $0xb8;
	[tilespmem:$0x1C000] =	vst v63  }
0x42: {  	_ =	swait.ge [sflag:s23], $0x2000  }
0x43: {  	[sflag:s23] =	ssyncset.done $0x0  }
0x44: {  	s21 =	simm.s32 $0x5000;
	[sflag:s23] =	ssyncadd.s32 $0xFFFFE000  }
0x45: {  	[spmem:s2] =	stream.indirect.scatter.add.f32 [tilespmem:s14], [sflag:$0x5], $0x40, s21, s17, $0xb8;
	[tilespmem:$0x1C000] =	vst v63  }
0x46: {  	_ =	swait.ge [sflag:s15], $0x2000  }
0x47: {  	[sflag:s15] =	ssyncset.done $0x0  }
0x48: {  	s19 =	simm.s32 $0x200;
	[sflag:s15] =	ssyncadd.s32 $0xFFFFE000  }
0x49: {  	[tilespmem:s14], [sflag:$0x1] =	stream.indirect.gather [hbm4b:s4+s17], $0x40, s19, s17, $0xb8;
	[tilespmem:$0x1C000] =	vst v63  }
0x4a: {  	_ =	swait.ge [sflag:s24], $0x2000  }
0x4b: {  	[sflag:s24] =	ssyncset.done $0x0  }
0x4c: {  	s21 =	simm.s32 $0x5080;
	[sflag:s24] =	ssyncadd.s32 $0xFFFFE000  }
0x4d: {  	[spmem:s2] =	stream.indirect.scatter.add.f32 [tilespmem:s18], [sflag:$0x5], $0x40, s21, s17, $0xb8;
	[tilespmem:$0x1C000] =	vst v63  }
0x4e: {  	_ =	swait.ge [sflag:s15], $0x2000  }
0x4f: {  	[sflag:s15] =	ssyncset.done $0x0  }
0x50: {  	s19 =	simm.s32 $0x280;
	[sflag:s15] =	ssyncadd.s32 $0xFFFFE000  }
0x51: {  	[tilespmem:s18], [sflag:$0x2] =	stream.indirect.gather [hbm4b:s4+s17], $0x40, s19, s17, $0xb8;
	[tilespmem:$0x1C000] =	vst v63  }
0x52: {  	_ =	swait.ge [sflag:s25], $0x2000  }
0x53: {  	[sflag:s25] =	ssyncset.done $0x0  }
0x54: {  	s21 =	simm.s32 $0x5100;
	[sflag:s25] =	ssyncadd.s32 $0xFFFFE000  }
0x55: {  	[spmem:s2] =	stream.indirect.scatter.add.f32 [tilespmem:s20], [sflag:$0x5], $0x40, s21, s17, $0xb8;
	[tilespmem:$0x1C000] =	vst v63  }
0x56: {  	_ =	swait.ge [sflag:s15], $0x2000  }
0x57: {  	[sflag:s15] =	ssyncset.done $0x0  }
0x58: {  	s19 =	simm.s32 $0x300;
	[sflag:s15] =	ssyncadd.s32 $0xFFFFE000  }
0x59: {  	[tilespmem:s20], [sflag:$0x3] =	stream.indirect.gather [hbm4b:s4+s17], $0x40, s19, s17, $0xb8;
	[tilespmem:$0x1C000] =	vst v63  }
0x5a: {  	_ =	swait.ge [sflag:s26], $0x2000  }
0x5b: {  	[sflag:s26] =	ssyncset.done $0x0  }
0x5c: {  	s21 =	simm.s32 $0x5180;
	[sflag:s26] =	ssyncadd.s32 $0xFFFFE000  }
0x5d: {  	[spmem:s2] =	stream.indirect.scatter.add.f32 [tilespmem:s22], [sflag:$0x5], $0x40, s21, s17, $0xb8;
	[tilespmem:$0x1C000] =	vst v63  }
0x5e: {  	_ =	swait.ge [sflag:s15], $0x2000  }
0x5f: {  	[sflag:s15] =	ssyncset.done $0x0  }
0x60: {  	s16 =	simm.s32 $0x800;
	s19 =	simm.s32 $0x380;
	[sflag:s15] =	ssyncadd.s32 $0xFFFFE000  }
.LBB2_4:
0x61: {  	[tilespmem:s22], [sflag:$0x4] =	stream.indirect.gather [hbm4b:s4+s17], $0x40, s19, s17, $0xb8;
	[tilespmem:$0x1C000] =	vst v63  }
0x62: {  	s19 =	smov.u32 s16  }
0x63: {  	p0 =	sne.s32 s16, $0x13000;
	s16 =	sadd.s32 $0x800, s16;
	_ =	swait.ge [sflag:s23], $0x2000  }
0x64: {  	s19 =	sshra.s32 s19, $0x2;
	[sflag:s23] =	ssyncset.done $0x0  }
0x65: {  	s21 =	sadd.s32 $0x5000, s19;
	[sflag:s23] =	ssyncadd.s32 $0xFFFFE000  }
0x66: {  	[spmem:s2] =	stream.indirect.scatter.add.f32 [tilespmem:s14], [sflag:$0x5], $0x40, s21, s17, $0xb8;
	[tilespmem:$0x1C000] =	vst v63  }
0x67: {  	_ =	swait.ge [sflag:s15], $0x2000  }
0x68: {  	[sflag:s15] =	ssyncset.done $0x0  }
0x69: {  	s21 =	sadd.s32 $0x200, s19;
	[sflag:s15] =	ssyncadd.s32 $0xFFFFE000  }
0x6a: {  	[tilespmem:s14], [sflag:$0x1] =	stream.indirect.gather [hbm4b:s4+s17], $0x40, s21, s17, $0xb8;
	[tilespmem:$0x1C000] =	vst v63  }
0x6b: {  	_ =	swait.ge [sflag:s24], $0x2000  }
0x6c: {  	[sflag:s24] =	ssyncset.done $0x0  }
0x6d: {  	s21 =	sadd.s32 $0x5080, s19;
	[sflag:s24] =	ssyncadd.s32 $0xFFFFE000  }
0x6e: {  	[spmem:s2] =	stream.indirect.scatter.add.f32 [tilespmem:s18], [sflag:$0x5], $0x40, s21, s17, $0xb8;
	[tilespmem:$0x1C000] =	vst v63  }
0x6f: {  	_ =	swait.ge [sflag:s15], $0x2000  }
0x70: {  	[sflag:s15] =	ssyncset.done $0x0  }
0x71: {  	s21 =	sadd.s32 $0x280, s19;
	[sflag:s15] =	ssyncadd.s32 $0xFFFFE000  }
0x72: {  	[tilespmem:s18], [sflag:$0x2] =	stream.indirect.gather [hbm4b:s4+s17], $0x40, s21, s17, $0xb8;
	[tilespmem:$0x1C000] =	vst v63  }
0x73: {  	_ =	swait.ge [sflag:s25], $0x2000  }
0x74: {  	[sflag:s25] =	ssyncset.done $0x0  }
0x75: {  	s21 =	sadd.s32 $0x5100, s19;
	[sflag:s25] =	ssyncadd.s32 $0xFFFFE000  }
0x76: {  	[spmem:s2] =	stream.indirect.scatter.add.f32 [tilespmem:s20], [sflag:$0x5], $0x40, s21, s17, $0xb8;
	[tilespmem:$0x1C000] =	vst v63  }
0x77: {  	_ =	swait.ge [sflag:s15], $0x2000  }
0x78: {  	[sflag:s15] =	ssyncset.done $0x0  }
0x79: {  	s21 =	sadd.s32 $0x300, s19;
	[sflag:s15] =	ssyncadd.s32 $0xFFFFE000  }
0x7a: {  	[tilespmem:s20], [sflag:$0x3] =	stream.indirect.gather [hbm4b:s4+s17], $0x40, s21, s17, $0xb8;
	[tilespmem:$0x1C000] =	vst v63  }
0x7b: {  	_ =	swait.ge [sflag:s26], $0x2000  }
0x7c: {  	[sflag:s26] =	ssyncset.done $0x0  }
.Ltmp1:
0x7d: {  	s21 =	sadd.s32 $0x5180, s19;
	[sflag:s26] =	ssyncadd.s32 $0xFFFFE000;
	(pc) =	sbr.rel @p0 .LBB2_4-.Ltmp1, $4  }
0x7e: {  	[spmem:s2] =	stream.indirect.scatter.add.f32 [tilespmem:s22], [sflag:$0x5], $0x40, s21, s17, $0xb8;
	[tilespmem:$0x1C000] =	vst v63  }
0x7f: {  	_ =	swait.ge [sflag:s15], $0x2000  }
0x80: {  	[sflag:s15] =	ssyncset.done $0x0  }
0x81: {  	s19 =	sadd.s32 $0x380, s19;
	[sflag:s15] =	ssyncadd.s32 $0xFFFFE000  }
0x82: {  	[tilespmem:s22], [sflag:$0x4] =	stream.indirect.gather [hbm4b:s4+s17], $0x40, s19, s17, $0xb8;
	[tilespmem:$0x1C000] =	vst v63  }
0x83: {  	_ =	swait.ge [sflag:s23], $0x2000  }
0x84: {  	[sflag:s23] =	ssyncset.done $0x0  }
0x85: {  	[sflag:s23] =	ssyncadd.s32 $0xFFFFE000  }
0x86: {  	[spmem:s2] =	stream.indirect.scatter.add.f32 [tilespmem:s14], [sflag:$0x5], $0x40, s28, s17, $0xb8;
	[tilespmem:$0x1C000] =	vst v63  }
0x87: {  	_ =	swait.ge [sflag:s15], $0x2000  }
0x88: {  	[sflag:s15] =	ssyncset.done $0x0  }
0x89: {  	[sflag:s15] =	ssyncadd.s32 $0xFFFFE000  }
0x8a: {  	_ =	swait.ge [sflag:s24], $0x2000  }
0x8b: {  	[sflag:s24] =	ssyncset.done $0x0  }
0x8c: {  	[sflag:s24] =	ssyncadd.s32 $0xFFFFE000  }
0x8d: {  	[spmem:s2] =	stream.indirect.scatter.add.f32 [tilespmem:s18], [sflag:$0x5], $0x40, s29, s17, $0xb8;
	[tilespmem:$0x1C000] =	vst v63  }
0x8e: {  	_ =	swait.ge [sflag:s15], $0x2000  }
0x8f: {  	[sflag:s15] =	ssyncset.done $0x0  }
0x90: {  	[sflag:s15] =	ssyncadd.s32 $0xFFFFE000  }
0x91: {  	_ =	swait.ge [sflag:s25], $0x2000  }
0x92: {  	[sflag:s25] =	ssyncset.done $0x0  }
0x93: {  	[sflag:s25] =	ssyncadd.s32 $0xFFFFE000  }
0x94: {  	[spmem:s2] =	stream.indirect.scatter.add.f32 [tilespmem:s20], [sflag:$0x5], $0x40, s30, s17, $0xb8;
	[tilespmem:$0x1C000] =	vst v63  }
0x95: {  	_ =	swait.ge [sflag:s15], $0x2000  }
0x96: {  	[sflag:s15] =	ssyncset.done $0x0  }
0x97: {  	[sflag:s15] =	ssyncadd.s32 $0xFFFFE000  }
0x98: {  	_ =	swait.ge [sflag:s26], $0x2000  }
0x99: {  	[sflag:s26] =	ssyncset.done $0x0  }
0x9a: {  	[sflag:s26] =	ssyncadd.s32 $0xFFFFE000  }
0x9b: {  	[spmem:s2] =	stream.indirect.scatter.add.f32 [tilespmem:s22], [sflag:$0x5], $0x40, s31, s17, $0xb8;
	[tilespmem:$0x1C000] =	vst v63  }
0x9c: {  	s16 =	stileid.u32;
	_ =	swait.ge [sflag:s15], $0x2000  }
0x9d: {  	s21 =	sshrl.u32 s5, $0x3;
	s3 =	sadd.s32 $0x1, s3;
	[sflag:s15] =	ssyncset.done $0x0  }
0x9e: {  	s16 =	sshll.u32 s16, $0x6;
	p0 =	sne.s32 s3, s13;
	[sflag:s15] =	ssyncadd.s32 $0xFFFFE000  }
.Ltmp2:
0x9f: {  	s16 =	sor.u32 $0x1C05, s16;
	[bflag:$0x0] =	sbarrier.arrive $0xFFFF;
	(pc) =	sbr.rel @p0 .LBB2_1-.Ltmp2, $4  }
0xa0: {  	[hbm:s12@s0], [sflag:s16] =	dma.strided [spmem:s21@s1], $0x1400, s23, $0x8   }
0xa1: {  	_ =	swait.ge [sflag:s15], $0x1400  }
0xa2: {  	[sflag:s15] =	ssyncset.done $0x0  }
0xa3: {  	[sflag:s15] =	ssyncadd.s32 $0xFFFFEC00  }
0xa4: {  	_ =	sfence.sel $0x180000  }
0xa5: {  	[bflag:$0x0] =	sbarrier.arrive $0xFFFF  }
0xa6: {  	_ =	strace $0x9000004D  }
0xa7: {  	s0 =	stileid.u32;
	[bflag:$0x2] =	sbarrier.arrive $0xFFFF  }
0xa8: {  	p0 =	sne.s32 s0, $0x0;
	s0 =	rddreg [dreg:$0x3]  }
0xa9: {  	s0 =	sadd.s32 @!p0 $0x100000, s0  }
0xaa: {  	[sflag:s0] =	ssyncadd.tile.s32 @!p0 $0x1;
	_ =	shalt  }
.Lfunc_end2:
_tile_overlayer_lowered:
.L_overlay_start_2:
0xab: {  	(tag) =	ssettag $0x2  }
0xac: {  	s0 =	rddreg [dreg:$0x0];
	s2 =	stileid.u32  }
0xad: {  	s1 =	rddreg [dreg:$0x1];
	p0 =	sne.s32 s2, $0x0  }
0xae: {  	s3 =	rddreg [dreg:$0x2];
	[bflag:$0x3] =	sbarrier.arrive $0xFFFF;
	s2 =	simm.s32 @!p0 $0x1C05  }
0xaf: {  	[timem:s3], [sflag:s2] =	dma.local @!p0 [hbm:s0], s1  }
0xb0: {  	s0 =	simm.s32 @!p0 $0x5  }
0xb1: {  	_ =	swait.ge @!p0 [sflag:s0], s1  }
0xb2: {  	s1 =	ssub.s32 @!p0 $0x0, s1;
	[sflag:s0] =	ssyncset.done @!p0 $0x0  }
0xb3: {  	[sflag:s0] =	ssyncadd.s32 @!p0 s1  }
0xb4: {  	[bflag:$0x3] =	sbarrier.arrive $0xFFFF  }
0xb5: {  	_ =	shalt  }

// kernel: kernel.21.cloned.1.call-start
scs
__scs_entry_jumppad:
0x0: {  	(pc) =	sbr.rel $0x88, $3  }
0x1: {  	(tag) =	ssettag $0x0;
	lr =	simm.s32 $0x1  }
0x2: {  	[smem:$0x3F97] =	sst lr;
	_ =	strace $0xD0000000  }
0x3: {  	_ = 	snop  }
0x4: {  	_ = 	snop  }
0x5: {  	_ = 	snop  }
0x6: {  	_ = 	snop  }
0x7: {  	_ = 	snop  }
__scs_overlays_trampoline_lowered:
0x8: {  	[smem:$0x3FA6] =	sst s0  }
0x9: {  	[smem:$0x3FA7] =	sst s1  }
0xa: {  	[smem:$0x3FA8] =	sst s2  }
0xb: {  	[smem:$0x3FA9] =	sst s3  }
0xc: {  	[smem:$0x3FAA] =	sst s4  }
0xd: {  	[smem:$0x3FAB] =	sst s5  }
0xe: {  	[smem:$0x3FAC] =	sst s6  }
0xf: {  	[smem:$0x3FAD] =	sst s7  }
0x10: {  	[smem:$0x3FAE] =	sst s8  }
0x11: {  	[smem:$0x3FAF] =	sst s9;
	s0 =	simm.s32 @!p0 $0x0  }
0x12: {  	s1 =	sld [smem:$0x3F95];
	s0 =	simm.s32 @p0 $0x1  }
0x13: {  	[smem:$0x3FB0] =	sst s0;
	s0 =	simm.s32 @!p1 $0x0  }
0x14: {  	s2 =	sld [smem:$0x3F94];
	s0 =	simm.s32 @p1 $0x1  }
0x15: {  	[smem:$0x3FB1] =	sst s0;
	s0 =	simm.s32 @!p2 $0x0  }
0x16: {  	s3 =	sld [smem:$0x3FDB];
	s0 =	simm.s32 @p2 $0x1  }
0x17: {  	s4 =	simm.s32 $0x1BF5;
	[smem:$0x3FB3] =	sst s0  }
0x18: {  	s0 =	sld [smem:$0x3F96];
	_ =	swait.ge [sflag:s4], $0x0  }
0x19: {  	s7 =	sld [smem:$0x3F97]  }
0x1a: {  	s8 =	sadd.s32 $0xFFFFE003, lr  }
0x1b: {  	s9 =	sadd.s32 $0xFFFFFEF7, lr;
	s5 =	simm.s32 $0xFFFFFFFF;
	p2 =	slt.u32 s8, $0xFFFFF086  }
0x1c: {  	p1 =	slt.u32 s9, $0xF7A;
	s5 =	simm.s32 @!p2 $0x0  }
0x1d: {  	s5 =	simm.s32 @p1 $0x1;
	p0 =	seq.s32 s7, s2  }
0x1e: {  	s7 =	smul.u32 @!p0 $0xF7A, s2;
	p2 =	seq.s32 @!p0 s5, $0x0  }
0x1f: {  	s9 =	smul.u32 $0xF7A, s1;
	s8 =	simm.s32 @!p0 $0x1BF5;
	p2 =	por !p2, p0  }
0x20: {  	[sflag:s8] =	ssyncset.s32 @!p0 $0xFFFFF086;
	s6 =	sadd.s32 @!p0 s3, s7;
	s7 =	simm.s32 @!p0 $0x108  }
0x21: {  	s3 =	sadd.s32 s3, s9;
	s6 =	sadd.s32 @!p0 $0x88, s6;
	s7 =	simm.s32 @p2 $0x1082  }
0x22: {  	[simem:s7], [sflag:s8] =	dma.local @!p0 [hbm:s6], $0xF7A  }
0x23: {  	s9 =	sor.u32 $0xD0000000, s2;
	s6 =	simm.s32 $0x108;
	_ =	swait.ge @!p0 [sflag:s8], $0x0  }
0x24: {  	s3 =	sadd.s32 $0x88, s3;
	s6 =	simm.s32 @!p1 $0x1082;
	[sflag:s4] =	ssyncset.s32 $0xFFFFF086  }
0x25: {  	[simem:s6], [sflag:s4] =	dma.local [hbm:s3], $0xF7A  }
0x26: {  	[smem:$0x3F97] =	sst s1;
	(tag) =	ssettag s2;
	_ =	strace s9  }
0x27: {  	s1 =	sld [smem:$0x3FA7]  }
0x28: {  	s2 =	sld [smem:$0x3FA8]  }
0x29: {  	s4 =	sld [smem:$0x3FAA]  }
0x2a: {  	p0 =	seq.s32 s5, $0x0;
	s5 =	sld [smem:$0x3FAB]  }
0x2b: {  	s6 =	sld [smem:$0x3FAC]  }
0x2c: {  	s7 =	sld [smem:$0x3FAD]  }
0x2d: {  	s3 =	simm.s32 $0x108;
	s8 =	sld [smem:$0x3FAE]  }
0x2e: {  	s3 =	simm.s32 @!p0 $0x1082;
	s9 =	sld [smem:$0x3FAF]  }
0x2f: {  	lr =	sadd.s32 s0, s3;
	s0 =	sld [smem:$0x3FA6]  }
0x30: {  	s3 =	sld [smem:$0x3FA9]  }
0x31: {  	[smem:$0x3FB2] =	sst s10  }
0x32: {  	s10 =	sld [smem:$0x3FB0];
	_ =	sdelay $0x3  }
0x33: {  	p0 =	seq.s32 s10, $0x1;
	s10 =	sld [smem:$0x3FB2];
	_ =	sdelay $0x3  }
0x34: {  	[smem:$0x3FB2] =	sst s10  }
0x35: {  	s10 =	sld [smem:$0x3FB1];
	_ =	sdelay $0x3  }
0x36: {  	p1 =	seq.s32 s10, $0x1;
	s10 =	sld [smem:$0x3FB2];
	_ =	sdelay $0x3  }
0x37: {  	[smem:$0x3FB2] =	sst s10  }
0x38: {  	s10 =	sld [smem:$0x3FB3]  }
0x39: {  	_ = 	snop;
	(pc) =	sbr.ind lr, $3  }
0x3a: {  	_ = 	snop  }
0x3b: {  	_ = 	snop  }
0x3c: {  	p2 =	seq.s32 s10, $0x1;
	s10 =	sld [smem:$0x3FB2]  }
0x3d: {  	_ =	shalt  }
0x3e: {  	_ =	shalt  }
0x3f: {  	_ =	shalt  }
0x40: {  	_ =	shalt  }
0x41: {  	_ =	shalt  }
0x42: {  	_ =	shalt  }
0x43: {  	_ =	shalt  }
0x44: {  	_ =	shalt  }
0x45: {  	_ =	shalt  }
0x46: {  	_ =	shalt  }
0x47: {  	_ =	shalt  }
0x48: {  	_ =	shalt  }
0x49: {  	_ =	shalt  }
0x4a: {  	_ =	shalt  }
0x4b: {  	_ =	shalt  }
0x4c: {  	_ =	shalt  }
0x4d: {  	_ =	shalt  }
0x4e: {  	_ =	shalt  }
0x4f: {  	_ =	shalt  }
0x50: {  	_ =	shalt  }
0x51: {  	_ =	shalt  }
0x52: {  	_ =	shalt  }
0x53: {  	_ =	shalt  }
0x54: {  	_ =	shalt  }
0x55: {  	_ =	shalt  }
0x56: {  	_ =	shalt  }
0x57: {  	_ =	shalt  }
0x58: {  	_ =	shalt  }
0x59: {  	_ =	shalt  }
0x5a: {  	_ =	shalt  }
0x5b: {  	_ =	shalt  }
0x5c: {  	_ =	shalt  }
0x5d: {  	_ =	shalt  }
0x5e: {  	_ =	shalt  }
0x5f: {  	_ =	shalt  }
0x60: {  	_ =	shalt  }
0x61: {  	_ =	shalt  }
0x62: {  	_ =	shalt  }
0x63: {  	_ =	shalt  }
0x64: {  	_ =	shalt  }
0x65: {  	_ =	shalt  }
0x66: {  	_ =	shalt  }
0x67: {  	_ =	shalt  }
0x68: {  	_ =	shalt  }
0x69: {  	_ =	shalt  }
0x6a: {  	_ =	shalt  }
0x6b: {  	_ =	shalt  }
0x6c: {  	_ =	shalt  }
0x6d: {  	_ =	shalt  }
0x6e: {  	_ =	shalt  }
0x6f: {  	_ =	shalt  }
0x70: {  	_ =	shalt  }
0x71: {  	_ =	shalt  }
0x72: {  	_ =	shalt  }
0x73: {  	_ =	shalt  }
0x74: {  	_ =	shalt  }
0x75: {  	_ =	shalt  }
0x76: {  	_ =	shalt  }
0x77: {  	_ =	shalt  }
0x78: {  	_ =	shalt  }
0x79: {  	_ =	shalt  }
0x7a: {  	_ =	shalt  }
0x7b: {  	_ =	shalt  }
0x7c: {  	_ =	shalt  }
0x7d: {  	_ =	shalt  }
0x7e: {  	_ =	shalt  }
0x7f: {  	_ =	shalt  }
0x80: {  	_ =	shalt  }
0x81: {  	_ =	shalt  }
0x82: {  	_ =	shalt  }
0x83: {  	_ =	shalt  }
0x84: {  	_ =	shalt  }
0x85: {  	_ =	shalt  }
0x86: {  	_ =	shalt  }
0x87: {  	_ =	shalt  }
.Lfunc_end0:
.L_simem_size_0:
called_computation.3_lowered:
.L_overlay_start_0:
0x88: {  	s2 =	sld [smem:$0x3FD9]  }
0x89: {  	s3 =	sld [smem:$0x3FFE];
	_ =	sdelay $0x1  }
0x8a: {  	s1 =	srdreg.scid  }
0x8b: {  	s0 =	sand.u32 $0x1, s1  }
0x8c: {  	s17 =	sshll.u32 s0, $0xA;
	s2 =	sadd.s32 s3, s2  }
0x8d: {  	s2 =	sadd.s32 s2, s17  }
0x8e: {  	[smem:$0x3FBE] =	sst s2  }
0x8f: {  	_ = 	snop  }
0x90: {  	s2 =	sld [smem:$0x3FD0];
	(tm) =	ssettm $0x1  }
0x91: {  	s18 =	sld [smem:$0x3FFB];
	_ =	sdelay $0x3  }
0x92: {  	_ =	strace s18  }
0x93: {  	s3 =	sld [smem:$0x3FFC];
	_ =	sdelay $0x3  }
0x94: {  	_ =	strace s3  }
0x95: {  	s3 =	sld [smem:$0x3FFD];
	_ =	sdelay $0x3  }
0x96: {  	_ =	strace s3  }
0x97: {  	_ =	strace $0x8FFFFFFF  }
0x98: {  	s19 =	sld [smem:$0x3FDB];
	_ =	sdelay $0x1  }
0x99: {  	s4 =	simm.s32 $_scs_section_size  }
0x9a: {  	s5 =	simm.s32 $_size__tile_overlayer_lowered;
	s6 =	simm.s32 $_tile_overlayer_lowered  }
0x9b: {  	s22 =	simm.s32 $0x1BFF;
	s21 =	sshll.u32 s6, $0x1;
	s3 =	sadd.s32 s4, s19  }
0x9c: {  	s7 =	simm.s32 $0x0;
	s20 =	sshll.u32 s5, $0x1;
	s5 =	sadd.s32 s21, s3  }
0x9d: {  	[timem:s7], [sflag:s22] =	dma.local [hbm:s5], s20  }
0x9e: {  	_ =	swait.ge [sflag:s22], s20  }
0x9f: {  	s4 =	ssub.s32 $0x0, s20;
	[sflag:s22] =	ssyncset.done $0x0  }
0xa0: {  	[sflag:s22] =	ssyncadd.s32 s4;
	_ =	sdelay $0x1  }
0xa1: {  	s23 =	simm.s32 $0x1B8B  }
0xa2: {  	_ =	swait.ge [sflag:s23], $0x1  }
0xa3: {  	[sflag:s23] =	ssyncset.done $0x0  }
0xa4: {  	s25 =	simm.s32 $0x1B8E;
	s24 =	sld [smem:$0x3FFE];
	[sflag:s23] =	ssyncadd.s32 $0xFFFFFFFF  }
0xa5: {  	s26 =	simm.s32 $execute0_lowered;
	[smem:$0x3FD2] =	sst s25  }
0xa6: {  	s5 =	sshll.u32 s26, $0x1;
	_ =	strace $0x8000004F;
	[dreg:$0x1] =	wrdreg $0xFFFFFFFF  }
0xa7: {  	s28 =	simm.s32 $_size_execute0_lowered;
	s3 =	sadd.s32 s3, s5;
	[dreg:$0x0] =	wrdreg $0x0  }
0xa8: {  	s5 =	sshll.u32 s28, $0x1;
	[dreg:$0x2] =	wrdreg s3  }
0xa9: {  	[dreg:$0x3] =	wrdreg s5  }
0xaa: {  	[dreg:$0x4] =	wrdreg $0xC0  }
0xab: {  	_ =	task [dreg:s7], $0x5FFFF  }
0xac: {  	[dreg:$0x1] =	wrdreg $0xFFFFFFFF  }
0xad: {  	[dreg:$0x0] =	wrdreg $0x60  }
0xae: {  	[dreg:$0x2] =	wrdreg s24  }
0xaf: {  	[dreg:$0x3] =	wrdreg s2  }
0xb0: {  	[dreg:$0x4] =	wrdreg $0x120000  }
0xb1: {  	[dreg:$0x5] =	wrdreg $0x9  }
0xb2: {  	_ =	task.clear_ibuf [dreg:s7], $0x6FFFF;
	_ =	strace $0x9000004F  }
0xb3: {  	s29 =	simm.s32 $0x9;
	_ =	strace $0x80000051  }
0xb4: {  	_ =	swait.ge [sflag:s29], $0x1  }
0xb5: {  	[sflag:s29] =	ssyncadd.s32 $0xFFFFFFFF  }
0xb6: {  	_ =	strace $0x90000051  }
0xb7: {  	_ =	sfence  }
0xb8: {  	s30 =	sld [smem:$0x0];
	_ =	sdelay $0x2  }
0xb9: {  	s31 =	sshll.u32 s1, $0xD;
	s1 =	sshrl.u32 s1, $0x2  }
0xba: {  	s3 =	sand.u32 $0x4000, s31;
	s1 =	sadd.s32 s1, s30  }
0xbb: {  	s0 =	sor.u32 s3, s0;
	s1 =	sshll.u32 s1, $0x11  }
0xbc: {  	s0 =	sor.u32 s1, s0  }
0xbd: {  	s0 =	sadd.s32 $0x8F2B, s0  }
0xbe: {  	[sflag:s0] =	ssyncadd.remote.s32 $0x1  }
0xbf: {  	_ =	sfence.sel $0xFFFF  }
0xc0: {  	[dreg:$0x0] =	wrdreg $0xFFFFFFFF;
	(pc) =	sbr.abs _section_cstart, $3  }
0xc1: {  	[dreg:$0x1] =	wrdreg $0xFFFFFFFF  }
0xc2: {  	_ =	task.clear_ibuf [dreg:s7], $0x2FFFF;
	_ =	strace $0x9FFFFFFF  }
0xc3: {  	(tm) =	ssettm $0x7FFFFFFF  }
tec
execute0_lowered:
.L_overlay_start_1:
0x0: {  	(tag) =	ssettag $0x1  }
0x1: {  	s0 =	rddreg [dreg:$0x0]  }
0x2: {  	s1 =	rddreg [dreg:$0x1]  }
0x3: {  	s2 =	rddreg [dreg:$0x2]  }
0x4: {  	s9 =	stileid.u32;
	s3 =	simm.s32 $0x0;
	s4 =	srdreg.scid  }
0x5: {  	s14 =	simm.s32 $0xA000;
	s15 =	simm.s32 $0x5;
	s17 =	simm.s32 $0x80  }
0x6: {  	s18 =	simm.s32 $0xC000;
	s20 =	simm.s32 $0xE000;
	s22 =	simm.s32 $0x10000  }
0x7: {  	s28 =	simm.s32 $0x9E00;
	s29 =	simm.s32 $0x9E80;
	s7 =	smul.u32 $0x5000, s9  }
0x8: {  	s30 =	simm.s32 $0x9F00;
	s31 =	simm.s32 $0x9F80;
	s23 =	smul.u32 $0x14000, s9  }
0x9: {  	[smem:$0x7FF] =	sst s3;
	s5 =	sand.u32 $0x1, s4;
	s9 =	smul.u32 $0x28000, s9  }
0xa: {  	s4 =	sadd.s32 $0xFA00, s0;
	_ =	strace $0x80000050;
	s6 =	sshll.u32 s5, $0x6  }
0xb: {  	s24 =	ssub.s32 $0x2, s5;
	s10 =	smul.u32 $0x50000, s5;
	s8 =	sshrl.u32 s7, $0x3  }
0xc: {  	s6 =	sor.u32 s6, s23;
	s9 =	sshrl.u32 s9, $0x2;
	s25 =	sshrl.u32 s24, $0x1  }
0xd: {  	s23 =	simm.s32 $0x1;
	s11 =	sadd.s32 s8, s0;
	s6 =	sshrl.u32 s6, $0x3  }
0xe: {  	s5 =	sadd.s32 s9, s2;
	s13 =	ssub.s32 s24, s25;
	s26 =	sadd.s32 s7, s10  }
0xf: {  	s24 =	simm.s32 $0x2;
	s25 =	simm.s32 $0x3;
	s0 =	sadd.s32 s6, s0  }
0x10: {  	s6 =	sadd.s32 $0x2000, s5;
	s7 =	sadd.s32 $0x4000, s5;
	s8 =	sadd.s32 $0x6000, s5  }
0x11: {  	s10 =	sshrl.u32 s26, $0x3;
	s9 =	sadd.s32 $0x8000, s5;
	s11 =	sadd.s32 $0x5A00, s11  }
0x12: {  	s13 =	smax.u32 s13, $0x1;
	s26 =	simm.s32 $0x4;
	s10 =	sadd.s32 s1, s10  }
0x13: {  	v0 =	vimm.f32 $0.0e+00;
	s12 =	sadd.s32 $0x37A00, s0;
	s0 =	simm.s32 $0x10;
	s1 =	simm.s32 $0x8  }
.LBB2_1:
0x14: {  	s19 =	simm.s32 $0x100;
	s16 =	simm.s32 $0x0  }
.LBB2_2:
0x15: {  	p0 =	sne.s32 s19, $0x7F00;
	[tilespmem:s16+$0xA030] =	vst v0;
	s21 =	smov.u32 s19;
	s19 =	sadd.s32 $0x100, s19  }
.Ltmp0:
0x16: {  	[tilespmem:s16+$0xA020] =	vst v0;
	(pc) =	sbr.rel @p0 .LBB2_2-.Ltmp0, $3  }
0x17: {  	[tilespmem:s16+$0xA000] =	vst v0  }
0x18: {  	[tilespmem:s16+$0xA010] =	vst v0;
	_ =	sdelay $0x1  }
0x19: {  	s16 =	sshra.s32 s21, $0x2  }
0x1a: {  	[tilespmem:s16+$0xA030] =	vst v0  }
0x1b: {  	[tilespmem:s16+$0xA020] =	vst v0  }
0x1c: {  	[tilespmem:s16+$0xA000] =	vst v0  }
0x1d: {  	[tilespmem:s16+$0xA010] =	vst v0  }
0x1e: {  	[spmem:s5] =	stream.linear.scatter [tilespmem:s14], [sflag:$0x5], $0x2000, $0x38;
	[tilespmem:$0x1C000] =	vst v63  }
0x1f: {  	_ =	swait.ge [sflag:s15], $0x2000  }
0x20: {  	[sflag:s15] =	ssyncset.done $0x0  }
0x21: {  	[sflag:s15] =	ssyncadd.s32 $0xFFFFE000  }
0x22: {  	[spmem:s6] =	stream.linear.scatter [tilespmem:s14], [sflag:$0x5], $0x2000, $0x38;
	[tilespmem:$0x1C000] =	vst v63  }
0x23: {  	_ =	swait.ge [sflag:s15], $0x2000  }
0x24: {  	[sflag:s15] =	ssyncset.done $0x0  }
0x25: {  	[sflag:s15] =	ssyncadd.s32 $0xFFFFE000  }
0x26: {  	[spmem:s7] =	stream.linear.scatter [tilespmem:s14], [sflag:$0x5], $0x2000, $0x38;
	[tilespmem:$0x1C000] =	vst v63  }
0x27: {  	_ =	swait.ge [sflag:s15], $0x2000  }
0x28: {  	[sflag:s15] =	ssyncset.done $0x0  }
0x29: {  	[sflag:s15] =	ssyncadd.s32 $0xFFFFE000  }
0x2a: {  	[spmem:s8] =	stream.linear.scatter [tilespmem:s14], [sflag:$0x5], $0x2000, $0x38;
	[tilespmem:$0x1C000] =	vst v63  }
0x2b: {  	_ =	swait.ge [sflag:s15], $0x2000  }
0x2c: {  	[sflag:s15] =	ssyncset.done $0x0  }
0x2d: {  	[sflag:s15] =	ssyncadd.s32 $0xFFFFE000  }
0x2e: {  	[spmem:s9] =	stream.linear.scatter [tilespmem:s14], [sflag:$0x5], $0x2000, $0x38;
	[tilespmem:$0x1C000] =	vst v63  }
0x2f: {  	_ =	swait.ge [sflag:s15], $0x2000  }
0x30: {  	[sflag:s15] =	ssyncset.done $0x0  }
0x31: {  	[sflag:s15] =	ssyncadd.s32 $0xFFFFE000  }
0x32: {  	s21 =	simm.s32 $0x0;
	[bflag:$0x0] =	sbarrier.arrive $0xFFFF  }
0x33: {  	[tilespmem:s21], [sflag:$0x5] =	stream.linear.gather [hbm4b:s10+s21], $0x5000, $0x38;
	[tilespmem:$0x1C000] =	vst v63  }
0x34: {  	_ =	swait.ge [sflag:s15], $0x5000  }
0x35: {  	[sflag:s15] =	ssyncset.done $0x0  }
0x36: {  	s19 =	simm.s32 $0x5000;
	[sflag:s15] =	ssyncadd.s32 $0xFFFFB000  }
0x37: {  	[tilespmem:s19], [sflag:$0x5] =	stream.linear.gather [hbm4b:s11+s21], $0x5000, $0x38;
	[tilespmem:$0x1C000] =	vst v63  }
0x38: {  	_ =	swait.ge [sflag:s15], $0x5000  }
0x39: {  	[sflag:s15] =	ssyncset.done $0x0  }
0x3a: {  	[sflag:s15] =	ssyncadd.s32 $0xFFFFB000  }
0x3b: {  	[tilespmem:s14], [sflag:$0x1] =	stream.indirect.gather [hbm4b:s4+s17], $0x40, s21, s17, $0xb8;
	[tilespmem:$0x1C000] =	vst v63  }
0x3c: {  	_ = 	snop  }
0x3d: {  	[tilespmem:s18], [sflag:$0x2] =	stream.indirect.gather [hbm4b:s4+s17], $0x40, s17, s17, $0xb8;
	[tilespmem:$0x1C000] =	vst v63  }
0x3e: {  	s21 =	simm.s32 $0x100  }
0x3f: {  	[tilespmem:s20], [sflag:$0x3] =	stream.indirect.gather [hbm4b:s4+s17], $0x40, s21, s17, $0xb8;
	[tilespmem:$0x1C000] =	vst v63  }
0x40: {  	s19 =	simm.s32 $0x180  }
0x41: {  	[tilespmem:s22], [sflag:$0x4] =	stream.indirect.gather [hbm4b:s4+s17], $0x40, s19, s17, $0xb8;
	[tilespmem:$0x1C000] =	vst v63  }
0x42: {  	_ =	swait.ge [sflag:s23], $0x2000  }
0x43: {  	[sflag:s23] =	ssyncset.done $0x0  }
0x44: {  	s21 =	simm.s32 $0x5000;
	[sflag:s23] =	ssyncadd.s32 $0xFFFFE000  }
0x45: {  	[spmem:s2] =	stream.indirect.scatter.add.f32 [tilespmem:s14], [sflag:$0x5], $0x40, s21, s17, $0xb8;
	[tilespmem:$0x1C000] =	vst v63  }
0x46: {  	_ =	swait.ge [sflag:s15], $0x2000  }
0x47: {  	[sflag:s15] =	ssyncset.done $0x0  }
0x48: {  	s19 =	simm.s32 $0x200;
	[sflag:s15] =	ssyncadd.s32 $0xFFFFE000  }
0x49: {  	[tilespmem:s14], [sflag:$0x1] =	stream.indirect.gather [hbm4b:s4+s17], $0x40, s19, s17, $0xb8;
	[tilespmem:$0x1C000] =	vst v63  }
0x4a: {  	_ =	swait.ge [sflag:s24], $0x2000  }
0x4b: {  	[sflag:s24] =	ssyncset.done $0x0  }
0x4c: {  	s21 =	simm.s32 $0x5080;
	[sflag:s24] =	ssyncadd.s32 $0xFFFFE000  }
0x4d: {  	[spmem:s2] =	stream.indirect.scatter.add.f32 [tilespmem:s18], [sflag:$0x5], $0x40, s21, s17, $0xb8;
	[tilespmem:$0x1C000] =	vst v63  }
0x4e: {  	_ =	swait.ge [sflag:s15], $0x2000  }
0x4f: {  	[sflag:s15] =	ssyncset.done $0x0  }
0x50: {  	s19 =	simm.s32 $0x280;
	[sflag:s15] =	ssyncadd.s32 $0xFFFFE000  }
0x51: {  	[tilespmem:s18], [sflag:$0x2] =	stream.indirect.gather [hbm4b:s4+s17], $0x40, s19, s17, $0xb8;
	[tilespmem:$0x1C000] =	vst v63  }
0x52: {  	_ =	swait.ge [sflag:s25], $0x2000  }
0x53: {  	[sflag:s25] =	ssyncset.done $0x0  }
0x54: {  	s21 =	simm.s32 $0x5100;
	[sflag:s25] =	ssyncadd.s32 $0xFFFFE000  }
0x55: {  	[spmem:s2] =	stream.indirect.scatter.add.f32 [tilespmem:s20], [sflag:$0x5], $0x40, s21, s17, $0xb8;
	[tilespmem:$0x1C000] =	vst v63  }
0x56: {  	_ =	swait.ge [sflag:s15], $0x2000  }
0x57: {  	[sflag:s15] =	ssyncset.done $0x0  }
0x58: {  	s19 =	simm.s32 $0x300;
	[sflag:s15] =	ssyncadd.s32 $0xFFFFE000  }
0x59: {  	[tilespmem:s20], [sflag:$0x3] =	stream.indirect.gather [hbm4b:s4+s17], $0x40, s19, s17, $0xb8;
	[tilespmem:$0x1C000] =	vst v63  }
0x5a: {  	_ =	swait.ge [sflag:s26], $0x2000  }
0x5b: {  	[sflag:s26] =	ssyncset.done $0x0  }
0x5c: {  	s21 =	simm.s32 $0x5180;
	[sflag:s26] =	ssyncadd.s32 $0xFFFFE000  }
0x5d: {  	[spmem:s2] =	stream.indirect.scatter.add.f32 [tilespmem:s22], [sflag:$0x5], $0x40, s21, s17, $0xb8;
	[tilespmem:$0x1C000] =	vst v63  }
0x5e: {  	_ =	swait.ge [sflag:s15], $0x2000  }
0x5f: {  	[sflag:s15] =	ssyncset.done $0x0  }
0x60: {  	s16 =	simm.s32 $0x800;
	s19 =	simm.s32 $0x380;
	[sflag:s15] =	ssyncadd.s32 $0xFFFFE000  }
.LBB2_4:
0x61: {  	[tilespmem:s22], [sflag:$0x4] =	stream.indirect.gather [hbm4b:s4+s17], $0x40, s19, s17, $0xb8;
	[tilespmem:$0x1C000] =	vst v63  }
0x62: {  	s19 =	smov.u32 s16  }
0x63: {  	p0 =	sne.s32 s16, $0x13000;
	s16 =	sadd.s32 $0x800, s16;
	_ =	swait.ge [sflag:s23], $0x2000  }
0x64: {  	s19 =	sshra.s32 s19, $0x2;
	[sflag:s23] =	ssyncset.done $0x0  }
0x65: {  	s21 =	sadd.s32 $0x5000, s19;
	[sflag:s23] =	ssyncadd.s32 $0xFFFFE000  }
0x66: {  	[spmem:s2] =	stream.indirect.scatter.add.f32 [tilespmem:s14], [sflag:$0x5], $0x40, s21, s17, $0xb8;
	[tilespmem:$0x1C000] =	vst v63  }
0x67: {  	_ =	swait.ge [sflag:s15], $0x2000  }
0x68: {  	[sflag:s15] =	ssyncset.done $0x0  }
0x69: {  	s21 =	sadd.s32 $0x200, s19;
	[sflag:s15] =	ssyncadd.s32 $0xFFFFE000  }
0x6a: {  	[tilespmem:s14], [sflag:$0x1] =	stream.indirect.gather [hbm4b:s4+s17], $0x40, s21, s17, $0xb8;
	[tilespmem:$0x1C000] =	vst v63  }
0x6b: {  	_ =	swait.ge [sflag:s24], $0x2000  }
0x6c: {  	[sflag:s24] =	ssyncset.done $0x0  }
0x6d: {  	s21 =	sadd.s32 $0x5080, s19;
	[sflag:s24] =	ssyncadd.s32 $0xFFFFE000  }
0x6e: {  	[spmem:s2] =	stream.indirect.scatter.add.f32 [tilespmem:s18], [sflag:$0x5], $0x40, s21, s17, $0xb8;
	[tilespmem:$0x1C000] =	vst v63  }
0x6f: {  	_ =	swait.ge [sflag:s15], $0x2000  }
0x70: {  	[sflag:s15] =	ssyncset.done $0x0  }
0x71: {  	s21 =	sadd.s32 $0x280, s19;
	[sflag:s15] =	ssyncadd.s32 $0xFFFFE000  }
0x72: {  	[tilespmem:s18], [sflag:$0x2] =	stream.indirect.gather [hbm4b:s4+s17], $0x40, s21, s17, $0xb8;
	[tilespmem:$0x1C000] =	vst v63  }
0x73: {  	_ =	swait.ge [sflag:s25], $0x2000  }
0x74: {  	[sflag:s25] =	ssyncset.done $0x0  }
0x75: {  	s21 =	sadd.s32 $0x5100, s19;
	[sflag:s25] =	ssyncadd.s32 $0xFFFFE000  }
0x76: {  	[spmem:s2] =	stream.indirect.scatter.add.f32 [tilespmem:s20], [sflag:$0x5], $0x40, s21, s17, $0xb8;
	[tilespmem:$0x1C000] =	vst v63  }
0x77: {  	_ =	swait.ge [sflag:s15], $0x2000  }
0x78: {  	[sflag:s15] =	ssyncset.done $0x0  }
0x79: {  	s21 =	sadd.s32 $0x300, s19;
	[sflag:s15] =	ssyncadd.s32 $0xFFFFE000  }
0x7a: {  	[tilespmem:s20], [sflag:$0x3] =	stream.indirect.gather [hbm4b:s4+s17], $0x40, s21, s17, $0xb8;
	[tilespmem:$0x1C000] =	vst v63  }
0x7b: {  	_ =	swait.ge [sflag:s26], $0x2000  }
0x7c: {  	[sflag:s26] =	ssyncset.done $0x0  }
.Ltmp1:
0x7d: {  	s21 =	sadd.s32 $0x5180, s19;
	[sflag:s26] =	ssyncadd.s32 $0xFFFFE000;
	(pc) =	sbr.rel @p0 .LBB2_4-.Ltmp1, $4  }
0x7e: {  	[spmem:s2] =	stream.indirect.scatter.add.f32 [tilespmem:s22], [sflag:$0x5], $0x40, s21, s17, $0xb8;
	[tilespmem:$0x1C000] =	vst v63  }
0x7f: {  	_ =	swait.ge [sflag:s15], $0x2000  }
0x80: {  	[sflag:s15] =	ssyncset.done $0x0  }
0x81: {  	s19 =	sadd.s32 $0x380, s19;
	[sflag:s15] =	ssyncadd.s32 $0xFFFFE000  }
0x82: {  	[tilespmem:s22], [sflag:$0x4] =	stream.indirect.gather [hbm4b:s4+s17], $0x40, s19, s17, $0xb8;
	[tilespmem:$0x1C000] =	vst v63  }
0x83: {  	_ =	swait.ge [sflag:s23], $0x2000  }
0x84: {  	[sflag:s23] =	ssyncset.done $0x0  }
0x85: {  	[sflag:s23] =	ssyncadd.s32 $0xFFFFE000  }
0x86: {  	[spmem:s2] =	stream.indirect.scatter.add.f32 [tilespmem:s14], [sflag:$0x5], $0x40, s28, s17, $0xb8;
	[tilespmem:$0x1C000] =	vst v63  }
0x87: {  	_ =	swait.ge [sflag:s15], $0x2000  }
0x88: {  	[sflag:s15] =	ssyncset.done $0x0  }
0x89: {  	[sflag:s15] =	ssyncadd.s32 $0xFFFFE000  }
0x8a: {  	_ =	swait.ge [sflag:s24], $0x2000  }
0x8b: {  	[sflag:s24] =	ssyncset.done $0x0  }
0x8c: {  	[sflag:s24] =	ssyncadd.s32 $0xFFFFE000  }
0x8d: {  	[spmem:s2] =	stream.indirect.scatter.add.f32 [tilespmem:s18], [sflag:$0x5], $0x40, s29, s17, $0xb8;
	[tilespmem:$0x1C000] =	vst v63  }
0x8e: {  	_ =	swait.ge [sflag:s15], $0x2000  }
0x8f: {  	[sflag:s15] =	ssyncset.done $0x0  }
0x90: {  	[sflag:s15] =	ssyncadd.s32 $0xFFFFE000  }
0x91: {  	_ =	swait.ge [sflag:s25], $0x2000  }
0x92: {  	[sflag:s25] =	ssyncset.done $0x0  }
0x93: {  	[sflag:s25] =	ssyncadd.s32 $0xFFFFE000  }
0x94: {  	[spmem:s2] =	stream.indirect.scatter.add.f32 [tilespmem:s20], [sflag:$0x5], $0x40, s30, s17, $0xb8;
	[tilespmem:$0x1C000] =	vst v63  }
0x95: {  	_ =	swait.ge [sflag:s15], $0x2000  }
0x96: {  	[sflag:s15] =	ssyncset.done $0x0  }
0x97: {  	[sflag:s15] =	ssyncadd.s32 $0xFFFFE000  }
0x98: {  	_ =	swait.ge [sflag:s26], $0x2000  }
0x99: {  	[sflag:s26] =	ssyncset.done $0x0  }
0x9a: {  	[sflag:s26] =	ssyncadd.s32 $0xFFFFE000  }
0x9b: {  	[spmem:s2] =	stream.indirect.scatter.add.f32 [tilespmem:s22], [sflag:$0x5], $0x40, s31, s17, $0xb8;
	[tilespmem:$0x1C000] =	vst v63  }
0x9c: {  	s16 =	stileid.u32;
	_ =	swait.ge [sflag:s15], $0x2000  }
0x9d: {  	s21 =	sshrl.u32 s5, $0x3;
	s3 =	sadd.s32 $0x1, s3;
	[sflag:s15] =	ssyncset.done $0x0  }
0x9e: {  	s16 =	sshll.u32 s16, $0x6;
	p0 =	sne.s32 s3, s13;
	[sflag:s15] =	ssyncadd.s32 $0xFFFFE000  }
.Ltmp2:
0x9f: {  	s16 =	sor.u32 $0x1C05, s16;
	[bflag:$0x0] =	sbarrier.arrive $0xFFFF;
	(pc) =	sbr.rel @p0 .LBB2_1-.Ltmp2, $4  }
0xa0: {  	[hbm:s12@s0], [sflag:s16] =	dma.strided [spmem:s21@s1], $0x1400, s23, $0x8   }
0xa1: {  	_ =	swait.ge [sflag:s15], $0x1400  }
0xa2: {  	[sflag:s15] =	ssyncset.done $0x0  }
0xa3: {  	[sflag:s15] =	ssyncadd.s32 $0xFFFFEC00  }
0xa4: {  	_ =	sfence.sel $0x180000  }
0xa5: {  	[bflag:$0x0] =	sbarrier.arrive $0xFFFF  }
0xa6: {  	_ =	strace $0x90000050  }
0xa7: {  	s0 =	stileid.u32;
	[bflag:$0x2] =	sbarrier.arrive $0xFFFF  }
0xa8: {  	p0 =	sne.s32 s0, $0x0;
	s0 =	rddreg [dreg:$0x3]  }
0xa9: {  	s0 =	sadd.s32 @!p0 $0x100000, s0  }
0xaa: {  	[sflag:s0] =	ssyncadd.tile.s32 @!p0 $0x1;
	_ =	shalt  }
.Lfunc_end2:
_tile_overlayer_lowered:
.L_overlay_start_2:
0xab: {  	(tag) =	ssettag $0x2  }
0xac: {  	s0 =	rddreg [dreg:$0x0];
	s2 =	stileid.u32  }
0xad: {  	s1 =	rddreg [dreg:$0x1];
	p0 =	sne.s32 s2, $0x0  }
0xae: {  	s3 =	rddreg [dreg:$0x2];
	[bflag:$0x3] =	sbarrier.arrive $0xFFFF;
	s2 =	simm.s32 @!p0 $0x1C05  }
0xaf: {  	[timem:s3], [sflag:s2] =	dma.local @!p0 [hbm:s0], s1  }
0xb0: {  	s0 =	simm.s32 @!p0 $0x5  }
0xb1: {  	_ =	swait.ge @!p0 [sflag:s0], s1  }
0xb2: {  	s1 =	ssub.s32 @!p0 $0x0, s1;
	[sflag:s0] =	ssyncset.done @!p0 $0x0  }
0xb3: {  	[sflag:s0] =	ssyncadd.s32 @!p0 s1  }
0xb4: {  	[bflag:$0x3] =	sbarrier.arrive $0xFFFF  }
0xb5: {  	_ =	shalt  }

// kernel: kernel.24.cloned.1.call-start
scs
__scs_entry_jumppad:
0x0: {  	(pc) =	sbr.rel $0x88, $3  }
0x1: {  	(tag) =	ssettag $0x0;
	lr =	simm.s32 $0x1  }
0x2: {  	[smem:$0x3F97] =	sst lr;
	_ =	strace $0xD0000000  }
0x3: {  	_ = 	snop  }
0x4: {  	_ = 	snop  }
0x5: {  	_ = 	snop  }
0x6: {  	_ = 	snop  }
0x7: {  	_ = 	snop  }
__scs_overlays_trampoline_lowered:
0x8: {  	[smem:$0x3FA6] =	sst s0  }
0x9: {  	[smem:$0x3FA7] =	sst s1  }
0xa: {  	[smem:$0x3FA8] =	sst s2  }
0xb: {  	[smem:$0x3FA9] =	sst s3  }
0xc: {  	[smem:$0x3FAA] =	sst s4  }
0xd: {  	[smem:$0x3FAB] =	sst s5  }
0xe: {  	[smem:$0x3FAC] =	sst s6  }
0xf: {  	[smem:$0x3FAD] =	sst s7  }
0x10: {  	[smem:$0x3FAE] =	sst s8  }
0x11: {  	[smem:$0x3FAF] =	sst s9;
	s0 =	simm.s32 @!p0 $0x0  }
0x12: {  	s1 =	sld [smem:$0x3F95];
	s0 =	simm.s32 @p0 $0x1  }
0x13: {  	[smem:$0x3FB0] =	sst s0;
	s0 =	simm.s32 @!p1 $0x0  }
0x14: {  	s2 =	sld [smem:$0x3F94];
	s0 =	simm.s32 @p1 $0x1  }
0x15: {  	[smem:$0x3FB1] =	sst s0;
	s0 =	simm.s32 @!p2 $0x0  }
0x16: {  	s3 =	sld [smem:$0x3FDB];
	s0 =	simm.s32 @p2 $0x1  }
0x17: {  	s4 =	simm.s32 $0x1BF5;
	[smem:$0x3FB3] =	sst s0  }
0x18: {  	s0 =	sld [smem:$0x3F96];
	_ =	swait.ge [sflag:s4], $0x0  }
0x19: {  	s7 =	sld [smem:$0x3F97]  }
0x1a: {  	s8 =	sadd.s32 $0xFFFFE003, lr  }
0x1b: {  	s9 =	sadd.s32 $0xFFFFFEF7, lr;
	s5 =	simm.s32 $0xFFFFFFFF;
	p2 =	slt.u32 s8, $0xFFFFF086  }
0x1c: {  	p1 =	slt.u32 s9, $0xF7A;
	s5 =	simm.s32 @!p2 $0x0  }
0x1d: {  	s5 =	simm.s32 @p1 $0x1;
	p0 =	seq.s32 s7, s2  }
0x1e: {  	s7 =	smul.u32 @!p0 $0xF7A, s2;
	p2 =	seq.s32 @!p0 s5, $0x0  }
0x1f: {  	s9 =	smul.u32 $0xF7A, s1;
	s8 =	simm.s32 @!p0 $0x1BF5;
	p2 =	por !p2, p0  }
0x20: {  	[sflag:s8] =	ssyncset.s32 @!p0 $0xFFFFF086;
	s6 =	sadd.s32 @!p0 s3, s7;
	s7 =	simm.s32 @!p0 $0x108  }
0x21: {  	s3 =	sadd.s32 s3, s9;
	s6 =	sadd.s32 @!p0 $0x88, s6;
	s7 =	simm.s32 @p2 $0x1082  }
0x22: {  	[simem:s7], [sflag:s8] =	dma.local @!p0 [hbm:s6], $0xF7A  }
0x23: {  	s9 =	sor.u32 $0xD0000000, s2;
	s6 =	simm.s32 $0x108;
	_ =	swait.ge @!p0 [sflag:s8], $0x0  }
0x24: {  	s3 =	sadd.s32 $0x88, s3;
	s6 =	simm.s32 @!p1 $0x1082;
	[sflag:s4] =	ssyncset.s32 $0xFFFFF086  }
0x25: {  	[simem:s6], [sflag:s4] =	dma.local [hbm:s3], $0xF7A  }
0x26: {  	[smem:$0x3F97] =	sst s1;
	(tag) =	ssettag s2;
	_ =	strace s9  }
0x27: {  	s1 =	sld [smem:$0x3FA7]  }
0x28: {  	s2 =	sld [smem:$0x3FA8]  }
0x29: {  	s4 =	sld [smem:$0x3FAA]  }
0x2a: {  	p0 =	seq.s32 s5, $0x0;
	s5 =	sld [smem:$0x3FAB]  }
0x2b: {  	s6 =	sld [smem:$0x3FAC]  }
0x2c: {  	s7 =	sld [smem:$0x3FAD]  }
0x2d: {  	s3 =	simm.s32 $0x108;
	s8 =	sld [smem:$0x3FAE]  }
0x2e: {  	s3 =	simm.s32 @!p0 $0x1082;
	s9 =	sld [smem:$0x3FAF]  }
0x2f: {  	lr =	sadd.s32 s0, s3;
	s0 =	sld [smem:$0x3FA6]  }
0x30: {  	s3 =	sld [smem:$0x3FA9]  }
0x31: {  	[smem:$0x3FB2] =	sst s10  }
0x32: {  	s10 =	sld [smem:$0x3FB0];
	_ =	sdelay $0x3  }
0x33: {  	p0 =	seq.s32 s10, $0x1;
	s10 =	sld [smem:$0x3FB2];
	_ =	sdelay $0x3  }
0x34: {  	[smem:$0x3FB2] =	sst s10  }
0x35: {  	s10 =	sld [smem:$0x3FB1];
	_ =	sdelay $0x3  }
0x36: {  	p1 =	seq.s32 s10, $0x1;
	s10 =	sld [smem:$0x3FB2];
	_ =	sdelay $0x3  }
0x37: {  	[smem:$0x3FB2] =	sst s10  }
0x38: {  	s10 =	sld [smem:$0x3FB3]  }
0x39: {  	_ = 	snop;
	(pc) =	sbr.ind lr, $3  }
0x3a: {  	_ = 	snop  }
0x3b: {  	_ = 	snop  }
0x3c: {  	p2 =	seq.s32 s10, $0x1;
	s10 =	sld [smem:$0x3FB2]  }
0x3d: {  	_ =	shalt  }
0x3e: {  	_ =	shalt  }
0x3f: {  	_ =	shalt  }
0x40: {  	_ =	shalt  }
0x41: {  	_ =	shalt  }
0x42: {  	_ =	shalt  }
0x43: {  	_ =	shalt  }
0x44: {  	_ =	shalt  }
0x45: {  	_ =	shalt  }
0x46: {  	_ =	shalt  }
0x47: {  	_ =	shalt  }
0x48: {  	_ =	shalt  }
0x49: {  	_ =	shalt  }
0x4a: {  	_ =	shalt  }
0x4b: {  	_ =	shalt  }
0x4c: {  	_ =	shalt  }
0x4d: {  	_ =	shalt  }
0x4e: {  	_ =	shalt  }
0x4f: {  	_ =	shalt  }
0x50: {  	_ =	shalt  }
0x51: {  	_ =	shalt  }
0x52: {  	_ =	shalt  }
0x53: {  	_ =	shalt  }
0x54: {  	_ =	shalt  }
0x55: {  	_ =	shalt  }
0x56: {  	_ =	shalt  }
0x57: {  	_ =	shalt  }
0x58: {  	_ =	shalt  }
0x59: {  	_ =	shalt  }
0x5a: {  	_ =	shalt  }
0x5b: {  	_ =	shalt  }
0x5c: {  	_ =	shalt  }
0x5d: {  	_ =	shalt  }
0x5e: {  	_ =	shalt  }
0x5f: {  	_ =	shalt  }
0x60: {  	_ =	shalt  }
0x61: {  	_ =	shalt  }
0x62: {  	_ =	shalt  }
0x63: {  	_ =	shalt  }
0x64: {  	_ =	shalt  }
0x65: {  	_ =	shalt  }
0x66: {  	_ =	shalt  }
0x67: {  	_ =	shalt  }
0x68: {  	_ =	shalt  }
0x69: {  	_ =	shalt  }
0x6a: {  	_ =	shalt  }
0x6b: {  	_ =	shalt  }
0x6c: {  	_ =	shalt  }
0x6d: {  	_ =	shalt  }
0x6e: {  	_ =	shalt  }
0x6f: {  	_ =	shalt  }
0x70: {  	_ =	shalt  }
0x71: {  	_ =	shalt  }
0x72: {  	_ =	shalt  }
0x73: {  	_ =	shalt  }
0x74: {  	_ =	shalt  }
0x75: {  	_ =	shalt  }
0x76: {  	_ =	shalt  }
0x77: {  	_ =	shalt  }
0x78: {  	_ =	shalt  }
0x79: {  	_ =	shalt  }
0x7a: {  	_ =	shalt  }
0x7b: {  	_ =	shalt  }
0x7c: {  	_ =	shalt  }
0x7d: {  	_ =	shalt  }
0x7e: {  	_ =	shalt  }
0x7f: {  	_ =	shalt  }
0x80: {  	_ =	shalt  }
0x81: {  	_ =	shalt  }
0x82: {  	_ =	shalt  }
0x83: {  	_ =	shalt  }
0x84: {  	_ =	shalt  }
0x85: {  	_ =	shalt  }
0x86: {  	_ =	shalt  }
0x87: {  	_ =	shalt  }
.Lfunc_end0:
.L_simem_size_0:
called_computation.4_lowered:
.L_overlay_start_0:
0x88: {  	s2 =	sld [smem:$0x3FD9]  }
0x89: {  	s3 =	sld [smem:$0x3FFE];
	_ =	sdelay $0x1  }
0x8a: {  	s1 =	srdreg.scid  }
0x8b: {  	s0 =	sand.u32 $0x1, s1  }
0x8c: {  	s17 =	sshll.u32 s0, $0xA;
	s2 =	sadd.s32 s3, s2  }
0x8d: {  	s2 =	sadd.s32 s2, s17  }
0x8e: {  	[smem:$0x3FBE] =	sst s2  }
0x8f: {  	_ = 	snop  }
0x90: {  	s2 =	sld [smem:$0x3FD0];
	(tm) =	ssettm $0x1  }
0x91: {  	s18 =	sld [smem:$0x3FFB];
	_ =	sdelay $0x3  }
0x92: {  	_ =	strace s18  }
0x93: {  	s3 =	sld [smem:$0x3FFC];
	_ =	sdelay $0x3  }
0x94: {  	_ =	strace s3  }
0x95: {  	s3 =	sld [smem:$0x3FFD];
	_ =	sdelay $0x3  }
0x96: {  	_ =	strace s3  }
0x97: {  	_ =	strace $0x8FFFFFFF  }
0x98: {  	s19 =	sld [smem:$0x3FDB];
	_ =	sdelay $0x1  }
0x99: {  	s4 =	simm.s32 $_scs_section_size  }
0x9a: {  	s5 =	simm.s32 $_size__tile_overlayer_lowered;
	s6 =	simm.s32 $_tile_overlayer_lowered  }
0x9b: {  	s22 =	simm.s32 $0x1BFF;
	s21 =	sshll.u32 s6, $0x1;
	s3 =	sadd.s32 s4, s19  }
0x9c: {  	s7 =	simm.s32 $0x0;
	s20 =	sshll.u32 s5, $0x1;
	s5 =	sadd.s32 s21, s3  }
0x9d: {  	[timem:s7], [sflag:s22] =	dma.local [hbm:s5], s20  }
0x9e: {  	_ =	swait.ge [sflag:s22], s20  }
0x9f: {  	s4 =	ssub.s32 $0x0, s20;
	[sflag:s22] =	ssyncset.done $0x0  }
0xa0: {  	[sflag:s22] =	ssyncadd.s32 s4;
	_ =	sdelay $0x1  }
0xa1: {  	s23 =	simm.s32 $0x1B8B  }
0xa2: {  	_ =	swait.ge [sflag:s23], $0x1  }
0xa3: {  	[sflag:s23] =	ssyncset.done $0x0  }
0xa4: {  	s25 =	simm.s32 $0x1B8E;
	s24 =	sld [smem:$0x3FFE];
	[sflag:s23] =	ssyncadd.s32 $0xFFFFFFFF  }
0xa5: {  	s26 =	simm.s32 $execute0_lowered;
	[smem:$0x3FD2] =	sst s25  }
0xa6: {  	s5 =	sshll.u32 s26, $0x1;
	_ =	strace $0x80000052;
	[dreg:$0x1] =	wrdreg $0xFFFFFFFF  }
0xa7: {  	s28 =	simm.s32 $_size_execute0_lowered;
	s3 =	sadd.s32 s3, s5;
	[dreg:$0x0] =	wrdreg $0x0  }
0xa8: {  	s5 =	sshll.u32 s28, $0x1;
	[dreg:$0x2] =	wrdreg s3  }
0xa9: {  	[dreg:$0x3] =	wrdreg s5  }
0xaa: {  	[dreg:$0x4] =	wrdreg $0xC0  }
0xab: {  	_ =	task [dreg:s7], $0x5FFFF  }
0xac: {  	[dreg:$0x1] =	wrdreg $0xFFFFFFFF  }
0xad: {  	[dreg:$0x0] =	wrdreg $0x60  }
0xae: {  	[dreg:$0x2] =	wrdreg s24  }
0xaf: {  	[dreg:$0x3] =	wrdreg s2  }
0xb0: {  	[dreg:$0x4] =	wrdreg $0x120000  }
0xb1: {  	[dreg:$0x5] =	wrdreg $0x9  }
0xb2: {  	_ =	task.clear_ibuf [dreg:s7], $0x6FFFF;
	_ =	strace $0x90000052  }
0xb3: {  	s29 =	simm.s32 $0x9;
	_ =	strace $0x80000054  }
0xb4: {  	_ =	swait.ge [sflag:s29], $0x1  }
0xb5: {  	[sflag:s29] =	ssyncadd.s32 $0xFFFFFFFF  }
0xb6: {  	_ =	strace $0x90000054  }
0xb7: {  	_ =	sfence  }
0xb8: {  	s30 =	sld [smem:$0x0];
	_ =	sdelay $0x2  }
0xb9: {  	s31 =	sshll.u32 s1, $0xD;
	s1 =	sshrl.u32 s1, $0x2  }
0xba: {  	s3 =	sand.u32 $0x4000, s31;
	s1 =	sadd.s32 s1, s30  }
0xbb: {  	s0 =	sor.u32 s3, s0;
	s1 =	sshll.u32 s1, $0x11  }
0xbc: {  	s0 =	sor.u32 s1, s0  }
0xbd: {  	s0 =	sadd.s32 $0x8F2B, s0  }
0xbe: {  	[sflag:s0] =	ssyncadd.remote.s32 $0x1  }
0xbf: {  	_ =	sfence.sel $0xFFFF  }
0xc0: {  	[dreg:$0x0] =	wrdreg $0xFFFFFFFF;
	(pc) =	sbr.abs _section_cstart, $3  }
0xc1: {  	[dreg:$0x1] =	wrdreg $0xFFFFFFFF  }
0xc2: {  	_ =	task.clear_ibuf [dreg:s7], $0x2FFFF;
	_ =	strace $0x9FFFFFFF  }
0xc3: {  	(tm) =	ssettm $0x7FFFFFFF  }
tec
execute0_lowered:
.L_overlay_start_1:
0x0: {  	(tag) =	ssettag $0x1  }
0x1: {  	s0 =	rddreg [dreg:$0x0]  }
0x2: {  	s1 =	rddreg [dreg:$0x1]  }
0x3: {  	s2 =	rddreg [dreg:$0x2]  }
0x4: {  	s9 =	stileid.u32;
	s3 =	simm.s32 $0x0;
	s4 =	srdreg.scid  }
0x5: {  	s14 =	simm.s32 $0xA000;
	s15 =	simm.s32 $0x5;
	s17 =	simm.s32 $0x80  }
0x6: {  	s18 =	simm.s32 $0xC000;
	s20 =	simm.s32 $0xE000;
	s22 =	simm.s32 $0x10000  }
0x7: {  	s28 =	simm.s32 $0x9E00;
	s29 =	simm.s32 $0x9E80;
	s7 =	smul.u32 $0x5000, s9  }
0x8: {  	s30 =	simm.s32 $0x9F00;
	s31 =	simm.s32 $0x9F80;
	s23 =	smul.u32 $0x14000, s9  }
0x9: {  	[smem:$0x7FF] =	sst s3;
	s5 =	sand.u32 $0x1, s4;
	s9 =	smul.u32 $0x28000, s9  }
0xa: {  	s4 =	sadd.s32 $0xFA00, s0;
	_ =	strace $0x80000053;
	s6 =	sshll.u32 s5, $0x6  }
0xb: {  	s24 =	ssub.s32 $0x2, s5;
	s10 =	smul.u32 $0x50000, s5;
	s8 =	sshrl.u32 s7, $0x3  }
0xc: {  	s6 =	sor.u32 s6, s23;
	s9 =	sshrl.u32 s9, $0x2;
	s25 =	sshrl.u32 s24, $0x1  }
0xd: {  	s23 =	simm.s32 $0x1;
	s11 =	sadd.s32 s8, s0;
	s6 =	sshrl.u32 s6, $0x3  }
0xe: {  	s5 =	sadd.s32 s9, s2;
	s13 =	ssub.s32 s24, s25;
	s26 =	sadd.s32 s7, s10  }
0xf: {  	s24 =	simm.s32 $0x2;
	s25 =	simm.s32 $0x3;
	s0 =	sadd.s32 s6, s0  }
0x10: {  	s6 =	sadd.s32 $0x2000, s5;
	s7 =	sadd.s32 $0x4000, s5;
	s8 =	sadd.s32 $0x6000, s5  }
0x11: {  	s10 =	sshrl.u32 s26, $0x3;
	s9 =	sadd.s32 $0x8000, s5;
	s11 =	sadd.s32 $0x5A00, s11  }
0x12: {  	s13 =	smax.u32 s13, $0x1;
	s26 =	simm.s32 $0x4;
	s10 =	sadd.s32 s1, s10  }
0x13: {  	v0 =	vimm.f32 $0.0e+00;
	s12 =	sadd.s32 $0x37A00, s0;
	s0 =	simm.s32 $0x10;
	s1 =	simm.s32 $0x8  }
.LBB2_1:
0x14: {  	s19 =	simm.s32 $0x100;
	s16 =	simm.s32 $0x0  }
.LBB2_2:
0x15: {  	p0 =	sne.s32 s19, $0x7F00;
	[tilespmem:s16+$0xA030] =	vst v0;
	s21 =	smov.u32 s19;
	s19 =	sadd.s32 $0x100, s19  }
.Ltmp0:
0x16: {  	[tilespmem:s16+$0xA020] =	vst v0;
	(pc) =	sbr.rel @p0 .LBB2_2-.Ltmp0, $3  }
0x17: {  	[tilespmem:s16+$0xA000] =	vst v0  }
0x18: {  	[tilespmem:s16+$0xA010] =	vst v0;
	_ =	sdelay $0x1  }
0x19: {  	s16 =	sshra.s32 s21, $0x2  }
0x1a: {  	[tilespmem:s16+$0xA030] =	vst v0  }
0x1b: {  	[tilespmem:s16+$0xA020] =	vst v0  }
0x1c: {  	[tilespmem:s16+$0xA000] =	vst v0  }
0x1d: {  	[tilespmem:s16+$0xA010] =	vst v0  }
0x1e: {  	[spmem:s5] =	stream.linear.scatter [tilespmem:s14], [sflag:$0x5], $0x2000, $0x38;
	[tilespmem:$0x1C000] =	vst v63  }
0x1f: {  	_ =	swait.ge [sflag:s15], $0x2000  }
0x20: {  	[sflag:s15] =	ssyncset.done $0x0  }
0x21: {  	[sflag:s15] =	ssyncadd.s32 $0xFFFFE000  }
0x22: {  	[spmem:s6] =	stream.linear.scatter [tilespmem:s14], [sflag:$0x5], $0x2000, $0x38;
	[tilespmem:$0x1C000] =	vst v63  }
0x23: {  	_ =	swait.ge [sflag:s15], $0x2000  }
0x24: {  	[sflag:s15] =	ssyncset.done $0x0  }
0x25: {  	[sflag:s15] =	ssyncadd.s32 $0xFFFFE000  }
0x26: {  	[spmem:s7] =	stream.linear.scatter [tilespmem:s14], [sflag:$0x5], $0x2000, $0x38;
	[tilespmem:$0x1C000] =	vst v63  }
0x27: {  	_ =	swait.ge [sflag:s15], $0x2000  }
0x28: {  	[sflag:s15] =	ssyncset.done $0x0  }
0x29: {  	[sflag:s15] =	ssyncadd.s32 $0xFFFFE000  }
0x2a: {  	[spmem:s8] =	stream.linear.scatter [tilespmem:s14], [sflag:$0x5], $0x2000, $0x38;
	[tilespmem:$0x1C000] =	vst v63  }
0x2b: {  	_ =	swait.ge [sflag:s15], $0x2000  }
0x2c: {  	[sflag:s15] =	ssyncset.done $0x0  }
0x2d: {  	[sflag:s15] =	ssyncadd.s32 $0xFFFFE000  }
0x2e: {  	[spmem:s9] =	stream.linear.scatter [tilespmem:s14], [sflag:$0x5], $0x2000, $0x38;
	[tilespmem:$0x1C000] =	vst v63  }
0x2f: {  	_ =	swait.ge [sflag:s15], $0x2000  }
0x30: {  	[sflag:s15] =	ssyncset.done $0x0  }
0x31: {  	[sflag:s15] =	ssyncadd.s32 $0xFFFFE000  }
0x32: {  	s21 =	simm.s32 $0x0;
	[bflag:$0x0] =	sbarrier.arrive $0xFFFF  }
0x33: {  	[tilespmem:s21], [sflag:$0x5] =	stream.linear.gather [hbm4b:s10+s21], $0x5000, $0x38;
	[tilespmem:$0x1C000] =	vst v63  }
0x34: {  	_ =	swait.ge [sflag:s15], $0x5000  }
0x35: {  	[sflag:s15] =	ssyncset.done $0x0  }
0x36: {  	s19 =	simm.s32 $0x5000;
	[sflag:s15] =	ssyncadd.s32 $0xFFFFB000  }
0x37: {  	[tilespmem:s19], [sflag:$0x5] =	stream.linear.gather [hbm4b:s11+s21], $0x5000, $0x38;
	[tilespmem:$0x1C000] =	vst v63  }
0x38: {  	_ =	swait.ge [sflag:s15], $0x5000  }
0x39: {  	[sflag:s15] =	ssyncset.done $0x0  }
0x3a: {  	[sflag:s15] =	ssyncadd.s32 $0xFFFFB000  }
0x3b: {  	[tilespmem:s14], [sflag:$0x1] =	stream.indirect.gather [hbm4b:s4+s17], $0x40, s21, s17, $0xb8;
	[tilespmem:$0x1C000] =	vst v63  }
0x3c: {  	_ = 	snop  }
0x3d: {  	[tilespmem:s18], [sflag:$0x2] =	stream.indirect.gather [hbm4b:s4+s17], $0x40, s17, s17, $0xb8;
	[tilespmem:$0x1C000] =	vst v63  }
0x3e: {  	s21 =	simm.s32 $0x100  }
0x3f: {  	[tilespmem:s20], [sflag:$0x3] =	stream.indirect.gather [hbm4b:s4+s17], $0x40, s21, s17, $0xb8;
	[tilespmem:$0x1C000] =	vst v63  }
0x40: {  	s19 =	simm.s32 $0x180  }
0x41: {  	[tilespmem:s22], [sflag:$0x4] =	stream.indirect.gather [hbm4b:s4+s17], $0x40, s19, s17, $0xb8;
	[tilespmem:$0x1C000] =	vst v63  }
0x42: {  	_ =	swait.ge [sflag:s23], $0x2000  }
0x43: {  	[sflag:s23] =	ssyncset.done $0x0  }
0x44: {  	s21 =	simm.s32 $0x5000;
	[sflag:s23] =	ssyncadd.s32 $0xFFFFE000  }
0x45: {  	[spmem:s2] =	stream.indirect.scatter.add.f32 [tilespmem:s14], [sflag:$0x5], $0x40, s21, s17, $0xb8;
	[tilespmem:$0x1C000] =	vst v63  }
0x46: {  	_ =	swait.ge [sflag:s15], $0x2000  }
0x47: {  	[sflag:s15] =	ssyncset.done $0x0  }
0x48: {  	s19 =	simm.s32 $0x200;
	[sflag:s15] =	ssyncadd.s32 $0xFFFFE000  }
0x49: {  	[tilespmem:s14], [sflag:$0x1] =	stream.indirect.gather [hbm4b:s4+s17], $0x40, s19, s17, $0xb8;
	[tilespmem:$0x1C000] =	vst v63  }
0x4a: {  	_ =	swait.ge [sflag:s24], $0x2000  }
0x4b: {  	[sflag:s24] =	ssyncset.done $0x0  }
0x4c: {  	s21 =	simm.s32 $0x5080;
	[sflag:s24] =	ssyncadd.s32 $0xFFFFE000  }
0x4d: {  	[spmem:s2] =	stream.indirect.scatter.add.f32 [tilespmem:s18], [sflag:$0x5], $0x40, s21, s17, $0xb8;
	[tilespmem:$0x1C000] =	vst v63  }
0x4e: {  	_ =	swait.ge [sflag:s15], $0x2000  }
0x4f: {  	[sflag:s15] =	ssyncset.done $0x0  }
0x50: {  	s19 =	simm.s32 $0x280;
	[sflag:s15] =	ssyncadd.s32 $0xFFFFE000  }
0x51: {  	[tilespmem:s18], [sflag:$0x2] =	stream.indirect.gather [hbm4b:s4+s17], $0x40, s19, s17, $0xb8;
	[tilespmem:$0x1C000] =	vst v63  }
0x52: {  	_ =	swait.ge [sflag:s25], $0x2000  }
0x53: {  	[sflag:s25] =	ssyncset.done $0x0  }
0x54: {  	s21 =	simm.s32 $0x5100;
	[sflag:s25] =	ssyncadd.s32 $0xFFFFE000  }
0x55: {  	[spmem:s2] =	stream.indirect.scatter.add.f32 [tilespmem:s20], [sflag:$0x5], $0x40, s21, s17, $0xb8;
	[tilespmem:$0x1C000] =	vst v63  }
0x56: {  	_ =	swait.ge [sflag:s15], $0x2000  }
0x57: {  	[sflag:s15] =	ssyncset.done $0x0  }
0x58: {  	s19 =	simm.s32 $0x300;
	[sflag:s15] =	ssyncadd.s32 $0xFFFFE000  }
0x59: {  	[tilespmem:s20], [sflag:$0x3] =	stream.indirect.gather [hbm4b:s4+s17], $0x40, s19, s17, $0xb8;
	[tilespmem:$0x1C000] =	vst v63  }
0x5a: {  	_ =	swait.ge [sflag:s26], $0x2000  }
0x5b: {  	[sflag:s26] =	ssyncset.done $0x0  }
0x5c: {  	s21 =	simm.s32 $0x5180;
	[sflag:s26] =	ssyncadd.s32 $0xFFFFE000  }
0x5d: {  	[spmem:s2] =	stream.indirect.scatter.add.f32 [tilespmem:s22], [sflag:$0x5], $0x40, s21, s17, $0xb8;
	[tilespmem:$0x1C000] =	vst v63  }
0x5e: {  	_ =	swait.ge [sflag:s15], $0x2000  }
0x5f: {  	[sflag:s15] =	ssyncset.done $0x0  }
0x60: {  	s16 =	simm.s32 $0x800;
	s19 =	simm.s32 $0x380;
	[sflag:s15] =	ssyncadd.s32 $0xFFFFE000  }
.LBB2_4:
0x61: {  	[tilespmem:s22], [sflag:$0x4] =	stream.indirect.gather [hbm4b:s4+s17], $0x40, s19, s17, $0xb8;
	[tilespmem:$0x1C000] =	vst v63  }
0x62: {  	s19 =	smov.u32 s16  }
0x63: {  	p0 =	sne.s32 s16, $0x13000;
	s16 =	sadd.s32 $0x800, s16;
	_ =	swait.ge [sflag:s23], $0x2000  }
0x64: {  	s19 =	sshra.s32 s19, $0x2;
	[sflag:s23] =	ssyncset.done $0x0  }
0x65: {  	s21 =	sadd.s32 $0x5000, s19;
	[sflag:s23] =	ssyncadd.s32 $0xFFFFE000  }
0x66: {  	[spmem:s2] =	stream.indirect.scatter.add.f32 [tilespmem:s14], [sflag:$0x5], $0x40, s21, s17, $0xb8;
	[tilespmem:$0x1C000] =	vst v63  }
0x67: {  	_ =	swait.ge [sflag:s15], $0x2000  }
0x68: {  	[sflag:s15] =	ssyncset.done $0x0  }
0x69: {  	s21 =	sadd.s32 $0x200, s19;
	[sflag:s15] =	ssyncadd.s32 $0xFFFFE000  }
0x6a: {  	[tilespmem:s14], [sflag:$0x1] =	stream.indirect.gather [hbm4b:s4+s17], $0x40, s21, s17, $0xb8;
	[tilespmem:$0x1C000] =	vst v63  }
0x6b: {  	_ =	swait.ge [sflag:s24], $0x2000  }
0x6c: {  	[sflag:s24] =	ssyncset.done $0x0  }
0x6d: {  	s21 =	sadd.s32 $0x5080, s19;
	[sflag:s24] =	ssyncadd.s32 $0xFFFFE000  }
0x6e: {  	[spmem:s2] =	stream.indirect.scatter.add.f32 [tilespmem:s18], [sflag:$0x5], $0x40, s21, s17, $0xb8;
	[tilespmem:$0x1C000] =	vst v63  }
0x6f: {  	_ =	swait.ge [sflag:s15], $0x2000  }
0x70: {  	[sflag:s15] =	ssyncset.done $0x0  }
0x71: {  	s21 =	sadd.s32 $0x280, s19;
	[sflag:s15] =	ssyncadd.s32 $0xFFFFE000  }
0x72: {  	[tilespmem:s18], [sflag:$0x2] =	stream.indirect.gather [hbm4b:s4+s17], $0x40, s21, s17, $0xb8;
	[tilespmem:$0x1C000] =	vst v63  }
0x73: {  	_ =	swait.ge [sflag:s25], $0x2000  }
0x74: {  	[sflag:s25] =	ssyncset.done $0x0  }
0x75: {  	s21 =	sadd.s32 $0x5100, s19;
	[sflag:s25] =	ssyncadd.s32 $0xFFFFE000  }
0x76: {  	[spmem:s2] =	stream.indirect.scatter.add.f32 [tilespmem:s20], [sflag:$0x5], $0x40, s21, s17, $0xb8;
	[tilespmem:$0x1C000] =	vst v63  }
0x77: {  	_ =	swait.ge [sflag:s15], $0x2000  }
0x78: {  	[sflag:s15] =	ssyncset.done $0x0  }
0x79: {  	s21 =	sadd.s32 $0x300, s19;
	[sflag:s15] =	ssyncadd.s32 $0xFFFFE000  }
0x7a: {  	[tilespmem:s20], [sflag:$0x3] =	stream.indirect.gather [hbm4b:s4+s17], $0x40, s21, s17, $0xb8;
	[tilespmem:$0x1C000] =	vst v63  }
0x7b: {  	_ =	swait.ge [sflag:s26], $0x2000  }
0x7c: {  	[sflag:s26] =	ssyncset.done $0x0  }
.Ltmp1:
0x7d: {  	s21 =	sadd.s32 $0x5180, s19;
	[sflag:s26] =	ssyncadd.s32 $0xFFFFE000;
	(pc) =	sbr.rel @p0 .LBB2_4-.Ltmp1, $4  }
0x7e: {  	[spmem:s2] =	stream.indirect.scatter.add.f32 [tilespmem:s22], [sflag:$0x5], $0x40, s21, s17, $0xb8;
	[tilespmem:$0x1C000] =	vst v63  }
0x7f: {  	_ =	swait.ge [sflag:s15], $0x2000  }
0x80: {  	[sflag:s15] =	ssyncset.done $0x0  }
0x81: {  	s19 =	sadd.s32 $0x380, s19;
	[sflag:s15] =	ssyncadd.s32 $0xFFFFE000  }
0x82: {  	[tilespmem:s22], [sflag:$0x4] =	stream.indirect.gather [hbm4b:s4+s17], $0x40, s19, s17, $0xb8;
	[tilespmem:$0x1C000] =	vst v63  }
0x83: {  	_ =	swait.ge [sflag:s23], $0x2000  }
0x84: {  	[sflag:s23] =	ssyncset.done $0x0  }
0x85: {  	[sflag:s23] =	ssyncadd.s32 $0xFFFFE000  }
0x86: {  	[spmem:s2] =	stream.indirect.scatter.add.f32 [tilespmem:s14], [sflag:$0x5], $0x40, s28, s17, $0xb8;
	[tilespmem:$0x1C000] =	vst v63  }
0x87: {  	_ =	swait.ge [sflag:s15], $0x2000  }
0x88: {  	[sflag:s15] =	ssyncset.done $0x0  }
0x89: {  	[sflag:s15] =	ssyncadd.s32 $0xFFFFE000  }
0x8a: {  	_ =	swait.ge [sflag:s24], $0x2000  }
0x8b: {  	[sflag:s24] =	ssyncset.done $0x0  }
0x8c: {  	[sflag:s24] =	ssyncadd.s32 $0xFFFFE000  }
0x8d: {  	[spmem:s2] =	stream.indirect.scatter.add.f32 [tilespmem:s18], [sflag:$0x5], $0x40, s29, s17, $0xb8;
	[tilespmem:$0x1C000] =	vst v63  }
0x8e: {  	_ =	swait.ge [sflag:s15], $0x2000  }
0x8f: {  	[sflag:s15] =	ssyncset.done $0x0  }
0x90: {  	[sflag:s15] =	ssyncadd.s32 $0xFFFFE000  }
0x91: {  	_ =	swait.ge [sflag:s25], $0x2000  }
0x92: {  	[sflag:s25] =	ssyncset.done $0x0  }
0x93: {  	[sflag:s25] =	ssyncadd.s32 $0xFFFFE000  }
0x94: {  	[spmem:s2] =	stream.indirect.scatter.add.f32 [tilespmem:s20], [sflag:$0x5], $0x40, s30, s17, $0xb8;
	[tilespmem:$0x1C000] =	vst v63  }
0x95: {  	_ =	swait.ge [sflag:s15], $0x2000  }
0x96: {  	[sflag:s15] =	ssyncset.done $0x0  }
0x97: {  	[sflag:s15] =	ssyncadd.s32 $0xFFFFE000  }
0x98: {  	_ =	swait.ge [sflag:s26], $0x2000  }
0x99: {  	[sflag:s26] =	ssyncset.done $0x0  }
0x9a: {  	[sflag:s26] =	ssyncadd.s32 $0xFFFFE000  }
0x9b: {  	[spmem:s2] =	stream.indirect.scatter.add.f32 [tilespmem:s22], [sflag:$0x5], $0x40, s31, s17, $0xb8;
	[tilespmem:$0x1C000] =	vst v63  }
0x9c: {  	s16 =	stileid.u32;
	_ =	swait.ge [sflag:s15], $0x2000  }
0x9d: {  	s21 =	sshrl.u32 s5, $0x3;
	s3 =	sadd.s32 $0x1, s3;
	[sflag:s15] =	ssyncset.done $0x0  }
0x9e: {  	s16 =	sshll.u32 s16, $0x6;
	p0 =	sne.s32 s3, s13;
	[sflag:s15] =	ssyncadd.s32 $0xFFFFE000  }
.Ltmp2:
0x9f: {  	s16 =	sor.u32 $0x1C05, s16;
	[bflag:$0x0] =	sbarrier.arrive $0xFFFF;
	(pc) =	sbr.rel @p0 .LBB2_1-.Ltmp2, $4  }
0xa0: {  	[hbm:s12@s0], [sflag:s16] =	dma.strided [spmem:s21@s1], $0x1400, s23, $0x8   }
0xa1: {  	_ =	swait.ge [sflag:s15], $0x1400  }
0xa2: {  	[sflag:s15] =	ssyncset.done $0x0  }
0xa3: {  	[sflag:s15] =	ssyncadd.s32 $0xFFFFEC00  }
0xa4: {  	_ =	sfence.sel $0x180000  }
0xa5: {  	[bflag:$0x0] =	sbarrier.arrive $0xFFFF  }
0xa6: {  	_ =	strace $0x90000053  }
0xa7: {  	s0 =	stileid.u32;
	[bflag:$0x2] =	sbarrier.arrive $0xFFFF  }
0xa8: {  	p0 =	sne.s32 s0, $0x0;
	s0 =	rddreg [dreg:$0x3]  }
0xa9: {  	s0 =	sadd.s32 @!p0 $0x100000, s0  }
0xaa: {  	[sflag:s0] =	ssyncadd.tile.s32 @!p0 $0x1;
	_ =	shalt  }
.Lfunc_end2:
_tile_overlayer_lowered:
.L_overlay_start_2:
0xab: {  	(tag) =	ssettag $0x2  }
0xac: {  	s0 =	rddreg [dreg:$0x0];
	s2 =	stileid.u32  }
0xad: {  	s1 =	rddreg [dreg:$0x1];
	p0 =	sne.s32 s2, $0x0  }
0xae: {  	s3 =	rddreg [dreg:$0x2];
	[bflag:$0x3] =	sbarrier.arrive $0xFFFF;
	s2 =	simm.s32 @!p0 $0x1C05  }
0xaf: {  	[timem:s3], [sflag:s2] =	dma.local @!p0 [hbm:s0], s1  }
0xb0: {  	s0 =	simm.s32 @!p0 $0x5  }
0xb1: {  	_ =	swait.ge @!p0 [sflag:s0], s1  }
0xb2: {  	s1 =	ssub.s32 @!p0 $0x0, s1;
	[sflag:s0] =	ssyncset.done @!p0 $0x0  }
0xb3: {  	[sflag:s0] =	ssyncadd.s32 @!p0 s1  }
0xb4: {  	[bflag:$0x3] =	sbarrier.arrive $0xFFFF  }
0xb5: {  	_ =	shalt  }

</sc_bundles>
